<compile_context>
chip_gen: v7x
topology: tpu7x:2x2x1
jax: 0.10.2.dev20260603
libtpu: 0.0.44.dev20260713+nightly
codegen_flags: <defaults>
</compile_context>

<pallas_src>
import functools

import jax
import jax.numpy as jnp
from jax.experimental import pallas as pl
from jax.experimental.pallas import tpu as pltpu
from jax.experimental.pallas import tpu_sc as plsc

D_MODEL = 512
NUM_TILES = 16
K_SEL = 4
D_FF = 1024
BATCH = 4096
NUM_OPS = 8
OP_EMB = 32
BLK = 256
NB = BATCH // BLK

A_N = BATCH * K_SEL
BM = 512
PADN = A_N + NUM_TILES * BM
G = PADN // BM

NC = 2
NS = 16
NW = NC * NS
TPW = BATCH // NW
LANES = 16


def _dot(x, y):
    return jax.lax.dot_general(x, y, (((1,), (0,)), ((), ())),
                               preferred_element_type=jnp.float32)


def _dot_t(x, y):
    return jax.lax.dot_general(x, y, (((1,), (1,)), ((), ())),
                               preferred_element_type=jnp.float32)


def _prologue_body(op_ref, a_ref, b_ref, c_ref, op_table_ref, wp_ref,
                   bp_ref, wm_ref, bm_ref, sig_ref, tri_ref,
                   x_ref, topi_ref, gates_ref, aux_ref, rank_ref,
                   offs_ref, bexp_ref,
                   acc_imp, cnt_s):
    i = pl.program_id(0)
    f32 = jnp.float32
    i32 = jnp.int32

    iota8 = jax.lax.broadcasted_iota(i32, (BLK, 8), 1)
    op1h = (op_ref[:, :] == iota8).astype(f32)
    abits = ((a_ref[:, :] >> iota8) & 1).astype(f32)
    bbits = ((b_ref[:, :] >> iota8) & 1).astype(f32)
    c_f = c_ref[:, :].astype(f32)

    op_emb = _dot(op1h, op_table_ref[:, :])
    feats = jnp.concatenate(
        [op_emb, abits, bbits, c_f, jnp.zeros((BLK, 15), f32)], axis=1)
    x = _dot(feats, wp_ref[:, :]) + bp_ref[:, :]
    x = x + (_dot(jnp.tanh(x), wm_ref[:, :]) + bm_ref[:, :])
    x_ref[:, :] = x

    sig = jnp.tanh(sig_ref[:, :])
    logits = _dot_t(x, sig)

    iota_t = jax.lax.broadcasted_iota(i32, (BLK, NUM_TILES), 1)
    rem = logits
    topi_cols = []
    topv_cols = []
    for _ in range(K_SEL):
        m = jnp.max(rem, axis=1, keepdims=True)
        ismax = rem == m
        idx = jnp.min(jnp.where(ismax, iota_t, NUM_TILES + 1), axis=1,
                      keepdims=True)
        topi_cols.append(idx)
        topv_cols.append(m)
        rem = jnp.where(iota_t == idx, f32(-1e30), rem)

    topv = jnp.concatenate(topv_cols, axis=1)
    e_top = jnp.exp(topv - topv_cols[0])
    gates = e_top / jnp.sum(e_top, axis=1, keepdims=True)
    topi_ref[:, :] = jnp.concatenate(topi_cols, axis=1)
    gates_ref[:, :] = gates

    oh_k = [(iota_t == topi_cols[k]).astype(f32) for k in range(K_SEL)]
    ind = oh_k[0] + oh_k[1] + oh_k[2] + oh_k[3]

    cnt_prev = jnp.where(i > 0, cnt_s[:, :], 0.0)
    within = _dot(tri_ref[:, :], ind) + cnt_prev
    rank_cols = [jnp.sum(within * oh_k[k], axis=1, keepdims=True)
                 for k in range(K_SEL)]
    rank_ref[:, :] = jnp.concatenate(rank_cols, axis=1).astype(i32)
    cnt_new = cnt_prev + jnp.sum(ind, axis=0, keepdims=True)
    cnt_s[:, :] = cnt_new

    mfull = jnp.max(logits, axis=1, keepdims=True)
    p = jnp.exp(logits - mfull)
    probs = p / jnp.sum(p, axis=1, keepdims=True)

    @pl.when(i == 0)
    def _():
        acc_imp[:, :] = probs

    @pl.when(i > 0)
    def _():
        acc_imp[:, :] = acc_imp[:, :] + probs

    @pl.when(i == NB - 1)
    def _():
        cnti = cnt_new.astype(i32)
        pc = ((cnti + BM - 1) & ~(BM - 1)).astype(f32)
        r16 = jax.lax.broadcasted_iota(i32, (NUM_TILES, NUM_TILES), 0)
        c16 = jax.lax.broadcasted_iota(i32, (NUM_TILES, NUM_TILES), 1)
        strict = (r16 < c16).astype(f32)
        offs = jax.lax.dot_general(pc, strict, (((1,), (0,)), ((), ())),
                                   preferred_element_type=f32,
                                   precision=jax.lax.Precision.HIGHEST)
        offs_ref[:, :] = offs.astype(i32)
        g_r = (jax.lax.broadcasted_iota(i32, (G, NUM_TILES), 0)
               .astype(f32) * BM)
        ge = (g_r >= offs).astype(i32)
        bexp_ref[:, :] = jnp.sum(ge, axis=1, keepdims=True) - 1

        s_imp = jnp.sum(acc_imp[:, :], axis=0, keepdims=True)
        sparsity = NUM_TILES * jnp.sum(s_imp * cnt_new) / (BATCH * BATCH)
        abs_sig = jnp.abs(sig)
        ternary = jnp.mean(abs_sig * (1.0 - abs_sig))
        norm = jnp.sqrt(jnp.sum(sig * sig, axis=1, keepdims=True))
        sig_n = sig / (norm + 1e-6)
        cos = _dot_t(sig_n, sig_n)
        trace = jnp.sum(jnp.where(r16 == c16, cos, 0.0))
        diversity = (jnp.sum(cos) - trace) / (NUM_TILES * (NUM_TILES - 1))
        aux = 0.01 * ternary + 0.005 * sparsity + 0.01 * diversity
        aux_ref[:, :] = jnp.reshape(aux, (1, 1))


def _ffn_body(bexp_ref, xs_ref, w1_ref, b1_ref, w2_ref, b2_ref, ys_ref):
    h = jnp.maximum(_dot(xs_ref[:, :], w1_ref[0]) + b1_ref[0], 0.0)
    ys_ref[:, :] = _dot(h, w2_ref[0]) + b2_ref[0]


def _sc_pos(ti_v, rk_v, offs_v, idx2):
    offs_reg = offs_v[:]
    for k in range(K_SEL):
        for j in range(TPW // LANES):
            sl = pl.ds(j * LANES, LANES)
            tv = ti_v[k, sl]
            rv = rk_v[k, sl]
            ov = jax.lax.gather(
                offs_reg, tv[:, None],
                jax.lax.GatherDimensionNumbers(
                    offset_dims=(), collapsed_slice_dims=(0,),
                    start_index_map=(0,)),
                (1,), mode=jax.lax.GatherScatterMode.PROMISE_IN_BOUNDS)
            idx2[k, sl] = ov + rv


def _sc_scatter_body(x_hbm, tiw_hbm, rkw_hbm, offs_hbm, xs_hbm,
                     xv, ti_v, rk_v, offs_v, idx2, sem):
    wid = jax.lax.axis_index("s") * NC + jax.lax.axis_index("c")
    tbase = wid * TPW
    pltpu.sync_copy(x_hbm.at[pl.ds(tbase, TPW)], xv)
    pltpu.sync_copy(tiw_hbm.at[wid], ti_v)
    pltpu.sync_copy(rkw_hbm.at[wid], rk_v)
    pltpu.sync_copy(offs_hbm, offs_v)
    _sc_pos(ti_v, rk_v, offs_v, idx2)
    descs = [pltpu.async_copy(xv, xs_hbm.at[idx2.at[k]], sem)
             for k in range(K_SEL)]
    for dsc in descs:
        dsc.wait()


def _sc_gather_body(ys_hbm, tiw_hbm, rkw_hbm, offs_hbm, m4_hbm,
                    rows, ti_v, rk_v, offs_v, idx2, sem):
    wid = jax.lax.axis_index("s") * NC + jax.lax.axis_index("c")
    tbase = wid * TPW
    pltpu.sync_copy(tiw_hbm.at[wid], ti_v)
    pltpu.sync_copy(rkw_hbm.at[wid], rk_v)
    pltpu.sync_copy(offs_hbm, offs_v)
    _sc_pos(ti_v, rk_v, offs_v, idx2)
    for k in range(K_SEL):
        pltpu.async_copy(ys_hbm.at[idx2.at[k]], rows, sem).wait()
        pltpu.sync_copy(rows, m4_hbm.at[k, pl.ds(tbase, TPW)])


def _head_body(x_ref, m4_ref, g_ref, wh1_ref, bh1_ref, wh2_ref, bh2_ref,
               out_ref):
    f32 = jnp.float32
    moe = jnp.zeros((BLK, D_MODEL), f32)
    for k in range(K_SEL):
        moe = moe + g_ref[:, k:k + 1] * m4_ref[k]
    out = x_ref[:, :] + moe
    hh = jnp.maximum(_dot(out, wh1_ref[:, :]) + bh1_ref[:, :], 0.0)
    out_ref[:, :] = jax.nn.sigmoid(_dot(hh, wh2_ref[:, :]) + bh2_ref[:, :])


def kernel(op_idx, a, b, c, op_table, Wp, bp, Wm, bm, sig_raw,
           W1, b1, W2, b2, Wh1, bh1, Wh2, bh2):
    f32 = jnp.float32
    i32 = jnp.int32
    op_col = op_idx.reshape(BATCH, 1)
    a_col = a.reshape(BATCH, 1)
    b_col = b.reshape(BATCH, 1)
    c_col = c.reshape(BATCH, 1)
    wp64 = jnp.zeros((64, D_MODEL), f32).at[:49].set(Wp)
    bp2 = bp.reshape(1, D_MODEL)
    bm2 = bm.reshape(1, D_MODEL)
    r_b = jax.lax.broadcasted_iota(i32, (BLK, BLK), 0)
    c_b = jax.lax.broadcasted_iota(i32, (BLK, BLK), 1)
    tri = (c_b < r_b).astype(f32)

    col_spec = pl.BlockSpec((BLK, 1), lambda i: (i, 0))
    full = pl.BlockSpec(index_map=lambda i: (0, 0))

    x, topi, gates, aux, rank, offs16, bexp = pl.pallas_call(
        _prologue_body,
        grid=(NB,),
        in_specs=[col_spec, col_spec, col_spec, col_spec,
                  full, full, full, full, full, full, full],
        out_specs=[
            pl.BlockSpec((BLK, D_MODEL), lambda i: (i, 0)),
            pl.BlockSpec((BLK, K_SEL), lambda i: (i, 0)),
            pl.BlockSpec((BLK, K_SEL), lambda i: (i, 0)),
            pl.BlockSpec((1, 1), lambda i: (0, 0)),
            pl.BlockSpec((BLK, K_SEL), lambda i: (i, 0)),
            pl.BlockSpec((1, NUM_TILES), lambda i: (0, 0)),
            pl.BlockSpec((G, 1), lambda i: (0, 0)),
        ],
        out_shape=[
            jax.ShapeDtypeStruct((BATCH, D_MODEL), f32),
            jax.ShapeDtypeStruct((BATCH, K_SEL), i32),
            jax.ShapeDtypeStruct((BATCH, K_SEL), f32),
            jax.ShapeDtypeStruct((1, 1), f32),
            jax.ShapeDtypeStruct((BATCH, K_SEL), i32),
            jax.ShapeDtypeStruct((1, NUM_TILES), i32),
            jax.ShapeDtypeStruct((G, 1), i32),
        ],
        scratch_shapes=[pltpu.VMEM((BLK, NUM_TILES), f32),
                        pltpu.VMEM((1, NUM_TILES), f32)],
    )(op_col, a_col, b_col, c_col, op_table, wp64, bp2, Wm, bm2, sig_raw,
      tri)

    tiw = topi.reshape(NW, TPW, K_SEL).transpose(0, 2, 1)
    rkw = rank.reshape(NW, TPW, K_SEL).transpose(0, 2, 1)
    offs_flat = offs16.reshape(NUM_TILES)

    mesh = plsc.VectorSubcoreMesh(core_axis_name="c", subcore_axis_name="s")
    sc_scr = [pltpu.VMEM((K_SEL, TPW), i32),
              pltpu.VMEM((K_SEL, TPW), i32),
              pltpu.VMEM((NUM_TILES,), i32),
              pltpu.VMEM((K_SEL, TPW), i32),
              pltpu.SemaphoreType.DMA]

    xs = pl.kernel(
        _sc_scatter_body, mesh=mesh,
        out_type=jax.ShapeDtypeStruct((PADN, D_MODEL), f32),
        scratch_types=[pltpu.VMEM((TPW, D_MODEL), f32)] + sc_scr,
    )(x, tiw, rkw, offs_flat)

    ys = pl.pallas_call(
        _ffn_body,
        grid_spec=pltpu.PrefetchScalarGridSpec(
            num_scalar_prefetch=1,
            grid=(G,),
            in_specs=[
                pl.BlockSpec((BM, D_MODEL), lambda g, be: (g, 0)),
                pl.BlockSpec((1, D_MODEL, D_FF), lambda g, be: (be[g], 0, 0)),
                pl.BlockSpec((1, 1, D_FF), lambda g, be: (be[g], 0, 0)),
                pl.BlockSpec((1, D_FF, D_MODEL), lambda g, be: (be[g], 0, 0)),
                pl.BlockSpec((1, 1, D_MODEL), lambda g, be: (be[g], 0, 0)),
            ],
            out_specs=pl.BlockSpec((BM, D_MODEL), lambda g, be: (g, 0)),
        ),
        out_shape=jax.ShapeDtypeStruct((PADN, D_MODEL), f32),
    )(bexp.reshape(G), xs, W1, b1.reshape(NUM_TILES, 1, D_FF), W2,
      b2.reshape(NUM_TILES, 1, D_MODEL))

    m4 = pl.kernel(
        _sc_gather_body, mesh=mesh,
        out_type=jax.ShapeDtypeStruct((K_SEL, BATCH, D_MODEL), f32),
        scratch_types=[pltpu.VMEM((TPW, D_MODEL), f32)] + sc_scr,
    )(ys, tiw, rkw, offs_flat)

    wh2p = jnp.zeros((64, 128), f32).at[:, :8].set(Wh2)
    bh2p = jnp.zeros((1, 128), f32).at[0, :8].set(bh2)
    bh1p = bh1.reshape(1, 64)

    res128 = pl.pallas_call(
        _head_body,
        grid=(NB,),
        in_specs=[
            pl.BlockSpec((BLK, D_MODEL), lambda i: (i, 0)),
            pl.BlockSpec((K_SEL, BLK, D_MODEL), lambda i: (0, i, 0)),
            pl.BlockSpec((BLK, K_SEL), lambda i: (i, 0)),
            full, full, full, full,
        ],
        out_specs=pl.BlockSpec((BLK, 128), lambda i: (i, 0)),
        out_shape=jax.ShapeDtypeStruct((BATCH, 128), f32),
    )(x, m4, gates, Wh1, bh1p, wh2p, bh2p)

    result = res128[:, :8]
    return result, topi, aux.reshape(())

# --- scband reference (transcript-rebuilt; emitter-appended) ---
"""Pipeline reference for scband-guarded-tri-xgr6502-18391049961870 (READ-ONLY COPY).

The authoritative reference and input builder live on the scoring server;
editing this copy changes nothing except your own understanding.
"""

import jax, jax.numpy as jnp
import numpy as np

D_MODEL = 512
NUM_TILES = 16
TILES_PER_CLUSTER = 4
D_FF = 1024
BATCH = 4096
NUM_OPS = 8
OP_EMB = 32
IN_DIM = OP_EMB + 8 + 8 + 1  # 49
TERNARY_W = 0.01
SPARSITY_W = 0.005
DIVERSITY_W = 0.01


def setup_inputs(seed: int = 0) -> dict:
    key = jax.random.key(seed)
    ks = jax.random.split(key, 20)
    op_idx = jax.random.randint(ks[0], (BATCH,), 0, NUM_OPS, dtype=jnp.int32)
    a = jax.random.randint(ks[1], (BATCH,), 0, 256, dtype=jnp.int32)
    b = jax.random.randint(ks[2], (BATCH,), 0, 256, dtype=jnp.int32)
    c = jax.random.randint(ks[3], (BATCH,), 0, 2, dtype=jnp.int32)
    op_table = jax.random.normal(ks[4], (NUM_OPS, OP_EMB), jnp.float32)
    Wp = jax.random.normal(ks[5], (IN_DIM, D_MODEL), jnp.float32) / np.sqrt(IN_DIM)
    bp = jnp.zeros((D_MODEL,), jnp.float32)
    Wm = jax.random.normal(ks[6], (D_MODEL, D_MODEL), jnp.float32) * 0.1
    bm = jnp.zeros((D_MODEL,), jnp.float32)
    sig_raw = jax.random.normal(ks[7], (NUM_TILES, D_MODEL), jnp.float32) * 0.1
    W1 = jax.random.normal(ks[8], (NUM_TILES, D_MODEL, D_FF), jnp.float32) / np.sqrt(D_MODEL)
    b1 = jnp.zeros((NUM_TILES, D_FF), jnp.float32)
    W2 = jax.random.normal(ks[9], (NUM_TILES, D_FF, D_MODEL), jnp.float32) / np.sqrt(D_FF)
    b2 = jnp.zeros((NUM_TILES, D_MODEL), jnp.float32)
    Wh1 = jax.random.normal(ks[10], (D_MODEL, 64), jnp.float32) / np.sqrt(D_MODEL)
    bh1 = jnp.zeros((64,), jnp.float32)
    Wh2 = jax.random.normal(ks[11], (64, 8), jnp.float32) / np.sqrt(64)
    bh2 = jnp.zeros((8,), jnp.float32)
    return {
        'op_idx': op_idx, 'a': a, 'b': b, 'c': c,
        'op_table': op_table, 'Wp': Wp, 'bp': bp, 'Wm': Wm, 'bm': bm,
        'sig_raw': sig_raw, 'W1': W1, 'b1': b1, 'W2': W2, 'b2': b2,
        'Wh1': Wh1, 'bh1': bh1, 'Wh2': Wh2, 'bh2': bh2,
    }


def reference(op_idx, a, b, c, op_table, Wp, bp, Wm, bm, sig_raw,
              W1, b1, W2, b2, Wh1, bh1, Wh2, bh2):
    B = op_idx.shape[0]
    # embedding lookup (SparseCore gather)
    op_emb = jnp.take(op_table, op_idx, axis=0)  # [B, 32]
    a_bits = jnp.stack([(a >> i) & 1 for i in range(8)], axis=1).astype(jnp.float32)
    b_bits = jnp.stack([(b >> i) & 1 for i in range(8)], axis=1).astype(jnp.float32)
    x = jnp.concatenate([op_emb, a_bits, b_bits, c[:, None].astype(jnp.float32)], axis=1)  # [B,49]
    x = x @ Wp + bp  # [B, D_MODEL]
    # XORMixer: residual tanh mix
    x = x + (jnp.tanh(x) @ Wm + bm)
    # --- SparseLookupFFNv2: signature-routed top-k tile FFN ---
    sig = jnp.tanh(sig_raw)  # ternary-ish signatures [T, D]
    logits = x @ sig.T  # [B, T]
    topv, topi = jax.lax.top_k(logits, TILES_PER_CLUSTER)  # [B, k]
    gates = jax.nn.softmax(topv, axis=-1)  # [B, k]
    gate_full = jnp.zeros((B, NUM_TILES), jnp.float32).at[
        jnp.arange(B)[:, None], topi].add(gates)  # scatter-add combine weights
    moe_out = jnp.zeros_like(x)
    for e in range(NUM_TILES):
        h = jax.nn.relu(x @ W1[e] + b1[e])
        moe_out = moe_out + gate_full[:, e:e + 1] * (h @ W2[e] + b2[e])
    out = x + moe_out
    # aux losses
    abs_sig = jnp.abs(sig)
    ternary = jnp.mean(abs_sig * (1.0 - abs_sig))
    probs = jax.nn.softmax(logits, axis=-1)
    importance = probs.mean(axis=0)  # [T]
    load = (gate_full > 0).astype(jnp.float32).mean(axis=0)  # [T]
    sparsity = NUM_TILES * jnp.sum(importance * load)
    sig_n = sig / (jnp.linalg.norm(sig, axis=-1, keepdims=True) + 1e-6)
    cos = sig_n @ sig_n.T
    diversity = (jnp.sum(cos) - jnp.trace(cos)) / (NUM_TILES * (NUM_TILES - 1))
    aux = TERNARY_W * ternary + SPARSITY_W * sparsity + DIVERSITY_W * diversity
    # result head
    hh = jax.nn.relu(out @ Wh1 + bh1)
    result = jax.nn.sigmoid(hh @ Wh2 + bh2)  # [B, 8]
    return result, topi, aux

if __name__ == "__main__":
    import jax
    _d = setup_inputs()
    print(jax.jit(kernel)(*tuple(_d.values())))

</pallas_src>

<mosaic_0001>
#map = affine_map<(d0, d1) -> (0, 0)>
#map1 = affine_map<(d0, d1) -> (0, 0, 0)>
#map2 = affine_map<(d0, d1) -> (0)>
module attributes {stable_mosaic.version = 14 : i64} {
  func.func @_sc_gather_body(%arg0: i32, %arg1: i32, %arg2: memref<24576x512xf32, #tpu.memory_space<hbm>>, %arg3: memref<32x4x128xi32, #tpu.memory_space<hbm>>, %arg4: memref<32x4x128xi32, #tpu.memory_space<hbm>>, %arg5: memref<16xi32, #tpu.memory_space<hbm>>, %arg6: memref<4x4096x512xf32, #tpu.memory_space<hbm>>, %arg7: memref<128x512xf32, #tpu.memory_space<vmem>>, %arg8: memref<4x128xi32, #tpu.memory_space<vmem>>, %arg9: memref<4x128xi32, #tpu.memory_space<vmem>>, %arg10: memref<16xi32, #tpu.memory_space<vmem>>, %arg11: memref<4x128xi32, #tpu.memory_space<vmem>>, %arg12: memref<!tpu.dma_semaphore, #tpu.memory_space<semaphore_mem>>) attributes {dimension_semantics = [#tpu.dimension_semantics<core_parallel>, #tpu.dimension_semantics<subcore_parallel>], iteration_bounds = array<i64: 2, 16>, scalar_prefetch = 0 : i64, scratch_operands = 6 : i64, tpu.core_type = #tpu.core_type<sc_vector_subcore>, window_params = [{transform_indices = #map}, {transform_indices = #map1}, {transform_indices = #map1}, {transform_indices = #map2}, {transform_indices = #map1}]} {
    %mul3A = arith.constant 2 : i32
    %mul3A_0 = arith.muli %arg1, %mul3A : i32
    %add3A = arith.addi %mul3A_0, %arg0 : i32
    %mul3A_1 = arith.constant 128 : i32
    %mul3A_2 = arith.muli %add3A, %mul3A_1 : i32
    "tpu.region"() ({
      %run_scoped3A_699 = tpu.sem_alloc : memref<!tpu.dma_semaphore, #tpu.memory_space<semaphore_mem>>
      %dma_start3A_700 = arith.constant 0 : i32
      %dma_start3A_701 = arith.constant 0 : i32
      %dma_start3A_702 = tpu.memref_slice %arg3[%add3A, %dma_start3A_700, %dma_start3A_701] : memref<32x4x128xi32, #tpu.memory_space<hbm>> -> memref<1x4x128xi32, #tpu.memory_space<hbm>>
      %dma_start3A_703 = tpu.memref_squeeze %dma_start3A_702 : memref<1x4x128xi32, #tpu.memory_space<hbm>> -> memref<4x128xi32, #tpu.memory_space<hbm>>
      %dma_start3A_704 = arith.constant 0 : i32
      %dma_start3A_705 = arith.constant 0 : i32
      %dma_start3A_706 = tpu.memref_slice %arg3[%add3A, %dma_start3A_704, %dma_start3A_705] : memref<32x4x128xi32, #tpu.memory_space<hbm>> -> memref<1x4x128xi32, #tpu.memory_space<hbm>>
      %dma_start3A_707 = tpu.memref_squeeze %dma_start3A_706 : memref<1x4x128xi32, #tpu.memory_space<hbm>> -> memref<4x128xi32, #tpu.memory_space<hbm>>
      tpu.enqueue_dma source(%dma_start3A_707 : memref<4x128xi32, #tpu.memory_space<hbm>>) target(%arg8 : memref<4x128xi32, #tpu.memory_space<vmem>>) target_semaphore(%run_scoped3A_699 : memref<!tpu.dma_semaphore, #tpu.memory_space<semaphore_mem>>)
      %dma_wait3A_708 = arith.constant 0 : i32
      %dma_wait3A_709 = arith.constant 0 : i32
      %dma_wait3A_710 = tpu.memref_slice %arg3[%add3A, %dma_wait3A_708, %dma_wait3A_709] : memref<32x4x128xi32, #tpu.memory_space<hbm>> -> memref<1x4x128xi32, #tpu.memory_space<hbm>>
      %dma_wait3A_711 = tpu.memref_squeeze %dma_wait3A_710 : memref<1x4x128xi32, #tpu.memory_space<hbm>> -> memref<4x128xi32, #tpu.memory_space<hbm>>
      %dma_wait3A_712 = arith.constant 0 : i32
      %dma_wait3A_713 = arith.constant 0 : i32
      %dma_wait3A_714 = tpu.memref_slice %arg3[%add3A, %dma_wait3A_712, %dma_wait3A_713] : memref<32x4x128xi32, #tpu.memory_space<hbm>> -> memref<1x4x128xi32, #tpu.memory_space<hbm>>
      %dma_wait3A_715 = tpu.memref_squeeze %dma_wait3A_714 : memref<1x4x128xi32, #tpu.memory_space<hbm>> -> memref<4x128xi32, #tpu.memory_space<hbm>>
      tpu.wait_dma2 semaphore(%run_scoped3A_699 : memref<!tpu.dma_semaphore, #tpu.memory_space<semaphore_mem>>) src(%dma_wait3A_715 : memref<4x128xi32, #tpu.memory_space<hbm>>) dst(%arg8 : memref<4x128xi32, #tpu.memory_space<vmem>>)
      tpu.yield
    }) : () -> ()
    "tpu.region"() ({
      %run_scoped3A_699 = tpu.sem_alloc : memref<!tpu.dma_semaphore, #tpu.memory_space<semaphore_mem>>
      %dma_start3A_700 = arith.constant 0 : i32
      %dma_start3A_701 = arith.constant 0 : i32
      %dma_start3A_702 = tpu.memref_slice %arg4[%add3A, %dma_start3A_700, %dma_start3A_701] : memref<32x4x128xi32, #tpu.memory_space<hbm>> -> memref<1x4x128xi32, #tpu.memory_space<hbm>>
      %dma_start3A_703 = tpu.memref_squeeze %dma_start3A_702 : memref<1x4x128xi32, #tpu.memory_space<hbm>> -> memref<4x128xi32, #tpu.memory_space<hbm>>
      %dma_start3A_704 = arith.constant 0 : i32
      %dma_start3A_705 = arith.constant 0 : i32
      %dma_start3A_706 = tpu.memref_slice %arg4[%add3A, %dma_start3A_704, %dma_start3A_705] : memref<32x4x128xi32, #tpu.memory_space<hbm>> -> memref<1x4x128xi32, #tpu.memory_space<hbm>>
      %dma_start3A_707 = tpu.memref_squeeze %dma_start3A_706 : memref<1x4x128xi32, #tpu.memory_space<hbm>> -> memref<4x128xi32, #tpu.memory_space<hbm>>
      tpu.enqueue_dma source(%dma_start3A_707 : memref<4x128xi32, #tpu.memory_space<hbm>>) target(%arg9 : memref<4x128xi32, #tpu.memory_space<vmem>>) target_semaphore(%run_scoped3A_699 : memref<!tpu.dma_semaphore, #tpu.memory_space<semaphore_mem>>)
      %dma_wait3A_708 = arith.constant 0 : i32
      %dma_wait3A_709 = arith.constant 0 : i32
      %dma_wait3A_710 = tpu.memref_slice %arg4[%add3A, %dma_wait3A_708, %dma_wait3A_709] : memref<32x4x128xi32, #tpu.memory_space<hbm>> -> memref<1x4x128xi32, #tpu.memory_space<hbm>>
      %dma_wait3A_711 = tpu.memref_squeeze %dma_wait3A_710 : memref<1x4x128xi32, #tpu.memory_space<hbm>> -> memref<4x128xi32, #tpu.memory_space<hbm>>
      %dma_wait3A_712 = arith.constant 0 : i32
      %dma_wait3A_713 = arith.constant 0 : i32
      %dma_wait3A_714 = tpu.memref_slice %arg4[%add3A, %dma_wait3A_712, %dma_wait3A_713] : memref<32x4x128xi32, #tpu.memory_space<hbm>> -> memref<1x4x128xi32, #tpu.memory_space<hbm>>
      %dma_wait3A_715 = tpu.memref_squeeze %dma_wait3A_714 : memref<1x4x128xi32, #tpu.memory_space<hbm>> -> memref<4x128xi32, #tpu.memory_space<hbm>>
      tpu.wait_dma2 semaphore(%run_scoped3A_699 : memref<!tpu.dma_semaphore, #tpu.memory_space<semaphore_mem>>) src(%dma_wait3A_715 : memref<4x128xi32, #tpu.memory_space<hbm>>) dst(%arg9 : memref<4x128xi32, #tpu.memory_space<vmem>>)
      tpu.yield
    }) : () -> ()
    "tpu.region"() ({
      %run_scoped3A_699 = tpu.sem_alloc : memref<!tpu.dma_semaphore, #tpu.memory_space<semaphore_mem>>
      tpu.enqueue_dma source(%arg5 : memref<16xi32, #tpu.memory_space<hbm>>) target(%arg10 : memref<16xi32, #tpu.memory_space<vmem>>) target_semaphore(%run_scoped3A_699 : memref<!tpu.dma_semaphore, #tpu.memory_space<semaphore_mem>>)
      tpu.wait_dma2 semaphore(%run_scoped3A_699 : memref<!tpu.dma_semaphore, #tpu.memory_space<semaphore_mem>>) src(%arg5 : memref<16xi32, #tpu.memory_space<hbm>>) dst(%arg10 : memref<16xi32, #tpu.memory_space<vmem>>)
      tpu.yield
    }) : () -> ()
    %get3A = arith.constant 0 : index
    %get3A_3 = tpu.vector_load %arg10[%get3A] {strides = array<i32>} : memref<16xi32, #tpu.memory_space<vmem>>, vector<16xi32>,
    %get3A_4 = vector.shape_cast %get3A_3 : vector<16xi32> to vector<16xi32>
    %get3A_5 = arith.constant 0 : i32
    %get3A_6 = arith.index_cast %get3A_5 : i32 to index
    %get3A_7 = arith.constant 0 : index
    %get3A_8 = tpu.vector_load %arg8[%get3A_6, %get3A_7] {strides = array<i32>} : memref<4x128xi32, #tpu.memory_space<vmem>>, vector<1x16xi32>,
    %get3A_9 = vector.shape_cast %get3A_8 : vector<1x16xi32> to vector<16xi32>
    %get3A_10 = arith.constant 0 : i32
    %get3A_11 = arith.index_cast %get3A_10 : i32 to index
    %get3A_12 = arith.constant 0 : index
    %get3A_13 = tpu.vector_load %arg9[%get3A_11, %get3A_12] {strides = array<i32>} : memref<4x128xi32, #tpu.memory_space<vmem>>, vector<1x16xi32>,
    %get3A_14 = vector.shape_cast %get3A_13 : vector<1x16xi32> to vector<16xi32>
    %broadcast_in_dim3A = vector.shape_cast %get3A_9 : vector<16xi32> to vector<16x1xi32>
    %gather3A = vector.shape_cast %broadcast_in_dim3A : vector<16x1xi32> to vector<16xi32>
    %gather3A_15 = tpu.dynamic_gather %get3A_4[%gather3A] in [0] : vector<16xi32>, vector<16xi32> -> vector<16xi32>
    %add3A_16 = arith.addi %gather3A_15, %get3A_14 : vector<16xi32>
    %swap3A = arith.constant 0 : i32
    %swap3A_17 = arith.index_cast %swap3A : i32 to index
    %swap3A_18 = arith.constant 0 : index
    %swap3A_19 = tpu.vector_load %arg11[%swap3A_17, %swap3A_18] {strides = array<i32>} : memref<4x128xi32, #tpu.memory_space<vmem>>, vector<1x16xi32>,
    %swap3A_20 = vector.shape_cast %swap3A_19 : vector<1x16xi32> to vector<16xi32>
    %swap3A_21 = vector.shape_cast %add3A_16 : vector<16xi32> to vector<1x16xi32>
    tpu.vector_store %arg11[%swap3A_17, %swap3A_18], %swap3A_21 {strides = array<i32>} : memref<4x128xi32, #tpu.memory_space<vmem>>, vector<1x16xi32>,
    %get3A_22 = arith.constant 0 : i32
    %get3A_23 = arith.index_cast %get3A_22 : i32 to index
    %get3A_24 = arith.constant 16 : index
    %get3A_25 = tpu.vector_load %arg8[%get3A_23, %get3A_24] {strides = array<i32>} : memref<4x128xi32, #tpu.memory_space<vmem>>, vector<1x16xi32>,
    %get3A_26 = vector.shape_cast %get3A_25 : vector<1x16xi32> to vector<16xi32>
    %get3A_27 = arith.constant 0 : i32
    %get3A_28 = arith.index_cast %get3A_27 : i32 to index
    %get3A_29 = arith.constant 16 : index
    %get3A_30 = tpu.vector_load %arg9[%get3A_28, %get3A_29] {strides = array<i32>} : memref<4x128xi32, #tpu.memory_space<vmem>>, vector<1x16xi32>,
    %get3A_31 = vector.shape_cast %get3A_30 : vector<1x16xi32> to vector<16xi32>
    %broadcast_in_dim3A_32 = vector.shape_cast %get3A_26 : vector<16xi32> to vector<16x1xi32>
    %gather3A_33 = vector.shape_cast %broadcast_in_dim3A_32 : vector<16x1xi32> to vector<16xi32>
    %gather3A_34 = tpu.dynamic_gather %get3A_4[%gather3A_33] in [0] : vector<16xi32>, vector<16xi32> -> vector<16xi32>
    %add3A_35 = arith.addi %gather3A_34, %get3A_31 : vector<16xi32>
    %swap3A_36 = arith.constant 0 : i32
    %swap3A_37 = arith.index_cast %swap3A_36 : i32 to index
    %swap3A_38 = arith.constant 16 : index
    %swap3A_39 = tpu.vector_load %arg11[%swap3A_37, %swap3A_38] {strides = array<i32>} : memref<4x128xi32, #tpu.memory_space<vmem>>, vector<1x16xi32>,
    %swap3A_40 = vector.shape_cast %swap3A_39 : vector<1x16xi32> to vector<16xi32>
    %swap3A_41 = vector.shape_cast %add3A_35 : vector<16xi32> to vector<1x16xi32>
    tpu.vector_store %arg11[%swap3A_37, %swap3A_38], %swap3A_41 {strides = array<i32>} : memref<4x128xi32, #tpu.memory_space<vmem>>, vector<1x16xi32>,
    %get3A_42 = arith.constant 0 : i32
    %get3A_43 = arith.index_cast %get3A_42 : i32 to index
    %get3A_44 = arith.constant 32 : index
    %get3A_45 = tpu.vector_load %arg8[%get3A_43, %get3A_44] {strides = array<i32>} : memref<4x128xi32, #tpu.memory_space<vmem>>, vector<1x16xi32>,
    %get3A_46 = vector.shape_cast %get3A_45 : vector<1x16xi32> to vector<16xi32>
    %get3A_47 = arith.constant 0 : i32
    %get3A_48 = arith.index_cast %get3A_47 : i32 to index
    %get3A_49 = arith.constant 32 : index
    %get3A_50 = tpu.vector_load %arg9[%get3A_48, %get3A_49] {strides = array<i32>} : memref<4x128xi32, #tpu.memory_space<vmem>>, vector<1x16xi32>,
    %get3A_51 = vector.shape_cast %get3A_50 : vector<1x16xi32> to vector<16xi32>
    %broadcast_in_dim3A_52 = vector.shape_cast %get3A_46 : vector<16xi32> to vector<16x1xi32>
    %gather3A_53 = vector.shape_cast %broadcast_in_dim3A_52 : vector<16x1xi32> to vector<16xi32>
    %gather3A_54 = tpu.dynamic_gather %get3A_4[%gather3A_53] in [0] : vector<16xi32>, vector<16xi32> -> vector<16xi32>
    %add3A_55 = arith.addi %gather3A_54, %get3A_51 : vector<16xi32>
    %swap3A_56 = arith.constant 0 : i32
    %swap3A_57 = arith.index_cast %swap3A_56 : i32 to index
    %swap3A_58 = arith.constant 32 : index
    %swap3A_59 = tpu.vector_load %arg11[%swap3A_57, %swap3A_58] {strides = array<i32>} : memref<4x128xi32, #tpu.memory_space<vmem>>, vector<1x16xi32>,
    %swap3A_60 = vector.shape_cast %swap3A_59 : vector<1x16xi32> to vector<16xi32>
    %swap3A_61 = vector.shape_cast %add3A_55 : vector<16xi32> to vector<1x16xi32>
    tpu.vector_store %arg11[%swap3A_57, %swap3A_58], %swap3A_61 {strides = array<i32>} : memref<4x128xi32, #tpu.memory_space<vmem>>, vector<1x16xi32>,
    %get3A_62 = arith.constant 0 : i32
    %get3A_63 = arith.index_cast %get3A_62 : i32 to index
    %get3A_64 = arith.constant 48 : index
    %get3A_65 = tpu.vector_load %arg8[%get3A_63, %get3A_64] {strides = array<i32>} : memref<4x128xi32, #tpu.memory_space<vmem>>, vector<1x16xi32>,
    %get3A_66 = vector.shape_cast %get3A_65 : vector<1x16xi32> to vector<16xi32>
    %get3A_67 = arith.constant 0 : i32
    %get3A_68 = arith.index_cast %get3A_67 : i32 to index
    %get3A_69 = arith.constant 48 : index
    %get3A_70 = tpu.vector_load %arg9[%get3A_68, %get3A_69] {strides = array<i32>} : memref<4x128xi32, #tpu.memory_space<vmem>>, vector<1x16xi32>,
    %get3A_71 = vector.shape_cast %get3A_70 : vector<1x16xi32> to vector<16xi32>
    %broadcast_in_dim3A_72 = vector.shape_cast %get3A_66 : vector<16xi32> to vector<16x1xi32>
    %gather3A_73 = vector.shape_cast %broadcast_in_dim3A_72 : vector<16x1xi32> to vector<16xi32>
    %gather3A_74 = tpu.dynamic_gather %get3A_4[%gather3A_73] in [0] : vector<16xi32>, vector<16xi32> -> vector<16xi32>
    %add3A_75 = arith.addi %gather3A_74, %get3A_71 : vector<16xi32>
    %swap3A_76 = arith.constant 0 : i32
    %swap3A_77 = arith.index_cast %swap3A_76 : i32 to index
    %swap3A_78 = arith.constant 48 : index
    %swap3A_79 = tpu.vector_load %arg11[%swap3A_77, %swap3A_78] {strides = array<i32>} : memref<4x128xi32, #tpu.memory_space<vmem>>, vector<1x16xi32>,
    %swap3A_80 = vector.shape_cast %swap3A_79 : vector<1x16xi32> to vector<16xi32>
    %swap3A_81 = vector.shape_cast %add3A_75 : vector<16xi32> to vector<1x16xi32>
    tpu.vector_store %arg11[%swap3A_77, %swap3A_78], %swap3A_81 {strides = array<i32>} : memref<4x128xi32, #tpu.memory_space<vmem>>, vector<1x16xi32>,
    %get3A_82 = arith.constant 0 : i32
    %get3A_83 = arith.index_cast %get3A_82 : i32 to index
    %get3A_84 = arith.constant 64 : index
    %get3A_85 = tpu.vector_load %arg8[%get3A_83, %get3A_84] {strides = array<i32>} : memref<4x128xi32, #tpu.memory_space<vmem>>, vector<1x16xi32>,
    %get3A_86 = vector.shape_cast %get3A_85 : vector<1x16xi32> to vector<16xi32>
    %get3A_87 = arith.constant 0 : i32
    %get3A_88 = arith.index_cast %get3A_87 : i32 to index
    %get3A_89 = arith.constant 64 : index
    %get3A_90 = tpu.vector_load %arg9[%get3A_88, %get3A_89] {strides = array<i32>} : memref<4x128xi32, #tpu.memory_space<vmem>>, vector<1x16xi32>,
    %get3A_91 = vector.shape_cast %get3A_90 : vector<1x16xi32> to vector<16xi32>
    %broadcast_in_dim3A_92 = vector.shape_cast %get3A_86 : vector<16xi32> to vector<16x1xi32>
    %gather3A_93 = vector.shape_cast %broadcast_in_dim3A_92 : vector<16x1xi32> to vector<16xi32>
    %gather3A_94 = tpu.dynamic_gather %get3A_4[%gather3A_93] in [0] : vector<16xi32>, vector<16xi32> -> vector<16xi32>
    %add3A_95 = arith.addi %gather3A_94, %get3A_91 : vector<16xi32>
    %swap3A_96 = arith.constant 0 : i32
    %swap3A_97 = arith.index_cast %swap3A_96 : i32 to index
    %swap3A_98 = arith.constant 64 : index
    %swap3A_99 = tpu.vector_load %arg11[%swap3A_97, %swap3A_98] {strides = array<i32>} : memref<4x128xi32, #tpu.memory_space<vmem>>, vector<1x16xi32>,
    %swap3A_100 = vector.shape_cast %swap3A_99 : vector<1x16xi32> to vector<16xi32>
    %swap3A_101 = vector.shape_cast %add3A_95 : vector<16xi32> to vector<1x16xi32>
    tpu.vector_store %arg11[%swap3A_97, %swap3A_98], %swap3A_101 {strides = array<i32>} : memref<4x128xi32, #tpu.memory_space<vmem>>, vector<1x16xi32>,
    %get3A_102 = arith.constant 0 : i32
    %get3A_103 = arith.index_cast %get3A_102 : i32 to index
    %get3A_104 = arith.constant 80 : index
    %get3A_105 = tpu.vector_load %arg8[%get3A_103, %get3A_104] {strides = array<i32>} : memref<4x128xi32, #tpu.memory_space<vmem>>, vector<1x16xi32>,
    %get3A_106 = vector.shape_cast %get3A_105 : vector<1x16xi32> to vector<16xi32>
    %get3A_107 = arith.constant 0 : i32
    %get3A_108 = arith.index_cast %get3A_107 : i32 to index
    %get3A_109 = arith.constant 80 : index
    %get3A_110 = tpu.vector_load %arg9[%get3A_108, %get3A_109] {strides = array<i32>} : memref<4x128xi32, #tpu.memory_space<vmem>>, vector<1x16xi32>,
    %get3A_111 = vector.shape_cast %get3A_110 : vector<1x16xi32> to vector<16xi32>
    %broadcast_in_dim3A_112 = vector.shape_cast %get3A_106 : vector<16xi32> to vector<16x1xi32>
    %gather3A_113 = vector.shape_cast %broadcast_in_dim3A_112 : vector<16x1xi32> to vector<16xi32>
    %gather3A_114 = tpu.dynamic_gather %get3A_4[%gather3A_113] in [0] : vector<16xi32>, vector<16xi32> -> vector<16xi32>
    %add3A_115 = arith.addi %gather3A_114, %get3A_111 : vector<16xi32>
    %swap3A_116 = arith.constant 0 : i32
    %swap3A_117 = arith.index_cast %swap3A_116 : i32 to index
    %swap3A_118 = arith.constant 80 : index
    %swap3A_119 = tpu.vector_load %arg11[%swap3A_117, %swap3A_118] {strides = array<i32>} : memref<4x128xi32, #tpu.memory_space<vmem>>, vector<1x16xi32>,
    %swap3A_120 = vector.shape_cast %swap3A_119 : vector<1x16xi32> to vector<16xi32>
    %swap3A_121 = vector.shape_cast %add3A_115 : vector<16xi32> to vector<1x16xi32>
    tpu.vector_store %arg11[%swap3A_117, %swap3A_118], %swap3A_121 {strides = array<i32>} : memref<4x128xi32, #tpu.memory_space<vmem>>, vector<1x16xi32>,
    %get3A_122 = arith.constant 0 : i32
    %get3A_123 = arith.index_cast %get3A_122 : i32 to index
    %get3A_124 = arith.constant 96 : index
    %get3A_125 = tpu.vector_load %arg8[%get3A_123, %get3A_124] {strides = array<i32>} : memref<4x128xi32, #tpu.memory_space<vmem>>, vector<1x16xi32>,
    %get3A_126 = vector.shape_cast %get3A_125 : vector<1x16xi32> to vector<16xi32>
    %get3A_127 = arith.constant 0 : i32
    %get3A_128 = arith.index_cast %get3A_127 : i32 to index
    %get3A_129 = arith.constant 96 : index
    %get3A_130 = tpu.vector_load %arg9[%get3A_128, %get3A_129] {strides = array<i32>} : memref<4x128xi32, #tpu.memory_space<vmem>>, vector<1x16xi32>,
    %get3A_131 = vector.shape_cast %get3A_130 : vector<1x16xi32> to vector<16xi32>
    %broadcast_in_dim3A_132 = vector.shape_cast %get3A_126 : vector<16xi32> to vector<16x1xi32>
    %gather3A_133 = vector.shape_cast %broadcast_in_dim3A_132 : vector<16x1xi32> to vector<16xi32>
    %gather3A_134 = tpu.dynamic_gather %get3A_4[%gather3A_133] in [0] : vector<16xi32>, vector<16xi32> -> vector<16xi32>
    %add3A_135 = arith.addi %gather3A_134, %get3A_131 : vector<16xi32>
    %swap3A_136 = arith.constant 0 : i32
    %swap3A_137 = arith.index_cast %swap3A_136 : i32 to index
    %swap3A_138 = arith.constant 96 : index
    %swap3A_139 = tpu.vector_load %arg11[%swap3A_137, %swap3A_138] {strides = array<i32>} : memref<4x128xi32, #tpu.memory_space<vmem>>, vector<1x16xi32>,
    %swap3A_140 = vector.shape_cast %swap3A_139 : vector<1x16xi32> to vector<16xi32>
    %swap3A_141 = vector.shape_cast %add3A_135 : vector<16xi32> to vector<1x16xi32>
    tpu.vector_store %arg11[%swap3A_137, %swap3A_138], %swap3A_141 {strides = array<i32>} : memref<4x128xi32, #tpu.memory_space<vmem>>, vector<1x16xi32>,
    %get3A_142 = arith.constant 0 : i32
    %get3A_143 = arith.index_cast %get3A_142 : i32 to index
    %get3A_144 = arith.constant 112 : index
    %get3A_145 = tpu.vector_load %arg8[%get3A_143, %get3A_144] {strides = array<i32>} : memref<4x128xi32, #tpu.memory_space<vmem>>, vector<1x16xi32>,
    %get3A_146 = vector.shape_cast %get3A_145 : vector<1x16xi32> to vector<16xi32>
    %get3A_147 = arith.constant 0 : i32
    %get3A_148 = arith.index_cast %get3A_147 : i32 to index
    %get3A_149 = arith.constant 112 : index
    %get3A_150 = tpu.vector_load %arg9[%get3A_148, %get3A_149] {strides = array<i32>} : memref<4x128xi32, #tpu.memory_space<vmem>>, vector<1x16xi32>,
    %get3A_151 = vector.shape_cast %get3A_150 : vector<1x16xi32> to vector<16xi32>
    %broadcast_in_dim3A_152 = vector.shape_cast %get3A_146 : vector<16xi32> to vector<16x1xi32>
    %gather3A_153 = vector.shape_cast %broadcast_in_dim3A_152 : vector<16x1xi32> to vector<16xi32>
    %gather3A_154 = tpu.dynamic_gather %get3A_4[%gather3A_153] in [0] : vector<16xi32>, vector<16xi32> -> vector<16xi32>
    %add3A_155 = arith.addi %gather3A_154, %get3A_151 : vector<16xi32>
    %swap3A_156 = arith.constant 0 : i32
    %swap3A_157 = arith.index_cast %swap3A_156 : i32 to index
    %swap3A_158 = arith.constant 112 : index
    %swap3A_159 = tpu.vector_load %arg11[%swap3A_157, %swap3A_158] {strides = array<i32>} : memref<4x128xi32, #tpu.memory_space<vmem>>, vector<1x16xi32>,
    %swap3A_160 = vector.shape_cast %swap3A_159 : vector<1x16xi32> to vector<16xi32>
    %swap3A_161 = vector.shape_cast %add3A_155 : vector<16xi32> to vector<1x16xi32>
    tpu.vector_store %arg11[%swap3A_157, %swap3A_158], %swap3A_161 {strides = array<i32>} : memref<4x128xi32, #tpu.memory_space<vmem>>, vector<1x16xi32>,
    %get3A_162 = arith.constant 1 : i32
    %get3A_163 = arith.index_cast %get3A_162 : i32 to index
    %get3A_164 = arith.constant 0 : index
    %get3A_165 = tpu.vector_load %arg8[%get3A_163, %get3A_164] {strides = array<i32>} : memref<4x128xi32, #tpu.memory_space<vmem>>, vector<1x16xi32>,
    %get3A_166 = vector.shape_cast %get3A_165 : vector<1x16xi32> to vector<16xi32>
    %get3A_167 = arith.constant 1 : i32
    %get3A_168 = arith.index_cast %get3A_167 : i32 to index
    %get3A_169 = arith.constant 0 : index
    %get3A_170 = tpu.vector_load %arg9[%get3A_168, %get3A_169] {strides = array<i32>} : memref<4x128xi32, #tpu.memory_space<vmem>>, vector<1x16xi32>,
    %get3A_171 = vector.shape_cast %get3A_170 : vector<1x16xi32> to vector<16xi32>
    %broadcast_in_dim3A_172 = vector.shape_cast %get3A_166 : vector<16xi32> to vector<16x1xi32>
    %gather3A_173 = vector.shape_cast %broadcast_in_dim3A_172 : vector<16x1xi32> to vector<16xi32>
    %gather3A_174 = tpu.dynamic_gather %get3A_4[%gather3A_173] in [0] : vector<16xi32>, vector<16xi32> -> vector<16xi32>
    %add3A_175 = arith.addi %gather3A_174, %get3A_171 : vector<16xi32>
    %swap3A_176 = arith.constant 1 : i32
    %swap3A_177 = arith.index_cast %swap3A_176 : i32 to index
    %swap3A_178 = arith.constant 0 : index
    %swap3A_179 = tpu.vector_load %arg11[%swap3A_177, %swap3A_178] {strides = array<i32>} : memref<4x128xi32, #tpu.memory_space<vmem>>, vector<1x16xi32>,
    %swap3A_180 = vector.shape_cast %swap3A_179 : vector<1x16xi32> to vector<16xi32>
    %swap3A_181 = vector.shape_cast %add3A_175 : vector<16xi32> to vector<1x16xi32>
    tpu.vector_store %arg11[%swap3A_177, %swap3A_178], %swap3A_181 {strides = array<i32>} : memref<4x128xi32, #tpu.memory_space<vmem>>, vector<1x16xi32>,
    %get3A_182 = arith.constant 1 : i32
    %get3A_183 = arith.index_cast %get3A_182 : i32 to index
    %get3A_184 = arith.constant 16 : index
    %get3A_185 = tpu.vector_load %arg8[%get3A_183, %get3A_184] {strides = array<i32>} : memref<4x128xi32, #tpu.memory_space<vmem>>, vector<1x16xi32>,
    %get3A_186 = vector.shape_cast %get3A_185 : vector<1x16xi32> to vector<16xi32>
    %get3A_187 = arith.constant 1 : i32
    %get3A_188 = arith.index_cast %get3A_187 : i32 to index
    %get3A_189 = arith.constant 16 : index
    %get3A_190 = tpu.vector_load %arg9[%get3A_188, %get3A_189] {strides = array<i32>} : memref<4x128xi32, #tpu.memory_space<vmem>>, vector<1x16xi32>,
    %get3A_191 = vector.shape_cast %get3A_190 : vector<1x16xi32> to vector<16xi32>
    %broadcast_in_dim3A_192 = vector.shape_cast %get3A_186 : vector<16xi32> to vector<16x1xi32>
    %gather3A_193 = vector.shape_cast %broadcast_in_dim3A_192 : vector<16x1xi32> to vector<16xi32>
    %gather3A_194 = tpu.dynamic_gather %get3A_4[%gather3A_193] in [0] : vector<16xi32>, vector<16xi32> -> vector<16xi32>
    %add3A_195 = arith.addi %gather3A_194, %get3A_191 : vector<16xi32>
    %swap3A_196 = arith.constant 1 : i32
    %swap3A_197 = arith.index_cast %swap3A_196 : i32 to index
    %swap3A_198 = arith.constant 16 : index
    %swap3A_199 = tpu.vector_load %arg11[%swap3A_197, %swap3A_198] {strides = array<i32>} : memref<4x128xi32, #tpu.memory_space<vmem>>, vector<1x16xi32>,
    %swap3A_200 = vector.shape_cast %swap3A_199 : vector<1x16xi32> to vector<16xi32>
    %swap3A_201 = vector.shape_cast %add3A_195 : vector<16xi32> to vector<1x16xi32>
    tpu.vector_store %arg11[%swap3A_197, %swap3A_198], %swap3A_201 {strides = array<i32>} : memref<4x128xi32, #tpu.memory_space<vmem>>, vector<1x16xi32>,
    %get3A_202 = arith.constant 1 : i32
    %get3A_203 = arith.index_cast %get3A_202 : i32 to index
    %get3A_204 = arith.constant 32 : index
    %get3A_205 = tpu.vector_load %arg8[%get3A_203, %get3A_204] {strides = array<i32>} : memref<4x128xi32, #tpu.memory_space<vmem>>, vector<1x16xi32>,
    %get3A_206 = vector.shape_cast %get3A_205 : vector<1x16xi32> to vector<16xi32>
    %get3A_207 = arith.constant 1 : i32
    %get3A_208 = arith.index_cast %get3A_207 : i32 to index
    %get3A_209 = arith.constant 32 : index
    %get3A_210 = tpu.vector_load %arg9[%get3A_208, %get3A_209] {strides = array<i32>} : memref<4x128xi32, #tpu.memory_space<vmem>>, vector<1x16xi32>,
    %get3A_211 = vector.shape_cast %get3A_210 : vector<1x16xi32> to vector<16xi32>
    %broadcast_in_dim3A_212 = vector.shape_cast %get3A_206 : vector<16xi32> to vector<16x1xi32>
    %gather3A_213 = vector.shape_cast %broadcast_in_dim3A_212 : vector<16x1xi32> to vector<16xi32>
    %gather3A_214 = tpu.dynamic_gather %get3A_4[%gather3A_213] in [0] : vector<16xi32>, vector<16xi32> -> vector<16xi32>
    %add3A_215 = arith.addi %gather3A_214, %get3A_211 : vector<16xi32>
    %swap3A_216 = arith.constant 1 : i32
    %swap3A_217 = arith.index_cast %swap3A_216 : i32 to index
    %swap3A_218 = arith.constant 32 : index
    %swap3A_219 = tpu.vector_load %arg11[%swap3A_217, %swap3A_218] {strides = array<i32>} : memref<4x128xi32, #tpu.memory_space<vmem>>, vector<1x16xi32>,
    %swap3A_220 = vector.shape_cast %swap3A_219 : vector<1x16xi32> to vector<16xi32>
    %swap3A_221 = vector.shape_cast %add3A_215 : vector<16xi32> to vector<1x16xi32>
    tpu.vector_store %arg11[%swap3A_217, %swap3A_218], %swap3A_221 {strides = array<i32>} : memref<4x128xi32, #tpu.memory_space<vmem>>, vector<1x16xi32>,
    %get3A_222 = arith.constant 1 : i32
    %get3A_223 = arith.index_cast %get3A_222 : i32 to index
    %get3A_224 = arith.constant 48 : index
    %get3A_225 = tpu.vector_load %arg8[%get3A_223, %get3A_224] {strides = array<i32>} : memref<4x128xi32, #tpu.memory_space<vmem>>, vector<1x16xi32>,
    %get3A_226 = vector.shape_cast %get3A_225 : vector<1x16xi32> to vector<16xi32>
    %get3A_227 = arith.constant 1 : i32
    %get3A_228 = arith.index_cast %get3A_227 : i32 to index
    %get3A_229 = arith.constant 48 : index
    %get3A_230 = tpu.vector_load %arg9[%get3A_228, %get3A_229] {strides = array<i32>} : memref<4x128xi32, #tpu.memory_space<vmem>>, vector<1x16xi32>,
    %get3A_231 = vector.shape_cast %get3A_230 : vector<1x16xi32> to vector<16xi32>
    %broadcast_in_dim3A_232 = vector.shape_cast %get3A_226 : vector<16xi32> to vector<16x1xi32>
    %gather3A_233 = vector.shape_cast %broadcast_in_dim3A_232 : vector<16x1xi32> to vector<16xi32>
    %gather3A_234 = tpu.dynamic_gather %get3A_4[%gather3A_233] in [0] : vector<16xi32>, vector<16xi32> -> vector<16xi32>
    %add3A_235 = arith.addi %gather3A_234, %get3A_231 : vector<16xi32>
    %swap3A_236 = arith.constant 1 : i32
    %swap3A_237 = arith.index_cast %swap3A_236 : i32 to index
    %swap3A_238 = arith.constant 48 : index
    %swap3A_239 = tpu.vector_load %arg11[%swap3A_237, %swap3A_238] {strides = array<i32>} : memref<4x128xi32, #tpu.memory_space<vmem>>, vector<1x16xi32>,
    %swap3A_240 = vector.shape_cast %swap3A_239 : vector<1x16xi32> to vector<16xi32>
    %swap3A_241 = vector.shape_cast %add3A_235 : vector<16xi32> to vector<1x16xi32>
    tpu.vector_store %arg11[%swap3A_237, %swap3A_238], %swap3A_241 {strides = array<i32>} : memref<4x128xi32, #tpu.memory_space<vmem>>, vector<1x16xi32>,
    %get3A_242 = arith.constant 1 : i32
    %get3A_243 = arith.index_cast %get3A_242 : i32 to index
    %get3A_244 = arith.constant 64 : index
    %get3A_245 = tpu.vector_load %arg8[%get3A_243, %get3A_244] {strides = array<i32>} : memref<4x128xi32, #tpu.memory_space<vmem>>, vector<1x16xi32>,
    %get3A_246 = vector.shape_cast %get3A_245 : vector<1x16xi32> to vector<16xi32>
    %get3A_247 = arith.constant 1 : i32
    %get3A_248 = arith.index_cast %get3A_247 : i32 to index
    %get3A_249 = arith.constant 64 : index
    %get3A_250 = tpu.vector_load %arg9[%get3A_248, %get3A_249] {strides = array<i32>} : memref<4x128xi32, #tpu.memory_space<vmem>>, vector<1x16xi32>,
    %get3A_251 = vector.shape_cast %get3A_250 : vector<1x16xi32> to vector<16xi32>
    %broadcast_in_dim3A_252 = vector.shape_cast %get3A_246 : vector<16xi32> to vector<16x1xi32>
    %gather3A_253 = vector.shape_cast %broadcast_in_dim3A_252 : vector<16x1xi32> to vector<16xi32>
    %gather3A_254 = tpu.dynamic_gather %get3A_4[%gather3A_253] in [0] : vector<16xi32>, vector<16xi32> -> vector<16xi32>
    %add3A_255 = arith.addi %gather3A_254, %get3A_251 : vector<16xi32>
    %swap3A_256 = arith.constant 1 : i32
    %swap3A_257 = arith.index_cast %swap3A_256 : i32 to index
    %swap3A_258 = arith.constant 64 : index
    %swap3A_259 = tpu.vector_load %arg11[%swap3A_257, %swap3A_258] {strides = array<i32>} : memref<4x128xi32, #tpu.memory_space<vmem>>, vector<1x16xi32>,
    %swap3A_260 = vector.shape_cast %swap3A_259 : vector<1x16xi32> to vector<16xi32>
    %swap3A_261 = vector.shape_cast %add3A_255 : vector<16xi32> to vector<1x16xi32>
    tpu.vector_store %arg11[%swap3A_257, %swap3A_258], %swap3A_261 {strides = array<i32>} : memref<4x128xi32, #tpu.memory_space<vmem>>, vector<1x16xi32>,
    %get3A_262 = arith.constant 1 : i32
    %get3A_263 = arith.index_cast %get3A_262 : i32 to index
    %get3A_264 = arith.constant 80 : index
    %get3A_265 = tpu.vector_load %arg8[%get3A_263, %get3A_264] {strides = array<i32>} : memref<4x128xi32, #tpu.memory_space<vmem>>, vector<1x16xi32>,
    %get3A_266 = vector.shape_cast %get3A_265 : vector<1x16xi32> to vector<16xi32>
    %get3A_267 = arith.constant 1 : i32
    %get3A_268 = arith.index_cast %get3A_267 : i32 to index
    %get3A_269 = arith.constant 80 : index
    %get3A_270 = tpu.vector_load %arg9[%get3A_268, %get3A_269] {strides = array<i32>} : memref<4x128xi32, #tpu.memory_space<vmem>>, vector<1x16xi32>,
    %get3A_271 = vector.shape_cast %get3A_270 : vector<1x16xi32> to vector<16xi32>
    %broadcast_in_dim3A_272 = vector.shape_cast %get3A_266 : vector<16xi32> to vector<16x1xi32>
    %gather3A_273 = vector.shape_cast %broadcast_in_dim3A_272 : vector<16x1xi32> to vector<16xi32>
    %gather3A_274 = tpu.dynamic_gather %get3A_4[%gather3A_273] in [0] : vector<16xi32>, vector<16xi32> -> vector<16xi32>
    %add3A_275 = arith.addi %gather3A_274, %get3A_271 : vector<16xi32>
    %swap3A_276 = arith.constant 1 : i32
    %swap3A_277 = arith.index_cast %swap3A_276 : i32 to index
    %swap3A_278 = arith.constant 80 : index
    %swap3A_279 = tpu.vector_load %arg11[%swap3A_277, %swap3A_278] {strides = array<i32>} : memref<4x128xi32, #tpu.memory_space<vmem>>, vector<1x16xi32>,
    %swap3A_280 = vector.shape_cast %swap3A_279 : vector<1x16xi32> to vector<16xi32>
    %swap3A_281 = vector.shape_cast %add3A_275 : vector<16xi32> to vector<1x16xi32>
    tpu.vector_store %arg11[%swap3A_277, %swap3A_278], %swap3A_281 {strides = array<i32>} : memref<4x128xi32, #tpu.memory_space<vmem>>, vector<1x16xi32>,
    %get3A_282 = arith.constant 1 : i32
    %get3A_283 = arith.index_cast %get3A_282 : i32 to index
    %get3A_284 = arith.constant 96 : index
    %get3A_285 = tpu.vector_load %arg8[%get3A_283, %get3A_284] {strides = array<i32>} : memref<4x128xi32, #tpu.memory_space<vmem>>, vector<1x16xi32>,
    %get3A_286 = vector.shape_cast %get3A_285 : vector<1x16xi32> to vector<16xi32>
    %get3A_287 = arith.constant 1 : i32
    %get3A_288 = arith.index_cast %get3A_287 : i32 to index
    %get3A_289 = arith.constant 96 : index
    %get3A_290 = tpu.vector_load %arg9[%get3A_288, %get3A_289] {strides = array<i32>} : memref<4x128xi32, #tpu.memory_space<vmem>>, vector<1x16xi32>,
    %get3A_291 = vector.shape_cast %get3A_290 : vector<1x16xi32> to vector<16xi32>
    %broadcast_in_dim3A_292 = vector.shape_cast %get3A_286 : vector<16xi32> to vector<16x1xi32>
    %gather3A_293 = vector.shape_cast %broadcast_in_dim3A_292 : vector<16x1xi32> to vector<16xi32>
    %gather3A_294 = tpu.dynamic_gather %get3A_4[%gather3A_293] in [0] : vector<16xi32>, vector<16xi32> -> vector<16xi32>
    %add3A_295 = arith.addi %gather3A_294, %get3A_291 : vector<16xi32>
    %swap3A_296 = arith.constant 1 : i32
    %swap3A_297 = arith.index_cast %swap3A_296 : i32 to index
    %swap3A_298 = arith.constant 96 : index
    %swap3A_299 = tpu.vector_load %arg11[%swap3A_297, %swap3A_298] {strides = array<i32>} : memref<4x128xi32, #tpu.memory_space<vmem>>, vector<1x16xi32>,
    %swap3A_300 = vector.shape_cast %swap3A_299 : vector<1x16xi32> to vector<16xi32>
    %swap3A_301 = vector.shape_cast %add3A_295 : vector<16xi32> to vector<1x16xi32>
    tpu.vector_store %arg11[%swap3A_297, %swap3A_298], %swap3A_301 {strides = array<i32>} : memref<4x128xi32, #tpu.memory_space<vmem>>, vector<1x16xi32>,
    %get3A_302 = arith.constant 1 : i32
    %get3A_303 = arith.index_cast %get3A_302 : i32 to index
    %get3A_304 = arith.constant 112 : index
    %get3A_305 = tpu.vector_load %arg8[%get3A_303, %get3A_304] {strides = array<i32>} : memref<4x128xi32, #tpu.memory_space<vmem>>, vector<1x16xi32>,
    %get3A_306 = vector.shape_cast %get3A_305 : vector<1x16xi32> to vector<16xi32>
    %get3A_307 = arith.constant 1 : i32
    %get3A_308 = arith.index_cast %get3A_307 : i32 to index
    %get3A_309 = arith.constant 112 : index
    %get3A_310 = tpu.vector_load %arg9[%get3A_308, %get3A_309] {strides = array<i32>} : memref<4x128xi32, #tpu.memory_space<vmem>>, vector<1x16xi32>,
    %get3A_311 = vector.shape_cast %get3A_310 : vector<1x16xi32> to vector<16xi32>
    %broadcast_in_dim3A_312 = vector.shape_cast %get3A_306 : vector<16xi32> to vector<16x1xi32>
    %gather3A_313 = vector.shape_cast %broadcast_in_dim3A_312 : vector<16x1xi32> to vector<16xi32>
    %gather3A_314 = tpu.dynamic_gather %get3A_4[%gather3A_313] in [0] : vector<16xi32>, vector<16xi32> -> vector<16xi32>
    %add3A_315 = arith.addi %gather3A_314, %get3A_311 : vector<16xi32>
    %swap3A_316 = arith.constant 1 : i32
    %swap3A_317 = arith.index_cast %swap3A_316 : i32 to index
    %swap3A_318 = arith.constant 112 : index
    %swap3A_319 = tpu.vector_load %arg11[%swap3A_317, %swap3A_318] {strides = array<i32>} : memref<4x128xi32, #tpu.memory_space<vmem>>, vector<1x16xi32>,
    %swap3A_320 = vector.shape_cast %swap3A_319 : vector<1x16xi32> to vector<16xi32>
    %swap3A_321 = vector.shape_cast %add3A_315 : vector<16xi32> to vector<1x16xi32>
    tpu.vector_store %arg11[%swap3A_317, %swap3A_318], %swap3A_321 {strides = array<i32>} : memref<4x128xi32, #tpu.memory_space<vmem>>, vector<1x16xi32>,
    %get3A_322 = arith.constant 2 : i32
    %get3A_323 = arith.index_cast %get3A_322 : i32 to index
    %get3A_324 = arith.constant 0 : index
    %get3A_325 = tpu.vector_load %arg8[%get3A_323, %get3A_324] {strides = array<i32>} : memref<4x128xi32, #tpu.memory_space<vmem>>, vector<1x16xi32>,
    %get3A_326 = vector.shape_cast %get3A_325 : vector<1x16xi32> to vector<16xi32>
    %get3A_327 = arith.constant 2 : i32
    %get3A_328 = arith.index_cast %get3A_327 : i32 to index
    %get3A_329 = arith.constant 0 : index
    %get3A_330 = tpu.vector_load %arg9[%get3A_328, %get3A_329] {strides = array<i32>} : memref<4x128xi32, #tpu.memory_space<vmem>>, vector<1x16xi32>,
    %get3A_331 = vector.shape_cast %get3A_330 : vector<1x16xi32> to vector<16xi32>
    %broadcast_in_dim3A_332 = vector.shape_cast %get3A_326 : vector<16xi32> to vector<16x1xi32>
    %gather3A_333 = vector.shape_cast %broadcast_in_dim3A_332 : vector<16x1xi32> to vector<16xi32>
    %gather3A_334 = tpu.dynamic_gather %get3A_4[%gather3A_333] in [0] : vector<16xi32>, vector<16xi32> -> vector<16xi32>
    %add3A_335 = arith.addi %gather3A_334, %get3A_331 : vector<16xi32>
    %swap3A_336 = arith.constant 2 : i32
    %swap3A_337 = arith.index_cast %swap3A_336 : i32 to index
    %swap3A_338 = arith.constant 0 : index
    %swap3A_339 = tpu.vector_load %arg11[%swap3A_337, %swap3A_338] {strides = array<i32>} : memref<4x128xi32, #tpu.memory_space<vmem>>, vector<1x16xi32>,
    %swap3A_340 = vector.shape_cast %swap3A_339 : vector<1x16xi32> to vector<16xi32>
    %swap3A_341 = vector.shape_cast %add3A_335 : vector<16xi32> to vector<1x16xi32>
    tpu.vector_store %arg11[%swap3A_337, %swap3A_338], %swap3A_341 {strides = array<i32>} : memref<4x128xi32, #tpu.memory_space<vmem>>, vector<1x16xi32>,
    %get3A_342 = arith.constant 2 : i32
    %get3A_343 = arith.index_cast %get3A_342 : i32 to index
    %get3A_344 = arith.constant 16 : index
    %get3A_345 = tpu.vector_load %arg8[%get3A_343, %get3A_344] {strides = array<i32>} : memref<4x128xi32, #tpu.memory_space<vmem>>, vector<1x16xi32>,
    %get3A_346 = vector.shape_cast %get3A_345 : vector<1x16xi32> to vector<16xi32>
    %get3A_347 = arith.constant 2 : i32
    %get3A_348 = arith.index_cast %get3A_347 : i32 to index
    %get3A_349 = arith.constant 16 : index
    %get3A_350 = tpu.vector_load %arg9[%get3A_348, %get3A_349] {strides = array<i32>} : memref<4x128xi32, #tpu.memory_space<vmem>>, vector<1x16xi32>,
    %get3A_351 = vector.shape_cast %get3A_350 : vector<1x16xi32> to vector<16xi32>
    %broadcast_in_dim3A_352 = vector.shape_cast %get3A_346 : vector<16xi32> to vector<16x1xi32>
    %gather3A_353 = vector.shape_cast %broadcast_in_dim3A_352 : vector<16x1xi32> to vector<16xi32>
    %gather3A_354 = tpu.dynamic_gather %get3A_4[%gather3A_353] in [0] : vector<16xi32>, vector<16xi32> -> vector<16xi32>
    %add3A_355 = arith.addi %gather3A_354, %get3A_351 : vector<16xi32>
    %swap3A_356 = arith.constant 2 : i32
    %swap3A_357 = arith.index_cast %swap3A_356 : i32 to index
    %swap3A_358 = arith.constant 16 : index
    %swap3A_359 = tpu.vector_load %arg11[%swap3A_357, %swap3A_358] {strides = array<i32>} : memref<4x128xi32, #tpu.memory_space<vmem>>, vector<1x16xi32>,
    %swap3A_360 = vector.shape_cast %swap3A_359 : vector<1x16xi32> to vector<16xi32>
    %swap3A_361 = vector.shape_cast %add3A_355 : vector<16xi32> to vector<1x16xi32>
    tpu.vector_store %arg11[%swap3A_357, %swap3A_358], %swap3A_361 {strides = array<i32>} : memref<4x128xi32, #tpu.memory_space<vmem>>, vector<1x16xi32>,
    %get3A_362 = arith.constant 2 : i32
    %get3A_363 = arith.index_cast %get3A_362 : i32 to index
    %get3A_364 = arith.constant 32 : index
    %get3A_365 = tpu.vector_load %arg8[%get3A_363, %get3A_364] {strides = array<i32>} : memref<4x128xi32, #tpu.memory_space<vmem>>, vector<1x16xi32>,
    %get3A_366 = vector.shape_cast %get3A_365 : vector<1x16xi32> to vector<16xi32>
    %get3A_367 = arith.constant 2 : i32
    %get3A_368 = arith.index_cast %get3A_367 : i32 to index
    %get3A_369 = arith.constant 32 : index
    %get3A_370 = tpu.vector_load %arg9[%get3A_368, %get3A_369] {strides = array<i32>} : memref<4x128xi32, #tpu.memory_space<vmem>>, vector<1x16xi32>,
    %get3A_371 = vector.shape_cast %get3A_370 : vector<1x16xi32> to vector<16xi32>
    %broadcast_in_dim3A_372 = vector.shape_cast %get3A_366 : vector<16xi32> to vector<16x1xi32>
    %gather3A_373 = vector.shape_cast %broadcast_in_dim3A_372 : vector<16x1xi32> to vector<16xi32>
    %gather3A_374 = tpu.dynamic_gather %get3A_4[%gather3A_373] in [0] : vector<16xi32>, vector<16xi32> -> vector<16xi32>
    %add3A_375 = arith.addi %gather3A_374, %get3A_371 : vector<16xi32>
    %swap3A_376 = arith.constant 2 : i32
    %swap3A_377 = arith.index_cast %swap3A_376 : i32 to index
    %swap3A_378 = arith.constant 32 : index
    %swap3A_379 = tpu.vector_load %arg11[%swap3A_377, %swap3A_378] {strides = array<i32>} : memref<4x128xi32, #tpu.memory_space<vmem>>, vector<1x16xi32>,
    %swap3A_380 = vector.shape_cast %swap3A_379 : vector<1x16xi32> to vector<16xi32>
    %swap3A_381 = vector.shape_cast %add3A_375 : vector<16xi32> to vector<1x16xi32>
    tpu.vector_store %arg11[%swap3A_377, %swap3A_378], %swap3A_381 {strides = array<i32>} : memref<4x128xi32, #tpu.memory_space<vmem>>, vector<1x16xi32>,
    %get3A_382 = arith.constant 2 : i32
    %get3A_383 = arith.index_cast %get3A_382 : i32 to index
    %get3A_384 = arith.constant 48 : index
    %get3A_385 = tpu.vector_load %arg8[%get3A_383, %get3A_384] {strides = array<i32>} : memref<4x128xi32, #tpu.memory_space<vmem>>, vector<1x16xi32>,
    %get3A_386 = vector.shape_cast %get3A_385 : vector<1x16xi32> to vector<16xi32>
    %get3A_387 = arith.constant 2 : i32
    %get3A_388 = arith.index_cast %get3A_387 : i32 to index
    %get3A_389 = arith.constant 48 : index
    %get3A_390 = tpu.vector_load %arg9[%get3A_388, %get3A_389] {strides = array<i32>} : memref<4x128xi32, #tpu.memory_space<vmem>>, vector<1x16xi32>,
    %get3A_391 = vector.shape_cast %get3A_390 : vector<1x16xi32> to vector<16xi32>
    %broadcast_in_dim3A_392 = vector.shape_cast %get3A_386 : vector<16xi32> to vector<16x1xi32>
    %gather3A_393 = vector.shape_cast %broadcast_in_dim3A_392 : vector<16x1xi32> to vector<16xi32>
    %gather3A_394 = tpu.dynamic_gather %get3A_4[%gather3A_393] in [0] : vector<16xi32>, vector<16xi32> -> vector<16xi32>
    %add3A_395 = arith.addi %gather3A_394, %get3A_391 : vector<16xi32>
    %swap3A_396 = arith.constant 2 : i32
    %swap3A_397 = arith.index_cast %swap3A_396 : i32 to index
    %swap3A_398 = arith.constant 48 : index
    %swap3A_399 = tpu.vector_load %arg11[%swap3A_397, %swap3A_398] {strides = array<i32>} : memref<4x128xi32, #tpu.memory_space<vmem>>, vector<1x16xi32>,
    %swap3A_400 = vector.shape_cast %swap3A_399 : vector<1x16xi32> to vector<16xi32>
    %swap3A_401 = vector.shape_cast %add3A_395 : vector<16xi32> to vector<1x16xi32>
    tpu.vector_store %arg11[%swap3A_397, %swap3A_398], %swap3A_401 {strides = array<i32>} : memref<4x128xi32, #tpu.memory_space<vmem>>, vector<1x16xi32>,
    %get3A_402 = arith.constant 2 : i32
    %get3A_403 = arith.index_cast %get3A_402 : i32 to index
    %get3A_404 = arith.constant 64 : index
    %get3A_405 = tpu.vector_load %arg8[%get3A_403, %get3A_404] {strides = array<i32>} : memref<4x128xi32, #tpu.memory_space<vmem>>, vector<1x16xi32>,
    %get3A_406 = vector.shape_cast %get3A_405 : vector<1x16xi32> to vector<16xi32>
    %get3A_407 = arith.constant 2 : i32
    %get3A_408 = arith.index_cast %get3A_407 : i32 to index
    %get3A_409 = arith.constant 64 : index
    %get3A_410 = tpu.vector_load %arg9[%get3A_408, %get3A_409] {strides = array<i32>} : memref<4x128xi32, #tpu.memory_space<vmem>>, vector<1x16xi32>,
    %get3A_411 = vector.shape_cast %get3A_410 : vector<1x16xi32> to vector<16xi32>
    %broadcast_in_dim3A_412 = vector.shape_cast %get3A_406 : vector<16xi32> to vector<16x1xi32>
    %gather3A_413 = vector.shape_cast %broadcast_in_dim3A_412 : vector<16x1xi32> to vector<16xi32>
    %gather3A_414 = tpu.dynamic_gather %get3A_4[%gather3A_413] in [0] : vector<16xi32>, vector<16xi32> -> vector<16xi32>
    %add3A_415 = arith.addi %gather3A_414, %get3A_411 : vector<16xi32>
    %swap3A_416 = arith.constant 2 : i32
    %swap3A_417 = arith.index_cast %swap3A_416 : i32 to index
    %swap3A_418 = arith.constant 64 : index
    %swap3A_419 = tpu.vector_load %arg11[%swap3A_417, %swap3A_418] {strides = array<i32>} : memref<4x128xi32, #tpu.memory_space<vmem>>, vector<1x16xi32>,
    %swap3A_420 = vector.shape_cast %swap3A_419 : vector<1x16xi32> to vector<16xi32>
    %swap3A_421 = vector.shape_cast %add3A_415 : vector<16xi32> to vector<1x16xi32>
    tpu.vector_store %arg11[%swap3A_417, %swap3A_418], %swap3A_421 {strides = array<i32>} : memref<4x128xi32, #tpu.memory_space<vmem>>, vector<1x16xi32>,
    %get3A_422 = arith.constant 2 : i32
    %get3A_423 = arith.index_cast %get3A_422 : i32 to index
    %get3A_424 = arith.constant 80 : index
    %get3A_425 = tpu.vector_load %arg8[%get3A_423, %get3A_424] {strides = array<i32>} : memref<4x128xi32, #tpu.memory_space<vmem>>, vector<1x16xi32>,
    %get3A_426 = vector.shape_cast %get3A_425 : vector<1x16xi32> to vector<16xi32>
    %get3A_427 = arith.constant 2 : i32
    %get3A_428 = arith.index_cast %get3A_427 : i32 to index
    %get3A_429 = arith.constant 80 : index
    %get3A_430 = tpu.vector_load %arg9[%get3A_428, %get3A_429] {strides = array<i32>} : memref<4x128xi32, #tpu.memory_space<vmem>>, vector<1x16xi32>,
    %get3A_431 = vector.shape_cast %get3A_430 : vector<1x16xi32> to vector<16xi32>
    %broadcast_in_dim3A_432 = vector.shape_cast %get3A_426 : vector<16xi32> to vector<16x1xi32>
    %gather3A_433 = vector.shape_cast %broadcast_in_dim3A_432 : vector<16x1xi32> to vector<16xi32>
    %gather3A_434 = tpu.dynamic_gather %get3A_4[%gather3A_433] in [0] : vector<16xi32>, vector<16xi32> -> vector<16xi32>
    %add3A_435 = arith.addi %gather3A_434, %get3A_431 : vector<16xi32>
    %swap3A_436 = arith.constant 2 : i32
    %swap3A_437 = arith.index_cast %swap3A_436 : i32 to index
    %swap3A_438 = arith.constant 80 : index
    %swap3A_439 = tpu.vector_load %arg11[%swap3A_437, %swap3A_438] {strides = array<i32>} : memref<4x128xi32, #tpu.memory_space<vmem>>, vector<1x16xi32>,
    %swap3A_440 = vector.shape_cast %swap3A_439 : vector<1x16xi32> to vector<16xi32>
    %swap3A_441 = vector.shape_cast %add3A_435 : vector<16xi32> to vector<1x16xi32>
    tpu.vector_store %arg11[%swap3A_437, %swap3A_438], %swap3A_441 {strides = array<i32>} : memref<4x128xi32, #tpu.memory_space<vmem>>, vector<1x16xi32>,
    %get3A_442 = arith.constant 2 : i32
    %get3A_443 = arith.index_cast %get3A_442 : i32 to index
    %get3A_444 = arith.constant 96 : index
    %get3A_445 = tpu.vector_load %arg8[%get3A_443, %get3A_444] {strides = array<i32>} : memref<4x128xi32, #tpu.memory_space<vmem>>, vector<1x16xi32>,
    %get3A_446 = vector.shape_cast %get3A_445 : vector<1x16xi32> to vector<16xi32>
    %get3A_447 = arith.constant 2 : i32
    %get3A_448 = arith.index_cast %get3A_447 : i32 to index
    %get3A_449 = arith.constant 96 : index
    %get3A_450 = tpu.vector_load %arg9[%get3A_448, %get3A_449] {strides = array<i32>} : memref<4x128xi32, #tpu.memory_space<vmem>>, vector<1x16xi32>,
    %get3A_451 = vector.shape_cast %get3A_450 : vector<1x16xi32> to vector<16xi32>
    %broadcast_in_dim3A_452 = vector.shape_cast %get3A_446 : vector<16xi32> to vector<16x1xi32>
    %gather3A_453 = vector.shape_cast %broadcast_in_dim3A_452 : vector<16x1xi32> to vector<16xi32>
    %gather3A_454 = tpu.dynamic_gather %get3A_4[%gather3A_453] in [0] : vector<16xi32>, vector<16xi32> -> vector<16xi32>
    %add3A_455 = arith.addi %gather3A_454, %get3A_451 : vector<16xi32>
    %swap3A_456 = arith.constant 2 : i32
    %swap3A_457 = arith.index_cast %swap3A_456 : i32 to index
    %swap3A_458 = arith.constant 96 : index
    %swap3A_459 = tpu.vector_load %arg11[%swap3A_457, %swap3A_458] {strides = array<i32>} : memref<4x128xi32, #tpu.memory_space<vmem>>, vector<1x16xi32>,
    %swap3A_460 = vector.shape_cast %swap3A_459 : vector<1x16xi32> to vector<16xi32>
    %swap3A_461 = vector.shape_cast %add3A_455 : vector<16xi32> to vector<1x16xi32>
    tpu.vector_store %arg11[%swap3A_457, %swap3A_458], %swap3A_461 {strides = array<i32>} : memref<4x128xi32, #tpu.memory_space<vmem>>, vector<1x16xi32>,
    %get3A_462 = arith.constant 2 : i32
    %get3A_463 = arith.index_cast %get3A_462 : i32 to index
    %get3A_464 = arith.constant 112 : index
    %get3A_465 = tpu.vector_load %arg8[%get3A_463, %get3A_464] {strides = array<i32>} : memref<4x128xi32, #tpu.memory_space<vmem>>, vector<1x16xi32>,
    %get3A_466 = vector.shape_cast %get3A_465 : vector<1x16xi32> to vector<16xi32>
    %get3A_467 = arith.constant 2 : i32
    %get3A_468 = arith.index_cast %get3A_467 : i32 to index
    %get3A_469 = arith.constant 112 : index
    %get3A_470 = tpu.vector_load %arg9[%get3A_468, %get3A_469] {strides = array<i32>} : memref<4x128xi32, #tpu.memory_space<vmem>>, vector<1x16xi32>,
    %get3A_471 = vector.shape_cast %get3A_470 : vector<1x16xi32> to vector<16xi32>
    %broadcast_in_dim3A_472 = vector.shape_cast %get3A_466 : vector<16xi32> to vector<16x1xi32>
    %gather3A_473 = vector.shape_cast %broadcast_in_dim3A_472 : vector<16x1xi32> to vector<16xi32>
    %gather3A_474 = tpu.dynamic_gather %get3A_4[%gather3A_473] in [0] : vector<16xi32>, vector<16xi32> -> vector<16xi32>
    %add3A_475 = arith.addi %gather3A_474, %get3A_471 : vector<16xi32>
    %swap3A_476 = arith.constant 2 : i32
    %swap3A_477 = arith.index_cast %swap3A_476 : i32 to index
    %swap3A_478 = arith.constant 112 : index
    %swap3A_479 = tpu.vector_load %arg11[%swap3A_477, %swap3A_478] {strides = array<i32>} : memref<4x128xi32, #tpu.memory_space<vmem>>, vector<1x16xi32>,
    %swap3A_480 = vector.shape_cast %swap3A_479 : vector<1x16xi32> to vector<16xi32>
    %swap3A_481 = vector.shape_cast %add3A_475 : vector<16xi32> to vector<1x16xi32>
    tpu.vector_store %arg11[%swap3A_477, %swap3A_478], %swap3A_481 {strides = array<i32>} : memref<4x128xi32, #tpu.memory_space<vmem>>, vector<1x16xi32>,
    %get3A_482 = arith.constant 3 : i32
    %get3A_483 = arith.index_cast %get3A_482 : i32 to index
    %get3A_484 = arith.constant 0 : index
    %get3A_485 = tpu.vector_load %arg8[%get3A_483, %get3A_484] {strides = array<i32>} : memref<4x128xi32, #tpu.memory_space<vmem>>, vector<1x16xi32>,
    %get3A_486 = vector.shape_cast %get3A_485 : vector<1x16xi32> to vector<16xi32>
    %get3A_487 = arith.constant 3 : i32
    %get3A_488 = arith.index_cast %get3A_487 : i32 to index
    %get3A_489 = arith.constant 0 : index
    %get3A_490 = tpu.vector_load %arg9[%get3A_488, %get3A_489] {strides = array<i32>} : memref<4x128xi32, #tpu.memory_space<vmem>>, vector<1x16xi32>,
    %get3A_491 = vector.shape_cast %get3A_490 : vector<1x16xi32> to vector<16xi32>
    %broadcast_in_dim3A_492 = vector.shape_cast %get3A_486 : vector<16xi32> to vector<16x1xi32>
    %gather3A_493 = vector.shape_cast %broadcast_in_dim3A_492 : vector<16x1xi32> to vector<16xi32>
    %gather3A_494 = tpu.dynamic_gather %get3A_4[%gather3A_493] in [0] : vector<16xi32>, vector<16xi32> -> vector<16xi32>
    %add3A_495 = arith.addi %gather3A_494, %get3A_491 : vector<16xi32>
    %swap3A_496 = arith.constant 3 : i32
    %swap3A_497 = arith.index_cast %swap3A_496 : i32 to index
    %swap3A_498 = arith.constant 0 : index
    %swap3A_499 = tpu.vector_load %arg11[%swap3A_497, %swap3A_498] {strides = array<i32>} : memref<4x128xi32, #tpu.memory_space<vmem>>, vector<1x16xi32>,
    %swap3A_500 = vector.shape_cast %swap3A_499 : vector<1x16xi32> to vector<16xi32>
    %swap3A_501 = vector.shape_cast %add3A_495 : vector<16xi32> to vector<1x16xi32>
    tpu.vector_store %arg11[%swap3A_497, %swap3A_498], %swap3A_501 {strides = array<i32>} : memref<4x128xi32, #tpu.memory_space<vmem>>, vector<1x16xi32>,
    %get3A_502 = arith.constant 3 : i32
    %get3A_503 = arith.index_cast %get3A_502 : i32 to index
    %get3A_504 = arith.constant 16 : index
    %get3A_505 = tpu.vector_load %arg8[%get3A_503, %get3A_504] {strides = array<i32>} : memref<4x128xi32, #tpu.memory_space<vmem>>, vector<1x16xi32>,
    %get3A_506 = vector.shape_cast %get3A_505 : vector<1x16xi32> to vector<16xi32>
    %get3A_507 = arith.constant 3 : i32
    %get3A_508 = arith.index_cast %get3A_507 : i32 to index
    %get3A_509 = arith.constant 16 : index
    %get3A_510 = tpu.vector_load %arg9[%get3A_508, %get3A_509] {strides = array<i32>} : memref<4x128xi32, #tpu.memory_space<vmem>>, vector<1x16xi32>,
    %get3A_511 = vector.shape_cast %get3A_510 : vector<1x16xi32> to vector<16xi32>
    %broadcast_in_dim3A_512 = vector.shape_cast %get3A_506 : vector<16xi32> to vector<16x1xi32>
    %gather3A_513 = vector.shape_cast %broadcast_in_dim3A_512 : vector<16x1xi32> to vector<16xi32>
    %gather3A_514 = tpu.dynamic_gather %get3A_4[%gather3A_513] in [0] : vector<16xi32>, vector<16xi32> -> vector<16xi32>
    %add3A_515 = arith.addi %gather3A_514, %get3A_511 : vector<16xi32>
    %swap3A_516 = arith.constant 3 : i32
    %swap3A_517 = arith.index_cast %swap3A_516 : i32 to index
    %swap3A_518 = arith.constant 16 : index
    %swap3A_519 = tpu.vector_load %arg11[%swap3A_517, %swap3A_518] {strides = array<i32>} : memref<4x128xi32, #tpu.memory_space<vmem>>, vector<1x16xi32>,
    %swap3A_520 = vector.shape_cast %swap3A_519 : vector<1x16xi32> to vector<16xi32>
    %swap3A_521 = vector.shape_cast %add3A_515 : vector<16xi32> to vector<1x16xi32>
    tpu.vector_store %arg11[%swap3A_517, %swap3A_518], %swap3A_521 {strides = array<i32>} : memref<4x128xi32, #tpu.memory_space<vmem>>, vector<1x16xi32>,
    %get3A_522 = arith.constant 3 : i32
    %get3A_523 = arith.index_cast %get3A_522 : i32 to index
    %get3A_524 = arith.constant 32 : index
    %get3A_525 = tpu.vector_load %arg8[%get3A_523, %get3A_524] {strides = array<i32>} : memref<4x128xi32, #tpu.memory_space<vmem>>, vector<1x16xi32>,
    %get3A_526 = vector.shape_cast %get3A_525 : vector<1x16xi32> to vector<16xi32>
    %get3A_527 = arith.constant 3 : i32
    %get3A_528 = arith.index_cast %get3A_527 : i32 to index
    %get3A_529 = arith.constant 32 : index
    %get3A_530 = tpu.vector_load %arg9[%get3A_528, %get3A_529] {strides = array<i32>} : memref<4x128xi32, #tpu.memory_space<vmem>>, vector<1x16xi32>,
    %get3A_531 = vector.shape_cast %get3A_530 : vector<1x16xi32> to vector<16xi32>
    %broadcast_in_dim3A_532 = vector.shape_cast %get3A_526 : vector<16xi32> to vector<16x1xi32>
    %gather3A_533 = vector.shape_cast %broadcast_in_dim3A_532 : vector<16x1xi32> to vector<16xi32>
    %gather3A_534 = tpu.dynamic_gather %get3A_4[%gather3A_533] in [0] : vector<16xi32>, vector<16xi32> -> vector<16xi32>
    %add3A_535 = arith.addi %gather3A_534, %get3A_531 : vector<16xi32>
    %swap3A_536 = arith.constant 3 : i32
    %swap3A_537 = arith.index_cast %swap3A_536 : i32 to index
    %swap3A_538 = arith.constant 32 : index
    %swap3A_539 = tpu.vector_load %arg11[%swap3A_537, %swap3A_538] {strides = array<i32>} : memref<4x128xi32, #tpu.memory_space<vmem>>, vector<1x16xi32>,
    %swap3A_540 = vector.shape_cast %swap3A_539 : vector<1x16xi32> to vector<16xi32>
    %swap3A_541 = vector.shape_cast %add3A_535 : vector<16xi32> to vector<1x16xi32>
    tpu.vector_store %arg11[%swap3A_537, %swap3A_538], %swap3A_541 {strides = array<i32>} : memref<4x128xi32, #tpu.memory_space<vmem>>, vector<1x16xi32>,
    %get3A_542 = arith.constant 3 : i32
    %get3A_543 = arith.index_cast %get3A_542 : i32 to index
    %get3A_544 = arith.constant 48 : index
    %get3A_545 = tpu.vector_load %arg8[%get3A_543, %get3A_544] {strides = array<i32>} : memref<4x128xi32, #tpu.memory_space<vmem>>, vector<1x16xi32>,
    %get3A_546 = vector.shape_cast %get3A_545 : vector<1x16xi32> to vector<16xi32>
    %get3A_547 = arith.constant 3 : i32
    %get3A_548 = arith.index_cast %get3A_547 : i32 to index
    %get3A_549 = arith.constant 48 : index
    %get3A_550 = tpu.vector_load %arg9[%get3A_548, %get3A_549] {strides = array<i32>} : memref<4x128xi32, #tpu.memory_space<vmem>>, vector<1x16xi32>,
    %get3A_551 = vector.shape_cast %get3A_550 : vector<1x16xi32> to vector<16xi32>
    %broadcast_in_dim3A_552 = vector.shape_cast %get3A_546 : vector<16xi32> to vector<16x1xi32>
    %gather3A_553 = vector.shape_cast %broadcast_in_dim3A_552 : vector<16x1xi32> to vector<16xi32>
    %gather3A_554 = tpu.dynamic_gather %get3A_4[%gather3A_553] in [0] : vector<16xi32>, vector<16xi32> -> vector<16xi32>
    %add3A_555 = arith.addi %gather3A_554, %get3A_551 : vector<16xi32>
    %swap3A_556 = arith.constant 3 : i32
    %swap3A_557 = arith.index_cast %swap3A_556 : i32 to index
    %swap3A_558 = arith.constant 48 : index
    %swap3A_559 = tpu.vector_load %arg11[%swap3A_557, %swap3A_558] {strides = array<i32>} : memref<4x128xi32, #tpu.memory_space<vmem>>, vector<1x16xi32>,
    %swap3A_560 = vector.shape_cast %swap3A_559 : vector<1x16xi32> to vector<16xi32>
    %swap3A_561 = vector.shape_cast %add3A_555 : vector<16xi32> to vector<1x16xi32>
    tpu.vector_store %arg11[%swap3A_557, %swap3A_558], %swap3A_561 {strides = array<i32>} : memref<4x128xi32, #tpu.memory_space<vmem>>, vector<1x16xi32>,
    %get3A_562 = arith.constant 3 : i32
    %get3A_563 = arith.index_cast %get3A_562 : i32 to index
    %get3A_564 = arith.constant 64 : index
    %get3A_565 = tpu.vector_load %arg8[%get3A_563, %get3A_564] {strides = array<i32>} : memref<4x128xi32, #tpu.memory_space<vmem>>, vector<1x16xi32>,
    %get3A_566 = vector.shape_cast %get3A_565 : vector<1x16xi32> to vector<16xi32>
    %get3A_567 = arith.constant 3 : i32
    %get3A_568 = arith.index_cast %get3A_567 : i32 to index
    %get3A_569 = arith.constant 64 : index
    %get3A_570 = tpu.vector_load %arg9[%get3A_568, %get3A_569] {strides = array<i32>} : memref<4x128xi32, #tpu.memory_space<vmem>>, vector<1x16xi32>,
    %get3A_571 = vector.shape_cast %get3A_570 : vector<1x16xi32> to vector<16xi32>
    %broadcast_in_dim3A_572 = vector.shape_cast %get3A_566 : vector<16xi32> to vector<16x1xi32>
    %gather3A_573 = vector.shape_cast %broadcast_in_dim3A_572 : vector<16x1xi32> to vector<16xi32>
    %gather3A_574 = tpu.dynamic_gather %get3A_4[%gather3A_573] in [0] : vector<16xi32>, vector<16xi32> -> vector<16xi32>
    %add3A_575 = arith.addi %gather3A_574, %get3A_571 : vector<16xi32>
    %swap3A_576 = arith.constant 3 : i32
    %swap3A_577 = arith.index_cast %swap3A_576 : i32 to index
    %swap3A_578 = arith.constant 64 : index
    %swap3A_579 = tpu.vector_load %arg11[%swap3A_577, %swap3A_578] {strides = array<i32>} : memref<4x128xi32, #tpu.memory_space<vmem>>, vector<1x16xi32>,
    %swap3A_580 = vector.shape_cast %swap3A_579 : vector<1x16xi32> to vector<16xi32>
    %swap3A_581 = vector.shape_cast %add3A_575 : vector<16xi32> to vector<1x16xi32>
    tpu.vector_store %arg11[%swap3A_577, %swap3A_578], %swap3A_581 {strides = array<i32>} : memref<4x128xi32, #tpu.memory_space<vmem>>, vector<1x16xi32>,
    %get3A_582 = arith.constant 3 : i32
    %get3A_583 = arith.index_cast %get3A_582 : i32 to index
    %get3A_584 = arith.constant 80 : index
    %get3A_585 = tpu.vector_load %arg8[%get3A_583, %get3A_584] {strides = array<i32>} : memref<4x128xi32, #tpu.memory_space<vmem>>, vector<1x16xi32>,
    %get3A_586 = vector.shape_cast %get3A_585 : vector<1x16xi32> to vector<16xi32>
    %get3A_587 = arith.constant 3 : i32
    %get3A_588 = arith.index_cast %get3A_587 : i32 to index
    %get3A_589 = arith.constant 80 : index
    %get3A_590 = tpu.vector_load %arg9[%get3A_588, %get3A_589] {strides = array<i32>} : memref<4x128xi32, #tpu.memory_space<vmem>>, vector<1x16xi32>,
    %get3A_591 = vector.shape_cast %get3A_590 : vector<1x16xi32> to vector<16xi32>
    %broadcast_in_dim3A_592 = vector.shape_cast %get3A_586 : vector<16xi32> to vector<16x1xi32>
    %gather3A_593 = vector.shape_cast %broadcast_in_dim3A_592 : vector<16x1xi32> to vector<16xi32>
    %gather3A_594 = tpu.dynamic_gather %get3A_4[%gather3A_593] in [0] : vector<16xi32>, vector<16xi32> -> vector<16xi32>
    %add3A_595 = arith.addi %gather3A_594, %get3A_591 : vector<16xi32>
    %swap3A_596 = arith.constant 3 : i32
    %swap3A_597 = arith.index_cast %swap3A_596 : i32 to index
    %swap3A_598 = arith.constant 80 : index
    %swap3A_599 = tpu.vector_load %arg11[%swap3A_597, %swap3A_598] {strides = array<i32>} : memref<4x128xi32, #tpu.memory_space<vmem>>, vector<1x16xi32>,
    %swap3A_600 = vector.shape_cast %swap3A_599 : vector<1x16xi32> to vector<16xi32>
    %swap3A_601 = vector.shape_cast %add3A_595 : vector<16xi32> to vector<1x16xi32>
    tpu.vector_store %arg11[%swap3A_597, %swap3A_598], %swap3A_601 {strides = array<i32>} : memref<4x128xi32, #tpu.memory_space<vmem>>, vector<1x16xi32>,
    %get3A_602 = arith.constant 3 : i32
    %get3A_603 = arith.index_cast %get3A_602 : i32 to index
    %get3A_604 = arith.constant 96 : index
    %get3A_605 = tpu.vector_load %arg8[%get3A_603, %get3A_604] {strides = array<i32>} : memref<4x128xi32, #tpu.memory_space<vmem>>, vector<1x16xi32>,
    %get3A_606 = vector.shape_cast %get3A_605 : vector<1x16xi32> to vector<16xi32>
    %get3A_607 = arith.constant 3 : i32
    %get3A_608 = arith.index_cast %get3A_607 : i32 to index
    %get3A_609 = arith.constant 96 : index
    %get3A_610 = tpu.vector_load %arg9[%get3A_608, %get3A_609] {strides = array<i32>} : memref<4x128xi32, #tpu.memory_space<vmem>>, vector<1x16xi32>,
    %get3A_611 = vector.shape_cast %get3A_610 : vector<1x16xi32> to vector<16xi32>
    %broadcast_in_dim3A_612 = vector.shape_cast %get3A_606 : vector<16xi32> to vector<16x1xi32>
    %gather3A_613 = vector.shape_cast %broadcast_in_dim3A_612 : vector<16x1xi32> to vector<16xi32>
    %gather3A_614 = tpu.dynamic_gather %get3A_4[%gather3A_613] in [0] : vector<16xi32>, vector<16xi32> -> vector<16xi32>
    %add3A_615 = arith.addi %gather3A_614, %get3A_611 : vector<16xi32>
    %swap3A_616 = arith.constant 3 : i32
    %swap3A_617 = arith.index_cast %swap3A_616 : i32 to index
    %swap3A_618 = arith.constant 96 : index
    %swap3A_619 = tpu.vector_load %arg11[%swap3A_617, %swap3A_618] {strides = array<i32>} : memref<4x128xi32, #tpu.memory_space<vmem>>, vector<1x16xi32>,
    %swap3A_620 = vector.shape_cast %swap3A_619 : vector<1x16xi32> to vector<16xi32>
    %swap3A_621 = vector.shape_cast %add3A_615 : vector<16xi32> to vector<1x16xi32>
    tpu.vector_store %arg11[%swap3A_617, %swap3A_618], %swap3A_621 {strides = array<i32>} : memref<4x128xi32, #tpu.memory_space<vmem>>, vector<1x16xi32>,
    %get3A_622 = arith.constant 3 : i32
    %get3A_623 = arith.index_cast %get3A_622 : i32 to index
    %get3A_624 = arith.constant 112 : index
    %get3A_625 = tpu.vector_load %arg8[%get3A_623, %get3A_624] {strides = array<i32>} : memref<4x128xi32, #tpu.memory_space<vmem>>, vector<1x16xi32>,
    %get3A_626 = vector.shape_cast %get3A_625 : vector<1x16xi32> to vector<16xi32>
    %get3A_627 = arith.constant 3 : i32
    %get3A_628 = arith.index_cast %get3A_627 : i32 to index
    %get3A_629 = arith.constant 112 : index
    %get3A_630 = tpu.vector_load %arg9[%get3A_628, %get3A_629] {strides = array<i32>} : memref<4x128xi32, #tpu.memory_space<vmem>>, vector<1x16xi32>,
    %get3A_631 = vector.shape_cast %get3A_630 : vector<1x16xi32> to vector<16xi32>
    %broadcast_in_dim3A_632 = vector.shape_cast %get3A_626 : vector<16xi32> to vector<16x1xi32>
    %gather3A_633 = vector.shape_cast %broadcast_in_dim3A_632 : vector<16x1xi32> to vector<16xi32>
    %gather3A_634 = tpu.dynamic_gather %get3A_4[%gather3A_633] in [0] : vector<16xi32>, vector<16xi32> -> vector<16xi32>
    %add3A_635 = arith.addi %gather3A_634, %get3A_631 : vector<16xi32>
    %swap3A_636 = arith.constant 3 : i32
    %swap3A_637 = arith.index_cast %swap3A_636 : i32 to index
    %swap3A_638 = arith.constant 112 : index
    %swap3A_639 = tpu.vector_load %arg11[%swap3A_637, %swap3A_638] {strides = array<i32>} : memref<4x128xi32, #tpu.memory_space<vmem>>, vector<1x16xi32>,
    %swap3A_640 = vector.shape_cast %swap3A_639 : vector<1x16xi32> to vector<16xi32>
    %swap3A_641 = vector.shape_cast %add3A_635 : vector<16xi32> to vector<1x16xi32>
    tpu.vector_store %arg11[%swap3A_637, %swap3A_638], %swap3A_641 {strides = array<i32>} : memref<4x128xi32, #tpu.memory_space<vmem>>, vector<1x16xi32>,
    %dma_start3A = arith.constant 0 : i32
    %dma_start3A_642 = arith.constant 0 : i32
    %dma_start3A_643 = tpu.memref_slice %arg11[%dma_start3A, %dma_start3A_642] : memref<4x128xi32, #tpu.memory_space<vmem>> -> memref<1x128xi32, #tpu.memory_space<vmem>>
    %dma_start3A_644 = tpu.memref_squeeze %dma_start3A_643 : memref<1x128xi32, #tpu.memory_space<vmem>> -> memref<128xi32, #tpu.memory_space<vmem>>
    %dma_start3A_645 = arith.constant 0 : i32
    %dma_start3A_646 = arith.constant 0 : i32
    %dma_start3A_647 = tpu.memref_slice %arg2[%dma_start3A_645, %dma_start3A_646] : memref<24576x512xf32, #tpu.memory_space<hbm>> -> memref<24576x512xf32, #tpu.memory_space<hbm>>
    tpu.enqueue_indirect_dma source(%dma_start3A_647 : memref<24576x512xf32, #tpu.memory_space<hbm>>) target(%arg7 : memref<128x512xf32, #tpu.memory_space<vmem>>) offsets(%dma_start3A_644 : memref<128xi32, #tpu.memory_space<vmem>>) semaphore(%arg12 : memref<!tpu.dma_semaphore, #tpu.memory_space<semaphore_mem>>)
    %dma_wait3A = arith.constant 0 : i32
    %dma_wait3A_648 = arith.constant 0 : i32
    %dma_wait3A_649 = tpu.memref_slice %arg11[%dma_wait3A, %dma_wait3A_648] : memref<4x128xi32, #tpu.memory_space<vmem>> -> memref<1x128xi32, #tpu.memory_space<vmem>>
    %dma_wait3A_650 = tpu.memref_squeeze %dma_wait3A_649 : memref<1x128xi32, #tpu.memory_space<vmem>> -> memref<128xi32, #tpu.memory_space<vmem>>
    %dma_wait3A_651 = arith.constant 0 : i32
    %dma_wait3A_652 = arith.constant 0 : i32
    %dma_wait3A_653 = tpu.memref_slice %arg2[%dma_wait3A_651, %dma_wait3A_652] : memref<24576x512xf32, #tpu.memory_space<hbm>> -> memref<24576x512xf32, #tpu.memory_space<hbm>>
    tpu.wait_indirect_dma semaphore(%arg12 : memref<!tpu.dma_semaphore, #tpu.memory_space<semaphore_mem>>) src(%dma_wait3A_653 : memref<24576x512xf32, #tpu.memory_space<hbm>>) dst(%arg7 : memref<128x512xf32, #tpu.memory_space<vmem>>)
    %run_scoped3A = arith.constant 0 : i32
    "tpu.region"() ({
      %run_scoped3A_699 = tpu.sem_alloc : memref<!tpu.dma_semaphore, #tpu.memory_space<semaphore_mem>>
      %dma_start3A_700 = arith.constant 0 : i32
      %dma_start3A_701 = tpu.memref_slice %arg6[%run_scoped3A, %mul3A_2, %dma_start3A_700] : memref<4x4096x512xf32, #tpu.memory_space<hbm>> -> memref<1x128x512xf32, #tpu.memory_space<hbm>>
      %dma_start3A_702 = tpu.memref_squeeze %dma_start3A_701 : memref<1x128x512xf32, #tpu.memory_space<hbm>> -> memref<128x512xf32, #tpu.memory_space<hbm>>
      %dma_start3A_703 = arith.constant 0 : i32
      %dma_start3A_704 = tpu.memref_slice %arg6[%run_scoped3A, %mul3A_2, %dma_start3A_703] : memref<4x4096x512xf32, #tpu.memory_space<hbm>> -> memref<1x128x512xf32, #tpu.memory_space<hbm>>
      %dma_start3A_705 = tpu.memref_squeeze %dma_start3A_704 : memref<1x128x512xf32, #tpu.memory_space<hbm>> -> memref<128x512xf32, #tpu.memory_space<hbm>>
      tpu.enqueue_dma source(%arg7 : memref<128x512xf32, #tpu.memory_space<vmem>>) target(%dma_start3A_705 : memref<128x512xf32, #tpu.memory_space<hbm>>) target_semaphore(%run_scoped3A_699 : memref<!tpu.dma_semaphore, #tpu.memory_space<semaphore_mem>>)
      %dma_wait3A_706 = arith.constant 0 : i32
      %dma_wait3A_707 = tpu.memref_slice %arg6[%run_scoped3A, %mul3A_2, %dma_wait3A_706] : memref<4x4096x512xf32, #tpu.memory_space<hbm>> -> memref<1x128x512xf32, #tpu.memory_space<hbm>>
      %dma_wait3A_708 = tpu.memref_squeeze %dma_wait3A_707 : memref<1x128x512xf32, #tpu.memory_space<hbm>> -> memref<128x512xf32, #tpu.memory_space<hbm>>
      %dma_wait3A_709 = arith.constant 0 : i32
      %dma_wait3A_710 = tpu.memref_slice %arg6[%run_scoped3A, %mul3A_2, %dma_wait3A_709] : memref<4x4096x512xf32, #tpu.memory_space<hbm>> -> memref<1x128x512xf32, #tpu.memory_space<hbm>>
      %dma_wait3A_711 = tpu.memref_squeeze %dma_wait3A_710 : memref<1x128x512xf32, #tpu.memory_space<hbm>> -> memref<128x512xf32, #tpu.memory_space<hbm>>
      tpu.wait_dma2 semaphore(%run_scoped3A_699 : memref<!tpu.dma_semaphore, #tpu.memory_space<semaphore_mem>>) src(%arg7 : memref<128x512xf32, #tpu.memory_space<vmem>>) dst(%dma_wait3A_711 : memref<128x512xf32, #tpu.memory_space<hbm>>)
      tpu.yield
    }) : () -> ()
    %dma_start3A_654 = arith.constant 1 : i32
    %dma_start3A_655 = arith.constant 0 : i32
    %dma_start3A_656 = tpu.memref_slice %arg11[%dma_start3A_654, %dma_start3A_655] : memref<4x128xi32, #tpu.memory_space<vmem>> -> memref<1x128xi32, #tpu.memory_space<vmem>>
    %dma_start3A_657 = tpu.memref_squeeze %dma_start3A_656 : memref<1x128xi32, #tpu.memory_space<vmem>> -> memref<128xi32, #tpu.memory_space<vmem>>
    %dma_start3A_658 = arith.constant 0 : i32
    %dma_start3A_659 = arith.constant 0 : i32
    %dma_start3A_660 = tpu.memref_slice %arg2[%dma_start3A_658, %dma_start3A_659] : memref<24576x512xf32, #tpu.memory_space<hbm>> -> memref<24576x512xf32, #tpu.memory_space<hbm>>
    tpu.enqueue_indirect_dma source(%dma_start3A_660 : memref<24576x512xf32, #tpu.memory_space<hbm>>) target(%arg7 : memref<128x512xf32, #tpu.memory_space<vmem>>) offsets(%dma_start3A_657 : memref<128xi32, #tpu.memory_space<vmem>>) semaphore(%arg12 : memref<!tpu.dma_semaphore, #tpu.memory_space<semaphore_mem>>)
    %dma_wait3A_661 = arith.constant 1 : i32
    %dma_wait3A_662 = arith.constant 0 : i32
    %dma_wait3A_663 = tpu.memref_slice %arg11[%dma_wait3A_661, %dma_wait3A_662] : memref<4x128xi32, #tpu.memory_space<vmem>> -> memref<1x128xi32, #tpu.memory_space<vmem>>
    %dma_wait3A_664 = tpu.memref_squeeze %dma_wait3A_663 : memref<1x128xi32, #tpu.memory_space<vmem>> -> memref<128xi32, #tpu.memory_space<vmem>>
    %dma_wait3A_665 = arith.constant 0 : i32
    %dma_wait3A_666 = arith.constant 0 : i32
    %dma_wait3A_667 = tpu.memref_slice %arg2[%dma_wait3A_665, %dma_wait3A_666] : memref<24576x512xf32, #tpu.memory_space<hbm>> -> memref<24576x512xf32, #tpu.memory_space<hbm>>
    tpu.wait_indirect_dma semaphore(%arg12 : memref<!tpu.dma_semaphore, #tpu.memory_space<semaphore_mem>>) src(%dma_wait3A_667 : memref<24576x512xf32, #tpu.memory_space<hbm>>) dst(%arg7 : memref<128x512xf32, #tpu.memory_space<vmem>>)
    %run_scoped3A_668 = arith.constant 1 : i32
    "tpu.region"() ({
      %run_scoped3A_699 = tpu.sem_alloc : memref<!tpu.dma_semaphore, #tpu.memory_space<semaphore_mem>>
      %dma_start3A_700 = arith.constant 0 : i32
      %dma_start3A_701 = tpu.memref_slice %arg6[%run_scoped3A_668, %mul3A_2, %dma_start3A_700] : memref<4x4096x512xf32, #tpu.memory_space<hbm>> -> memref<1x128x512xf32, #tpu.memory_space<hbm>>
      %dma_start3A_702 = tpu.memref_squeeze %dma_start3A_701 : memref<1x128x512xf32, #tpu.memory_space<hbm>> -> memref<128x512xf32, #tpu.memory_space<hbm>>
      %dma_start3A_703 = arith.constant 0 : i32
      %dma_start3A_704 = tpu.memref_slice %arg6[%run_scoped3A_668, %mul3A_2, %dma_start3A_703] : memref<4x4096x512xf32, #tpu.memory_space<hbm>> -> memref<1x128x512xf32, #tpu.memory_space<hbm>>
      %dma_start3A_705 = tpu.memref_squeeze %dma_start3A_704 : memref<1x128x512xf32, #tpu.memory_space<hbm>> -> memref<128x512xf32, #tpu.memory_space<hbm>>
      tpu.enqueue_dma source(%arg7 : memref<128x512xf32, #tpu.memory_space<vmem>>) target(%dma_start3A_705 : memref<128x512xf32, #tpu.memory_space<hbm>>) target_semaphore(%run_scoped3A_699 : memref<!tpu.dma_semaphore, #tpu.memory_space<semaphore_mem>>)
      %dma_wait3A_706 = arith.constant 0 : i32
      %dma_wait3A_707 = tpu.memref_slice %arg6[%run_scoped3A_668, %mul3A_2, %dma_wait3A_706] : memref<4x4096x512xf32, #tpu.memory_space<hbm>> -> memref<1x128x512xf32, #tpu.memory_space<hbm>>
      %dma_wait3A_708 = tpu.memref_squeeze %dma_wait3A_707 : memref<1x128x512xf32, #tpu.memory_space<hbm>> -> memref<128x512xf32, #tpu.memory_space<hbm>>
      %dma_wait3A_709 = arith.constant 0 : i32
      %dma_wait3A_710 = tpu.memref_slice %arg6[%run_scoped3A_668, %mul3A_2, %dma_wait3A_709] : memref<4x4096x512xf32, #tpu.memory_space<hbm>> -> memref<1x128x512xf32, #tpu.memory_space<hbm>>
      %dma_wait3A_711 = tpu.memref_squeeze %dma_wait3A_710 : memref<1x128x512xf32, #tpu.memory_space<hbm>> -> memref<128x512xf32, #tpu.memory_space<hbm>>
      tpu.wait_dma2 semaphore(%run_scoped3A_699 : memref<!tpu.dma_semaphore, #tpu.memory_space<semaphore_mem>>) src(%arg7 : memref<128x512xf32, #tpu.memory_space<vmem>>) dst(%dma_wait3A_711 : memref<128x512xf32, #tpu.memory_space<hbm>>)
      tpu.yield
    }) : () -> ()
    %dma_start3A_669 = arith.constant 2 : i32
    %dma_start3A_670 = arith.constant 0 : i32
    %dma_start3A_671 = tpu.memref_slice %arg11[%dma_start3A_669, %dma_start3A_670] : memref<4x128xi32, #tpu.memory_space<vmem>> -> memref<1x128xi32, #tpu.memory_space<vmem>>
    %dma_start3A_672 = tpu.memref_squeeze %dma_start3A_671 : memref<1x128xi32, #tpu.memory_space<vmem>> -> memref<128xi32, #tpu.memory_space<vmem>>
    %dma_start3A_673 = arith.constant 0 : i32
    %dma_start3A_674 = arith.constant 0 : i32
    %dma_start3A_675 = tpu.memref_slice %arg2[%dma_start3A_673, %dma_start3A_674] : memref<24576x512xf32, #tpu.memory_space<hbm>> -> memref<24576x512xf32, #tpu.memory_space<hbm>>
    tpu.enqueue_indirect_dma source(%dma_start3A_675 : memref<24576x512xf32, #tpu.memory_space<hbm>>) target(%arg7 : memref<128x512xf32, #tpu.memory_space<vmem>>) offsets(%dma_start3A_672 : memref<128xi32, #tpu.memory_space<vmem>>) semaphore(%arg12 : memref<!tpu.dma_semaphore, #tpu.memory_space<semaphore_mem>>)
    %dma_wait3A_676 = arith.constant 2 : i32
    %dma_wait3A_677 = arith.constant 0 : i32
    %dma_wait3A_678 = tpu.memref_slice %arg11[%dma_wait3A_676, %dma_wait3A_677] : memref<4x128xi32, #tpu.memory_space<vmem>> -> memref<1x128xi32, #tpu.memory_space<vmem>>
    %dma_wait3A_679 = tpu.memref_squeeze %dma_wait3A_678 : memref<1x128xi32, #tpu.memory_space<vmem>> -> memref<128xi32, #tpu.memory_space<vmem>>
    %dma_wait3A_680 = arith.constant 0 : i32
    %dma_wait3A_681 = arith.constant 0 : i32
    %dma_wait3A_682 = tpu.memref_slice %arg2[%dma_wait3A_680, %dma_wait3A_681] : memref<24576x512xf32, #tpu.memory_space<hbm>> -> memref<24576x512xf32, #tpu.memory_space<hbm>>
    tpu.wait_indirect_dma semaphore(%arg12 : memref<!tpu.dma_semaphore, #tpu.memory_space<semaphore_mem>>) src(%dma_wait3A_682 : memref<24576x512xf32, #tpu.memory_space<hbm>>) dst(%arg7 : memref<128x512xf32, #tpu.memory_space<vmem>>)
    %run_scoped3A_683 = arith.constant 2 : i32
    "tpu.region"() ({
      %run_scoped3A_699 = tpu.sem_alloc : memref<!tpu.dma_semaphore, #tpu.memory_space<semaphore_mem>>
      %dma_start3A_700 = arith.constant 0 : i32
      %dma_start3A_701 = tpu.memref_slice %arg6[%run_scoped3A_683, %mul3A_2, %dma_start3A_700] : memref<4x4096x512xf32, #tpu.memory_space<hbm>> -> memref<1x128x512xf32, #tpu.memory_space<hbm>>
      %dma_start3A_702 = tpu.memref_squeeze %dma_start3A_701 : memref<1x128x512xf32, #tpu.memory_space<hbm>> -> memref<128x512xf32, #tpu.memory_space<hbm>>
      %dma_start3A_703 = arith.constant 0 : i32
      %dma_start3A_704 = tpu.memref_slice %arg6[%run_scoped3A_683, %mul3A_2, %dma_start3A_703] : memref<4x4096x512xf32, #tpu.memory_space<hbm>> -> memref<1x128x512xf32, #tpu.memory_space<hbm>>
      %dma_start3A_705 = tpu.memref_squeeze %dma_start3A_704 : memref<1x128x512xf32, #tpu.memory_space<hbm>> -> memref<128x512xf32, #tpu.memory_space<hbm>>
      tpu.enqueue_dma source(%arg7 : memref<128x512xf32, #tpu.memory_space<vmem>>) target(%dma_start3A_705 : memref<128x512xf32, #tpu.memory_space<hbm>>) target_semaphore(%run_scoped3A_699 : memref<!tpu.dma_semaphore, #tpu.memory_space<semaphore_mem>>)
      %dma_wait3A_706 = arith.constant 0 : i32
      %dma_wait3A_707 = tpu.memref_slice %arg6[%run_scoped3A_683, %mul3A_2, %dma_wait3A_706] : memref<4x4096x512xf32, #tpu.memory_space<hbm>> -> memref<1x128x512xf32, #tpu.memory_space<hbm>>
      %dma_wait3A_708 = tpu.memref_squeeze %dma_wait3A_707 : memref<1x128x512xf32, #tpu.memory_space<hbm>> -> memref<128x512xf32, #tpu.memory_space<hbm>>
      %dma_wait3A_709 = arith.constant 0 : i32
      %dma_wait3A_710 = tpu.memref_slice %arg6[%run_scoped3A_683, %mul3A_2, %dma_wait3A_709] : memref<4x4096x512xf32, #tpu.memory_space<hbm>> -> memref<1x128x512xf32, #tpu.memory_space<hbm>>
      %dma_wait3A_711 = tpu.memref_squeeze %dma_wait3A_710 : memref<1x128x512xf32, #tpu.memory_space<hbm>> -> memref<128x512xf32, #tpu.memory_space<hbm>>
      tpu.wait_dma2 semaphore(%run_scoped3A_699 : memref<!tpu.dma_semaphore, #tpu.memory_space<semaphore_mem>>) src(%arg7 : memref<128x512xf32, #tpu.memory_space<vmem>>) dst(%dma_wait3A_711 : memref<128x512xf32, #tpu.memory_space<hbm>>)
      tpu.yield
    }) : () -> ()
    %dma_start3A_684 = arith.constant 3 : i32
    %dma_start3A_685 = arith.constant 0 : i32
    %dma_start3A_686 = tpu.memref_slice %arg11[%dma_start3A_684, %dma_start3A_685] : memref<4x128xi32, #tpu.memory_space<vmem>> -> memref<1x128xi32, #tpu.memory_space<vmem>>
    %dma_start3A_687 = tpu.memref_squeeze %dma_start3A_686 : memref<1x128xi32, #tpu.memory_space<vmem>> -> memref<128xi32, #tpu.memory_space<vmem>>
    %dma_start3A_688 = arith.constant 0 : i32
    %dma_start3A_689 = arith.constant 0 : i32
    %dma_start3A_690 = tpu.memref_slice %arg2[%dma_start3A_688, %dma_start3A_689] : memref<24576x512xf32, #tpu.memory_space<hbm>> -> memref<24576x512xf32, #tpu.memory_space<hbm>>
    tpu.enqueue_indirect_dma source(%dma_start3A_690 : memref<24576x512xf32, #tpu.memory_space<hbm>>) target(%arg7 : memref<128x512xf32, #tpu.memory_space<vmem>>) offsets(%dma_start3A_687 : memref<128xi32, #tpu.memory_space<vmem>>) semaphore(%arg12 : memref<!tpu.dma_semaphore, #tpu.memory_space<semaphore_mem>>)
    %dma_wait3A_691 = arith.constant 3 : i32
    %dma_wait3A_692 = arith.constant 0 : i32
    %dma_wait3A_693 = tpu.memref_slice %arg11[%dma_wait3A_691, %dma_wait3A_692] : memref<4x128xi32, #tpu.memory_space<vmem>> -> memref<1x128xi32, #tpu.memory_space<vmem>>
    %dma_wait3A_694 = tpu.memref_squeeze %dma_wait3A_693 : memref<1x128xi32, #tpu.memory_space<vmem>> -> memref<128xi32, #tpu.memory_space<vmem>>
    %dma_wait3A_695 = arith.constant 0 : i32
    %dma_wait3A_696 = arith.constant 0 : i32
    %dma_wait3A_697 = tpu.memref_slice %arg2[%dma_wait3A_695, %dma_wait3A_696] : memref<24576x512xf32, #tpu.memory_space<hbm>> -> memref<24576x512xf32, #tpu.memory_space<hbm>>
    tpu.wait_indirect_dma semaphore(%arg12 : memref<!tpu.dma_semaphore, #tpu.memory_space<semaphore_mem>>) src(%dma_wait3A_697 : memref<24576x512xf32, #tpu.memory_space<hbm>>) dst(%arg7 : memref<128x512xf32, #tpu.memory_space<vmem>>)
    %run_scoped3A_698 = arith.constant 3 : i32
    "tpu.region"() ({
      %run_scoped3A_699 = tpu.sem_alloc : memref<!tpu.dma_semaphore, #tpu.memory_space<semaphore_mem>>
      %dma_start3A_700 = arith.constant 0 : i32
      %dma_start3A_701 = tpu.memref_slice %arg6[%run_scoped3A_698, %mul3A_2, %dma_start3A_700] : memref<4x4096x512xf32, #tpu.memory_space<hbm>> -> memref<1x128x512xf32, #tpu.memory_space<hbm>>
      %dma_start3A_702 = tpu.memref_squeeze %dma_start3A_701 : memref<1x128x512xf32, #tpu.memory_space<hbm>> -> memref<128x512xf32, #tpu.memory_space<hbm>>
      %dma_start3A_703 = arith.constant 0 : i32
      %dma_start3A_704 = tpu.memref_slice %arg6[%run_scoped3A_698, %mul3A_2, %dma_start3A_703] : memref<4x4096x512xf32, #tpu.memory_space<hbm>> -> memref<1x128x512xf32, #tpu.memory_space<hbm>>
      %dma_start3A_705 = tpu.memref_squeeze %dma_start3A_704 : memref<1x128x512xf32, #tpu.memory_space<hbm>> -> memref<128x512xf32, #tpu.memory_space<hbm>>
      tpu.enqueue_dma source(%arg7 : memref<128x512xf32, #tpu.memory_space<vmem>>) target(%dma_start3A_705 : memref<128x512xf32, #tpu.memory_space<hbm>>) target_semaphore(%run_scoped3A_699 : memref<!tpu.dma_semaphore, #tpu.memory_space<semaphore_mem>>)
      %dma_wait3A_706 = arith.constant 0 : i32
      %dma_wait3A_707 = tpu.memref_slice %arg6[%run_scoped3A_698, %mul3A_2, %dma_wait3A_706] : memref<4x4096x512xf32, #tpu.memory_space<hbm>> -> memref<1x128x512xf32, #tpu.memory_space<hbm>>
      %dma_wait3A_708 = tpu.memref_squeeze %dma_wait3A_707 : memref<1x128x512xf32, #tpu.memory_space<hbm>> -> memref<128x512xf32, #tpu.memory_space<hbm>>
      %dma_wait3A_709 = arith.constant 0 : i32
      %dma_wait3A_710 = tpu.memref_slice %arg6[%run_scoped3A_698, %mul3A_2, %dma_wait3A_709] : memref<4x4096x512xf32, #tpu.memory_space<hbm>> -> memref<1x128x512xf32, #tpu.memory_space<hbm>>
      %dma_wait3A_711 = tpu.memref_squeeze %dma_wait3A_710 : memref<1x128x512xf32, #tpu.memory_space<hbm>> -> memref<128x512xf32, #tpu.memory_space<hbm>>
      tpu.wait_dma2 semaphore(%run_scoped3A_699 : memref<!tpu.dma_semaphore, #tpu.memory_space<semaphore_mem>>) src(%arg7 : memref<128x512xf32, #tpu.memory_space<vmem>>) dst(%dma_wait3A_711 : memref<128x512xf32, #tpu.memory_space<hbm>>)
      tpu.yield
    }) : () -> ()
    return
  }
}

#map = affine_map<(d0, d1) -> (0, 0)>
#map1 = affine_map<(d0, d1) -> (0, 0, 0)>
#map2 = affine_map<(d0, d1) -> (0)>
module attributes {stable_mosaic.version = 14 : i64} {
  func.func @_sc_scatter_body(%arg0: i32, %arg1: i32, %arg2: memref<4096x512xf32, #tpu.memory_space<hbm>>, %arg3: memref<32x4x128xi32, #tpu.memory_space<hbm>>, %arg4: memref<32x4x128xi32, #tpu.memory_space<hbm>>, %arg5: memref<16xi32, #tpu.memory_space<hbm>>, %arg6: memref<24576x512xf32, #tpu.memory_space<hbm>>, %arg7: memref<128x512xf32, #tpu.memory_space<vmem>>, %arg8: memref<4x128xi32, #tpu.memory_space<vmem>>, %arg9: memref<4x128xi32, #tpu.memory_space<vmem>>, %arg10: memref<16xi32, #tpu.memory_space<vmem>>, %arg11: memref<4x128xi32, #tpu.memory_space<vmem>>, %arg12: memref<!tpu.dma_semaphore, #tpu.memory_space<semaphore_mem>>) attributes {dimension_semantics = [#tpu.dimension_semantics<core_parallel>, #tpu.dimension_semantics<subcore_parallel>], iteration_bounds = array<i64: 2, 16>, scalar_prefetch = 0 : i64, scratch_operands = 6 : i64, tpu.core_type = #tpu.core_type<sc_vector_subcore>, window_params = [{transform_indices = #map}, {transform_indices = #map1}, {transform_indices = #map1}, {transform_indices = #map2}, {transform_indices = #map}]} {
    %mul3A = arith.constant 2 : i32
    %mul3A_0 = arith.muli %arg1, %mul3A : i32
    %add3A = arith.addi %mul3A_0, %arg0 : i32
    %mul3A_1 = arith.constant 128 : i32
    %mul3A_2 = arith.muli %add3A, %mul3A_1 : i32
    "tpu.region"() ({
      %run_scoped3A = tpu.sem_alloc : memref<!tpu.dma_semaphore, #tpu.memory_space<semaphore_mem>>
      %dma_start3A_696 = arith.constant 0 : i32
      %dma_start3A_697 = tpu.memref_slice %arg2[%mul3A_2, %dma_start3A_696] : memref<4096x512xf32, #tpu.memory_space<hbm>> -> memref<128x512xf32, #tpu.memory_space<hbm>>
      %dma_start3A_698 = arith.constant 0 : i32
      %dma_start3A_699 = tpu.memref_slice %arg2[%mul3A_2, %dma_start3A_698] : memref<4096x512xf32, #tpu.memory_space<hbm>> -> memref<128x512xf32, #tpu.memory_space<hbm>>
      tpu.enqueue_dma source(%dma_start3A_699 : memref<128x512xf32, #tpu.memory_space<hbm>>) target(%arg7 : memref<128x512xf32, #tpu.memory_space<vmem>>) target_semaphore(%run_scoped3A : memref<!tpu.dma_semaphore, #tpu.memory_space<semaphore_mem>>)
      %dma_wait3A_700 = arith.constant 0 : i32
      %dma_wait3A_701 = tpu.memref_slice %arg2[%mul3A_2, %dma_wait3A_700] : memref<4096x512xf32, #tpu.memory_space<hbm>> -> memref<128x512xf32, #tpu.memory_space<hbm>>
      %dma_wait3A_702 = arith.constant 0 : i32
      %dma_wait3A_703 = tpu.memref_slice %arg2[%mul3A_2, %dma_wait3A_702] : memref<4096x512xf32, #tpu.memory_space<hbm>> -> memref<128x512xf32, #tpu.memory_space<hbm>>
      tpu.wait_dma2 semaphore(%run_scoped3A : memref<!tpu.dma_semaphore, #tpu.memory_space<semaphore_mem>>) src(%dma_wait3A_703 : memref<128x512xf32, #tpu.memory_space<hbm>>) dst(%arg7 : memref<128x512xf32, #tpu.memory_space<vmem>>)
      tpu.yield
    }) : () -> ()
    "tpu.region"() ({
      %run_scoped3A = tpu.sem_alloc : memref<!tpu.dma_semaphore, #tpu.memory_space<semaphore_mem>>
      %dma_start3A_696 = arith.constant 0 : i32
      %dma_start3A_697 = arith.constant 0 : i32
      %dma_start3A_698 = tpu.memref_slice %arg3[%add3A, %dma_start3A_696, %dma_start3A_697] : memref<32x4x128xi32, #tpu.memory_space<hbm>> -> memref<1x4x128xi32, #tpu.memory_space<hbm>>
      %dma_start3A_699 = tpu.memref_squeeze %dma_start3A_698 : memref<1x4x128xi32, #tpu.memory_space<hbm>> -> memref<4x128xi32, #tpu.memory_space<hbm>>
      %dma_start3A_700 = arith.constant 0 : i32
      %dma_start3A_701 = arith.constant 0 : i32
      %dma_start3A_702 = tpu.memref_slice %arg3[%add3A, %dma_start3A_700, %dma_start3A_701] : memref<32x4x128xi32, #tpu.memory_space<hbm>> -> memref<1x4x128xi32, #tpu.memory_space<hbm>>
      %dma_start3A_703 = tpu.memref_squeeze %dma_start3A_702 : memref<1x4x128xi32, #tpu.memory_space<hbm>> -> memref<4x128xi32, #tpu.memory_space<hbm>>
      tpu.enqueue_dma source(%dma_start3A_703 : memref<4x128xi32, #tpu.memory_space<hbm>>) target(%arg8 : memref<4x128xi32, #tpu.memory_space<vmem>>) target_semaphore(%run_scoped3A : memref<!tpu.dma_semaphore, #tpu.memory_space<semaphore_mem>>)
      %dma_wait3A_704 = arith.constant 0 : i32
      %dma_wait3A_705 = arith.constant 0 : i32
      %dma_wait3A_706 = tpu.memref_slice %arg3[%add3A, %dma_wait3A_704, %dma_wait3A_705] : memref<32x4x128xi32, #tpu.memory_space<hbm>> -> memref<1x4x128xi32, #tpu.memory_space<hbm>>
      %dma_wait3A_707 = tpu.memref_squeeze %dma_wait3A_706 : memref<1x4x128xi32, #tpu.memory_space<hbm>> -> memref<4x128xi32, #tpu.memory_space<hbm>>
      %dma_wait3A_708 = arith.constant 0 : i32
      %dma_wait3A_709 = arith.constant 0 : i32
      %dma_wait3A_710 = tpu.memref_slice %arg3[%add3A, %dma_wait3A_708, %dma_wait3A_709] : memref<32x4x128xi32, #tpu.memory_space<hbm>> -> memref<1x4x128xi32, #tpu.memory_space<hbm>>
      %dma_wait3A_711 = tpu.memref_squeeze %dma_wait3A_710 : memref<1x4x128xi32, #tpu.memory_space<hbm>> -> memref<4x128xi32, #tpu.memory_space<hbm>>
      tpu.wait_dma2 semaphore(%run_scoped3A : memref<!tpu.dma_semaphore, #tpu.memory_space<semaphore_mem>>) src(%dma_wait3A_711 : memref<4x128xi32, #tpu.memory_space<hbm>>) dst(%arg8 : memref<4x128xi32, #tpu.memory_space<vmem>>)
      tpu.yield
    }) : () -> ()
    "tpu.region"() ({
      %run_scoped3A = tpu.sem_alloc : memref<!tpu.dma_semaphore, #tpu.memory_space<semaphore_mem>>
      %dma_start3A_696 = arith.constant 0 : i32
      %dma_start3A_697 = arith.constant 0 : i32
      %dma_start3A_698 = tpu.memref_slice %arg4[%add3A, %dma_start3A_696, %dma_start3A_697] : memref<32x4x128xi32, #tpu.memory_space<hbm>> -> memref<1x4x128xi32, #tpu.memory_space<hbm>>
      %dma_start3A_699 = tpu.memref_squeeze %dma_start3A_698 : memref<1x4x128xi32, #tpu.memory_space<hbm>> -> memref<4x128xi32, #tpu.memory_space<hbm>>
      %dma_start3A_700 = arith.constant 0 : i32
      %dma_start3A_701 = arith.constant 0 : i32
      %dma_start3A_702 = tpu.memref_slice %arg4[%add3A, %dma_start3A_700, %dma_start3A_701] : memref<32x4x128xi32, #tpu.memory_space<hbm>> -> memref<1x4x128xi32, #tpu.memory_space<hbm>>
      %dma_start3A_703 = tpu.memref_squeeze %dma_start3A_702 : memref<1x4x128xi32, #tpu.memory_space<hbm>> -> memref<4x128xi32, #tpu.memory_space<hbm>>
      tpu.enqueue_dma source(%dma_start3A_703 : memref<4x128xi32, #tpu.memory_space<hbm>>) target(%arg9 : memref<4x128xi32, #tpu.memory_space<vmem>>) target_semaphore(%run_scoped3A : memref<!tpu.dma_semaphore, #tpu.memory_space<semaphore_mem>>)
      %dma_wait3A_704 = arith.constant 0 : i32
      %dma_wait3A_705 = arith.constant 0 : i32
      %dma_wait3A_706 = tpu.memref_slice %arg4[%add3A, %dma_wait3A_704, %dma_wait3A_705] : memref<32x4x128xi32, #tpu.memory_space<hbm>> -> memref<1x4x128xi32, #tpu.memory_space<hbm>>
      %dma_wait3A_707 = tpu.memref_squeeze %dma_wait3A_706 : memref<1x4x128xi32, #tpu.memory_space<hbm>> -> memref<4x128xi32, #tpu.memory_space<hbm>>
      %dma_wait3A_708 = arith.constant 0 : i32
      %dma_wait3A_709 = arith.constant 0 : i32
      %dma_wait3A_710 = tpu.memref_slice %arg4[%add3A, %dma_wait3A_708, %dma_wait3A_709] : memref<32x4x128xi32, #tpu.memory_space<hbm>> -> memref<1x4x128xi32, #tpu.memory_space<hbm>>
      %dma_wait3A_711 = tpu.memref_squeeze %dma_wait3A_710 : memref<1x4x128xi32, #tpu.memory_space<hbm>> -> memref<4x128xi32, #tpu.memory_space<hbm>>
      tpu.wait_dma2 semaphore(%run_scoped3A : memref<!tpu.dma_semaphore, #tpu.memory_space<semaphore_mem>>) src(%dma_wait3A_711 : memref<4x128xi32, #tpu.memory_space<hbm>>) dst(%arg9 : memref<4x128xi32, #tpu.memory_space<vmem>>)
      tpu.yield
    }) : () -> ()
    "tpu.region"() ({
      %run_scoped3A = tpu.sem_alloc : memref<!tpu.dma_semaphore, #tpu.memory_space<semaphore_mem>>
      tpu.enqueue_dma source(%arg5 : memref<16xi32, #tpu.memory_space<hbm>>) target(%arg10 : memref<16xi32, #tpu.memory_space<vmem>>) target_semaphore(%run_scoped3A : memref<!tpu.dma_semaphore, #tpu.memory_space<semaphore_mem>>)
      tpu.wait_dma2 semaphore(%run_scoped3A : memref<!tpu.dma_semaphore, #tpu.memory_space<semaphore_mem>>) src(%arg5 : memref<16xi32, #tpu.memory_space<hbm>>) dst(%arg10 : memref<16xi32, #tpu.memory_space<vmem>>)
      tpu.yield
    }) : () -> ()
    %get3A = arith.constant 0 : index
    %get3A_3 = tpu.vector_load %arg10[%get3A] {strides = array<i32>} : memref<16xi32, #tpu.memory_space<vmem>>, vector<16xi32>,
    %get3A_4 = vector.shape_cast %get3A_3 : vector<16xi32> to vector<16xi32>
    %get3A_5 = arith.constant 0 : i32
    %get3A_6 = arith.index_cast %get3A_5 : i32 to index
    %get3A_7 = arith.constant 0 : index
    %get3A_8 = tpu.vector_load %arg8[%get3A_6, %get3A_7] {strides = array<i32>} : memref<4x128xi32, #tpu.memory_space<vmem>>, vector<1x16xi32>,
    %get3A_9 = vector.shape_cast %get3A_8 : vector<1x16xi32> to vector<16xi32>
    %get3A_10 = arith.constant 0 : i32
    %get3A_11 = arith.index_cast %get3A_10 : i32 to index
    %get3A_12 = arith.constant 0 : index
    %get3A_13 = tpu.vector_load %arg9[%get3A_11, %get3A_12] {strides = array<i32>} : memref<4x128xi32, #tpu.memory_space<vmem>>, vector<1x16xi32>,
    %get3A_14 = vector.shape_cast %get3A_13 : vector<1x16xi32> to vector<16xi32>
    %broadcast_in_dim3A = vector.shape_cast %get3A_9 : vector<16xi32> to vector<16x1xi32>
    %gather3A = vector.shape_cast %broadcast_in_dim3A : vector<16x1xi32> to vector<16xi32>
    %gather3A_15 = tpu.dynamic_gather %get3A_4[%gather3A] in [0] : vector<16xi32>, vector<16xi32> -> vector<16xi32>
    %add3A_16 = arith.addi %gather3A_15, %get3A_14 : vector<16xi32>
    %swap3A = arith.constant 0 : i32
    %swap3A_17 = arith.index_cast %swap3A : i32 to index
    %swap3A_18 = arith.constant 0 : index
    %swap3A_19 = tpu.vector_load %arg11[%swap3A_17, %swap3A_18] {strides = array<i32>} : memref<4x128xi32, #tpu.memory_space<vmem>>, vector<1x16xi32>,
    %swap3A_20 = vector.shape_cast %swap3A_19 : vector<1x16xi32> to vector<16xi32>
    %swap3A_21 = vector.shape_cast %add3A_16 : vector<16xi32> to vector<1x16xi32>
    tpu.vector_store %arg11[%swap3A_17, %swap3A_18], %swap3A_21 {strides = array<i32>} : memref<4x128xi32, #tpu.memory_space<vmem>>, vector<1x16xi32>,
    %get3A_22 = arith.constant 0 : i32
    %get3A_23 = arith.index_cast %get3A_22 : i32 to index
    %get3A_24 = arith.constant 16 : index
    %get3A_25 = tpu.vector_load %arg8[%get3A_23, %get3A_24] {strides = array<i32>} : memref<4x128xi32, #tpu.memory_space<vmem>>, vector<1x16xi32>,
    %get3A_26 = vector.shape_cast %get3A_25 : vector<1x16xi32> to vector<16xi32>
    %get3A_27 = arith.constant 0 : i32
    %get3A_28 = arith.index_cast %get3A_27 : i32 to index
    %get3A_29 = arith.constant 16 : index
    %get3A_30 = tpu.vector_load %arg9[%get3A_28, %get3A_29] {strides = array<i32>} : memref<4x128xi32, #tpu.memory_space<vmem>>, vector<1x16xi32>,
    %get3A_31 = vector.shape_cast %get3A_30 : vector<1x16xi32> to vector<16xi32>
    %broadcast_in_dim3A_32 = vector.shape_cast %get3A_26 : vector<16xi32> to vector<16x1xi32>
    %gather3A_33 = vector.shape_cast %broadcast_in_dim3A_32 : vector<16x1xi32> to vector<16xi32>
    %gather3A_34 = tpu.dynamic_gather %get3A_4[%gather3A_33] in [0] : vector<16xi32>, vector<16xi32> -> vector<16xi32>
    %add3A_35 = arith.addi %gather3A_34, %get3A_31 : vector<16xi32>
    %swap3A_36 = arith.constant 0 : i32
    %swap3A_37 = arith.index_cast %swap3A_36 : i32 to index
    %swap3A_38 = arith.constant 16 : index
    %swap3A_39 = tpu.vector_load %arg11[%swap3A_37, %swap3A_38] {strides = array<i32>} : memref<4x128xi32, #tpu.memory_space<vmem>>, vector<1x16xi32>,
    %swap3A_40 = vector.shape_cast %swap3A_39 : vector<1x16xi32> to vector<16xi32>
    %swap3A_41 = vector.shape_cast %add3A_35 : vector<16xi32> to vector<1x16xi32>
    tpu.vector_store %arg11[%swap3A_37, %swap3A_38], %swap3A_41 {strides = array<i32>} : memref<4x128xi32, #tpu.memory_space<vmem>>, vector<1x16xi32>,
    %get3A_42 = arith.constant 0 : i32
    %get3A_43 = arith.index_cast %get3A_42 : i32 to index
    %get3A_44 = arith.constant 32 : index
    %get3A_45 = tpu.vector_load %arg8[%get3A_43, %get3A_44] {strides = array<i32>} : memref<4x128xi32, #tpu.memory_space<vmem>>, vector<1x16xi32>,
    %get3A_46 = vector.shape_cast %get3A_45 : vector<1x16xi32> to vector<16xi32>
    %get3A_47 = arith.constant 0 : i32
    %get3A_48 = arith.index_cast %get3A_47 : i32 to index
    %get3A_49 = arith.constant 32 : index
    %get3A_50 = tpu.vector_load %arg9[%get3A_48, %get3A_49] {strides = array<i32>} : memref<4x128xi32, #tpu.memory_space<vmem>>, vector<1x16xi32>,
    %get3A_51 = vector.shape_cast %get3A_50 : vector<1x16xi32> to vector<16xi32>
    %broadcast_in_dim3A_52 = vector.shape_cast %get3A_46 : vector<16xi32> to vector<16x1xi32>
    %gather3A_53 = vector.shape_cast %broadcast_in_dim3A_52 : vector<16x1xi32> to vector<16xi32>
    %gather3A_54 = tpu.dynamic_gather %get3A_4[%gather3A_53] in [0] : vector<16xi32>, vector<16xi32> -> vector<16xi32>
    %add3A_55 = arith.addi %gather3A_54, %get3A_51 : vector<16xi32>
    %swap3A_56 = arith.constant 0 : i32
    %swap3A_57 = arith.index_cast %swap3A_56 : i32 to index
    %swap3A_58 = arith.constant 32 : index
    %swap3A_59 = tpu.vector_load %arg11[%swap3A_57, %swap3A_58] {strides = array<i32>} : memref<4x128xi32, #tpu.memory_space<vmem>>, vector<1x16xi32>,
    %swap3A_60 = vector.shape_cast %swap3A_59 : vector<1x16xi32> to vector<16xi32>
    %swap3A_61 = vector.shape_cast %add3A_55 : vector<16xi32> to vector<1x16xi32>
    tpu.vector_store %arg11[%swap3A_57, %swap3A_58], %swap3A_61 {strides = array<i32>} : memref<4x128xi32, #tpu.memory_space<vmem>>, vector<1x16xi32>,
    %get3A_62 = arith.constant 0 : i32
    %get3A_63 = arith.index_cast %get3A_62 : i32 to index
    %get3A_64 = arith.constant 48 : index
    %get3A_65 = tpu.vector_load %arg8[%get3A_63, %get3A_64] {strides = array<i32>} : memref<4x128xi32, #tpu.memory_space<vmem>>, vector<1x16xi32>,
    %get3A_66 = vector.shape_cast %get3A_65 : vector<1x16xi32> to vector<16xi32>
    %get3A_67 = arith.constant 0 : i32
    %get3A_68 = arith.index_cast %get3A_67 : i32 to index
    %get3A_69 = arith.constant 48 : index
    %get3A_70 = tpu.vector_load %arg9[%get3A_68, %get3A_69] {strides = array<i32>} : memref<4x128xi32, #tpu.memory_space<vmem>>, vector<1x16xi32>,
    %get3A_71 = vector.shape_cast %get3A_70 : vector<1x16xi32> to vector<16xi32>
    %broadcast_in_dim3A_72 = vector.shape_cast %get3A_66 : vector<16xi32> to vector<16x1xi32>
    %gather3A_73 = vector.shape_cast %broadcast_in_dim3A_72 : vector<16x1xi32> to vector<16xi32>
    %gather3A_74 = tpu.dynamic_gather %get3A_4[%gather3A_73] in [0] : vector<16xi32>, vector<16xi32> -> vector<16xi32>
    %add3A_75 = arith.addi %gather3A_74, %get3A_71 : vector<16xi32>
    %swap3A_76 = arith.constant 0 : i32
    %swap3A_77 = arith.index_cast %swap3A_76 : i32 to index
    %swap3A_78 = arith.constant 48 : index
    %swap3A_79 = tpu.vector_load %arg11[%swap3A_77, %swap3A_78] {strides = array<i32>} : memref<4x128xi32, #tpu.memory_space<vmem>>, vector<1x16xi32>,
    %swap3A_80 = vector.shape_cast %swap3A_79 : vector<1x16xi32> to vector<16xi32>
    %swap3A_81 = vector.shape_cast %add3A_75 : vector<16xi32> to vector<1x16xi32>
    tpu.vector_store %arg11[%swap3A_77, %swap3A_78], %swap3A_81 {strides = array<i32>} : memref<4x128xi32, #tpu.memory_space<vmem>>, vector<1x16xi32>,
    %get3A_82 = arith.constant 0 : i32
    %get3A_83 = arith.index_cast %get3A_82 : i32 to index
    %get3A_84 = arith.constant 64 : index
    %get3A_85 = tpu.vector_load %arg8[%get3A_83, %get3A_84] {strides = array<i32>} : memref<4x128xi32, #tpu.memory_space<vmem>>, vector<1x16xi32>,
    %get3A_86 = vector.shape_cast %get3A_85 : vector<1x16xi32> to vector<16xi32>
    %get3A_87 = arith.constant 0 : i32
    %get3A_88 = arith.index_cast %get3A_87 : i32 to index
    %get3A_89 = arith.constant 64 : index
    %get3A_90 = tpu.vector_load %arg9[%get3A_88, %get3A_89] {strides = array<i32>} : memref<4x128xi32, #tpu.memory_space<vmem>>, vector<1x16xi32>,
    %get3A_91 = vector.shape_cast %get3A_90 : vector<1x16xi32> to vector<16xi32>
    %broadcast_in_dim3A_92 = vector.shape_cast %get3A_86 : vector<16xi32> to vector<16x1xi32>
    %gather3A_93 = vector.shape_cast %broadcast_in_dim3A_92 : vector<16x1xi32> to vector<16xi32>
    %gather3A_94 = tpu.dynamic_gather %get3A_4[%gather3A_93] in [0] : vector<16xi32>, vector<16xi32> -> vector<16xi32>
    %add3A_95 = arith.addi %gather3A_94, %get3A_91 : vector<16xi32>
    %swap3A_96 = arith.constant 0 : i32
    %swap3A_97 = arith.index_cast %swap3A_96 : i32 to index
    %swap3A_98 = arith.constant 64 : index
    %swap3A_99 = tpu.vector_load %arg11[%swap3A_97, %swap3A_98] {strides = array<i32>} : memref<4x128xi32, #tpu.memory_space<vmem>>, vector<1x16xi32>,
    %swap3A_100 = vector.shape_cast %swap3A_99 : vector<1x16xi32> to vector<16xi32>
    %swap3A_101 = vector.shape_cast %add3A_95 : vector<16xi32> to vector<1x16xi32>
    tpu.vector_store %arg11[%swap3A_97, %swap3A_98], %swap3A_101 {strides = array<i32>} : memref<4x128xi32, #tpu.memory_space<vmem>>, vector<1x16xi32>,
    %get3A_102 = arith.constant 0 : i32
    %get3A_103 = arith.index_cast %get3A_102 : i32 to index
    %get3A_104 = arith.constant 80 : index
    %get3A_105 = tpu.vector_load %arg8[%get3A_103, %get3A_104] {strides = array<i32>} : memref<4x128xi32, #tpu.memory_space<vmem>>, vector<1x16xi32>,
    %get3A_106 = vector.shape_cast %get3A_105 : vector<1x16xi32> to vector<16xi32>
    %get3A_107 = arith.constant 0 : i32
    %get3A_108 = arith.index_cast %get3A_107 : i32 to index
    %get3A_109 = arith.constant 80 : index
    %get3A_110 = tpu.vector_load %arg9[%get3A_108, %get3A_109] {strides = array<i32>} : memref<4x128xi32, #tpu.memory_space<vmem>>, vector<1x16xi32>,
    %get3A_111 = vector.shape_cast %get3A_110 : vector<1x16xi32> to vector<16xi32>
    %broadcast_in_dim3A_112 = vector.shape_cast %get3A_106 : vector<16xi32> to vector<16x1xi32>
    %gather3A_113 = vector.shape_cast %broadcast_in_dim3A_112 : vector<16x1xi32> to vector<16xi32>
    %gather3A_114 = tpu.dynamic_gather %get3A_4[%gather3A_113] in [0] : vector<16xi32>, vector<16xi32> -> vector<16xi32>
    %add3A_115 = arith.addi %gather3A_114, %get3A_111 : vector<16xi32>
    %swap3A_116 = arith.constant 0 : i32
    %swap3A_117 = arith.index_cast %swap3A_116 : i32 to index
    %swap3A_118 = arith.constant 80 : index
    %swap3A_119 = tpu.vector_load %arg11[%swap3A_117, %swap3A_118] {strides = array<i32>} : memref<4x128xi32, #tpu.memory_space<vmem>>, vector<1x16xi32>,
    %swap3A_120 = vector.shape_cast %swap3A_119 : vector<1x16xi32> to vector<16xi32>
    %swap3A_121 = vector.shape_cast %add3A_115 : vector<16xi32> to vector<1x16xi32>
    tpu.vector_store %arg11[%swap3A_117, %swap3A_118], %swap3A_121 {strides = array<i32>} : memref<4x128xi32, #tpu.memory_space<vmem>>, vector<1x16xi32>,
    %get3A_122 = arith.constant 0 : i32
    %get3A_123 = arith.index_cast %get3A_122 : i32 to index
    %get3A_124 = arith.constant 96 : index
    %get3A_125 = tpu.vector_load %arg8[%get3A_123, %get3A_124] {strides = array<i32>} : memref<4x128xi32, #tpu.memory_space<vmem>>, vector<1x16xi32>,
    %get3A_126 = vector.shape_cast %get3A_125 : vector<1x16xi32> to vector<16xi32>
    %get3A_127 = arith.constant 0 : i32
    %get3A_128 = arith.index_cast %get3A_127 : i32 to index
    %get3A_129 = arith.constant 96 : index
    %get3A_130 = tpu.vector_load %arg9[%get3A_128, %get3A_129] {strides = array<i32>} : memref<4x128xi32, #tpu.memory_space<vmem>>, vector<1x16xi32>,
    %get3A_131 = vector.shape_cast %get3A_130 : vector<1x16xi32> to vector<16xi32>
    %broadcast_in_dim3A_132 = vector.shape_cast %get3A_126 : vector<16xi32> to vector<16x1xi32>
    %gather3A_133 = vector.shape_cast %broadcast_in_dim3A_132 : vector<16x1xi32> to vector<16xi32>
    %gather3A_134 = tpu.dynamic_gather %get3A_4[%gather3A_133] in [0] : vector<16xi32>, vector<16xi32> -> vector<16xi32>
    %add3A_135 = arith.addi %gather3A_134, %get3A_131 : vector<16xi32>
    %swap3A_136 = arith.constant 0 : i32
    %swap3A_137 = arith.index_cast %swap3A_136 : i32 to index
    %swap3A_138 = arith.constant 96 : index
    %swap3A_139 = tpu.vector_load %arg11[%swap3A_137, %swap3A_138] {strides = array<i32>} : memref<4x128xi32, #tpu.memory_space<vmem>>, vector<1x16xi32>,
    %swap3A_140 = vector.shape_cast %swap3A_139 : vector<1x16xi32> to vector<16xi32>
    %swap3A_141 = vector.shape_cast %add3A_135 : vector<16xi32> to vector<1x16xi32>
    tpu.vector_store %arg11[%swap3A_137, %swap3A_138], %swap3A_141 {strides = array<i32>} : memref<4x128xi32, #tpu.memory_space<vmem>>, vector<1x16xi32>,
    %get3A_142 = arith.constant 0 : i32
    %get3A_143 = arith.index_cast %get3A_142 : i32 to index
    %get3A_144 = arith.constant 112 : index
    %get3A_145 = tpu.vector_load %arg8[%get3A_143, %get3A_144] {strides = array<i32>} : memref<4x128xi32, #tpu.memory_space<vmem>>, vector<1x16xi32>,
    %get3A_146 = vector.shape_cast %get3A_145 : vector<1x16xi32> to vector<16xi32>
    %get3A_147 = arith.constant 0 : i32
    %get3A_148 = arith.index_cast %get3A_147 : i32 to index
    %get3A_149 = arith.constant 112 : index
    %get3A_150 = tpu.vector_load %arg9[%get3A_148, %get3A_149] {strides = array<i32>} : memref<4x128xi32, #tpu.memory_space<vmem>>, vector<1x16xi32>,
    %get3A_151 = vector.shape_cast %get3A_150 : vector<1x16xi32> to vector<16xi32>
    %broadcast_in_dim3A_152 = vector.shape_cast %get3A_146 : vector<16xi32> to vector<16x1xi32>
    %gather3A_153 = vector.shape_cast %broadcast_in_dim3A_152 : vector<16x1xi32> to vector<16xi32>
    %gather3A_154 = tpu.dynamic_gather %get3A_4[%gather3A_153] in [0] : vector<16xi32>, vector<16xi32> -> vector<16xi32>
    %add3A_155 = arith.addi %gather3A_154, %get3A_151 : vector<16xi32>
    %swap3A_156 = arith.constant 0 : i32
    %swap3A_157 = arith.index_cast %swap3A_156 : i32 to index
    %swap3A_158 = arith.constant 112 : index
    %swap3A_159 = tpu.vector_load %arg11[%swap3A_157, %swap3A_158] {strides = array<i32>} : memref<4x128xi32, #tpu.memory_space<vmem>>, vector<1x16xi32>,
    %swap3A_160 = vector.shape_cast %swap3A_159 : vector<1x16xi32> to vector<16xi32>
    %swap3A_161 = vector.shape_cast %add3A_155 : vector<16xi32> to vector<1x16xi32>
    tpu.vector_store %arg11[%swap3A_157, %swap3A_158], %swap3A_161 {strides = array<i32>} : memref<4x128xi32, #tpu.memory_space<vmem>>, vector<1x16xi32>,
    %get3A_162 = arith.constant 1 : i32
    %get3A_163 = arith.index_cast %get3A_162 : i32 to index
    %get3A_164 = arith.constant 0 : index
    %get3A_165 = tpu.vector_load %arg8[%get3A_163, %get3A_164] {strides = array<i32>} : memref<4x128xi32, #tpu.memory_space<vmem>>, vector<1x16xi32>,
    %get3A_166 = vector.shape_cast %get3A_165 : vector<1x16xi32> to vector<16xi32>
    %get3A_167 = arith.constant 1 : i32
    %get3A_168 = arith.index_cast %get3A_167 : i32 to index
    %get3A_169 = arith.constant 0 : index
    %get3A_170 = tpu.vector_load %arg9[%get3A_168, %get3A_169] {strides = array<i32>} : memref<4x128xi32, #tpu.memory_space<vmem>>, vector<1x16xi32>,
    %get3A_171 = vector.shape_cast %get3A_170 : vector<1x16xi32> to vector<16xi32>
    %broadcast_in_dim3A_172 = vector.shape_cast %get3A_166 : vector<16xi32> to vector<16x1xi32>
    %gather3A_173 = vector.shape_cast %broadcast_in_dim3A_172 : vector<16x1xi32> to vector<16xi32>
    %gather3A_174 = tpu.dynamic_gather %get3A_4[%gather3A_173] in [0] : vector<16xi32>, vector<16xi32> -> vector<16xi32>
    %add3A_175 = arith.addi %gather3A_174, %get3A_171 : vector<16xi32>
    %swap3A_176 = arith.constant 1 : i32
    %swap3A_177 = arith.index_cast %swap3A_176 : i32 to index
    %swap3A_178 = arith.constant 0 : index
    %swap3A_179 = tpu.vector_load %arg11[%swap3A_177, %swap3A_178] {strides = array<i32>} : memref<4x128xi32, #tpu.memory_space<vmem>>, vector<1x16xi32>,
    %swap3A_180 = vector.shape_cast %swap3A_179 : vector<1x16xi32> to vector<16xi32>
    %swap3A_181 = vector.shape_cast %add3A_175 : vector<16xi32> to vector<1x16xi32>
    tpu.vector_store %arg11[%swap3A_177, %swap3A_178], %swap3A_181 {strides = array<i32>} : memref<4x128xi32, #tpu.memory_space<vmem>>, vector<1x16xi32>,
    %get3A_182 = arith.constant 1 : i32
    %get3A_183 = arith.index_cast %get3A_182 : i32 to index
    %get3A_184 = arith.constant 16 : index
    %get3A_185 = tpu.vector_load %arg8[%get3A_183, %get3A_184] {strides = array<i32>} : memref<4x128xi32, #tpu.memory_space<vmem>>, vector<1x16xi32>,
    %get3A_186 = vector.shape_cast %get3A_185 : vector<1x16xi32> to vector<16xi32>
    %get3A_187 = arith.constant 1 : i32
    %get3A_188 = arith.index_cast %get3A_187 : i32 to index
    %get3A_189 = arith.constant 16 : index
    %get3A_190 = tpu.vector_load %arg9[%get3A_188, %get3A_189] {strides = array<i32>} : memref<4x128xi32, #tpu.memory_space<vmem>>, vector<1x16xi32>,
    %get3A_191 = vector.shape_cast %get3A_190 : vector<1x16xi32> to vector<16xi32>
    %broadcast_in_dim3A_192 = vector.shape_cast %get3A_186 : vector<16xi32> to vector<16x1xi32>
    %gather3A_193 = vector.shape_cast %broadcast_in_dim3A_192 : vector<16x1xi32> to vector<16xi32>
    %gather3A_194 = tpu.dynamic_gather %get3A_4[%gather3A_193] in [0] : vector<16xi32>, vector<16xi32> -> vector<16xi32>
    %add3A_195 = arith.addi %gather3A_194, %get3A_191 : vector<16xi32>
    %swap3A_196 = arith.constant 1 : i32
    %swap3A_197 = arith.index_cast %swap3A_196 : i32 to index
    %swap3A_198 = arith.constant 16 : index
    %swap3A_199 = tpu.vector_load %arg11[%swap3A_197, %swap3A_198] {strides = array<i32>} : memref<4x128xi32, #tpu.memory_space<vmem>>, vector<1x16xi32>,
    %swap3A_200 = vector.shape_cast %swap3A_199 : vector<1x16xi32> to vector<16xi32>
    %swap3A_201 = vector.shape_cast %add3A_195 : vector<16xi32> to vector<1x16xi32>
    tpu.vector_store %arg11[%swap3A_197, %swap3A_198], %swap3A_201 {strides = array<i32>} : memref<4x128xi32, #tpu.memory_space<vmem>>, vector<1x16xi32>,
    %get3A_202 = arith.constant 1 : i32
    %get3A_203 = arith.index_cast %get3A_202 : i32 to index
    %get3A_204 = arith.constant 32 : index
    %get3A_205 = tpu.vector_load %arg8[%get3A_203, %get3A_204] {strides = array<i32>} : memref<4x128xi32, #tpu.memory_space<vmem>>, vector<1x16xi32>,
    %get3A_206 = vector.shape_cast %get3A_205 : vector<1x16xi32> to vector<16xi32>
    %get3A_207 = arith.constant 1 : i32
    %get3A_208 = arith.index_cast %get3A_207 : i32 to index
    %get3A_209 = arith.constant 32 : index
    %get3A_210 = tpu.vector_load %arg9[%get3A_208, %get3A_209] {strides = array<i32>} : memref<4x128xi32, #tpu.memory_space<vmem>>, vector<1x16xi32>,
    %get3A_211 = vector.shape_cast %get3A_210 : vector<1x16xi32> to vector<16xi32>
    %broadcast_in_dim3A_212 = vector.shape_cast %get3A_206 : vector<16xi32> to vector<16x1xi32>
    %gather3A_213 = vector.shape_cast %broadcast_in_dim3A_212 : vector<16x1xi32> to vector<16xi32>
    %gather3A_214 = tpu.dynamic_gather %get3A_4[%gather3A_213] in [0] : vector<16xi32>, vector<16xi32> -> vector<16xi32>
    %add3A_215 = arith.addi %gather3A_214, %get3A_211 : vector<16xi32>
    %swap3A_216 = arith.constant 1 : i32
    %swap3A_217 = arith.index_cast %swap3A_216 : i32 to index
    %swap3A_218 = arith.constant 32 : index
    %swap3A_219 = tpu.vector_load %arg11[%swap3A_217, %swap3A_218] {strides = array<i32>} : memref<4x128xi32, #tpu.memory_space<vmem>>, vector<1x16xi32>,
    %swap3A_220 = vector.shape_cast %swap3A_219 : vector<1x16xi32> to vector<16xi32>
    %swap3A_221 = vector.shape_cast %add3A_215 : vector<16xi32> to vector<1x16xi32>
    tpu.vector_store %arg11[%swap3A_217, %swap3A_218], %swap3A_221 {strides = array<i32>} : memref<4x128xi32, #tpu.memory_space<vmem>>, vector<1x16xi32>,
    %get3A_222 = arith.constant 1 : i32
    %get3A_223 = arith.index_cast %get3A_222 : i32 to index
    %get3A_224 = arith.constant 48 : index
    %get3A_225 = tpu.vector_load %arg8[%get3A_223, %get3A_224] {strides = array<i32>} : memref<4x128xi32, #tpu.memory_space<vmem>>, vector<1x16xi32>,
    %get3A_226 = vector.shape_cast %get3A_225 : vector<1x16xi32> to vector<16xi32>
    %get3A_227 = arith.constant 1 : i32
    %get3A_228 = arith.index_cast %get3A_227 : i32 to index
    %get3A_229 = arith.constant 48 : index
    %get3A_230 = tpu.vector_load %arg9[%get3A_228, %get3A_229] {strides = array<i32>} : memref<4x128xi32, #tpu.memory_space<vmem>>, vector<1x16xi32>,
    %get3A_231 = vector.shape_cast %get3A_230 : vector<1x16xi32> to vector<16xi32>
    %broadcast_in_dim3A_232 = vector.shape_cast %get3A_226 : vector<16xi32> to vector<16x1xi32>
    %gather3A_233 = vector.shape_cast %broadcast_in_dim3A_232 : vector<16x1xi32> to vector<16xi32>
    %gather3A_234 = tpu.dynamic_gather %get3A_4[%gather3A_233] in [0] : vector<16xi32>, vector<16xi32> -> vector<16xi32>
    %add3A_235 = arith.addi %gather3A_234, %get3A_231 : vector<16xi32>
    %swap3A_236 = arith.constant 1 : i32
    %swap3A_237 = arith.index_cast %swap3A_236 : i32 to index
    %swap3A_238 = arith.constant 48 : index
    %swap3A_239 = tpu.vector_load %arg11[%swap3A_237, %swap3A_238] {strides = array<i32>} : memref<4x128xi32, #tpu.memory_space<vmem>>, vector<1x16xi32>,
    %swap3A_240 = vector.shape_cast %swap3A_239 : vector<1x16xi32> to vector<16xi32>
    %swap3A_241 = vector.shape_cast %add3A_235 : vector<16xi32> to vector<1x16xi32>
    tpu.vector_store %arg11[%swap3A_237, %swap3A_238], %swap3A_241 {strides = array<i32>} : memref<4x128xi32, #tpu.memory_space<vmem>>, vector<1x16xi32>,
    %get3A_242 = arith.constant 1 : i32
    %get3A_243 = arith.index_cast %get3A_242 : i32 to index
    %get3A_244 = arith.constant 64 : index
    %get3A_245 = tpu.vector_load %arg8[%get3A_243, %get3A_244] {strides = array<i32>} : memref<4x128xi32, #tpu.memory_space<vmem>>, vector<1x16xi32>,
    %get3A_246 = vector.shape_cast %get3A_245 : vector<1x16xi32> to vector<16xi32>
    %get3A_247 = arith.constant 1 : i32
    %get3A_248 = arith.index_cast %get3A_247 : i32 to index
    %get3A_249 = arith.constant 64 : index
    %get3A_250 = tpu.vector_load %arg9[%get3A_248, %get3A_249] {strides = array<i32>} : memref<4x128xi32, #tpu.memory_space<vmem>>, vector<1x16xi32>,
    %get3A_251 = vector.shape_cast %get3A_250 : vector<1x16xi32> to vector<16xi32>
    %broadcast_in_dim3A_252 = vector.shape_cast %get3A_246 : vector<16xi32> to vector<16x1xi32>
    %gather3A_253 = vector.shape_cast %broadcast_in_dim3A_252 : vector<16x1xi32> to vector<16xi32>
    %gather3A_254 = tpu.dynamic_gather %get3A_4[%gather3A_253] in [0] : vector<16xi32>, vector<16xi32> -> vector<16xi32>
    %add3A_255 = arith.addi %gather3A_254, %get3A_251 : vector<16xi32>
    %swap3A_256 = arith.constant 1 : i32
    %swap3A_257 = arith.index_cast %swap3A_256 : i32 to index
    %swap3A_258 = arith.constant 64 : index
    %swap3A_259 = tpu.vector_load %arg11[%swap3A_257, %swap3A_258] {strides = array<i32>} : memref<4x128xi32, #tpu.memory_space<vmem>>, vector<1x16xi32>,
    %swap3A_260 = vector.shape_cast %swap3A_259 : vector<1x16xi32> to vector<16xi32>
    %swap3A_261 = vector.shape_cast %add3A_255 : vector<16xi32> to vector<1x16xi32>
    tpu.vector_store %arg11[%swap3A_257, %swap3A_258], %swap3A_261 {strides = array<i32>} : memref<4x128xi32, #tpu.memory_space<vmem>>, vector<1x16xi32>,
    %get3A_262 = arith.constant 1 : i32
    %get3A_263 = arith.index_cast %get3A_262 : i32 to index
    %get3A_264 = arith.constant 80 : index
    %get3A_265 = tpu.vector_load %arg8[%get3A_263, %get3A_264] {strides = array<i32>} : memref<4x128xi32, #tpu.memory_space<vmem>>, vector<1x16xi32>,
    %get3A_266 = vector.shape_cast %get3A_265 : vector<1x16xi32> to vector<16xi32>
    %get3A_267 = arith.constant 1 : i32
    %get3A_268 = arith.index_cast %get3A_267 : i32 to index
    %get3A_269 = arith.constant 80 : index
    %get3A_270 = tpu.vector_load %arg9[%get3A_268, %get3A_269] {strides = array<i32>} : memref<4x128xi32, #tpu.memory_space<vmem>>, vector<1x16xi32>,
    %get3A_271 = vector.shape_cast %get3A_270 : vector<1x16xi32> to vector<16xi32>
    %broadcast_in_dim3A_272 = vector.shape_cast %get3A_266 : vector<16xi32> to vector<16x1xi32>
    %gather3A_273 = vector.shape_cast %broadcast_in_dim3A_272 : vector<16x1xi32> to vector<16xi32>
    %gather3A_274 = tpu.dynamic_gather %get3A_4[%gather3A_273] in [0] : vector<16xi32>, vector<16xi32> -> vector<16xi32>
    %add3A_275 = arith.addi %gather3A_274, %get3A_271 : vector<16xi32>
    %swap3A_276 = arith.constant 1 : i32
    %swap3A_277 = arith.index_cast %swap3A_276 : i32 to index
    %swap3A_278 = arith.constant 80 : index
    %swap3A_279 = tpu.vector_load %arg11[%swap3A_277, %swap3A_278] {strides = array<i32>} : memref<4x128xi32, #tpu.memory_space<vmem>>, vector<1x16xi32>,
    %swap3A_280 = vector.shape_cast %swap3A_279 : vector<1x16xi32> to vector<16xi32>
    %swap3A_281 = vector.shape_cast %add3A_275 : vector<16xi32> to vector<1x16xi32>
    tpu.vector_store %arg11[%swap3A_277, %swap3A_278], %swap3A_281 {strides = array<i32>} : memref<4x128xi32, #tpu.memory_space<vmem>>, vector<1x16xi32>,
    %get3A_282 = arith.constant 1 : i32
    %get3A_283 = arith.index_cast %get3A_282 : i32 to index
    %get3A_284 = arith.constant 96 : index
    %get3A_285 = tpu.vector_load %arg8[%get3A_283, %get3A_284] {strides = array<i32>} : memref<4x128xi32, #tpu.memory_space<vmem>>, vector<1x16xi32>,
    %get3A_286 = vector.shape_cast %get3A_285 : vector<1x16xi32> to vector<16xi32>
    %get3A_287 = arith.constant 1 : i32
    %get3A_288 = arith.index_cast %get3A_287 : i32 to index
    %get3A_289 = arith.constant 96 : index
    %get3A_290 = tpu.vector_load %arg9[%get3A_288, %get3A_289] {strides = array<i32>} : memref<4x128xi32, #tpu.memory_space<vmem>>, vector<1x16xi32>,
    %get3A_291 = vector.shape_cast %get3A_290 : vector<1x16xi32> to vector<16xi32>
    %broadcast_in_dim3A_292 = vector.shape_cast %get3A_286 : vector<16xi32> to vector<16x1xi32>
    %gather3A_293 = vector.shape_cast %broadcast_in_dim3A_292 : vector<16x1xi32> to vector<16xi32>
    %gather3A_294 = tpu.dynamic_gather %get3A_4[%gather3A_293] in [0] : vector<16xi32>, vector<16xi32> -> vector<16xi32>
    %add3A_295 = arith.addi %gather3A_294, %get3A_291 : vector<16xi32>
    %swap3A_296 = arith.constant 1 : i32
    %swap3A_297 = arith.index_cast %swap3A_296 : i32 to index
    %swap3A_298 = arith.constant 96 : index
    %swap3A_299 = tpu.vector_load %arg11[%swap3A_297, %swap3A_298] {strides = array<i32>} : memref<4x128xi32, #tpu.memory_space<vmem>>, vector<1x16xi32>,
    %swap3A_300 = vector.shape_cast %swap3A_299 : vector<1x16xi32> to vector<16xi32>
    %swap3A_301 = vector.shape_cast %add3A_295 : vector<16xi32> to vector<1x16xi32>
    tpu.vector_store %arg11[%swap3A_297, %swap3A_298], %swap3A_301 {strides = array<i32>} : memref<4x128xi32, #tpu.memory_space<vmem>>, vector<1x16xi32>,
    %get3A_302 = arith.constant 1 : i32
    %get3A_303 = arith.index_cast %get3A_302 : i32 to index
    %get3A_304 = arith.constant 112 : index
    %get3A_305 = tpu.vector_load %arg8[%get3A_303, %get3A_304] {strides = array<i32>} : memref<4x128xi32, #tpu.memory_space<vmem>>, vector<1x16xi32>,
    %get3A_306 = vector.shape_cast %get3A_305 : vector<1x16xi32> to vector<16xi32>
    %get3A_307 = arith.constant 1 : i32
    %get3A_308 = arith.index_cast %get3A_307 : i32 to index
    %get3A_309 = arith.constant 112 : index
    %get3A_310 = tpu.vector_load %arg9[%get3A_308, %get3A_309] {strides = array<i32>} : memref<4x128xi32, #tpu.memory_space<vmem>>, vector<1x16xi32>,
    %get3A_311 = vector.shape_cast %get3A_310 : vector<1x16xi32> to vector<16xi32>
    %broadcast_in_dim3A_312 = vector.shape_cast %get3A_306 : vector<16xi32> to vector<16x1xi32>
    %gather3A_313 = vector.shape_cast %broadcast_in_dim3A_312 : vector<16x1xi32> to vector<16xi32>
    %gather3A_314 = tpu.dynamic_gather %get3A_4[%gather3A_313] in [0] : vector<16xi32>, vector<16xi32> -> vector<16xi32>
    %add3A_315 = arith.addi %gather3A_314, %get3A_311 : vector<16xi32>
    %swap3A_316 = arith.constant 1 : i32
    %swap3A_317 = arith.index_cast %swap3A_316 : i32 to index
    %swap3A_318 = arith.constant 112 : index
    %swap3A_319 = tpu.vector_load %arg11[%swap3A_317, %swap3A_318] {strides = array<i32>} : memref<4x128xi32, #tpu.memory_space<vmem>>, vector<1x16xi32>,
    %swap3A_320 = vector.shape_cast %swap3A_319 : vector<1x16xi32> to vector<16xi32>
    %swap3A_321 = vector.shape_cast %add3A_315 : vector<16xi32> to vector<1x16xi32>
    tpu.vector_store %arg11[%swap3A_317, %swap3A_318], %swap3A_321 {strides = array<i32>} : memref<4x128xi32, #tpu.memory_space<vmem>>, vector<1x16xi32>,
    %get3A_322 = arith.constant 2 : i32
    %get3A_323 = arith.index_cast %get3A_322 : i32 to index
    %get3A_324 = arith.constant 0 : index
    %get3A_325 = tpu.vector_load %arg8[%get3A_323, %get3A_324] {strides = array<i32>} : memref<4x128xi32, #tpu.memory_space<vmem>>, vector<1x16xi32>,
    %get3A_326 = vector.shape_cast %get3A_325 : vector<1x16xi32> to vector<16xi32>
    %get3A_327 = arith.constant 2 : i32
    %get3A_328 = arith.index_cast %get3A_327 : i32 to index
    %get3A_329 = arith.constant 0 : index
    %get3A_330 = tpu.vector_load %arg9[%get3A_328, %get3A_329] {strides = array<i32>} : memref<4x128xi32, #tpu.memory_space<vmem>>, vector<1x16xi32>,
    %get3A_331 = vector.shape_cast %get3A_330 : vector<1x16xi32> to vector<16xi32>
    %broadcast_in_dim3A_332 = vector.shape_cast %get3A_326 : vector<16xi32> to vector<16x1xi32>
    %gather3A_333 = vector.shape_cast %broadcast_in_dim3A_332 : vector<16x1xi32> to vector<16xi32>
    %gather3A_334 = tpu.dynamic_gather %get3A_4[%gather3A_333] in [0] : vector<16xi32>, vector<16xi32> -> vector<16xi32>
    %add3A_335 = arith.addi %gather3A_334, %get3A_331 : vector<16xi32>
    %swap3A_336 = arith.constant 2 : i32
    %swap3A_337 = arith.index_cast %swap3A_336 : i32 to index
    %swap3A_338 = arith.constant 0 : index
    %swap3A_339 = tpu.vector_load %arg11[%swap3A_337, %swap3A_338] {strides = array<i32>} : memref<4x128xi32, #tpu.memory_space<vmem>>, vector<1x16xi32>,
    %swap3A_340 = vector.shape_cast %swap3A_339 : vector<1x16xi32> to vector<16xi32>
    %swap3A_341 = vector.shape_cast %add3A_335 : vector<16xi32> to vector<1x16xi32>
    tpu.vector_store %arg11[%swap3A_337, %swap3A_338], %swap3A_341 {strides = array<i32>} : memref<4x128xi32, #tpu.memory_space<vmem>>, vector<1x16xi32>,
    %get3A_342 = arith.constant 2 : i32
    %get3A_343 = arith.index_cast %get3A_342 : i32 to index
    %get3A_344 = arith.constant 16 : index
    %get3A_345 = tpu.vector_load %arg8[%get3A_343, %get3A_344] {strides = array<i32>} : memref<4x128xi32, #tpu.memory_space<vmem>>, vector<1x16xi32>,
    %get3A_346 = vector.shape_cast %get3A_345 : vector<1x16xi32> to vector<16xi32>
    %get3A_347 = arith.constant 2 : i32
    %get3A_348 = arith.index_cast %get3A_347 : i32 to index
    %get3A_349 = arith.constant 16 : index
    %get3A_350 = tpu.vector_load %arg9[%get3A_348, %get3A_349] {strides = array<i32>} : memref<4x128xi32, #tpu.memory_space<vmem>>, vector<1x16xi32>,
    %get3A_351 = vector.shape_cast %get3A_350 : vector<1x16xi32> to vector<16xi32>
    %broadcast_in_dim3A_352 = vector.shape_cast %get3A_346 : vector<16xi32> to vector<16x1xi32>
    %gather3A_353 = vector.shape_cast %broadcast_in_dim3A_352 : vector<16x1xi32> to vector<16xi32>
    %gather3A_354 = tpu.dynamic_gather %get3A_4[%gather3A_353] in [0] : vector<16xi32>, vector<16xi32> -> vector<16xi32>
    %add3A_355 = arith.addi %gather3A_354, %get3A_351 : vector<16xi32>
    %swap3A_356 = arith.constant 2 : i32
    %swap3A_357 = arith.index_cast %swap3A_356 : i32 to index
    %swap3A_358 = arith.constant 16 : index
    %swap3A_359 = tpu.vector_load %arg11[%swap3A_357, %swap3A_358] {strides = array<i32>} : memref<4x128xi32, #tpu.memory_space<vmem>>, vector<1x16xi32>,
    %swap3A_360 = vector.shape_cast %swap3A_359 : vector<1x16xi32> to vector<16xi32>
    %swap3A_361 = vector.shape_cast %add3A_355 : vector<16xi32> to vector<1x16xi32>
    tpu.vector_store %arg11[%swap3A_357, %swap3A_358], %swap3A_361 {strides = array<i32>} : memref<4x128xi32, #tpu.memory_space<vmem>>, vector<1x16xi32>,
    %get3A_362 = arith.constant 2 : i32
    %get3A_363 = arith.index_cast %get3A_362 : i32 to index
    %get3A_364 = arith.constant 32 : index
    %get3A_365 = tpu.vector_load %arg8[%get3A_363, %get3A_364] {strides = array<i32>} : memref<4x128xi32, #tpu.memory_space<vmem>>, vector<1x16xi32>,
    %get3A_366 = vector.shape_cast %get3A_365 : vector<1x16xi32> to vector<16xi32>
    %get3A_367 = arith.constant 2 : i32
    %get3A_368 = arith.index_cast %get3A_367 : i32 to index
    %get3A_369 = arith.constant 32 : index
    %get3A_370 = tpu.vector_load %arg9[%get3A_368, %get3A_369] {strides = array<i32>} : memref<4x128xi32, #tpu.memory_space<vmem>>, vector<1x16xi32>,
    %get3A_371 = vector.shape_cast %get3A_370 : vector<1x16xi32> to vector<16xi32>
    %broadcast_in_dim3A_372 = vector.shape_cast %get3A_366 : vector<16xi32> to vector<16x1xi32>
    %gather3A_373 = vector.shape_cast %broadcast_in_dim3A_372 : vector<16x1xi32> to vector<16xi32>
    %gather3A_374 = tpu.dynamic_gather %get3A_4[%gather3A_373] in [0] : vector<16xi32>, vector<16xi32> -> vector<16xi32>
    %add3A_375 = arith.addi %gather3A_374, %get3A_371 : vector<16xi32>
    %swap3A_376 = arith.constant 2 : i32
    %swap3A_377 = arith.index_cast %swap3A_376 : i32 to index
    %swap3A_378 = arith.constant 32 : index
    %swap3A_379 = tpu.vector_load %arg11[%swap3A_377, %swap3A_378] {strides = array<i32>} : memref<4x128xi32, #tpu.memory_space<vmem>>, vector<1x16xi32>,
    %swap3A_380 = vector.shape_cast %swap3A_379 : vector<1x16xi32> to vector<16xi32>
    %swap3A_381 = vector.shape_cast %add3A_375 : vector<16xi32> to vector<1x16xi32>
    tpu.vector_store %arg11[%swap3A_377, %swap3A_378], %swap3A_381 {strides = array<i32>} : memref<4x128xi32, #tpu.memory_space<vmem>>, vector<1x16xi32>,
    %get3A_382 = arith.constant 2 : i32
    %get3A_383 = arith.index_cast %get3A_382 : i32 to index
    %get3A_384 = arith.constant 48 : index
    %get3A_385 = tpu.vector_load %arg8[%get3A_383, %get3A_384] {strides = array<i32>} : memref<4x128xi32, #tpu.memory_space<vmem>>, vector<1x16xi32>,
    %get3A_386 = vector.shape_cast %get3A_385 : vector<1x16xi32> to vector<16xi32>
    %get3A_387 = arith.constant 2 : i32
    %get3A_388 = arith.index_cast %get3A_387 : i32 to index
    %get3A_389 = arith.constant 48 : index
    %get3A_390 = tpu.vector_load %arg9[%get3A_388, %get3A_389] {strides = array<i32>} : memref<4x128xi32, #tpu.memory_space<vmem>>, vector<1x16xi32>,
    %get3A_391 = vector.shape_cast %get3A_390 : vector<1x16xi32> to vector<16xi32>
    %broadcast_in_dim3A_392 = vector.shape_cast %get3A_386 : vector<16xi32> to vector<16x1xi32>
    %gather3A_393 = vector.shape_cast %broadcast_in_dim3A_392 : vector<16x1xi32> to vector<16xi32>
    %gather3A_394 = tpu.dynamic_gather %get3A_4[%gather3A_393] in [0] : vector<16xi32>, vector<16xi32> -> vector<16xi32>
    %add3A_395 = arith.addi %gather3A_394, %get3A_391 : vector<16xi32>
    %swap3A_396 = arith.constant 2 : i32
    %swap3A_397 = arith.index_cast %swap3A_396 : i32 to index
    %swap3A_398 = arith.constant 48 : index
    %swap3A_399 = tpu.vector_load %arg11[%swap3A_397, %swap3A_398] {strides = array<i32>} : memref<4x128xi32, #tpu.memory_space<vmem>>, vector<1x16xi32>,
    %swap3A_400 = vector.shape_cast %swap3A_399 : vector<1x16xi32> to vector<16xi32>
    %swap3A_401 = vector.shape_cast %add3A_395 : vector<16xi32> to vector<1x16xi32>
    tpu.vector_store %arg11[%swap3A_397, %swap3A_398], %swap3A_401 {strides = array<i32>} : memref<4x128xi32, #tpu.memory_space<vmem>>, vector<1x16xi32>,
    %get3A_402 = arith.constant 2 : i32
    %get3A_403 = arith.index_cast %get3A_402 : i32 to index
    %get3A_404 = arith.constant 64 : index
    %get3A_405 = tpu.vector_load %arg8[%get3A_403, %get3A_404] {strides = array<i32>} : memref<4x128xi32, #tpu.memory_space<vmem>>, vector<1x16xi32>,
    %get3A_406 = vector.shape_cast %get3A_405 : vector<1x16xi32> to vector<16xi32>
    %get3A_407 = arith.constant 2 : i32
    %get3A_408 = arith.index_cast %get3A_407 : i32 to index
    %get3A_409 = arith.constant 64 : index
    %get3A_410 = tpu.vector_load %arg9[%get3A_408, %get3A_409] {strides = array<i32>} : memref<4x128xi32, #tpu.memory_space<vmem>>, vector<1x16xi32>,
    %get3A_411 = vector.shape_cast %get3A_410 : vector<1x16xi32> to vector<16xi32>
    %broadcast_in_dim3A_412 = vector.shape_cast %get3A_406 : vector<16xi32> to vector<16x1xi32>
    %gather3A_413 = vector.shape_cast %broadcast_in_dim3A_412 : vector<16x1xi32> to vector<16xi32>
    %gather3A_414 = tpu.dynamic_gather %get3A_4[%gather3A_413] in [0] : vector<16xi32>, vector<16xi32> -> vector<16xi32>
    %add3A_415 = arith.addi %gather3A_414, %get3A_411 : vector<16xi32>
    %swap3A_416 = arith.constant 2 : i32
    %swap3A_417 = arith.index_cast %swap3A_416 : i32 to index
    %swap3A_418 = arith.constant 64 : index
    %swap3A_419 = tpu.vector_load %arg11[%swap3A_417, %swap3A_418] {strides = array<i32>} : memref<4x128xi32, #tpu.memory_space<vmem>>, vector<1x16xi32>,
    %swap3A_420 = vector.shape_cast %swap3A_419 : vector<1x16xi32> to vector<16xi32>
    %swap3A_421 = vector.shape_cast %add3A_415 : vector<16xi32> to vector<1x16xi32>
    tpu.vector_store %arg11[%swap3A_417, %swap3A_418], %swap3A_421 {strides = array<i32>} : memref<4x128xi32, #tpu.memory_space<vmem>>, vector<1x16xi32>,
    %get3A_422 = arith.constant 2 : i32
    %get3A_423 = arith.index_cast %get3A_422 : i32 to index
    %get3A_424 = arith.constant 80 : index
    %get3A_425 = tpu.vector_load %arg8[%get3A_423, %get3A_424] {strides = array<i32>} : memref<4x128xi32, #tpu.memory_space<vmem>>, vector<1x16xi32>,
    %get3A_426 = vector.shape_cast %get3A_425 : vector<1x16xi32> to vector<16xi32>
    %get3A_427 = arith.constant 2 : i32
    %get3A_428 = arith.index_cast %get3A_427 : i32 to index
    %get3A_429 = arith.constant 80 : index
    %get3A_430 = tpu.vector_load %arg9[%get3A_428, %get3A_429] {strides = array<i32>} : memref<4x128xi32, #tpu.memory_space<vmem>>, vector<1x16xi32>,
    %get3A_431 = vector.shape_cast %get3A_430 : vector<1x16xi32> to vector<16xi32>
    %broadcast_in_dim3A_432 = vector.shape_cast %get3A_426 : vector<16xi32> to vector<16x1xi32>
    %gather3A_433 = vector.shape_cast %broadcast_in_dim3A_432 : vector<16x1xi32> to vector<16xi32>
    %gather3A_434 = tpu.dynamic_gather %get3A_4[%gather3A_433] in [0] : vector<16xi32>, vector<16xi32> -> vector<16xi32>
    %add3A_435 = arith.addi %gather3A_434, %get3A_431 : vector<16xi32>
    %swap3A_436 = arith.constant 2 : i32
    %swap3A_437 = arith.index_cast %swap3A_436 : i32 to index
    %swap3A_438 = arith.constant 80 : index
    %swap3A_439 = tpu.vector_load %arg11[%swap3A_437, %swap3A_438] {strides = array<i32>} : memref<4x128xi32, #tpu.memory_space<vmem>>, vector<1x16xi32>,
    %swap3A_440 = vector.shape_cast %swap3A_439 : vector<1x16xi32> to vector<16xi32>
    %swap3A_441 = vector.shape_cast %add3A_435 : vector<16xi32> to vector<1x16xi32>
    tpu.vector_store %arg11[%swap3A_437, %swap3A_438], %swap3A_441 {strides = array<i32>} : memref<4x128xi32, #tpu.memory_space<vmem>>, vector<1x16xi32>,
    %get3A_442 = arith.constant 2 : i32
    %get3A_443 = arith.index_cast %get3A_442 : i32 to index
    %get3A_444 = arith.constant 96 : index
    %get3A_445 = tpu.vector_load %arg8[%get3A_443, %get3A_444] {strides = array<i32>} : memref<4x128xi32, #tpu.memory_space<vmem>>, vector<1x16xi32>,
    %get3A_446 = vector.shape_cast %get3A_445 : vector<1x16xi32> to vector<16xi32>
    %get3A_447 = arith.constant 2 : i32
    %get3A_448 = arith.index_cast %get3A_447 : i32 to index
    %get3A_449 = arith.constant 96 : index
    %get3A_450 = tpu.vector_load %arg9[%get3A_448, %get3A_449] {strides = array<i32>} : memref<4x128xi32, #tpu.memory_space<vmem>>, vector<1x16xi32>,
    %get3A_451 = vector.shape_cast %get3A_450 : vector<1x16xi32> to vector<16xi32>
    %broadcast_in_dim3A_452 = vector.shape_cast %get3A_446 : vector<16xi32> to vector<16x1xi32>
    %gather3A_453 = vector.shape_cast %broadcast_in_dim3A_452 : vector<16x1xi32> to vector<16xi32>
    %gather3A_454 = tpu.dynamic_gather %get3A_4[%gather3A_453] in [0] : vector<16xi32>, vector<16xi32> -> vector<16xi32>
    %add3A_455 = arith.addi %gather3A_454, %get3A_451 : vector<16xi32>
    %swap3A_456 = arith.constant 2 : i32
    %swap3A_457 = arith.index_cast %swap3A_456 : i32 to index
    %swap3A_458 = arith.constant 96 : index
    %swap3A_459 = tpu.vector_load %arg11[%swap3A_457, %swap3A_458] {strides = array<i32>} : memref<4x128xi32, #tpu.memory_space<vmem>>, vector<1x16xi32>,
    %swap3A_460 = vector.shape_cast %swap3A_459 : vector<1x16xi32> to vector<16xi32>
    %swap3A_461 = vector.shape_cast %add3A_455 : vector<16xi32> to vector<1x16xi32>
    tpu.vector_store %arg11[%swap3A_457, %swap3A_458], %swap3A_461 {strides = array<i32>} : memref<4x128xi32, #tpu.memory_space<vmem>>, vector<1x16xi32>,
    %get3A_462 = arith.constant 2 : i32
    %get3A_463 = arith.index_cast %get3A_462 : i32 to index
    %get3A_464 = arith.constant 112 : index
    %get3A_465 = tpu.vector_load %arg8[%get3A_463, %get3A_464] {strides = array<i32>} : memref<4x128xi32, #tpu.memory_space<vmem>>, vector<1x16xi32>,
    %get3A_466 = vector.shape_cast %get3A_465 : vector<1x16xi32> to vector<16xi32>
    %get3A_467 = arith.constant 2 : i32
    %get3A_468 = arith.index_cast %get3A_467 : i32 to index
    %get3A_469 = arith.constant 112 : index
    %get3A_470 = tpu.vector_load %arg9[%get3A_468, %get3A_469] {strides = array<i32>} : memref<4x128xi32, #tpu.memory_space<vmem>>, vector<1x16xi32>,
    %get3A_471 = vector.shape_cast %get3A_470 : vector<1x16xi32> to vector<16xi32>
    %broadcast_in_dim3A_472 = vector.shape_cast %get3A_466 : vector<16xi32> to vector<16x1xi32>
    %gather3A_473 = vector.shape_cast %broadcast_in_dim3A_472 : vector<16x1xi32> to vector<16xi32>
    %gather3A_474 = tpu.dynamic_gather %get3A_4[%gather3A_473] in [0] : vector<16xi32>, vector<16xi32> -> vector<16xi32>
    %add3A_475 = arith.addi %gather3A_474, %get3A_471 : vector<16xi32>
    %swap3A_476 = arith.constant 2 : i32
    %swap3A_477 = arith.index_cast %swap3A_476 : i32 to index
    %swap3A_478 = arith.constant 112 : index
    %swap3A_479 = tpu.vector_load %arg11[%swap3A_477, %swap3A_478] {strides = array<i32>} : memref<4x128xi32, #tpu.memory_space<vmem>>, vector<1x16xi32>,
    %swap3A_480 = vector.shape_cast %swap3A_479 : vector<1x16xi32> to vector<16xi32>
    %swap3A_481 = vector.shape_cast %add3A_475 : vector<16xi32> to vector<1x16xi32>
    tpu.vector_store %arg11[%swap3A_477, %swap3A_478], %swap3A_481 {strides = array<i32>} : memref<4x128xi32, #tpu.memory_space<vmem>>, vector<1x16xi32>,
    %get3A_482 = arith.constant 3 : i32
    %get3A_483 = arith.index_cast %get3A_482 : i32 to index
    %get3A_484 = arith.constant 0 : index
    %get3A_485 = tpu.vector_load %arg8[%get3A_483, %get3A_484] {strides = array<i32>} : memref<4x128xi32, #tpu.memory_space<vmem>>, vector<1x16xi32>,
    %get3A_486 = vector.shape_cast %get3A_485 : vector<1x16xi32> to vector<16xi32>
    %get3A_487 = arith.constant 3 : i32
    %get3A_488 = arith.index_cast %get3A_487 : i32 to index
    %get3A_489 = arith.constant 0 : index
    %get3A_490 = tpu.vector_load %arg9[%get3A_488, %get3A_489] {strides = array<i32>} : memref<4x128xi32, #tpu.memory_space<vmem>>, vector<1x16xi32>,
    %get3A_491 = vector.shape_cast %get3A_490 : vector<1x16xi32> to vector<16xi32>
    %broadcast_in_dim3A_492 = vector.shape_cast %get3A_486 : vector<16xi32> to vector<16x1xi32>
    %gather3A_493 = vector.shape_cast %broadcast_in_dim3A_492 : vector<16x1xi32> to vector<16xi32>
    %gather3A_494 = tpu.dynamic_gather %get3A_4[%gather3A_493] in [0] : vector<16xi32>, vector<16xi32> -> vector<16xi32>
    %add3A_495 = arith.addi %gather3A_494, %get3A_491 : vector<16xi32>
    %swap3A_496 = arith.constant 3 : i32
    %swap3A_497 = arith.index_cast %swap3A_496 : i32 to index
    %swap3A_498 = arith.constant 0 : index
    %swap3A_499 = tpu.vector_load %arg11[%swap3A_497, %swap3A_498] {strides = array<i32>} : memref<4x128xi32, #tpu.memory_space<vmem>>, vector<1x16xi32>,
    %swap3A_500 = vector.shape_cast %swap3A_499 : vector<1x16xi32> to vector<16xi32>
    %swap3A_501 = vector.shape_cast %add3A_495 : vector<16xi32> to vector<1x16xi32>
    tpu.vector_store %arg11[%swap3A_497, %swap3A_498], %swap3A_501 {strides = array<i32>} : memref<4x128xi32, #tpu.memory_space<vmem>>, vector<1x16xi32>,
    %get3A_502 = arith.constant 3 : i32
    %get3A_503 = arith.index_cast %get3A_502 : i32 to index
    %get3A_504 = arith.constant 16 : index
    %get3A_505 = tpu.vector_load %arg8[%get3A_503, %get3A_504] {strides = array<i32>} : memref<4x128xi32, #tpu.memory_space<vmem>>, vector<1x16xi32>,
    %get3A_506 = vector.shape_cast %get3A_505 : vector<1x16xi32> to vector<16xi32>
    %get3A_507 = arith.constant 3 : i32
    %get3A_508 = arith.index_cast %get3A_507 : i32 to index
    %get3A_509 = arith.constant 16 : index
    %get3A_510 = tpu.vector_load %arg9[%get3A_508, %get3A_509] {strides = array<i32>} : memref<4x128xi32, #tpu.memory_space<vmem>>, vector<1x16xi32>,
    %get3A_511 = vector.shape_cast %get3A_510 : vector<1x16xi32> to vector<16xi32>
    %broadcast_in_dim3A_512 = vector.shape_cast %get3A_506 : vector<16xi32> to vector<16x1xi32>
    %gather3A_513 = vector.shape_cast %broadcast_in_dim3A_512 : vector<16x1xi32> to vector<16xi32>
    %gather3A_514 = tpu.dynamic_gather %get3A_4[%gather3A_513] in [0] : vector<16xi32>, vector<16xi32> -> vector<16xi32>
    %add3A_515 = arith.addi %gather3A_514, %get3A_511 : vector<16xi32>
    %swap3A_516 = arith.constant 3 : i32
    %swap3A_517 = arith.index_cast %swap3A_516 : i32 to index
    %swap3A_518 = arith.constant 16 : index
    %swap3A_519 = tpu.vector_load %arg11[%swap3A_517, %swap3A_518] {strides = array<i32>} : memref<4x128xi32, #tpu.memory_space<vmem>>, vector<1x16xi32>,
    %swap3A_520 = vector.shape_cast %swap3A_519 : vector<1x16xi32> to vector<16xi32>
    %swap3A_521 = vector.shape_cast %add3A_515 : vector<16xi32> to vector<1x16xi32>
    tpu.vector_store %arg11[%swap3A_517, %swap3A_518], %swap3A_521 {strides = array<i32>} : memref<4x128xi32, #tpu.memory_space<vmem>>, vector<1x16xi32>,
    %get3A_522 = arith.constant 3 : i32
    %get3A_523 = arith.index_cast %get3A_522 : i32 to index
    %get3A_524 = arith.constant 32 : index
    %get3A_525 = tpu.vector_load %arg8[%get3A_523, %get3A_524] {strides = array<i32>} : memref<4x128xi32, #tpu.memory_space<vmem>>, vector<1x16xi32>,
    %get3A_526 = vector.shape_cast %get3A_525 : vector<1x16xi32> to vector<16xi32>
    %get3A_527 = arith.constant 3 : i32
    %get3A_528 = arith.index_cast %get3A_527 : i32 to index
    %get3A_529 = arith.constant 32 : index
    %get3A_530 = tpu.vector_load %arg9[%get3A_528, %get3A_529] {strides = array<i32>} : memref<4x128xi32, #tpu.memory_space<vmem>>, vector<1x16xi32>,
    %get3A_531 = vector.shape_cast %get3A_530 : vector<1x16xi32> to vector<16xi32>
    %broadcast_in_dim3A_532 = vector.shape_cast %get3A_526 : vector<16xi32> to vector<16x1xi32>
    %gather3A_533 = vector.shape_cast %broadcast_in_dim3A_532 : vector<16x1xi32> to vector<16xi32>
    %gather3A_534 = tpu.dynamic_gather %get3A_4[%gather3A_533] in [0] : vector<16xi32>, vector<16xi32> -> vector<16xi32>
    %add3A_535 = arith.addi %gather3A_534, %get3A_531 : vector<16xi32>
    %swap3A_536 = arith.constant 3 : i32
    %swap3A_537 = arith.index_cast %swap3A_536 : i32 to index
    %swap3A_538 = arith.constant 32 : index
    %swap3A_539 = tpu.vector_load %arg11[%swap3A_537, %swap3A_538] {strides = array<i32>} : memref<4x128xi32, #tpu.memory_space<vmem>>, vector<1x16xi32>,
    %swap3A_540 = vector.shape_cast %swap3A_539 : vector<1x16xi32> to vector<16xi32>
    %swap3A_541 = vector.shape_cast %add3A_535 : vector<16xi32> to vector<1x16xi32>
    tpu.vector_store %arg11[%swap3A_537, %swap3A_538], %swap3A_541 {strides = array<i32>} : memref<4x128xi32, #tpu.memory_space<vmem>>, vector<1x16xi32>,
    %get3A_542 = arith.constant 3 : i32
    %get3A_543 = arith.index_cast %get3A_542 : i32 to index
    %get3A_544 = arith.constant 48 : index
    %get3A_545 = tpu.vector_load %arg8[%get3A_543, %get3A_544] {strides = array<i32>} : memref<4x128xi32, #tpu.memory_space<vmem>>, vector<1x16xi32>,
    %get3A_546 = vector.shape_cast %get3A_545 : vector<1x16xi32> to vector<16xi32>
    %get3A_547 = arith.constant 3 : i32
    %get3A_548 = arith.index_cast %get3A_547 : i32 to index
    %get3A_549 = arith.constant 48 : index
    %get3A_550 = tpu.vector_load %arg9[%get3A_548, %get3A_549] {strides = array<i32>} : memref<4x128xi32, #tpu.memory_space<vmem>>, vector<1x16xi32>,
    %get3A_551 = vector.shape_cast %get3A_550 : vector<1x16xi32> to vector<16xi32>
    %broadcast_in_dim3A_552 = vector.shape_cast %get3A_546 : vector<16xi32> to vector<16x1xi32>
    %gather3A_553 = vector.shape_cast %broadcast_in_dim3A_552 : vector<16x1xi32> to vector<16xi32>
    %gather3A_554 = tpu.dynamic_gather %get3A_4[%gather3A_553] in [0] : vector<16xi32>, vector<16xi32> -> vector<16xi32>
    %add3A_555 = arith.addi %gather3A_554, %get3A_551 : vector<16xi32>
    %swap3A_556 = arith.constant 3 : i32
    %swap3A_557 = arith.index_cast %swap3A_556 : i32 to index
    %swap3A_558 = arith.constant 48 : index
    %swap3A_559 = tpu.vector_load %arg11[%swap3A_557, %swap3A_558] {strides = array<i32>} : memref<4x128xi32, #tpu.memory_space<vmem>>, vector<1x16xi32>,
    %swap3A_560 = vector.shape_cast %swap3A_559 : vector<1x16xi32> to vector<16xi32>
    %swap3A_561 = vector.shape_cast %add3A_555 : vector<16xi32> to vector<1x16xi32>
    tpu.vector_store %arg11[%swap3A_557, %swap3A_558], %swap3A_561 {strides = array<i32>} : memref<4x128xi32, #tpu.memory_space<vmem>>, vector<1x16xi32>,
    %get3A_562 = arith.constant 3 : i32
    %get3A_563 = arith.index_cast %get3A_562 : i32 to index
    %get3A_564 = arith.constant 64 : index
    %get3A_565 = tpu.vector_load %arg8[%get3A_563, %get3A_564] {strides = array<i32>} : memref<4x128xi32, #tpu.memory_space<vmem>>, vector<1x16xi32>,
    %get3A_566 = vector.shape_cast %get3A_565 : vector<1x16xi32> to vector<16xi32>
    %get3A_567 = arith.constant 3 : i32
    %get3A_568 = arith.index_cast %get3A_567 : i32 to index
    %get3A_569 = arith.constant 64 : index
    %get3A_570 = tpu.vector_load %arg9[%get3A_568, %get3A_569] {strides = array<i32>} : memref<4x128xi32, #tpu.memory_space<vmem>>, vector<1x16xi32>,
    %get3A_571 = vector.shape_cast %get3A_570 : vector<1x16xi32> to vector<16xi32>
    %broadcast_in_dim3A_572 = vector.shape_cast %get3A_566 : vector<16xi32> to vector<16x1xi32>
    %gather3A_573 = vector.shape_cast %broadcast_in_dim3A_572 : vector<16x1xi32> to vector<16xi32>
    %gather3A_574 = tpu.dynamic_gather %get3A_4[%gather3A_573] in [0] : vector<16xi32>, vector<16xi32> -> vector<16xi32>
    %add3A_575 = arith.addi %gather3A_574, %get3A_571 : vector<16xi32>
    %swap3A_576 = arith.constant 3 : i32
    %swap3A_577 = arith.index_cast %swap3A_576 : i32 to index
    %swap3A_578 = arith.constant 64 : index
    %swap3A_579 = tpu.vector_load %arg11[%swap3A_577, %swap3A_578] {strides = array<i32>} : memref<4x128xi32, #tpu.memory_space<vmem>>, vector<1x16xi32>,
    %swap3A_580 = vector.shape_cast %swap3A_579 : vector<1x16xi32> to vector<16xi32>
    %swap3A_581 = vector.shape_cast %add3A_575 : vector<16xi32> to vector<1x16xi32>
    tpu.vector_store %arg11[%swap3A_577, %swap3A_578], %swap3A_581 {strides = array<i32>} : memref<4x128xi32, #tpu.memory_space<vmem>>, vector<1x16xi32>,
    %get3A_582 = arith.constant 3 : i32
    %get3A_583 = arith.index_cast %get3A_582 : i32 to index
    %get3A_584 = arith.constant 80 : index
    %get3A_585 = tpu.vector_load %arg8[%get3A_583, %get3A_584] {strides = array<i32>} : memref<4x128xi32, #tpu.memory_space<vmem>>, vector<1x16xi32>,
    %get3A_586 = vector.shape_cast %get3A_585 : vector<1x16xi32> to vector<16xi32>
    %get3A_587 = arith.constant 3 : i32
    %get3A_588 = arith.index_cast %get3A_587 : i32 to index
    %get3A_589 = arith.constant 80 : index
    %get3A_590 = tpu.vector_load %arg9[%get3A_588, %get3A_589] {strides = array<i32>} : memref<4x128xi32, #tpu.memory_space<vmem>>, vector<1x16xi32>,
    %get3A_591 = vector.shape_cast %get3A_590 : vector<1x16xi32> to vector<16xi32>
    %broadcast_in_dim3A_592 = vector.shape_cast %get3A_586 : vector<16xi32> to vector<16x1xi32>
    %gather3A_593 = vector.shape_cast %broadcast_in_dim3A_592 : vector<16x1xi32> to vector<16xi32>
    %gather3A_594 = tpu.dynamic_gather %get3A_4[%gather3A_593] in [0] : vector<16xi32>, vector<16xi32> -> vector<16xi32>
    %add3A_595 = arith.addi %gather3A_594, %get3A_591 : vector<16xi32>
    %swap3A_596 = arith.constant 3 : i32
    %swap3A_597 = arith.index_cast %swap3A_596 : i32 to index
    %swap3A_598 = arith.constant 80 : index
    %swap3A_599 = tpu.vector_load %arg11[%swap3A_597, %swap3A_598] {strides = array<i32>} : memref<4x128xi32, #tpu.memory_space<vmem>>, vector<1x16xi32>,
    %swap3A_600 = vector.shape_cast %swap3A_599 : vector<1x16xi32> to vector<16xi32>
    %swap3A_601 = vector.shape_cast %add3A_595 : vector<16xi32> to vector<1x16xi32>
    tpu.vector_store %arg11[%swap3A_597, %swap3A_598], %swap3A_601 {strides = array<i32>} : memref<4x128xi32, #tpu.memory_space<vmem>>, vector<1x16xi32>,
    %get3A_602 = arith.constant 3 : i32
    %get3A_603 = arith.index_cast %get3A_602 : i32 to index
    %get3A_604 = arith.constant 96 : index
    %get3A_605 = tpu.vector_load %arg8[%get3A_603, %get3A_604] {strides = array<i32>} : memref<4x128xi32, #tpu.memory_space<vmem>>, vector<1x16xi32>,
    %get3A_606 = vector.shape_cast %get3A_605 : vector<1x16xi32> to vector<16xi32>
    %get3A_607 = arith.constant 3 : i32
    %get3A_608 = arith.index_cast %get3A_607 : i32 to index
    %get3A_609 = arith.constant 96 : index
    %get3A_610 = tpu.vector_load %arg9[%get3A_608, %get3A_609] {strides = array<i32>} : memref<4x128xi32, #tpu.memory_space<vmem>>, vector<1x16xi32>,
    %get3A_611 = vector.shape_cast %get3A_610 : vector<1x16xi32> to vector<16xi32>
    %broadcast_in_dim3A_612 = vector.shape_cast %get3A_606 : vector<16xi32> to vector<16x1xi32>
    %gather3A_613 = vector.shape_cast %broadcast_in_dim3A_612 : vector<16x1xi32> to vector<16xi32>
    %gather3A_614 = tpu.dynamic_gather %get3A_4[%gather3A_613] in [0] : vector<16xi32>, vector<16xi32> -> vector<16xi32>
    %add3A_615 = arith.addi %gather3A_614, %get3A_611 : vector<16xi32>
    %swap3A_616 = arith.constant 3 : i32
    %swap3A_617 = arith.index_cast %swap3A_616 : i32 to index
    %swap3A_618 = arith.constant 96 : index
    %swap3A_619 = tpu.vector_load %arg11[%swap3A_617, %swap3A_618] {strides = array<i32>} : memref<4x128xi32, #tpu.memory_space<vmem>>, vector<1x16xi32>,
    %swap3A_620 = vector.shape_cast %swap3A_619 : vector<1x16xi32> to vector<16xi32>
    %swap3A_621 = vector.shape_cast %add3A_615 : vector<16xi32> to vector<1x16xi32>
    tpu.vector_store %arg11[%swap3A_617, %swap3A_618], %swap3A_621 {strides = array<i32>} : memref<4x128xi32, #tpu.memory_space<vmem>>, vector<1x16xi32>,
    %get3A_622 = arith.constant 3 : i32
    %get3A_623 = arith.index_cast %get3A_622 : i32 to index
    %get3A_624 = arith.constant 112 : index
    %get3A_625 = tpu.vector_load %arg8[%get3A_623, %get3A_624] {strides = array<i32>} : memref<4x128xi32, #tpu.memory_space<vmem>>, vector<1x16xi32>,
    %get3A_626 = vector.shape_cast %get3A_625 : vector<1x16xi32> to vector<16xi32>
    %get3A_627 = arith.constant 3 : i32
    %get3A_628 = arith.index_cast %get3A_627 : i32 to index
    %get3A_629 = arith.constant 112 : index
    %get3A_630 = tpu.vector_load %arg9[%get3A_628, %get3A_629] {strides = array<i32>} : memref<4x128xi32, #tpu.memory_space<vmem>>, vector<1x16xi32>,
    %get3A_631 = vector.shape_cast %get3A_630 : vector<1x16xi32> to vector<16xi32>
    %broadcast_in_dim3A_632 = vector.shape_cast %get3A_626 : vector<16xi32> to vector<16x1xi32>
    %gather3A_633 = vector.shape_cast %broadcast_in_dim3A_632 : vector<16x1xi32> to vector<16xi32>
    %gather3A_634 = tpu.dynamic_gather %get3A_4[%gather3A_633] in [0] : vector<16xi32>, vector<16xi32> -> vector<16xi32>
    %add3A_635 = arith.addi %gather3A_634, %get3A_631 : vector<16xi32>
    %swap3A_636 = arith.constant 3 : i32
    %swap3A_637 = arith.index_cast %swap3A_636 : i32 to index
    %swap3A_638 = arith.constant 112 : index
    %swap3A_639 = tpu.vector_load %arg11[%swap3A_637, %swap3A_638] {strides = array<i32>} : memref<4x128xi32, #tpu.memory_space<vmem>>, vector<1x16xi32>,
    %swap3A_640 = vector.shape_cast %swap3A_639 : vector<1x16xi32> to vector<16xi32>
    %swap3A_641 = vector.shape_cast %add3A_635 : vector<16xi32> to vector<1x16xi32>
    tpu.vector_store %arg11[%swap3A_637, %swap3A_638], %swap3A_641 {strides = array<i32>} : memref<4x128xi32, #tpu.memory_space<vmem>>, vector<1x16xi32>,
    %dma_start3A = arith.constant 0 : i32
    %dma_start3A_642 = arith.constant 0 : i32
    %dma_start3A_643 = tpu.memref_slice %arg11[%dma_start3A, %dma_start3A_642] : memref<4x128xi32, #tpu.memory_space<vmem>> -> memref<1x128xi32, #tpu.memory_space<vmem>>
    %dma_start3A_644 = tpu.memref_squeeze %dma_start3A_643 : memref<1x128xi32, #tpu.memory_space<vmem>> -> memref<128xi32, #tpu.memory_space<vmem>>
    %dma_start3A_645 = arith.constant 0 : i32
    %dma_start3A_646 = arith.constant 0 : i32
    %dma_start3A_647 = tpu.memref_slice %arg6[%dma_start3A_645, %dma_start3A_646] : memref<24576x512xf32, #tpu.memory_space<hbm>> -> memref<24576x512xf32, #tpu.memory_space<hbm>>
    tpu.enqueue_indirect_dma source(%arg7 : memref<128x512xf32, #tpu.memory_space<vmem>>) target(%dma_start3A_647 : memref<24576x512xf32, #tpu.memory_space<hbm>>) offsets(%dma_start3A_644 : memref<128xi32, #tpu.memory_space<vmem>>) semaphore(%arg12 : memref<!tpu.dma_semaphore, #tpu.memory_space<semaphore_mem>>)
    %dma_start3A_648 = arith.constant 1 : i32
    %dma_start3A_649 = arith.constant 0 : i32
    %dma_start3A_650 = tpu.memref_slice %arg11[%dma_start3A_648, %dma_start3A_649] : memref<4x128xi32, #tpu.memory_space<vmem>> -> memref<1x128xi32, #tpu.memory_space<vmem>>
    %dma_start3A_651 = tpu.memref_squeeze %dma_start3A_650 : memref<1x128xi32, #tpu.memory_space<vmem>> -> memref<128xi32, #tpu.memory_space<vmem>>
    %dma_start3A_652 = arith.constant 0 : i32
    %dma_start3A_653 = arith.constant 0 : i32
    %dma_start3A_654 = tpu.memref_slice %arg6[%dma_start3A_652, %dma_start3A_653] : memref<24576x512xf32, #tpu.memory_space<hbm>> -> memref<24576x512xf32, #tpu.memory_space<hbm>>
    tpu.enqueue_indirect_dma source(%arg7 : memref<128x512xf32, #tpu.memory_space<vmem>>) target(%dma_start3A_654 : memref<24576x512xf32, #tpu.memory_space<hbm>>) offsets(%dma_start3A_651 : memref<128xi32, #tpu.memory_space<vmem>>) semaphore(%arg12 : memref<!tpu.dma_semaphore, #tpu.memory_space<semaphore_mem>>)
    %dma_start3A_655 = arith.constant 2 : i32
    %dma_start3A_656 = arith.constant 0 : i32
    %dma_start3A_657 = tpu.memref_slice %arg11[%dma_start3A_655, %dma_start3A_656] : memref<4x128xi32, #tpu.memory_space<vmem>> -> memref<1x128xi32, #tpu.memory_space<vmem>>
    %dma_start3A_658 = tpu.memref_squeeze %dma_start3A_657 : memref<1x128xi32, #tpu.memory_space<vmem>> -> memref<128xi32, #tpu.memory_space<vmem>>
    %dma_start3A_659 = arith.constant 0 : i32
    %dma_start3A_660 = arith.constant 0 : i32
    %dma_start3A_661 = tpu.memref_slice %arg6[%dma_start3A_659, %dma_start3A_660] : memref<24576x512xf32, #tpu.memory_space<hbm>> -> memref<24576x512xf32, #tpu.memory_space<hbm>>
    tpu.enqueue_indirect_dma source(%arg7 : memref<128x512xf32, #tpu.memory_space<vmem>>) target(%dma_start3A_661 : memref<24576x512xf32, #tpu.memory_space<hbm>>) offsets(%dma_start3A_658 : memref<128xi32, #tpu.memory_space<vmem>>) semaphore(%arg12 : memref<!tpu.dma_semaphore, #tpu.memory_space<semaphore_mem>>)
    %dma_start3A_662 = arith.constant 3 : i32
    %dma_start3A_663 = arith.constant 0 : i32
    %dma_start3A_664 = tpu.memref_slice %arg11[%dma_start3A_662, %dma_start3A_663] : memref<4x128xi32, #tpu.memory_space<vmem>> -> memref<1x128xi32, #tpu.memory_space<vmem>>
    %dma_start3A_665 = tpu.memref_squeeze %dma_start3A_664 : memref<1x128xi32, #tpu.memory_space<vmem>> -> memref<128xi32, #tpu.memory_space<vmem>>
    %dma_start3A_666 = arith.constant 0 : i32
    %dma_start3A_667 = arith.constant 0 : i32
    %dma_start3A_668 = tpu.memref_slice %arg6[%dma_start3A_666, %dma_start3A_667] : memref<24576x512xf32, #tpu.memory_space<hbm>> -> memref<24576x512xf32, #tpu.memory_space<hbm>>
    tpu.enqueue_indirect_dma source(%arg7 : memref<128x512xf32, #tpu.memory_space<vmem>>) target(%dma_start3A_668 : memref<24576x512xf32, #tpu.memory_space<hbm>>) offsets(%dma_start3A_665 : memref<128xi32, #tpu.memory_space<vmem>>) semaphore(%arg12 : memref<!tpu.dma_semaphore, #tpu.memory_space<semaphore_mem>>)
    %dma_wait3A = arith.constant 0 : i32
    %dma_wait3A_669 = arith.constant 0 : i32
    %dma_wait3A_670 = tpu.memref_slice %arg11[%dma_wait3A, %dma_wait3A_669] : memref<4x128xi32, #tpu.memory_space<vmem>> -> memref<1x128xi32, #tpu.memory_space<vmem>>
    %dma_wait3A_671 = tpu.memref_squeeze %dma_wait3A_670 : memref<1x128xi32, #tpu.memory_space<vmem>> -> memref<128xi32, #tpu.memory_space<vmem>>
    %dma_wait3A_672 = arith.constant 0 : i32
    %dma_wait3A_673 = arith.constant 0 : i32
    %dma_wait3A_674 = tpu.memref_slice %arg6[%dma_wait3A_672, %dma_wait3A_673] : memref<24576x512xf32, #tpu.memory_space<hbm>> -> memref<24576x512xf32, #tpu.memory_space<hbm>>
    tpu.wait_indirect_dma semaphore(%arg12 : memref<!tpu.dma_semaphore, #tpu.memory_space<semaphore_mem>>) src(%arg7 : memref<128x512xf32, #tpu.memory_space<vmem>>) dst(%dma_wait3A_674 : memref<24576x512xf32, #tpu.memory_space<hbm>>)
    %dma_wait3A_675 = arith.constant 1 : i32
    %dma_wait3A_676 = arith.constant 0 : i32
    %dma_wait3A_677 = tpu.memref_slice %arg11[%dma_wait3A_675, %dma_wait3A_676] : memref<4x128xi32, #tpu.memory_space<vmem>> -> memref<1x128xi32, #tpu.memory_space<vmem>>
    %dma_wait3A_678 = tpu.memref_squeeze %dma_wait3A_677 : memref<1x128xi32, #tpu.memory_space<vmem>> -> memref<128xi32, #tpu.memory_space<vmem>>
    %dma_wait3A_679 = arith.constant 0 : i32
    %dma_wait3A_680 = arith.constant 0 : i32
    %dma_wait3A_681 = tpu.memref_slice %arg6[%dma_wait3A_679, %dma_wait3A_680] : memref<24576x512xf32, #tpu.memory_space<hbm>> -> memref<24576x512xf32, #tpu.memory_space<hbm>>
    tpu.wait_indirect_dma semaphore(%arg12 : memref<!tpu.dma_semaphore, #tpu.memory_space<semaphore_mem>>) src(%arg7 : memref<128x512xf32, #tpu.memory_space<vmem>>) dst(%dma_wait3A_681 : memref<24576x512xf32, #tpu.memory_space<hbm>>)
    %dma_wait3A_682 = arith.constant 2 : i32
    %dma_wait3A_683 = arith.constant 0 : i32
    %dma_wait3A_684 = tpu.memref_slice %arg11[%dma_wait3A_682, %dma_wait3A_683] : memref<4x128xi32, #tpu.memory_space<vmem>> -> memref<1x128xi32, #tpu.memory_space<vmem>>
    %dma_wait3A_685 = tpu.memref_squeeze %dma_wait3A_684 : memref<1x128xi32, #tpu.memory_space<vmem>> -> memref<128xi32, #tpu.memory_space<vmem>>
    %dma_wait3A_686 = arith.constant 0 : i32
    %dma_wait3A_687 = arith.constant 0 : i32
    %dma_wait3A_688 = tpu.memref_slice %arg6[%dma_wait3A_686, %dma_wait3A_687] : memref<24576x512xf32, #tpu.memory_space<hbm>> -> memref<24576x512xf32, #tpu.memory_space<hbm>>
    tpu.wait_indirect_dma semaphore(%arg12 : memref<!tpu.dma_semaphore, #tpu.memory_space<semaphore_mem>>) src(%arg7 : memref<128x512xf32, #tpu.memory_space<vmem>>) dst(%dma_wait3A_688 : memref<24576x512xf32, #tpu.memory_space<hbm>>)
    %dma_wait3A_689 = arith.constant 3 : i32
    %dma_wait3A_690 = arith.constant 0 : i32
    %dma_wait3A_691 = tpu.memref_slice %arg11[%dma_wait3A_689, %dma_wait3A_690] : memref<4x128xi32, #tpu.memory_space<vmem>> -> memref<1x128xi32, #tpu.memory_space<vmem>>
    %dma_wait3A_692 = tpu.memref_squeeze %dma_wait3A_691 : memref<1x128xi32, #tpu.memory_space<vmem>> -> memref<128xi32, #tpu.memory_space<vmem>>
    %dma_wait3A_693 = arith.constant 0 : i32
    %dma_wait3A_694 = arith.constant 0 : i32
    %dma_wait3A_695 = tpu.memref_slice %arg6[%dma_wait3A_693, %dma_wait3A_694] : memref<24576x512xf32, #tpu.memory_space<hbm>> -> memref<24576x512xf32, #tpu.memory_space<hbm>>
    tpu.wait_indirect_dma semaphore(%arg12 : memref<!tpu.dma_semaphore, #tpu.memory_space<semaphore_mem>>) src(%arg7 : memref<128x512xf32, #tpu.memory_space<vmem>>) dst(%dma_wait3A_695 : memref<24576x512xf32, #tpu.memory_space<hbm>>)
    return
  }
}

module attributes {stable_mosaic.version = 14 : i64} {
  func.func @_prologue_body(%arg0: i32, %arg1: memref<256x1xi32, #tpu.memory_space<vmem>>, %arg2: memref<256x1xi32, #tpu.memory_space<vmem>>, %arg3: memref<256x1xi32, #tpu.memory_space<vmem>>, %arg4: memref<256x1xi32, #tpu.memory_space<vmem>>, %arg5: memref<8x32xf32, #tpu.memory_space<vmem>>, %arg6: memref<64x512xf32, #tpu.memory_space<vmem>>, %arg7: memref<1x512xf32, #tpu.memory_space<vmem>>, %arg8: memref<512x512xf32, #tpu.memory_space<vmem>>, %arg9: memref<1x512xf32, #tpu.memory_space<vmem>>, %arg10: memref<16x512xf32, #tpu.memory_space<vmem>>, %arg11: memref<256x256xf32, #tpu.memory_space<vmem>>, %arg12: memref<256x512xf32, #tpu.memory_space<vmem>>, %arg13: memref<256x4xi32, #tpu.memory_space<vmem>>, %arg14: memref<256x4xf32, #tpu.memory_space<vmem>>, %arg15: memref<1x1xf32, #tpu.memory_space<vmem>>, %arg16: memref<256x4xi32, #tpu.memory_space<vmem>>, %arg17: memref<1x16xi32, #tpu.memory_space<vmem>>, %arg18: memref<48x1xi32, #tpu.memory_space<vmem>>, %arg19: memref<256x16xf32, #tpu.memory_space<vmem>>, %arg20: memref<1x16xf32, #tpu.memory_space<vmem>>) attributes {dimension_semantics = [#tpu.dimension_semantics<arbitrary>], iteration_bounds = array<i64: 16>, scalar_prefetch = 0 : i64, scratch_operands = 2 : i64, tpu.core_type = #tpu.core_type<tc>, window_params = [{transform_indices = @transform_0, window_bounds = array<i64: 256, 1>}, {transform_indices = @transform_1, window_bounds = array<i64: 256, 1>}, {transform_indices = @transform_2, window_bounds = array<i64: 256, 1>}, {transform_indices = @transform_3, window_bounds = array<i64: 256, 1>}, {pipeline_mode = #tpu.pipeline_mode<synchronous>, transform_indices = @transform_4, window_bounds = array<i64: 8, 32>}, {pipeline_mode = #tpu.pipeline_mode<synchronous>, transform_indices = @transform_5, window_bounds = array<i64: 64, 512>}, {pipeline_mode = #tpu.pipeline_mode<synchronous>, transform_indices = @transform_6, window_bounds = array<i64: 1, 512>}, {pipeline_mode = #tpu.pipeline_mode<synchronous>, transform_indices = @transform_7, window_bounds = array<i64: 512, 512>}, {pipeline_mode = #tpu.pipeline_mode<synchronous>, transform_indices = @transform_8, window_bounds = array<i64: 1, 512>}, {pipeline_mode = #tpu.pipeline_mode<synchronous>, transform_indices = @transform_9, window_bounds = array<i64: 16, 512>}, {pipeline_mode = #tpu.pipeline_mode<synchronous>, transform_indices = @transform_10, window_bounds = array<i64: 256, 256>}, {transform_indices = @transform_11, window_bounds = array<i64: 256, 512>}, {transform_indices = @transform_12, window_bounds = array<i64: 256, 4>}, {transform_indices = @transform_13, window_bounds = array<i64: 256, 4>}, {pipeline_mode = #tpu.pipeline_mode<synchronous>, transform_indices = @transform_14, window_bounds = array<i64: 1, 1>}, {transform_indices = @transform_15, window_bounds = array<i64: 256, 4>}, {pipeline_mode = #tpu.pipeline_mode<synchronous>, transform_indices = @transform_16, window_bounds = array<i64: 1, 16>}, {pipeline_mode = #tpu.pipeline_mode<synchronous>, transform_indices = @transform_17, window_bounds = array<i64: 48, 1>}]} {
    %iota3A = tpu.iota {dimensions = array<i32: 1>} : vector<256x8xi32>
    %get3A = arith.constant 0 : index
    %get3A_0 = arith.constant 0 : index
    %get3A_1 = vector.load %arg1[%get3A, %get3A_0] : memref<256x1xi32, #tpu.memory_space<vmem>>, vector<256x1xi32>
    %eq3A = vector.broadcast %get3A_1 : vector<256x1xi32> to vector<256x8xi32>
    %eq3A_2 = arith.cmpi eq, %eq3A, %iota3A : vector<256x8xi32>
    %convert_element_type3A = arith.extui %eq3A_2 : vector<256x8xi1> to vector<256x8xi32>
    %convert_element_type3A_3 = arith.sitofp %convert_element_type3A : vector<256x8xi32> to vector<256x8xf32>
    %get3A_4 = arith.constant 0 : index
    %get3A_5 = arith.constant 0 : index
    %get3A_6 = vector.load %arg2[%get3A_4, %get3A_5] : memref<256x1xi32, #tpu.memory_space<vmem>>, vector<256x1xi32>
    %shift_right_arithmetic3A = vector.broadcast %get3A_6 : vector<256x1xi32> to vector<256x8xi32>
    %shift_right_arithmetic3A_7 = arith.shrsi %shift_right_arithmetic3A, %iota3A : vector<256x8xi32>
    %and3A = arith.constant 1 : i32
    %and3A_8 = vector.broadcast %and3A : i32 to vector<256x8xi32>
    %and3A_9 = arith.andi %shift_right_arithmetic3A_7, %and3A_8 : vector<256x8xi32>
    %convert_element_type3A_10 = arith.sitofp %and3A_9 : vector<256x8xi32> to vector<256x8xf32>
    %get3A_11 = arith.constant 0 : index
    %get3A_12 = arith.constant 0 : index
    %get3A_13 = vector.load %arg3[%get3A_11, %get3A_12] : memref<256x1xi32, #tpu.memory_space<vmem>>, vector<256x1xi32>
    %shift_right_arithmetic3A_14 = vector.broadcast %get3A_13 : vector<256x1xi32> to vector<256x8xi32>
    %shift_right_arithmetic3A_15 = arith.shrsi %shift_right_arithmetic3A_14, %iota3A : vector<256x8xi32>
    %and3A_16 = arith.constant 1 : i32
    %and3A_17 = vector.broadcast %and3A_16 : i32 to vector<256x8xi32>
    %and3A_18 = arith.andi %shift_right_arithmetic3A_15, %and3A_17 : vector<256x8xi32>
    %convert_element_type3A_19 = arith.sitofp %and3A_18 : vector<256x8xi32> to vector<256x8xf32>
    %get3A_20 = arith.constant 0 : index
    %get3A_21 = arith.constant 0 : index
    %get3A_22 = vector.load %arg4[%get3A_20, %get3A_21] : memref<256x1xi32, #tpu.memory_space<vmem>>, vector<256x1xi32>
    %convert_element_type3A_23 = arith.sitofp %get3A_22 : vector<256x1xi32> to vector<256x1xf32>
    %get3A_24 = arith.constant 0 : index
    %get3A_25 = arith.constant 0 : index
    %get3A_26 = vector.load %arg5[%get3A_24, %get3A_25] : memref<8x32xf32, #tpu.memory_space<vmem>>, vector<8x32xf32>
    %dot_general3A = arith.constant dense<0.000000e+00> : vector<256x32xf32>
    %dot_general3A_27 = tpu.matmul %convert_element_type3A_3, %get3A_26, %dot_general3A {dimension_numbers = #tpu.dot_dimension_numbers<[1], [0], [0], [1], [0, 0, 1, 1], [], []>, transpose_lhs_hint = false} : vector<256x8xf32>, vector<8x32xf32>, vector<256x32xf32> -> vector<256x32xf32>
    %broadcast_in_dim3A = arith.constant 0.000000e+00 : f32
    %broadcast_in_dim3A_28 = vector.broadcast %broadcast_in_dim3A : f32 to vector<256x15xf32>
    %concatenate3A = tpu.concatenate %dot_general3A_27, %convert_element_type3A_10, %convert_element_type3A_19, %convert_element_type3A_23, %broadcast_in_dim3A_28 in 1 : vector<256x32xf32>, vector<256x8xf32>, vector<256x8xf32>, vector<256x1xf32>, vector<256x15xf32> -> vector<256x64xf32>
    %get3A_29 = arith.constant 0 : index
    %get3A_30 = arith.constant 0 : index
    %get3A_31 = vector.load %arg6[%get3A_29, %get3A_30] : memref<64x512xf32, #tpu.memory_space<vmem>>, vector<64x512xf32>
    %dot_general3A_32 = arith.constant dense<0.000000e+00> : vector<256x512xf32>
    %dot_general3A_33 = tpu.matmul %concatenate3A, %get3A_31, %dot_general3A_32 {dimension_numbers = #tpu.dot_dimension_numbers<[1], [0], [0], [1], [0, 0, 1, 1], [], []>, transpose_lhs_hint = false} : vector<256x64xf32>, vector<64x512xf32>, vector<256x512xf32> -> vector<256x512xf32>
    %get3A_34 = arith.constant 0 : index
    %get3A_35 = arith.constant 0 : index
    %get3A_36 = vector.load %arg7[%get3A_34, %get3A_35] : memref<1x512xf32, #tpu.memory_space<vmem>>, vector<1x512xf32>
    %add3A = vector.broadcast %get3A_36 : vector<1x512xf32> to vector<256x512xf32>
    %add3A_37 = arith.addf %dot_general3A_33, %add3A : vector<256x512xf32>
    %tanh3A = math.tanh %add3A_37 : vector<256x512xf32>
    %get3A_38 = arith.constant 0 : index
    %get3A_39 = arith.constant 0 : index
    %get3A_40 = vector.load %arg8[%get3A_38, %get3A_39] : memref<512x512xf32, #tpu.memory_space<vmem>>, vector<512x512xf32>
    %dot_general3A_41 = arith.constant dense<0.000000e+00> : vector<256x512xf32>
    %dot_general3A_42 = tpu.matmul %tanh3A, %get3A_40, %dot_general3A_41 {dimension_numbers = #tpu.dot_dimension_numbers<[1], [0], [0], [1], [0, 0, 1, 1], [], []>, transpose_lhs_hint = false} : vector<256x512xf32>, vector<512x512xf32>, vector<256x512xf32> -> vector<256x512xf32>
    %get3A_43 = arith.constant 0 : index
    %get3A_44 = arith.constant 0 : index
    %get3A_45 = vector.load %arg9[%get3A_43, %get3A_44] : memref<1x512xf32, #tpu.memory_space<vmem>>, vector<1x512xf32>
    %add3A_46 = vector.broadcast %get3A_45 : vector<1x512xf32> to vector<256x512xf32>
    %add3A_47 = arith.addf %dot_general3A_42, %add3A_46 : vector<256x512xf32>
    %add3A_48 = arith.addf %add3A_37, %add3A_47 : vector<256x512xf32>
    %swap3A = arith.constant 0 : index
    %swap3A_49 = arith.constant 0 : index
    %swap3A_50 = vector.load %arg12[%swap3A, %swap3A_49] : memref<256x512xf32, #tpu.memory_space<vmem>>, vector<256x512xf32>
    tpu.vector_store %arg12[%swap3A, %swap3A_49], %add3A_48 {strides = array<i32>} : memref<256x512xf32, #tpu.memory_space<vmem>>, vector<256x512xf32>,
    %get3A_51 = arith.constant 0 : index
    %get3A_52 = arith.constant 0 : index
    %get3A_53 = vector.load %arg10[%get3A_51, %get3A_52] : memref<16x512xf32, #tpu.memory_space<vmem>>, vector<16x512xf32>
    %tanh3A_54 = math.tanh %get3A_53 : vector<16x512xf32>
    %dot_general3A_55 = arith.constant dense<0.000000e+00> : vector<256x16xf32>
    %dot_general3A_56 = tpu.matmul %add3A_48, %tanh3A_54, %dot_general3A_55 {dimension_numbers = #tpu.dot_dimension_numbers<[1], [1], [0], [0], [0, 0, 1, 0], [], []>, transpose_lhs_hint = false} : vector<256x512xf32>, vector<16x512xf32>, vector<256x16xf32> -> vector<256x16xf32>
    %iota3A_57 = tpu.iota {dimensions = array<i32: 1>} : vector<256x16xi32>
    %reduce_max3A = arith.constant dense<0xFF800000> : vector<256xf32>
    %reduce_max3A_58 = vector.multi_reduction <maximumf>, %dot_general3A_56, %reduce_max3A [1] : vector<256x16xf32> to vector<256xf32>
    %broadcast_in_dim3A_59 = vector.shape_cast %reduce_max3A_58 : vector<256xf32> to vector<256x1xf32>
    %eq3A_60 = vector.broadcast %broadcast_in_dim3A_59 : vector<256x1xf32> to vector<256x16xf32>
    %eq3A_61 = arith.cmpf oeq, %dot_general3A_56, %eq3A_60 : vector<256x16xf32>
    %jit3A = arith.constant 17 : i32
    %broadcast_in_dim3A_62 = vector.broadcast %jit3A : i32 to vector<256x16xi32>
    %select_n3A = arith.select %eq3A_61, %iota3A_57, %broadcast_in_dim3A_62 : vector<256x16xi1>, vector<256x16xi32>
    %reduce_min3A = arith.constant dense<2147483647> : vector<256xi32>
    %reduce_min3A_63 = vector.multi_reduction <minsi>, %select_n3A, %reduce_min3A [1] : vector<256x16xi32> to vector<256xi32>
    %broadcast_in_dim3A_64 = vector.shape_cast %reduce_min3A_63 : vector<256xi32> to vector<256x1xi32>
    %eq3A_65 = vector.broadcast %broadcast_in_dim3A_64 : vector<256x1xi32> to vector<256x16xi32>
    %eq3A_66 = arith.cmpi eq, %iota3A_57, %eq3A_65 : vector<256x16xi32>
    %jit3A_67 = arith.constant -1.000000e+30 : f32
    %broadcast_in_dim3A_68 = vector.broadcast %jit3A_67 : f32 to vector<256x16xf32>
    %select_n3A_69 = arith.select %eq3A_66, %broadcast_in_dim3A_68, %dot_general3A_56 : vector<256x16xi1>, vector<256x16xf32>
    %reduce_max3A_70 = arith.constant dense<0xFF800000> : vector<256xf32>
    %reduce_max3A_71 = vector.multi_reduction <maximumf>, %select_n3A_69, %reduce_max3A_70 [1] : vector<256x16xf32> to vector<256xf32>
    %broadcast_in_dim3A_72 = vector.shape_cast %reduce_max3A_71 : vector<256xf32> to vector<256x1xf32>
    %eq3A_73 = vector.broadcast %broadcast_in_dim3A_72 : vector<256x1xf32> to vector<256x16xf32>
    %eq3A_74 = arith.cmpf oeq, %select_n3A_69, %eq3A_73 : vector<256x16xf32>
    %jit3A_75 = arith.constant 17 : i32
    %broadcast_in_dim3A_76 = vector.broadcast %jit3A_75 : i32 to vector<256x16xi32>
    %select_n3A_77 = arith.select %eq3A_74, %iota3A_57, %broadcast_in_dim3A_76 : vector<256x16xi1>, vector<256x16xi32>
    %reduce_min3A_78 = arith.constant dense<2147483647> : vector<256xi32>
    %reduce_min3A_79 = vector.multi_reduction <minsi>, %select_n3A_77, %reduce_min3A_78 [1] : vector<256x16xi32> to vector<256xi32>
    %broadcast_in_dim3A_80 = vector.shape_cast %reduce_min3A_79 : vector<256xi32> to vector<256x1xi32>
    %eq3A_81 = vector.broadcast %broadcast_in_dim3A_80 : vector<256x1xi32> to vector<256x16xi32>
    %eq3A_82 = arith.cmpi eq, %iota3A_57, %eq3A_81 : vector<256x16xi32>
    %jit3A_83 = arith.constant -1.000000e+30 : f32
    %broadcast_in_dim3A_84 = vector.broadcast %jit3A_83 : f32 to vector<256x16xf32>
    %select_n3A_85 = arith.select %eq3A_82, %broadcast_in_dim3A_84, %select_n3A_69 : vector<256x16xi1>, vector<256x16xf32>
    %reduce_max3A_86 = arith.constant dense<0xFF800000> : vector<256xf32>
    %reduce_max3A_87 = vector.multi_reduction <maximumf>, %select_n3A_85, %reduce_max3A_86 [1] : vector<256x16xf32> to vector<256xf32>
    %broadcast_in_dim3A_88 = vector.shape_cast %reduce_max3A_87 : vector<256xf32> to vector<256x1xf32>
    %eq3A_89 = vector.broadcast %broadcast_in_dim3A_88 : vector<256x1xf32> to vector<256x16xf32>
    %eq3A_90 = arith.cmpf oeq, %select_n3A_85, %eq3A_89 : vector<256x16xf32>
    %jit3A_91 = arith.constant 17 : i32
    %broadcast_in_dim3A_92 = vector.broadcast %jit3A_91 : i32 to vector<256x16xi32>
    %select_n3A_93 = arith.select %eq3A_90, %iota3A_57, %broadcast_in_dim3A_92 : vector<256x16xi1>, vector<256x16xi32>
    %reduce_min3A_94 = arith.constant dense<2147483647> : vector<256xi32>
    %reduce_min3A_95 = vector.multi_reduction <minsi>, %select_n3A_93, %reduce_min3A_94 [1] : vector<256x16xi32> to vector<256xi32>
    %broadcast_in_dim3A_96 = vector.shape_cast %reduce_min3A_95 : vector<256xi32> to vector<256x1xi32>
    %eq3A_97 = vector.broadcast %broadcast_in_dim3A_96 : vector<256x1xi32> to vector<256x16xi32>
    %eq3A_98 = arith.cmpi eq, %iota3A_57, %eq3A_97 : vector<256x16xi32>
    %jit3A_99 = arith.constant -1.000000e+30 : f32
    %broadcast_in_dim3A_100 = vector.broadcast %jit3A_99 : f32 to vector<256x16xf32>
    %select_n3A_101 = arith.select %eq3A_98, %broadcast_in_dim3A_100, %select_n3A_85 : vector<256x16xi1>, vector<256x16xf32>
    %reduce_max3A_102 = arith.constant dense<0xFF800000> : vector<256xf32>
    %reduce_max3A_103 = vector.multi_reduction <maximumf>, %select_n3A_101, %reduce_max3A_102 [1] : vector<256x16xf32> to vector<256xf32>
    %broadcast_in_dim3A_104 = vector.shape_cast %reduce_max3A_103 : vector<256xf32> to vector<256x1xf32>
    %eq3A_105 = vector.broadcast %broadcast_in_dim3A_104 : vector<256x1xf32> to vector<256x16xf32>
    %eq3A_106 = arith.cmpf oeq, %select_n3A_101, %eq3A_105 : vector<256x16xf32>
    %jit3A_107 = arith.constant 17 : i32
    %broadcast_in_dim3A_108 = vector.broadcast %jit3A_107 : i32 to vector<256x16xi32>
    %select_n3A_109 = arith.select %eq3A_106, %iota3A_57, %broadcast_in_dim3A_108 : vector<256x16xi1>, vector<256x16xi32>
    %reduce_min3A_110 = arith.constant dense<2147483647> : vector<256xi32>
    %reduce_min3A_111 = vector.multi_reduction <minsi>, %select_n3A_109, %reduce_min3A_110 [1] : vector<256x16xi32> to vector<256xi32>
    %broadcast_in_dim3A_112 = vector.shape_cast %reduce_min3A_111 : vector<256xi32> to vector<256x1xi32>
    %concatenate3A_113 = tpu.concatenate %broadcast_in_dim3A_59, %broadcast_in_dim3A_72, %broadcast_in_dim3A_88, %broadcast_in_dim3A_104 in 1 : vector<256x1xf32>, vector<256x1xf32>, vector<256x1xf32>, vector<256x1xf32> -> vector<256x4xf32>
    %sub3A = vector.broadcast %broadcast_in_dim3A_59 : vector<256x1xf32> to vector<256x4xf32>
    %sub3A_114 = arith.subf %concatenate3A_113, %sub3A : vector<256x4xf32>
    %exp3A = math.exp %sub3A_114 : vector<256x4xf32>
    %reduce_sum3A = arith.constant dense<0.000000e+00> : vector<256xf32>
    %reduce_sum3A_115 = vector.multi_reduction <add>, %exp3A, %reduce_sum3A [1] : vector<256x4xf32> to vector<256xf32>
    %broadcast_in_dim3A_116 = vector.shape_cast %reduce_sum3A_115 : vector<256xf32> to vector<256x1xf32>
    %div3A = vector.broadcast %broadcast_in_dim3A_116 : vector<256x1xf32> to vector<256x4xf32>
    %div3A_117 = arith.divf %exp3A, %div3A : vector<256x4xf32>
    %concatenate3A_118 = tpu.concatenate %broadcast_in_dim3A_64, %broadcast_in_dim3A_80, %broadcast_in_dim3A_96, %broadcast_in_dim3A_112 in 1 : vector<256x1xi32>, vector<256x1xi32>, vector<256x1xi32>, vector<256x1xi32> -> vector<256x4xi32>
    %swap3A_119 = arith.constant 0 : index
    %swap3A_120 = arith.constant 0 : index
    %swap3A_121 = vector.load %arg13[%swap3A_119, %swap3A_120] : memref<256x4xi32, #tpu.memory_space<vmem>>, vector<256x4xi32>
    tpu.vector_store %arg13[%swap3A_119, %swap3A_120], %concatenate3A_118 {strides = array<i32>} : memref<256x4xi32, #tpu.memory_space<vmem>>, vector<256x4xi32>,
    %swap3A_122 = arith.constant 0 : index
    %swap3A_123 = arith.constant 0 : index
    %swap3A_124 = vector.load %arg14[%swap3A_122, %swap3A_123] : memref<256x4xf32, #tpu.memory_space<vmem>>, vector<256x4xf32>
    tpu.vector_store %arg14[%swap3A_122, %swap3A_123], %div3A_117 {strides = array<i32>} : memref<256x4xf32, #tpu.memory_space<vmem>>, vector<256x4xf32>,
    %eq3A_125 = vector.broadcast %broadcast_in_dim3A_64 : vector<256x1xi32> to vector<256x16xi32>
    %eq3A_126 = arith.cmpi eq, %iota3A_57, %eq3A_125 : vector<256x16xi32>
    %convert_element_type3A_127 = arith.extui %eq3A_126 : vector<256x16xi1> to vector<256x16xi32>
    %convert_element_type3A_128 = arith.sitofp %convert_element_type3A_127 : vector<256x16xi32> to vector<256x16xf32>
    %eq3A_129 = vector.broadcast %broadcast_in_dim3A_80 : vector<256x1xi32> to vector<256x16xi32>
    %eq3A_130 = arith.cmpi eq, %iota3A_57, %eq3A_129 : vector<256x16xi32>
    %convert_element_type3A_131 = arith.extui %eq3A_130 : vector<256x16xi1> to vector<256x16xi32>
    %convert_element_type3A_132 = arith.sitofp %convert_element_type3A_131 : vector<256x16xi32> to vector<256x16xf32>
    %eq3A_133 = vector.broadcast %broadcast_in_dim3A_96 : vector<256x1xi32> to vector<256x16xi32>
    %eq3A_134 = arith.cmpi eq, %iota3A_57, %eq3A_133 : vector<256x16xi32>
    %convert_element_type3A_135 = arith.extui %eq3A_134 : vector<256x16xi1> to vector<256x16xi32>
    %convert_element_type3A_136 = arith.sitofp %convert_element_type3A_135 : vector<256x16xi32> to vector<256x16xf32>
    %eq3A_137 = vector.broadcast %broadcast_in_dim3A_112 : vector<256x1xi32> to vector<256x16xi32>
    %eq3A_138 = arith.cmpi eq, %iota3A_57, %eq3A_137 : vector<256x16xi32>
    %convert_element_type3A_139 = arith.extui %eq3A_138 : vector<256x16xi1> to vector<256x16xi32>
    %convert_element_type3A_140 = arith.sitofp %convert_element_type3A_139 : vector<256x16xi32> to vector<256x16xf32>
    %add3A_141 = arith.addf %convert_element_type3A_128, %convert_element_type3A_132 : vector<256x16xf32>
    %add3A_142 = arith.addf %add3A_141, %convert_element_type3A_136 : vector<256x16xf32>
    %add3A_143 = arith.addf %add3A_142, %convert_element_type3A_140 : vector<256x16xf32>
    %gt3A = arith.constant 0 : i32
    %gt3A_144 = arith.cmpi sgt, %arg0, %gt3A : i32
    %get3A_145 = arith.constant 0 : index
    %get3A_146 = arith.constant 0 : index
    %get3A_147 = vector.load %arg20[%get3A_145, %get3A_146] : memref<1x16xf32, #tpu.memory_space<vmem>>, vector<1x16xf32>
    %jit3A_148 = arith.constant 0.000000e+00 : f32
    %broadcast_in_dim3A_149 = vector.broadcast %jit3A_148 : f32 to vector<1x16xf32>
    %select_n3A_150 = arith.select %gt3A_144, %get3A_147, %broadcast_in_dim3A_149 : vector<1x16xf32>
    %get3A_151 = arith.constant 0 : index
    %get3A_152 = arith.constant 0 : index
    %get3A_153 = vector.load %arg11[%get3A_151, %get3A_152] : memref<256x256xf32, #tpu.memory_space<vmem>>, vector<256x256xf32>
    %dot_general3A_154 = arith.constant dense<0.000000e+00> : vector<256x16xf32>
    %dot_general3A_155 = tpu.matmul %get3A_153, %add3A_143, %dot_general3A_154 {dimension_numbers = #tpu.dot_dimension_numbers<[1], [0], [0], [1], [0, 0, 1, 1], [], []>, transpose_lhs_hint = false} : vector<256x256xf32>, vector<256x16xf32>, vector<256x16xf32> -> vector<256x16xf32>
    %add3A_156 = vector.broadcast %select_n3A_150 : vector<1x16xf32> to vector<256x16xf32>
    %add3A_157 = arith.addf %dot_general3A_155, %add3A_156 : vector<256x16xf32>
    %mul3A = arith.mulf %add3A_157, %convert_element_type3A_128 : vector<256x16xf32>
    %reduce_sum3A_158 = arith.constant dense<0.000000e+00> : vector<256xf32>
    %reduce_sum3A_159 = vector.multi_reduction <add>, %mul3A, %reduce_sum3A_158 [1] : vector<256x16xf32> to vector<256xf32>
    %broadcast_in_dim3A_160 = vector.shape_cast %reduce_sum3A_159 : vector<256xf32> to vector<256x1xf32>
    %mul3A_161 = arith.mulf %add3A_157, %convert_element_type3A_132 : vector<256x16xf32>
    %reduce_sum3A_162 = arith.constant dense<0.000000e+00> : vector<256xf32>
    %reduce_sum3A_163 = vector.multi_reduction <add>, %mul3A_161, %reduce_sum3A_162 [1] : vector<256x16xf32> to vector<256xf32>
    %broadcast_in_dim3A_164 = vector.shape_cast %reduce_sum3A_163 : vector<256xf32> to vector<256x1xf32>
    %mul3A_165 = arith.mulf %add3A_157, %convert_element_type3A_136 : vector<256x16xf32>
    %reduce_sum3A_166 = arith.constant dense<0.000000e+00> : vector<256xf32>
    %reduce_sum3A_167 = vector.multi_reduction <add>, %mul3A_165, %reduce_sum3A_166 [1] : vector<256x16xf32> to vector<256xf32>
    %broadcast_in_dim3A_168 = vector.shape_cast %reduce_sum3A_167 : vector<256xf32> to vector<256x1xf32>
    %mul3A_169 = arith.mulf %add3A_157, %convert_element_type3A_140 : vector<256x16xf32>
    %reduce_sum3A_170 = arith.constant dense<0.000000e+00> : vector<256xf32>
    %reduce_sum3A_171 = vector.multi_reduction <add>, %mul3A_169, %reduce_sum3A_170 [1] : vector<256x16xf32> to vector<256xf32>
    %broadcast_in_dim3A_172 = vector.shape_cast %reduce_sum3A_171 : vector<256xf32> to vector<256x1xf32>
    %concatenate3A_173 = tpu.concatenate %broadcast_in_dim3A_160, %broadcast_in_dim3A_164, %broadcast_in_dim3A_168, %broadcast_in_dim3A_172 in 1 : vector<256x1xf32>, vector<256x1xf32>, vector<256x1xf32>, vector<256x1xf32> -> vector<256x4xf32>
    %convert_element_type3A_174 = arith.fptosi %concatenate3A_173 : vector<256x4xf32> to vector<256x4xi32>
    %swap3A_175 = arith.constant 0 : index
    %swap3A_176 = arith.constant 0 : index
    %swap3A_177 = vector.load %arg16[%swap3A_175, %swap3A_176] : memref<256x4xi32, #tpu.memory_space<vmem>>, vector<256x4xi32>
    tpu.vector_store %arg16[%swap3A_175, %swap3A_176], %convert_element_type3A_174 {strides = array<i32>} : memref<256x4xi32, #tpu.memory_space<vmem>>, vector<256x4xi32>,
    %reduce_sum3A_178 = arith.constant dense<0.000000e+00> : vector<16xf32>
    %reduce_sum3A_179 = vector.multi_reduction <add>, %add3A_143, %reduce_sum3A_178 [0] : vector<256x16xf32> to vector<16xf32>
    %broadcast_in_dim3A_180 = vector.shape_cast %reduce_sum3A_179 : vector<16xf32> to vector<1x16xf32>
    %add3A_181 = arith.addf %select_n3A_150, %broadcast_in_dim3A_180 : vector<1x16xf32>
    %swap3A_182 = arith.constant 0 : index
    %swap3A_183 = arith.constant 0 : index
    %swap3A_184 = vector.load %arg20[%swap3A_182, %swap3A_183] : memref<1x16xf32, #tpu.memory_space<vmem>>, vector<1x16xf32>
    tpu.vector_store %arg20[%swap3A_182, %swap3A_183], %add3A_181 {strides = array<i32>} : memref<1x16xf32, #tpu.memory_space<vmem>>, vector<1x16xf32>,
    %reduce_max3A_185 = arith.constant dense<0xFF800000> : vector<256xf32>
    %reduce_max3A_186 = vector.multi_reduction <maximumf>, %dot_general3A_56, %reduce_max3A_185 [1] : vector<256x16xf32> to vector<256xf32>
    %broadcast_in_dim3A_187 = vector.shape_cast %reduce_max3A_186 : vector<256xf32> to vector<256x1xf32>
    %sub3A_188 = vector.broadcast %broadcast_in_dim3A_187 : vector<256x1xf32> to vector<256x16xf32>
    %sub3A_189 = arith.subf %dot_general3A_56, %sub3A_188 : vector<256x16xf32>
    %exp3A_190 = math.exp %sub3A_189 : vector<256x16xf32>
    %reduce_sum3A_191 = arith.constant dense<0.000000e+00> : vector<256xf32>
    %reduce_sum3A_192 = vector.multi_reduction <add>, %exp3A_190, %reduce_sum3A_191 [1] : vector<256x16xf32> to vector<256xf32>
    %broadcast_in_dim3A_193 = vector.shape_cast %reduce_sum3A_192 : vector<256xf32> to vector<256x1xf32>
    %div3A_194 = vector.broadcast %broadcast_in_dim3A_193 : vector<256x1xf32> to vector<256x16xf32>
    %div3A_195 = arith.divf %exp3A_190, %div3A_194 : vector<256x16xf32>
    %eq3A_196 = arith.constant 0 : i32
    %eq3A_197 = arith.cmpi eq, %arg0, %eq3A_196 : i32
    %convert_element_type3A_198 = arith.extui %eq3A_197 : i1 to i32
    %cond3A = arith.constant 0 : i32
    %cond3A_199 = arith.cmpi ne, %convert_element_type3A_198, %cond3A : i32
    scf.if %cond3A_199 {
      %swap3A_210 = arith.constant 0 : index
      %swap3A_211 = arith.constant 0 : index
      %swap3A_212 = vector.load %arg19[%swap3A_210, %swap3A_211] : memref<256x16xf32, #tpu.memory_space<vmem>>, vector<256x16xf32>
      tpu.vector_store %arg19[%swap3A_210, %swap3A_211], %div3A_195 {strides = array<i32>} : memref<256x16xf32, #tpu.memory_space<vmem>>, vector<256x16xf32>,
    } else {
    }
    %gt3A_200 = arith.constant 0 : i32
    %gt3A_201 = arith.cmpi sgt, %arg0, %gt3A_200 : i32
    %convert_element_type3A_202 = arith.extui %gt3A_201 : i1 to i32
    %cond3A_203 = arith.constant 0 : i32
    %cond3A_204 = arith.cmpi ne, %convert_element_type3A_202, %cond3A_203 : i32
    scf.if %cond3A_204 {
      %get3A_210 = arith.constant 0 : index
      %get3A_211 = arith.constant 0 : index
      %get3A_212 = vector.load %arg19[%get3A_210, %get3A_211] : memref<256x16xf32, #tpu.memory_space<vmem>>, vector<256x16xf32>
      %add3A_213 = arith.addf %get3A_212, %div3A_195 : vector<256x16xf32>
      %swap3A_214 = arith.constant 0 : index
      %swap3A_215 = arith.constant 0 : index
      %swap3A_216 = vector.load %arg19[%swap3A_214, %swap3A_215] : memref<256x16xf32, #tpu.memory_space<vmem>>, vector<256x16xf32>
      tpu.vector_store %arg19[%swap3A_214, %swap3A_215], %add3A_213 {strides = array<i32>} : memref<256x16xf32, #tpu.memory_space<vmem>>, vector<256x16xf32>,
    } else {
    }
    %eq3A_205 = arith.constant 15 : i32
    %eq3A_206 = arith.cmpi eq, %arg0, %eq3A_205 : i32
    %convert_element_type3A_207 = arith.extui %eq3A_206 : i1 to i32
    %cond3A_208 = arith.constant 0 : i32
    %cond3A_209 = arith.cmpi ne, %convert_element_type3A_207, %cond3A_208 : i32
    scf.if %cond3A_209 {
      %convert_element_type3A_210 = arith.fptosi %add3A_181 : vector<1x16xf32> to vector<1x16xi32>
      %add3A_211 = arith.constant 512 : i32
      %add3A_212 = vector.broadcast %add3A_211 : i32 to vector<1x16xi32>
      %add3A_213 = arith.addi %convert_element_type3A_210, %add3A_212 : vector<1x16xi32>
      %sub3A_214 = arith.constant 1 : i32
      %sub3A_215 = vector.broadcast %sub3A_214 : i32 to vector<1x16xi32>
      %sub3A_216 = arith.subi %add3A_213, %sub3A_215 : vector<1x16xi32>
      %and3A_217 = arith.constant -512 : i32
      %and3A_218 = vector.broadcast %and3A_217 : i32 to vector<1x16xi32>
      %and3A_219 = arith.andi %sub3A_216, %and3A_218 : vector<1x16xi32>
      %convert_element_type3A_220 = arith.sitofp %and3A_219 : vector<1x16xi32> to vector<1x16xf32>
      %iota3A_221 = tpu.iota {dimensions = array<i32: 0>} : vector<16x16xi32>
      %iota3A_222 = tpu.iota {dimensions = array<i32: 1>} : vector<16x16xi32>
      %lt3A = arith.cmpi slt, %iota3A_221, %iota3A_222 : vector<16x16xi32>
      %convert_element_type3A_223 = arith.extui %lt3A : vector<16x16xi1> to vector<16x16xi32>
      %convert_element_type3A_224 = arith.sitofp %convert_element_type3A_223 : vector<16x16xi32> to vector<16x16xf32>
      %dot_general3A_225 = arith.constant dense<0.000000e+00> : vector<1x16xf32>
      %dot_general3A_226 = tpu.matmul %convert_element_type3A_220, %convert_element_type3A_224, %dot_general3A_225 {dimension_numbers = #tpu.dot_dimension_numbers<[1], [0], [0], [1], [0, 0, 1, 1], [], []>, precision = #tpu.contract_precision<fp32>, transpose_lhs_hint = false} : vector<1x16xf32>, vector<16x16xf32>, vector<1x16xf32> -> vector<1x16xf32>
      %convert_element_type3A_227 = arith.fptosi %dot_general3A_226 : vector<1x16xf32> to vector<1x16xi32>
      %swap3A_228 = arith.constant 0 : index
      %swap3A_229 = arith.constant 0 : index
      %swap3A_230 = vector.load %arg17[%swap3A_228, %swap3A_229] : memref<1x16xi32, #tpu.memory_space<vmem>>, vector<1x16xi32>
      tpu.vector_store %arg17[%swap3A_228, %swap3A_229], %convert_element_type3A_227 {strides = array<i32>} : memref<1x16xi32, #tpu.memory_space<vmem>>, vector<1x16xi32>,
      %iota3A_231 = tpu.iota {dimensions = array<i32: 0>} : vector<48x16xi32>
      %convert_element_type3A_232 = arith.sitofp %iota3A_231 : vector<48x16xi32> to vector<48x16xf32>
      %mul3A_233 = arith.constant 5.120000e+02 : f32
      %mul3A_234 = vector.broadcast %mul3A_233 : f32 to vector<48x16xf32>
      %mul3A_235 = arith.mulf %convert_element_type3A_232, %mul3A_234 : vector<48x16xf32>
      %ge3A = vector.broadcast %dot_general3A_226 : vector<1x16xf32> to vector<48x16xf32>
      %ge3A_236 = arith.cmpf oge, %mul3A_235, %ge3A : vector<48x16xf32>
      %convert_element_type3A_237 = arith.extui %ge3A_236 : vector<48x16xi1> to vector<48x16xi32>
      %reduce_sum3A_238 = arith.constant dense<0> : vector<48xi32>
      %reduce_sum3A_239 = vector.multi_reduction <add>, %convert_element_type3A_237, %reduce_sum3A_238 [1] : vector<48x16xi32> to vector<48xi32>
      %broadcast_in_dim3A_240 = vector.shape_cast %reduce_sum3A_239 : vector<48xi32> to vector<48x1xi32>
      %sub3A_241 = arith.constant 1 : i32
      %sub3A_242 = vector.broadcast %sub3A_241 : i32 to vector<48x1xi32>
      %sub3A_243 = arith.subi %broadcast_in_dim3A_240, %sub3A_242 : vector<48x1xi32>
      %swap3A_244 = arith.constant 0 : index
      %swap3A_245 = arith.constant 0 : index
      %swap3A_246 = vector.load %arg18[%swap3A_244, %swap3A_245] : memref<48x1xi32, #tpu.memory_space<vmem>>, vector<48x1xi32>
      tpu.vector_store %arg18[%swap3A_244, %swap3A_245], %sub3A_243 {strides = array<i32>} : memref<48x1xi32, #tpu.memory_space<vmem>>, vector<48x1xi32>,
      %get3A_247 = arith.constant 0 : index
      %get3A_248 = arith.constant 0 : index
      %get3A_249 = vector.load %arg19[%get3A_247, %get3A_248] : memref<256x16xf32, #tpu.memory_space<vmem>>, vector<256x16xf32>
      %reduce_sum3A_250 = arith.constant dense<0.000000e+00> : vector<16xf32>
      %reduce_sum3A_251 = vector.multi_reduction <add>, %get3A_249, %reduce_sum3A_250 [0] : vector<256x16xf32> to vector<16xf32>
      %broadcast_in_dim3A_252 = vector.shape_cast %reduce_sum3A_251 : vector<16xf32> to vector<1x16xf32>
      %mul3A_253 = arith.mulf %broadcast_in_dim3A_252, %add3A_181 : vector<1x16xf32>
      %reduce_sum3A_254 = vector.shape_cast %mul3A_253 : vector<1x16xf32> to vector<1x1x16xf32>
      %reduce_sum3A_255 = arith.constant dense<0.000000e+00> : vector<1xf32>
      %reduce_sum3A_256 = vector.multi_reduction <add>, %reduce_sum3A_254, %reduce_sum3A_255 [1, 2] : vector<1x1x16xf32> to vector<1xf32>
      %reduce_sum3A_257 = vector.shape_cast %reduce_sum3A_256 : vector<1xf32> to vector<1x1x1xf32>
      %reduce_sum3A_258 = vector.extract %reduce_sum3A_257[0, 0, 0] : f32 from vector<1x1x1xf32>
      %mul3A_259 = arith.constant 1.600000e+01 : f32
      %mul3A_260 = arith.mulf %mul3A_259, %reduce_sum3A_258 : f32
      %div3A_261 = arith.constant 0x4B800000 : f32
      %div3A_262 = arith.divf %mul3A_260, %div3A_261 : f32
      %abs3A = math.absf %tanh3A_54 : vector<16x512xf32>
      %sub3A_263 = arith.constant 1.000000e+00 : f32
      %sub3A_264 = vector.broadcast %sub3A_263 : f32 to vector<16x512xf32>
      %sub3A_265 = arith.subf %sub3A_264, %abs3A : vector<16x512xf32>
      %mul3A_266 = arith.mulf %abs3A, %sub3A_265 : vector<16x512xf32>
      %reduce_sum3A_267 = vector.shape_cast %mul3A_266 : vector<16x512xf32> to vector<1x16x512xf32>
      %reduce_sum3A_268 = arith.constant dense<0.000000e+00> : vector<1xf32>
      %reduce_sum3A_269 = vector.multi_reduction <add>, %reduce_sum3A_267, %reduce_sum3A_268 [1, 2] : vector<1x16x512xf32> to vector<1xf32>
      %reduce_sum3A_270 = vector.shape_cast %reduce_sum3A_269 : vector<1xf32> to vector<1x1x1xf32>
      %reduce_sum3A_271 = vector.extract %reduce_sum3A_270[0, 0, 0] : f32 from vector<1x1x1xf32>
      %div3A_272 = arith.constant 8.192000e+03 : f32
      %div3A_273 = arith.divf %reduce_sum3A_271, %div3A_272 : f32
      %mul3A_274 = arith.mulf %tanh3A_54, %tanh3A_54 : vector<16x512xf32>
      %reduce_sum3A_275 = arith.constant dense<0.000000e+00> : vector<16xf32>
      %reduce_sum3A_276 = vector.multi_reduction <add>, %mul3A_274, %reduce_sum3A_275 [1] : vector<16x512xf32> to vector<16xf32>
      %broadcast_in_dim3A_277 = vector.shape_cast %reduce_sum3A_276 : vector<16xf32> to vector<16x1xf32>
      %sqrt3A = math.sqrt %broadcast_in_dim3A_277 : vector<16x1xf32>
      %add3A_278 = arith.constant 9.99999997E-7 : f32
      %add3A_279 = vector.broadcast %add3A_278 : f32 to vector<16x1xf32>
      %add3A_280 = arith.addf %sqrt3A, %add3A_279 : vector<16x1xf32>
      %div3A_281 = vector.broadcast %add3A_280 : vector<16x1xf32> to vector<16x512xf32>
      %div3A_282 = arith.divf %tanh3A_54, %div3A_281 : vector<16x512xf32>
      %dot_general3A_283 = arith.constant dense<0.000000e+00> : vector<16x16xf32>
      %dot_general3A_284 = tpu.matmul %div3A_282, %div3A_282, %dot_general3A_283 {dimension_numbers = #tpu.dot_dimension_numbers<[1], [1], [0], [0], [0, 0, 1, 0], [], []>, transpose_lhs_hint = false} : vector<16x512xf32>, vector<16x512xf32>, vector<16x16xf32> -> vector<16x16xf32>
      %eq3A_285 = arith.cmpi eq, %iota3A_221, %iota3A_222 : vector<16x16xi32>
      %jit3A_286 = arith.constant 0.000000e+00 : f32
      %broadcast_in_dim3A_287 = vector.broadcast %jit3A_286 : f32 to vector<16x16xf32>
      %select_n3A_288 = arith.select %eq3A_285, %dot_general3A_284, %broadcast_in_dim3A_287 : vector<16x16xi1>, vector<16x16xf32>
      %reduce_sum3A_289 = vector.shape_cast %select_n3A_288 : vector<16x16xf32> to vector<1x16x16xf32>
      %reduce_sum3A_290 = arith.constant dense<0.000000e+00> : vector<1xf32>
      %reduce_sum3A_291 = vector.multi_reduction <add>, %reduce_sum3A_289, %reduce_sum3A_290 [1, 2] : vector<1x16x16xf32> to vector<1xf32>
      %reduce_sum3A_292 = vector.shape_cast %reduce_sum3A_291 : vector<1xf32> to vector<1x1x1xf32>
      %reduce_sum3A_293 = vector.extract %reduce_sum3A_292[0, 0, 0] : f32 from vector<1x1x1xf32>
      %reduce_sum3A_294 = vector.shape_cast %dot_general3A_284 : vector<16x16xf32> to vector<1x16x16xf32>
      %reduce_sum3A_295 = arith.constant dense<0.000000e+00> : vector<1xf32>
      %reduce_sum3A_296 = vector.multi_reduction <add>, %reduce_sum3A_294, %reduce_sum3A_295 [1, 2] : vector<1x16x16xf32> to vector<1xf32>
      %reduce_sum3A_297 = vector.shape_cast %reduce_sum3A_296 : vector<1xf32> to vector<1x1x1xf32>
      %reduce_sum3A_298 = vector.extract %reduce_sum3A_297[0, 0, 0] : f32 from vector<1x1x1xf32>
      %sub3A_299 = arith.subf %reduce_sum3A_298, %reduce_sum3A_293 : f32
      %div3A_300 = arith.constant 2.400000e+02 : f32
      %div3A_301 = arith.divf %sub3A_299, %div3A_300 : f32
      %mul3A_302 = arith.constant 0.00999999977 : f32
      %mul3A_303 = arith.mulf %mul3A_302, %div3A_273 : f32
      %mul3A_304 = arith.constant 5.000000e-03 : f32
      %mul3A_305 = arith.mulf %mul3A_304, %div3A_262 : f32
      %add3A_306 = arith.addf %mul3A_303, %mul3A_305 : f32
      %mul3A_307 = arith.constant 0.00999999977 : f32
      %mul3A_308 = arith.mulf %mul3A_307, %div3A_301 : f32
      %add3A_309 = arith.addf %add3A_306, %mul3A_308 : f32
      %reshape3A = vector.broadcast %add3A_309 : f32 to vector<1x1xf32>
      %swap3A_310 = arith.constant 0 : index
      %swap3A_311 = arith.constant 0 : index
      %swap3A_312 = vector.load %arg15[%swap3A_310, %swap3A_311] : memref<1x1xf32, #tpu.memory_space<vmem>>, vector<1x1xf32>
      tpu.vector_store %arg15[%swap3A_310, %swap3A_311], %reshape3A {strides = array<i32>} : memref<1x1xf32, #tpu.memory_space<vmem>>, vector<1x1xf32>,
    } else {
    }
    return
  }
  func.func @transform_0(%arg0: i32) -> (i32, i32) {
    %c0_i32 = arith.constant 0 : i32
    %c0_i32_0 = arith.constant 0 : i32
    return %arg0, %c0_i32 : i32, i32
  }
  func.func @transform_1(%arg0: i32) -> (i32, i32) {
    %c0_i32 = arith.constant 0 : i32
    %c0_i32_0 = arith.constant 0 : i32
    return %arg0, %c0_i32 : i32, i32
  }
  func.func @transform_2(%arg0: i32) -> (i32, i32) {
    %c0_i32 = arith.constant 0 : i32
    %c0_i32_0 = arith.constant 0 : i32
    return %arg0, %c0_i32 : i32, i32
  }
  func.func @transform_3(%arg0: i32) -> (i32, i32) {
    %c0_i32 = arith.constant 0 : i32
    %c0_i32_0 = arith.constant 0 : i32
    return %arg0, %c0_i32 : i32, i32
  }
  func.func @transform_4(%arg0: i32) -> (i32, i32) {
    %c0_i32 = arith.constant 0 : i32
    %c0_i32_0 = arith.constant 0 : i32
    %c0_i32_1 = arith.constant 0 : i32
    return %c0_i32, %c0_i32_0 : i32, i32
  }
  func.func @transform_5(%arg0: i32) -> (i32, i32) {
    %c0_i32 = arith.constant 0 : i32
    %c0_i32_0 = arith.constant 0 : i32
    %c0_i32_1 = arith.constant 0 : i32
    return %c0_i32, %c0_i32_0 : i32, i32
  }
  func.func @transform_6(%arg0: i32) -> (i32, i32) {
    %c0_i32 = arith.constant 0 : i32
    %c0_i32_0 = arith.constant 0 : i32
    %c0_i32_1 = arith.constant 0 : i32
    return %c0_i32, %c0_i32_0 : i32, i32
  }
  func.func @transform_7(%arg0: i32) -> (i32, i32) {
    %c0_i32 = arith.constant 0 : i32
    %c0_i32_0 = arith.constant 0 : i32
    %c0_i32_1 = arith.constant 0 : i32
    return %c0_i32, %c0_i32_0 : i32, i32
  }
  func.func @transform_8(%arg0: i32) -> (i32, i32) {
    %c0_i32 = arith.constant 0 : i32
    %c0_i32_0 = arith.constant 0 : i32
    %c0_i32_1 = arith.constant 0 : i32
    return %c0_i32, %c0_i32_0 : i32, i32
  }
  func.func @transform_9(%arg0: i32) -> (i32, i32) {
    %c0_i32 = arith.constant 0 : i32
    %c0_i32_0 = arith.constant 0 : i32
    %c0_i32_1 = arith.constant 0 : i32
    return %c0_i32, %c0_i32_0 : i32, i32
  }
  func.func @transform_10(%arg0: i32) -> (i32, i32) {
    %c0_i32 = arith.constant 0 : i32
    %c0_i32_0 = arith.constant 0 : i32
    %c0_i32_1 = arith.constant 0 : i32
    return %c0_i32, %c0_i32_0 : i32, i32
  }
  func.func @transform_11(%arg0: i32) -> (i32, i32) {
    %c0_i32 = arith.constant 0 : i32
    %c0_i32_0 = arith.constant 0 : i32
    return %arg0, %c0_i32 : i32, i32
  }
  func.func @transform_12(%arg0: i32) -> (i32, i32) {
    %c0_i32 = arith.constant 0 : i32
    %c0_i32_0 = arith.constant 0 : i32
    return %arg0, %c0_i32 : i32, i32
  }
  func.func @transform_13(%arg0: i32) -> (i32, i32) {
    %c0_i32 = arith.constant 0 : i32
    %c0_i32_0 = arith.constant 0 : i32
    return %arg0, %c0_i32 : i32, i32
  }
  func.func @transform_14(%arg0: i32) -> (i32, i32) {
    %c0_i32 = arith.constant 0 : i32
    %c0_i32_0 = arith.constant 0 : i32
    %c0_i32_1 = arith.constant 0 : i32
    return %c0_i32, %c0_i32_0 : i32, i32
  }
  func.func @transform_15(%arg0: i32) -> (i32, i32) {
    %c0_i32 = arith.constant 0 : i32
    %c0_i32_0 = arith.constant 0 : i32
    return %arg0, %c0_i32 : i32, i32
  }
  func.func @transform_16(%arg0: i32) -> (i32, i32) {
    %c0_i32 = arith.constant 0 : i32
    %c0_i32_0 = arith.constant 0 : i32
    %c0_i32_1 = arith.constant 0 : i32
    return %c0_i32, %c0_i32_0 : i32, i32
  }
  func.func @transform_17(%arg0: i32) -> (i32, i32) {
    %c0_i32 = arith.constant 0 : i32
    %c0_i32_0 = arith.constant 0 : i32
    %c0_i32_1 = arith.constant 0 : i32
    return %c0_i32, %c0_i32_0 : i32, i32
  }
}

module attributes {stable_mosaic.version = 14 : i64} {
  func.func @_ffn_body(%arg0: i32, %arg1: memref<48xi32, #tpu.memory_space<smem>>, %arg2: memref<512x512xf32, #tpu.memory_space<vmem>>, %arg3: memref<1x512x1024xf32, #tpu.memory_space<vmem>>, %arg4: memref<1x1x1024xf32, #tpu.memory_space<vmem>>, %arg5: memref<1x1024x512xf32, #tpu.memory_space<vmem>>, %arg6: memref<1x1x512xf32, #tpu.memory_space<vmem>>, %arg7: memref<512x512xf32, #tpu.memory_space<vmem>>) attributes {dimension_semantics = [#tpu.dimension_semantics<arbitrary>], iteration_bounds = array<i64: 48>, scalar_prefetch = 1 : i64, scratch_operands = 0 : i64, tpu.core_type = #tpu.core_type<tc>, window_params = [{transform_indices = @transform_0, window_bounds = array<i64: 512, 512>}, {transform_indices = @transform_1, window_bounds = array<i64: 1, 512, 1024>}, {transform_indices = @transform_2, window_bounds = array<i64: 1, 1, 1024>}, {transform_indices = @transform_3, window_bounds = array<i64: 1, 1024, 512>}, {transform_indices = @transform_4, window_bounds = array<i64: 1, 1, 512>}, {transform_indices = @transform_5, window_bounds = array<i64: 512, 512>}]} {
    %get3A = arith.constant 0 : index
    %get3A_0 = arith.constant 0 : index
    %get3A_1 = vector.load %arg2[%get3A, %get3A_0] : memref<512x512xf32, #tpu.memory_space<vmem>>, vector<512x512xf32>
    %get3A_2 = arith.constant 0 : index
    %get3A_3 = arith.constant 0 : index
    %get3A_4 = arith.constant 0 : index
    %get3A_5 = vector.load %arg3[%get3A_2, %get3A_3, %get3A_4] : memref<1x512x1024xf32, #tpu.memory_space<vmem>>, vector<1x512x1024xf32>
    %get3A_6 = vector.shape_cast %get3A_5 : vector<1x512x1024xf32> to vector<512x1024xf32>
    %dot_general3A = arith.constant dense<0.000000e+00> : vector<512x1024xf32>
    %dot_general3A_7 = tpu.matmul %get3A_1, %get3A_6, %dot_general3A {dimension_numbers = #tpu.dot_dimension_numbers<[1], [0], [0], [1], [0, 0, 1, 1], [], []>, transpose_lhs_hint = false} : vector<512x512xf32>, vector<512x1024xf32>, vector<512x1024xf32> -> vector<512x1024xf32>
    %get3A_8 = arith.constant 0 : index
    %get3A_9 = arith.constant 0 : index
    %get3A_10 = arith.constant 0 : index
    %get3A_11 = vector.load %arg4[%get3A_8, %get3A_9, %get3A_10] : memref<1x1x1024xf32, #tpu.memory_space<vmem>>, vector<1x1x1024xf32>
    %get3A_12 = vector.shape_cast %get3A_11 : vector<1x1x1024xf32> to vector<1x1024xf32>
    %add3A = vector.broadcast %get3A_12 : vector<1x1024xf32> to vector<512x1024xf32>
    %add3A_13 = arith.addf %dot_general3A_7, %add3A : vector<512x1024xf32>
    %max3A = arith.constant 0.000000e+00 : f32
    %max3A_14 = vector.broadcast %max3A : f32 to vector<512x1024xf32>
    %max3A_15 = arith.maximumf %add3A_13, %max3A_14 : vector<512x1024xf32>
    %get3A_16 = arith.constant 0 : index
    %get3A_17 = arith.constant 0 : index
    %get3A_18 = arith.constant 0 : index
    %get3A_19 = vector.load %arg5[%get3A_16, %get3A_17, %get3A_18] : memref<1x1024x512xf32, #tpu.memory_space<vmem>>, vector<1x1024x512xf32>
    %get3A_20 = vector.shape_cast %get3A_19 : vector<1x1024x512xf32> to vector<1024x512xf32>
    %dot_general3A_21 = arith.constant dense<0.000000e+00> : vector<512x512xf32>
    %dot_general3A_22 = tpu.matmul %max3A_15, %get3A_20, %dot_general3A_21 {dimension_numbers = #tpu.dot_dimension_numbers<[1], [0], [0], [1], [0, 0, 1, 1], [], []>, transpose_lhs_hint = false} : vector<512x1024xf32>, vector<1024x512xf32>, vector<512x512xf32> -> vector<512x512xf32>
    %get3A_23 = arith.constant 0 : index
    %get3A_24 = arith.constant 0 : index
    %get3A_25 = arith.constant 0 : index
    %get3A_26 = vector.load %arg6[%get3A_23, %get3A_24, %get3A_25] : memref<1x1x512xf32, #tpu.memory_space<vmem>>, vector<1x1x512xf32>
    %get3A_27 = vector.shape_cast %get3A_26 : vector<1x1x512xf32> to vector<1x512xf32>
    %add3A_28 = vector.broadcast %get3A_27 : vector<1x512xf32> to vector<512x512xf32>
    %add3A_29 = arith.addf %dot_general3A_22, %add3A_28 : vector<512x512xf32>
    %swap3A = arith.constant 0 : index
    %swap3A_30 = arith.constant 0 : index
    %swap3A_31 = vector.load %arg7[%swap3A, %swap3A_30] : memref<512x512xf32, #tpu.memory_space<vmem>>, vector<512x512xf32>
    tpu.vector_store %arg7[%swap3A, %swap3A_30], %add3A_29 {strides = array<i32>} : memref<512x512xf32, #tpu.memory_space<vmem>>, vector<512x512xf32>,
    return
  }
  func.func @transform_0(%arg0: i32, %arg1: memref<48xi32, #tpu.memory_space<smem>>) -> (i32, i32) {
    %c0_i32 = arith.constant 0 : i32
    %c0_i32_0 = arith.constant 0 : i32
    return %arg0, %c0_i32 : i32, i32
  }
  func.func @transform_1(%arg0: i32, %arg1: memref<48xi32, #tpu.memory_space<smem>>) -> (i32, i32, i32) {
    %get3A = arith.index_cast %arg0 : i32 to index
    %get3A_0 = memref.load %arg1[%get3A] : memref<48xi32, #tpu.memory_space<smem>>
    %c0_i32 = arith.constant 0 : i32
    %c0_i32_1 = arith.constant 0 : i32
    %c0_i32_2 = arith.constant 0 : i32
    return %get3A_0, %c0_i32, %c0_i32_1 : i32, i32, i32
  }
  func.func @transform_2(%arg0: i32, %arg1: memref<48xi32, #tpu.memory_space<smem>>) -> (i32, i32, i32) {
    %get3A = arith.index_cast %arg0 : i32 to index
    %get3A_0 = memref.load %arg1[%get3A] : memref<48xi32, #tpu.memory_space<smem>>
    %c0_i32 = arith.constant 0 : i32
    %c0_i32_1 = arith.constant 0 : i32
    %c0_i32_2 = arith.constant 0 : i32
    return %get3A_0, %c0_i32, %c0_i32_1 : i32, i32, i32
  }
  func.func @transform_3(%arg0: i32, %arg1: memref<48xi32, #tpu.memory_space<smem>>) -> (i32, i32, i32) {
    %get3A = arith.index_cast %arg0 : i32 to index
    %get3A_0 = memref.load %arg1[%get3A] : memref<48xi32, #tpu.memory_space<smem>>
    %c0_i32 = arith.constant 0 : i32
    %c0_i32_1 = arith.constant 0 : i32
    %c0_i32_2 = arith.constant 0 : i32
    return %get3A_0, %c0_i32, %c0_i32_1 : i32, i32, i32
  }
  func.func @transform_4(%arg0: i32, %arg1: memref<48xi32, #tpu.memory_space<smem>>) -> (i32, i32, i32) {
    %get3A = arith.index_cast %arg0 : i32 to index
    %get3A_0 = memref.load %arg1[%get3A] : memref<48xi32, #tpu.memory_space<smem>>
    %c0_i32 = arith.constant 0 : i32
    %c0_i32_1 = arith.constant 0 : i32
    %c0_i32_2 = arith.constant 0 : i32
    return %get3A_0, %c0_i32, %c0_i32_1 : i32, i32, i32
  }
  func.func @transform_5(%arg0: i32, %arg1: memref<48xi32, #tpu.memory_space<smem>>) -> (i32, i32) {
    %c0_i32 = arith.constant 0 : i32
    %c0_i32_0 = arith.constant 0 : i32
    return %arg0, %c0_i32 : i32, i32
  }
}

module attributes {stable_mosaic.version = 14 : i64} {
  func.func @_head_body(%arg0: i32, %arg1: memref<256x512xf32, #tpu.memory_space<vmem>>, %arg2: memref<4x256x512xf32, #tpu.memory_space<vmem>>, %arg3: memref<256x4xf32, #tpu.memory_space<vmem>>, %arg4: memref<512x64xf32, #tpu.memory_space<vmem>>, %arg5: memref<1x64xf32, #tpu.memory_space<vmem>>, %arg6: memref<64x128xf32, #tpu.memory_space<vmem>>, %arg7: memref<1x128xf32, #tpu.memory_space<vmem>>, %arg8: memref<256x128xf32, #tpu.memory_space<vmem>>) attributes {dimension_semantics = [#tpu.dimension_semantics<arbitrary>], iteration_bounds = array<i64: 16>, scalar_prefetch = 0 : i64, scratch_operands = 0 : i64, tpu.core_type = #tpu.core_type<tc>, window_params = [{transform_indices = @transform_0, window_bounds = array<i64: 256, 512>}, {transform_indices = @transform_1, window_bounds = array<i64: 4, 256, 512>}, {transform_indices = @transform_2, window_bounds = array<i64: 256, 4>}, {pipeline_mode = #tpu.pipeline_mode<synchronous>, transform_indices = @transform_3, window_bounds = array<i64: 512, 64>}, {pipeline_mode = #tpu.pipeline_mode<synchronous>, transform_indices = @transform_4, window_bounds = array<i64: 1, 64>}, {pipeline_mode = #tpu.pipeline_mode<synchronous>, transform_indices = @transform_5, window_bounds = array<i64: 64, 128>}, {pipeline_mode = #tpu.pipeline_mode<synchronous>, transform_indices = @transform_6, window_bounds = array<i64: 1, 128>}, {transform_indices = @transform_7, window_bounds = array<i64: 256, 128>}]} {
    %broadcast_in_dim3A = arith.constant 0.000000e+00 : f32
    %broadcast_in_dim3A_0 = vector.broadcast %broadcast_in_dim3A : f32 to vector<256x512xf32>
    %get3A = arith.constant 0 : index
    %get3A_1 = arith.constant 0 : index
    %get3A_2 = vector.load %arg3[%get3A, %get3A_1] : memref<256x4xf32, #tpu.memory_space<vmem>>, vector<256x1xf32>
    %get3A_3 = arith.constant 0 : index
    %get3A_4 = arith.constant 0 : index
    %get3A_5 = arith.constant 0 : index
    %get3A_6 = vector.load %arg2[%get3A_3, %get3A_4, %get3A_5] : memref<4x256x512xf32, #tpu.memory_space<vmem>>, vector<1x256x512xf32>
    %get3A_7 = vector.shape_cast %get3A_6 : vector<1x256x512xf32> to vector<256x512xf32>
    %mul3A = vector.broadcast %get3A_2 : vector<256x1xf32> to vector<256x512xf32>
    %mul3A_8 = arith.mulf %mul3A, %get3A_7 : vector<256x512xf32>
    %add3A = arith.addf %broadcast_in_dim3A_0, %mul3A_8 : vector<256x512xf32>
    %get3A_9 = arith.constant 0 : index
    %get3A_10 = arith.constant 1 : index
    %get3A_11 = vector.load %arg3[%get3A_9, %get3A_10] : memref<256x4xf32, #tpu.memory_space<vmem>>, vector<256x1xf32>
    %get3A_12 = arith.constant 1 : index
    %get3A_13 = arith.constant 0 : index
    %get3A_14 = arith.constant 0 : index
    %get3A_15 = vector.load %arg2[%get3A_12, %get3A_13, %get3A_14] : memref<4x256x512xf32, #tpu.memory_space<vmem>>, vector<1x256x512xf32>
    %get3A_16 = vector.shape_cast %get3A_15 : vector<1x256x512xf32> to vector<256x512xf32>
    %mul3A_17 = vector.broadcast %get3A_11 : vector<256x1xf32> to vector<256x512xf32>
    %mul3A_18 = arith.mulf %mul3A_17, %get3A_16 : vector<256x512xf32>
    %add3A_19 = arith.addf %add3A, %mul3A_18 : vector<256x512xf32>
    %get3A_20 = arith.constant 0 : index
    %get3A_21 = arith.constant 2 : index
    %get3A_22 = vector.load %arg3[%get3A_20, %get3A_21] : memref<256x4xf32, #tpu.memory_space<vmem>>, vector<256x1xf32>
    %get3A_23 = arith.constant 2 : index
    %get3A_24 = arith.constant 0 : index
    %get3A_25 = arith.constant 0 : index
    %get3A_26 = vector.load %arg2[%get3A_23, %get3A_24, %get3A_25] : memref<4x256x512xf32, #tpu.memory_space<vmem>>, vector<1x256x512xf32>
    %get3A_27 = vector.shape_cast %get3A_26 : vector<1x256x512xf32> to vector<256x512xf32>
    %mul3A_28 = vector.broadcast %get3A_22 : vector<256x1xf32> to vector<256x512xf32>
    %mul3A_29 = arith.mulf %mul3A_28, %get3A_27 : vector<256x512xf32>
    %add3A_30 = arith.addf %add3A_19, %mul3A_29 : vector<256x512xf32>
    %get3A_31 = arith.constant 0 : index
    %get3A_32 = arith.constant 3 : index
    %get3A_33 = vector.load %arg3[%get3A_31, %get3A_32] : memref<256x4xf32, #tpu.memory_space<vmem>>, vector<256x1xf32>
    %get3A_34 = arith.constant 3 : index
    %get3A_35 = arith.constant 0 : index
    %get3A_36 = arith.constant 0 : index
    %get3A_37 = vector.load %arg2[%get3A_34, %get3A_35, %get3A_36] : memref<4x256x512xf32, #tpu.memory_space<vmem>>, vector<1x256x512xf32>
    %get3A_38 = vector.shape_cast %get3A_37 : vector<1x256x512xf32> to vector<256x512xf32>
    %mul3A_39 = vector.broadcast %get3A_33 : vector<256x1xf32> to vector<256x512xf32>
    %mul3A_40 = arith.mulf %mul3A_39, %get3A_38 : vector<256x512xf32>
    %add3A_41 = arith.addf %add3A_30, %mul3A_40 : vector<256x512xf32>
    %get3A_42 = arith.constant 0 : index
    %get3A_43 = arith.constant 0 : index
    %get3A_44 = vector.load %arg1[%get3A_42, %get3A_43] : memref<256x512xf32, #tpu.memory_space<vmem>>, vector<256x512xf32>
    %add3A_45 = arith.addf %get3A_44, %add3A_41 : vector<256x512xf32>
    %get3A_46 = arith.constant 0 : index
    %get3A_47 = arith.constant 0 : index
    %get3A_48 = vector.load %arg4[%get3A_46, %get3A_47] : memref<512x64xf32, #tpu.memory_space<vmem>>, vector<512x64xf32>
    %dot_general3A = arith.constant dense<0.000000e+00> : vector<256x64xf32>
    %dot_general3A_49 = tpu.matmul %add3A_45, %get3A_48, %dot_general3A {dimension_numbers = #tpu.dot_dimension_numbers<[1], [0], [0], [1], [0, 0, 1, 1], [], []>, transpose_lhs_hint = false} : vector<256x512xf32>, vector<512x64xf32>, vector<256x64xf32> -> vector<256x64xf32>
    %get3A_50 = arith.constant 0 : index
    %get3A_51 = arith.constant 0 : index
    %get3A_52 = vector.load %arg5[%get3A_50, %get3A_51] : memref<1x64xf32, #tpu.memory_space<vmem>>, vector<1x64xf32>
    %add3A_53 = vector.broadcast %get3A_52 : vector<1x64xf32> to vector<256x64xf32>
    %add3A_54 = arith.addf %dot_general3A_49, %add3A_53 : vector<256x64xf32>
    %max3A = arith.constant 0.000000e+00 : f32
    %max3A_55 = vector.broadcast %max3A : f32 to vector<256x64xf32>
    %max3A_56 = arith.maximumf %add3A_54, %max3A_55 : vector<256x64xf32>
    %get3A_57 = arith.constant 0 : index
    %get3A_58 = arith.constant 0 : index
    %get3A_59 = vector.load %arg6[%get3A_57, %get3A_58] : memref<64x128xf32, #tpu.memory_space<vmem>>, vector<64x128xf32>
    %dot_general3A_60 = arith.constant dense<0.000000e+00> : vector<256x128xf32>
    %dot_general3A_61 = tpu.matmul %max3A_56, %get3A_59, %dot_general3A_60 {dimension_numbers = #tpu.dot_dimension_numbers<[1], [0], [0], [1], [0, 0, 1, 1], [], []>, transpose_lhs_hint = false} : vector<256x64xf32>, vector<64x128xf32>, vector<256x128xf32> -> vector<256x128xf32>
    %get3A_62 = arith.constant 0 : index
    %get3A_63 = arith.constant 0 : index
    %get3A_64 = vector.load %arg7[%get3A_62, %get3A_63] : memref<1x128xf32, #tpu.memory_space<vmem>>, vector<1x128xf32>
    %add3A_65 = vector.broadcast %get3A_64 : vector<1x128xf32> to vector<256x128xf32>
    %add3A_66 = arith.addf %dot_general3A_61, %add3A_65 : vector<256x128xf32>
    %logistic3A = arith.negf %add3A_66 : vector<256x128xf32>
    %logistic3A_67 = math.exp %logistic3A : vector<256x128xf32>
    %logistic3A_68 = arith.constant 1.000000e+00 : f32
    %logistic3A_69 = vector.broadcast %logistic3A_68 : f32 to vector<256x128xf32>
    %logistic3A_70 = arith.addf %logistic3A_69, %logistic3A_67 : vector<256x128xf32>
    %logistic3A_71 = arith.divf %logistic3A_69, %logistic3A_70 : vector<256x128xf32>
    %swap3A = arith.constant 0 : index
    %swap3A_72 = arith.constant 0 : index
    %swap3A_73 = vector.load %arg8[%swap3A, %swap3A_72] : memref<256x128xf32, #tpu.memory_space<vmem>>, vector<256x128xf32>
    tpu.vector_store %arg8[%swap3A, %swap3A_72], %logistic3A_71 {strides = array<i32>} : memref<256x128xf32, #tpu.memory_space<vmem>>, vector<256x128xf32>,
    return
  }
  func.func @transform_0(%arg0: i32) -> (i32, i32) {
    %c0_i32 = arith.constant 0 : i32
    %c0_i32_0 = arith.constant 0 : i32
    return %arg0, %c0_i32 : i32, i32
  }
  func.func @transform_1(%arg0: i32) -> (i32, i32, i32) {
    %c0_i32 = arith.constant 0 : i32
    %c0_i32_0 = arith.constant 0 : i32
    %c0_i32_1 = arith.constant 0 : i32
    return %c0_i32, %arg0, %c0_i32_0 : i32, i32, i32
  }
  func.func @transform_2(%arg0: i32) -> (i32, i32) {
    %c0_i32 = arith.constant 0 : i32
    %c0_i32_0 = arith.constant 0 : i32
    return %arg0, %c0_i32 : i32, i32
  }
  func.func @transform_3(%arg0: i32) -> (i32, i32) {
    %c0_i32 = arith.constant 0 : i32
    %c0_i32_0 = arith.constant 0 : i32
    %c0_i32_1 = arith.constant 0 : i32
    return %c0_i32, %c0_i32_0 : i32, i32
  }
  func.func @transform_4(%arg0: i32) -> (i32, i32) {
    %c0_i32 = arith.constant 0 : i32
    %c0_i32_0 = arith.constant 0 : i32
    %c0_i32_1 = arith.constant 0 : i32
    return %c0_i32, %c0_i32_0 : i32, i32
  }
  func.func @transform_5(%arg0: i32) -> (i32, i32) {
    %c0_i32 = arith.constant 0 : i32
    %c0_i32_0 = arith.constant 0 : i32
    %c0_i32_1 = arith.constant 0 : i32
    return %c0_i32, %c0_i32_0 : i32, i32
  }
  func.func @transform_6(%arg0: i32) -> (i32, i32) {
    %c0_i32 = arith.constant 0 : i32
    %c0_i32_0 = arith.constant 0 : i32
    %c0_i32_1 = arith.constant 0 : i32
    return %c0_i32, %c0_i32_0 : i32, i32
  }
  func.func @transform_7(%arg0: i32) -> (i32, i32) {
    %c0_i32 = arith.constant 0 : i32
    %c0_i32_0 = arith.constant 0 : i32
    return %arg0, %c0_i32 : i32, i32
  }
}

</mosaic_0001>

<sc_bundles>
// kernel: kernel.10.cloned.1.call-start
scs
__scs_entry_jumppad:
0x0: {  	(pc) =	sbr.rel $0x88, $3  }
0x1: {  	(tag) =	ssettag $0x0;
	lr =	simm.s32 $0x1  }
0x2: {  	[smem:$0x3F8F] =	sst lr;
	_ =	strace $0xD0000000  }
0x3: {  	_ = 	snop  }
0x4: {  	_ = 	snop  }
0x5: {  	_ = 	snop  }
0x6: {  	_ = 	snop  }
0x7: {  	_ = 	snop  }
__scs_overlays_trampoline_lowered:
0x8: {  	[smem:$0x3F9E] =	sst s0  }
0x9: {  	[smem:$0x3F9F] =	sst s1  }
0xa: {  	[smem:$0x3FA0] =	sst s2  }
0xb: {  	[smem:$0x3FA1] =	sst s3  }
0xc: {  	[smem:$0x3FA2] =	sst s4  }
0xd: {  	[smem:$0x3FA3] =	sst s5  }
0xe: {  	[smem:$0x3FA4] =	sst s6  }
0xf: {  	[smem:$0x3FA5] =	sst s7  }
0x10: {  	[smem:$0x3FA6] =	sst s8  }
0x11: {  	[smem:$0x3FA7] =	sst s9;
	s0 =	simm.s32 @!p0 $0x0  }
0x12: {  	s1 =	sld [smem:$0x3F8D];
	s0 =	simm.s32 @p0 $0x1  }
0x13: {  	[smem:$0x3FA8] =	sst s0;
	s0 =	simm.s32 @!p1 $0x0  }
0x14: {  	s2 =	sld [smem:$0x3F8C];
	s0 =	simm.s32 @p1 $0x1  }
0x15: {  	[smem:$0x3FA9] =	sst s0;
	s0 =	simm.s32 @!p2 $0x0  }
0x16: {  	s3 =	sld [smem:$0x3FDB];
	s0 =	simm.s32 @p2 $0x1  }
0x17: {  	s4 =	simm.s32 $0x1BF5;
	[smem:$0x3FAB] =	sst s0  }
0x18: {  	s0 =	sld [smem:$0x3F8E];
	_ =	swait.ge [sflag:s4], $0x0  }
0x19: {  	s7 =	sld [smem:$0x3F8F]  }
0x1a: {  	s8 =	sadd.s32 $0xFFFFE003, lr  }
0x1b: {  	s9 =	sadd.s32 $0xFFFFFEF7, lr;
	s5 =	simm.s32 $0xFFFFFFFF;
	p2 =	slt.u32 s8, $0xFFFFF086  }
0x1c: {  	p1 =	slt.u32 s9, $0xF7A;
	s5 =	simm.s32 @!p2 $0x0  }
0x1d: {  	s5 =	simm.s32 @p1 $0x1;
	p0 =	seq.s32 s7, s2  }
0x1e: {  	s7 =	smul.u32 @!p0 $0xF7A, s2;
	p2 =	seq.s32 @!p0 s5, $0x0  }
0x1f: {  	s9 =	smul.u32 $0xF7A, s1;
	s8 =	simm.s32 @!p0 $0x1BF5;
	p2 =	por !p2, p0  }
0x20: {  	[sflag:s8] =	ssyncset.s32 @!p0 $0xFFFFF086;
	s6 =	sadd.s32 @!p0 s3, s7;
	s7 =	simm.s32 @!p0 $0x108  }
0x21: {  	s3 =	sadd.s32 s3, s9;
	s6 =	sadd.s32 @!p0 $0x88, s6;
	s7 =	simm.s32 @p2 $0x1082  }
0x22: {  	[simem:s7], [sflag:s8] =	dma.local @!p0 [hbm:s6], $0xF7A  }
0x23: {  	s9 =	sor.u32 $0xD0000000, s2;
	s6 =	simm.s32 $0x108;
	_ =	swait.ge @!p0 [sflag:s8], $0x0  }
0x24: {  	s3 =	sadd.s32 $0x88, s3;
	s6 =	simm.s32 @!p1 $0x1082;
	[sflag:s4] =	ssyncset.s32 $0xFFFFF086  }
0x25: {  	[simem:s6], [sflag:s4] =	dma.local [hbm:s3], $0xF7A  }
0x26: {  	[smem:$0x3F8F] =	sst s1;
	(tag) =	ssettag s2;
	_ =	strace s9  }
0x27: {  	s1 =	sld [smem:$0x3F9F]  }
0x28: {  	s2 =	sld [smem:$0x3FA0]  }
0x29: {  	s4 =	sld [smem:$0x3FA2]  }
0x2a: {  	p0 =	seq.s32 s5, $0x0;
	s5 =	sld [smem:$0x3FA3]  }
0x2b: {  	s6 =	sld [smem:$0x3FA4]  }
0x2c: {  	s7 =	sld [smem:$0x3FA5]  }
0x2d: {  	s3 =	simm.s32 $0x108;
	s8 =	sld [smem:$0x3FA6]  }
0x2e: {  	s3 =	simm.s32 @!p0 $0x1082;
	s9 =	sld [smem:$0x3FA7]  }
0x2f: {  	lr =	sadd.s32 s0, s3;
	s0 =	sld [smem:$0x3F9E]  }
0x30: {  	s3 =	sld [smem:$0x3FA1]  }
0x31: {  	[smem:$0x3FAA] =	sst s10  }
0x32: {  	s10 =	sld [smem:$0x3FA8];
	_ =	sdelay $0x3  }
0x33: {  	p0 =	seq.s32 s10, $0x1;
	s10 =	sld [smem:$0x3FAA];
	_ =	sdelay $0x3  }
0x34: {  	[smem:$0x3FAA] =	sst s10  }
0x35: {  	s10 =	sld [smem:$0x3FA9];
	_ =	sdelay $0x3  }
0x36: {  	p1 =	seq.s32 s10, $0x1;
	s10 =	sld [smem:$0x3FAA];
	_ =	sdelay $0x3  }
0x37: {  	[smem:$0x3FAA] =	sst s10  }
0x38: {  	s10 =	sld [smem:$0x3FAB]  }
0x39: {  	_ = 	snop;
	(pc) =	sbr.ind lr, $3  }
0x3a: {  	_ = 	snop  }
0x3b: {  	_ = 	snop  }
0x3c: {  	p2 =	seq.s32 s10, $0x1;
	s10 =	sld [smem:$0x3FAA]  }
0x3d: {  	_ =	shalt  }
0x3e: {  	_ =	shalt  }
0x3f: {  	_ =	shalt  }
0x40: {  	_ =	shalt  }
0x41: {  	_ =	shalt  }
0x42: {  	_ =	shalt  }
0x43: {  	_ =	shalt  }
0x44: {  	_ =	shalt  }
0x45: {  	_ =	shalt  }
0x46: {  	_ =	shalt  }
0x47: {  	_ =	shalt  }
0x48: {  	_ =	shalt  }
0x49: {  	_ =	shalt  }
0x4a: {  	_ =	shalt  }
0x4b: {  	_ =	shalt  }
0x4c: {  	_ =	shalt  }
0x4d: {  	_ =	shalt  }
0x4e: {  	_ =	shalt  }
0x4f: {  	_ =	shalt  }
0x50: {  	_ =	shalt  }
0x51: {  	_ =	shalt  }
0x52: {  	_ =	shalt  }
0x53: {  	_ =	shalt  }
0x54: {  	_ =	shalt  }
0x55: {  	_ =	shalt  }
0x56: {  	_ =	shalt  }
0x57: {  	_ =	shalt  }
0x58: {  	_ =	shalt  }
0x59: {  	_ =	shalt  }
0x5a: {  	_ =	shalt  }
0x5b: {  	_ =	shalt  }
0x5c: {  	_ =	shalt  }
0x5d: {  	_ =	shalt  }
0x5e: {  	_ =	shalt  }
0x5f: {  	_ =	shalt  }
0x60: {  	_ =	shalt  }
0x61: {  	_ =	shalt  }
0x62: {  	_ =	shalt  }
0x63: {  	_ =	shalt  }
0x64: {  	_ =	shalt  }
0x65: {  	_ =	shalt  }
0x66: {  	_ =	shalt  }
0x67: {  	_ =	shalt  }
0x68: {  	_ =	shalt  }
0x69: {  	_ =	shalt  }
0x6a: {  	_ =	shalt  }
0x6b: {  	_ =	shalt  }
0x6c: {  	_ =	shalt  }
0x6d: {  	_ =	shalt  }
0x6e: {  	_ =	shalt  }
0x6f: {  	_ =	shalt  }
0x70: {  	_ =	shalt  }
0x71: {  	_ =	shalt  }
0x72: {  	_ =	shalt  }
0x73: {  	_ =	shalt  }
0x74: {  	_ =	shalt  }
0x75: {  	_ =	shalt  }
0x76: {  	_ =	shalt  }
0x77: {  	_ =	shalt  }
0x78: {  	_ =	shalt  }
0x79: {  	_ =	shalt  }
0x7a: {  	_ =	shalt  }
0x7b: {  	_ =	shalt  }
0x7c: {  	_ =	shalt  }
0x7d: {  	_ =	shalt  }
0x7e: {  	_ =	shalt  }
0x7f: {  	_ =	shalt  }
0x80: {  	_ =	shalt  }
0x81: {  	_ =	shalt  }
0x82: {  	_ =	shalt  }
0x83: {  	_ =	shalt  }
0x84: {  	_ =	shalt  }
0x85: {  	_ =	shalt  }
0x86: {  	_ =	shalt  }
0x87: {  	_ =	shalt  }
.Lfunc_end0:
.L_simem_size_0:
called_computation.1_lowered:
.L_overlay_start_0:
0x88: {  	s2 =	sld [smem:$0x3FD9]  }
0x89: {  	s3 =	sld [smem:$0x3FFE];
	_ =	sdelay $0x1  }
0x8a: {  	s1 =	srdreg.scid  }
0x8b: {  	s0 =	sand.u32 $0x1, s1  }
0x8c: {  	s14 =	sshll.u32 s0, $0xA;
	s2 =	sadd.s32 s3, s2  }
0x8d: {  	s2 =	sadd.s32 s2, s14  }
0x8e: {  	[smem:$0x3FB6] =	sst s2  }
0x8f: {  	_ = 	snop  }
0x90: {  	s2 =	sld [smem:$0x3FD0];
	_ =	sdelay $0x2  }
0x91: {  	s15 =	simm.s32 $0xA;
	s4 =	simm.s32 $0x10  }
0x92: {  	[smem:s4], [sflag:s15] =	dma.local [hbm:s2], $0x1  }
0x93: {  	_ =	swait.eq [sflag:s15], $0x1  }
0x94: {  	[sflag:s15] =	ssyncset.done $0x0  }
0x95: {  	s16 =	sld [smem:$0x10];
	[sflag:s15] =	ssyncadd.s32 $0xFFFFFFFF  }
0x96: {  	s17 =	sld [smem:$0x11];
	(tm) =	ssettm $0x1  }
0x97: {  	s18 =	sld [smem:$0x3FFB];
	_ =	sdelay $0x3  }
0x98: {  	_ =	strace s18  }
0x99: {  	s4 =	sld [smem:$0x3FFC];
	_ =	sdelay $0x3  }
0x9a: {  	_ =	strace s4  }
0x9b: {  	s4 =	sld [smem:$0x3FFD];
	_ =	sdelay $0x3  }
0x9c: {  	_ =	strace s4  }
0x9d: {  	_ =	strace $0x8FFFFFFF  }
0x9e: {  	s19 =	sld [smem:$0x3FDB];
	_ =	sdelay $0x1  }
0x9f: {  	s5 =	simm.s32 $_scs_section_size  }
0xa0: {  	s6 =	simm.s32 $_size__tile_overlayer_lowered;
	s7 =	simm.s32 $_tile_overlayer_lowered  }
0xa1: {  	s22 =	simm.s32 $0x1BFF;
	s21 =	sshll.u32 s7, $0x1;
	s4 =	sadd.s32 s5, s19  }
0xa2: {  	s8 =	simm.s32 $0x0;
	s20 =	sshll.u32 s6, $0x1;
	s6 =	sadd.s32 s21, s4  }
0xa3: {  	[timem:s8], [sflag:s22] =	dma.local [hbm:s6], s20  }
0xa4: {  	_ =	swait.ge [sflag:s22], s20  }
0xa5: {  	s5 =	ssub.s32 $0x0, s20;
	[sflag:s22] =	ssyncset.done $0x0  }
0xa6: {  	[sflag:s22] =	ssyncadd.s32 s5;
	_ =	sdelay $0x1  }
0xa7: {  	s23 =	simm.s32 $0x1B8B  }
0xa8: {  	_ =	swait.ge [sflag:s23], $0x1  }
0xa9: {  	[sflag:s23] =	ssyncset.done $0x0  }
0xaa: {  	s25 =	simm.s32 $0x1B8E;
	s24 =	sld [smem:$0x3FFE];
	[sflag:s23] =	ssyncadd.s32 $0xFFFFFFFF  }
0xab: {  	s26 =	simm.s32 $execute0_lowered;
	[smem:$0x3FD2] =	sst s25  }
0xac: {  	s6 =	sshll.u32 s26, $0x1;
	_ =	strace $0x80000049;
	[dreg:$0x1] =	wrdreg $0xFFFFFFFF  }
0xad: {  	s28 =	simm.s32 $_size_execute0_lowered;
	s4 =	sadd.s32 s4, s6;
	[dreg:$0x0] =	wrdreg $0x0  }
0xae: {  	s6 =	sshll.u32 s28, $0x1;
	[dreg:$0x2] =	wrdreg s4  }
0xaf: {  	[dreg:$0x3] =	wrdreg s6  }
0xb0: {  	[dreg:$0x4] =	wrdreg $0xC0  }
0xb1: {  	_ =	task [dreg:s8], $0x5FFFF  }
0xb2: {  	[dreg:$0x1] =	wrdreg $0xFFFFFFFF  }
0xb3: {  	[dreg:$0x0] =	wrdreg $0x60  }
0xb4: {  	[dreg:$0x2] =	wrdreg s24  }
0xb5: {  	[dreg:$0x3] =	wrdreg s17  }
0xb6: {  	[dreg:$0x4] =	wrdreg s16  }
0xb7: {  	[dreg:$0x5] =	wrdreg $0x9  }
0xb8: {  	_ =	task.clear_ibuf [dreg:s8], $0x6FFFF;
	_ =	strace $0x90000049  }
0xb9: {  	s29 =	simm.s32 $0x9;
	_ =	strace $0x8000004B  }
0xba: {  	_ =	swait.ge [sflag:s29], $0x1  }
0xbb: {  	[sflag:s29] =	ssyncadd.s32 $0xFFFFFFFF  }
0xbc: {  	_ =	strace $0x9000004B  }
0xbd: {  	_ =	sfence  }
0xbe: {  	s30 =	sld [smem:$0x0];
	_ =	sdelay $0x2  }
0xbf: {  	s31 =	sshll.u32 s1, $0xD;
	s1 =	sshrl.u32 s1, $0x2  }
0xc0: {  	s3 =	sand.u32 $0x4000, s31;
	s1 =	sadd.s32 s1, s30  }
0xc1: {  	s0 =	sor.u32 s3, s0;
	s1 =	sshll.u32 s1, $0x11  }
0xc2: {  	s0 =	sor.u32 s1, s0  }
0xc3: {  	s0 =	sadd.s32 $0x8F2B, s0  }
0xc4: {  	[sflag:s0] =	ssyncadd.remote.s32 $0x1  }
0xc5: {  	_ =	sfence.sel $0xFFFF  }
0xc6: {  	[dreg:$0x0] =	wrdreg $0xFFFFFFFF;
	(pc) =	sbr.abs _section_cstart, $3  }
0xc7: {  	[dreg:$0x1] =	wrdreg $0xFFFFFFFF  }
0xc8: {  	_ =	task.clear_ibuf [dreg:s8], $0x2FFFF;
	_ =	strace $0x9FFFFFFF  }
0xc9: {  	(tm) =	ssettm $0x7FFFFFFF  }
tec
execute0_lowered:
.L_overlay_start_1:
0x0: {  	(tag) =	ssettag $0x1  }
0x1: {  	s0 =	rddreg [dreg:$0x0]  }
0x2: {  	s1 =	rddreg [dreg:$0x1]  }
0x3: {  	s3 =	rddreg [dreg:$0x2]  }
0x4: {  	s4 =	srdreg.scid;
	s5 =	stileid.u32;
	s2 =	simm.s32 $0x0  }
0x5: {  	s29 =	simm.s32 $0x10000;
	s30 =	simm.s32 $0x10200;
	s31 =	simm.s32 $0x10400  }
0x6: {  	s4 =	sand.u32 $0x1, s4;
	[smem:$0x7FF] =	sst s2;
	s6 =	sadd.s32 $0x52C00, s0  }
0x7: {  	s5 =	sshll.u32 s5, $0x1;
	_ =	strace $0x8000004A;
	[dreg:$0x4] =	wrdreg s6  }
0x8: {  	s10 =	simm.s32 $0x1;
	s5 =	sor.u32 s4, s5;
	[dreg:$0xb] =	wrdreg s29  }
0x9: {  	s4 =	ssub.s32 $0x2, s4;
	[dreg:$0xc] =	wrdreg s30;
	s7 =	sshll.u32 s5, $0x6  }
0xa: {  	[dreg:$0xd] =	wrdreg s31;
	s5 =	sshll.u32 s5, $0xD;
	s1 =	sadd.s32 s1, s7  }
0xb: {  	s5 =	sadd.s32 s5, s0;
	s22 =	sadd.s32 s3, s7;
	[dreg:$0x5] =	wrdreg s1  }
0xc: {  	s25 =	sshrl.u32 s4, $0x1;
	[dreg:$0x6] =	wrdreg s22;
	s23 =	sadd.s32 $0x52E00, s5  }
0xd: {  	s3 =	sadd.s32 $0x1D2E00, s0;
	s24 =	sadd.s32 $0x92E00, s5;
	[dreg:$0x7] =	wrdreg s23  }
0xe: {  	v2 =	vlaneseq.u32;
	s6 =	ssub.s32 s4, s25;
	s26 =	sadd.s32 $0xD2E00, s5;
	[dreg:$0x8] =	wrdreg s24  }
0xf: {  	vm0 =	vmmov $0xffff;
	v1 =	vshrl.u32 v2, $0x3;
	s4 =	sadd.s32 $0x1D2F00, s0;
	s28 =	sadd.s32 $0x112E00, s5;
	[dreg:$0x9] =	wrdreg s26  }
0x10: {  	v0 =	vand.u32 $0x7, v2;
	v2 =	vor.u32 $0x8, v2;
	v1 =	vmul.u32 $0x8, v1;
	s5 =	smax.u32 s6, $0x1;
	s6 =	simm.s32 $0x2;
	[dreg:$0xa] =	wrdreg s28  }
.LBB2_1:
0x11: {  	s13 =	rddreg [dreg:$0x5]  }
0x12: {  	s14 =	rddreg [dreg:$0xb]  }
0x13: {  	[tilespmem:s14], [sflag:$0x2] =	stream.linear.gather [hbm4b:s13+s2], $0x200, $0x38;
	[tilespmem:$0x10680] =	vst v63  }
0x14: {  	_ =	swait.ge [sflag:s6], $0x200  }
0x15: {  	s18 =	rddreg [dreg:$0x6];
	[sflag:s6] =	ssyncset.done $0x0  }
0x16: {  	s19 =	rddreg [dreg:$0xc];
	[sflag:s6] =	ssyncadd.s32 $0xFFFFFE00  }
0x17: {  	[tilespmem:s19], [sflag:$0x2] =	stream.linear.gather [hbm4b:s18+s2], $0x200, $0x38;
	[tilespmem:$0x10680] =	vst v63  }
0x18: {  	_ =	swait.ge [sflag:s6], $0x200  }
0x19: {  	s20 =	rddreg [dreg:$0x4];
	[sflag:s6] =	ssyncset.done $0x0  }
0x1a: {  	s21 =	rddreg [dreg:$0xd];
	[sflag:s6] =	ssyncadd.s32 $0xFFFFFE00  }
0x1b: {  	[tilespmem:s21], [sflag:$0x2] =	stream.linear.gather [hbm4b:s20+s2], $0x80, $0x38;
	[tilespmem:$0x10680] =	vst v63  }
0x1c: {  	_ =	swait.ge [sflag:s6], $0x80  }
0x1d: {  	[sflag:s6] =	ssyncset.done $0x0  }
0x1e: {  	[sflag:s6] =	ssyncadd.s32 $0xFFFFFF80  }
0x1f: {  	v3 =	vld [tilespmem:$0x10400]  }
0x20: {  	v4 =	vld [tilespmem:$0x10000]  }
0x21: {  	v5 =	vld [tilespmem:$0x10200]  }
0x22: {  	v6 =	vld [tilespmem:$0x10010]  }
0x23: {  	v7 =	vld [tilespmem:$0x10210]  }
0x24: {  	v8 =	vld [tilespmem:$0x10020]  }
0x25: {  	v9 =	vld [tilespmem:$0x10220]  }
0x26: {  	v10 =	vld [tilespmem:$0x10030]  }
0x27: {  	v11 =	vld [tilespmem:$0x10230]  }
0x28: {  	v12 =	vld [tilespmem:$0x10040]  }
0x29: {  	v13 =	vld [tilespmem:$0x10240]  }
0x2a: {  	v14 =	vld [tilespmem:$0x10050]  }
0x2b: {  	v15 =	vld [tilespmem:$0x10250]  }
0x2c: {  	v16 =	vld [tilespmem:$0x10060]  }
0x2d: {  	v17 =	vld [tilespmem:$0x10260]  }
0x2e: {  	v18 =	vld [tilespmem:$0x10070]  }
0x2f: {  	v19 =	vld [tilespmem:$0x10270]  }
0x30: {  	v20 =	vld [tilespmem:$0x10080]  }
0x31: {  	v21 =	vld [tilespmem:$0x10280]  }
0x32: {  	v22 =	vld [tilespmem:$0x10090]  }
0x33: {  	v23 =	vld [tilespmem:$0x10290]  }
0x34: {  	v24 =	vld [tilespmem:$0x100A0]  }
0x35: {  	v25 =	vld [tilespmem:$0x102A0]  }
0x36: {  	v26 =	vld [tilespmem:$0x100B0]  }
0x37: {  	v27 =	vld [tilespmem:$0x102B0]  }
0x38: {  	v28 =	vld [tilespmem:$0x100C0]  }
0x39: {  	v29 =	vld [tilespmem:$0x102C0]  }
0x3a: {  	v30 =	vld [tilespmem:$0x100D0]  }
0x3b: {  	v31 =	vld [tilespmem:$0x102D0]  }
0x3c: {  	v32 =	vld [tilespmem:$0x100E0]  }
0x3d: {  	v33 =	vld [tilespmem:$0x102E0]  }
0x3e: {  	v34 =	vld [tilespmem:$0x100F0]  }
0x3f: {  	v35 =	vld [tilespmem:$0x102F0]  }
0x40: {  	v36 =	vld [tilespmem:$0x10100]  }
0x41: {  	v37 =	vld [tilespmem:$0x10300]  }
0x42: {  	v38 =	vld [tilespmem:$0x10110]  }
0x43: {  	v39 =	vld [tilespmem:$0x10310];
	v6 =	vperm.xlane v3, v6  }
0x44: {  	v40 =	vld [tilespmem:$0x10120];
	v8 =	vperm.xlane v3, v8  }
0x45: {  	v57 =	vld [tilespmem:$0x10170];
	v62 =	vperm.xlane v3, v10;
	v6 =	vadd.s32 v7, v6  }
0x46: {  	v60 =	vld [tilespmem:$0x10370];
	v12 =	vperm.xlane v3, v12;
	v63 =	vadd.s32 v9, v8;
	[tilespmem:$0x10490] =	vst v6  }
0x47: {  	v10 =	vld [tilespmem:$0x10320];
	v42 =	vperm.xlane v3, v14;
	v41 =	vadd.s32 v11, v62;
	[tilespmem:$0x104A0] =	vst v63  }
0x48: {  	v44 =	vperm.xlane v3, v16;
	v14 =	vld [tilespmem:$0x10150];
	v43 =	vadd.s32 v13, v12;
	[tilespmem:$0x104B0] =	vst v41  }
0x49: {  	v46 =	vperm.xlane v3, v18;
	v16 =	vld [tilespmem:$0x10160];
	v45 =	vadd.s32 v15, v42;
	[tilespmem:$0x104C0] =	vst v43  }
0x4a: {  	v48 =	vperm.xlane v3, v20;
	v59 =	vperm.xlane v3, v30;
	v30 =	vld [tilespmem:$0x10380];
	v47 =	vadd.s32 v17, v44;
	[tilespmem:$0x104D0] =	vst v45  }
0x4b: {  	v50 =	vperm.xlane v3, v22;
	v20 =	vld [tilespmem:$0x101F0];
	v49 =	vadd.s32 v19, v46;
	[tilespmem:$0x104E0] =	vst v47  }
0x4c: {  	v52 =	vperm.xlane v3, v24;
	v9 =	vld [tilespmem:$0x10130];
	v51 =	vadd.s32 v21, v48;
	[tilespmem:$0x104F0] =	vst v49  }
0x4d: {  	v54 =	vperm.xlane v3, v26;
	v11 =	vld [tilespmem:$0x10330];
	v53 =	vadd.s32 v23, v50;
	[tilespmem:$0x10500] =	vst v51  }
0x4e: {  	v56 =	vperm.xlane v3, v28;
	v12 =	vld [tilespmem:$0x10140];
	v55 =	vadd.s32 v25, v52;
	[tilespmem:$0x10510] =	vst v53  }
0x4f: {  	v13 =	vld [tilespmem:$0x10340];
	v58 =	vadd.s32 v27, v54;
	[tilespmem:$0x10520] =	vst v55  }
0x50: {  	v4 =	vperm.xlane v3, v4;
	v15 =	vld [tilespmem:$0x10350];
	v61 =	vadd.s32 v29, v56;
	[tilespmem:$0x10530] =	vst v58  }
0x51: {  	v17 =	vld [tilespmem:$0x10360];
	v62 =	vperm.xlane v3, v32;
	v28 =	vadd.s32 v31, v59;
	[tilespmem:$0x10540] =	vst v61  }
0x52: {  	v29 =	vperm.xlane v3, v34;
	v44 =	vld [tilespmem:$0x103A0];
	v4 =	vadd.s32 v5, v4;
	[tilespmem:$0x10550] =	vst v28  }
0x53: {  	v32 =	vperm.xlane v3, v36;
	v50 =	vld [tilespmem:$0x103B0];
	[tilespmem:$0x10480] =	vst v4;
	v31 =	vadd.s32 v33, v62  }
0x54: {  	v40 =	vperm.xlane v3, v40;
	v52 =	vld [tilespmem:$0x101C0];
	v34 =	vadd.s32 v35, v29;
	[tilespmem:$0x10560] =	vst v31  }
0x55: {  	v56 =	vld [tilespmem:$0x103C0];
	v35 =	vperm.xlane v3, v38;
	v38 =	vadd.s32 v37, v32;
	[tilespmem:$0x10570] =	vst v34  }
0x56: {  	v59 =	vld [tilespmem:$0x103D0];
	[tilespmem:$0x10580] =	vst v38;
	v45 =	vadd.s32 v10, v40;
	v49 =	vperm.xlane v3, v14  }
0x57: {  	v63 =	vld [tilespmem:$0x10180];
	v54 =	vperm.xlane v3, v16;
	v42 =	vadd.s32 v39, v35;
	[tilespmem:$0x105A0] =	vst v45  }
0x58: {  	v41 =	vld [tilespmem:$0x101A0];
	v55 =	vperm.xlane v3, v57;
	[tilespmem:$0x10590] =	vst v42;
	v53 =	vadd.s32 v15, v49  }
0x59: {  	v47 =	vld [tilespmem:$0x101B0];
	v43 =	vperm.xlane v3, v9;
	v7 =	vadd.s32 v17, v54;
	[tilespmem:$0x105D0] =	vst v53  }
0x5a: {  	v58 =	vld [tilespmem:$0x101D0];
	v46 =	vperm.xlane v3, v12;
	v12 =	vadd.s32 v60, v55;
	[tilespmem:$0x105E0] =	vst v7  }
0x5b: {  	v61 =	vld [tilespmem:$0x101E0];
	v62 =	vshll.u32 v4, $0x2;
	v8 =	vperm.xlane v3, v52;
	[tilespmem:$0x105F0] =	vst v12;
	v48 =	vadd.s32 v11, v43  }
0x5c: {  	v33 =	vld [tilespmem:$0x10190];
	v4 =	vand.u32 $0x7, v4;
	v57 =	vperm.xlane v3, v63;
	v51 =	vadd.s32 v13, v46;
	[tilespmem:$0x105B0] =	vst v48  }
0x5d: {  	v23 =	vld [tilespmem:$0x103E0];
	v16 =	vand.u32 $0xFFFFFFE0, v62;
	v63 =	vperm.xlane v3, v41;
	v28 =	vadd.s32 v56, v8;
	[tilespmem:$0x105C0] =	vst v51  }
0x5e: {  	v36 =	vld [tilespmem:$0x10390];
	v4 =	vor.u32 v4, v16;
	v22 =	vperm.xlane v3, v47;
	v5 =	vadd.s32 v30, v57;
	[tilespmem:$0x10640] =	vst v28  }
0x5f: {  	v25 =	vld [tilespmem:$0x103F0];
	v26 =	vperm.xlane v4, v0;
	v6 =	vperm.xlane v3, v58;
	v24 =	vadd.s32 v44, v63;
	[tilespmem:$0x10600] =	vst v5  }
0x60: {  	v29 =	vperm.xlane v3, v61;
	v27 =	vadd.s32 v50, v22;
	[tilespmem:$0x10620] =	vst v24  }
0x61: {  	v60 =	vperm.xlane v3, v33;
	v30 =	vadd.s32 v1, v26;
	v31 =	vadd.s32 v59, v6;
	[tilespmem:$0x10630] =	vst v27  }
0x62: {  	v3 =	vperm.xlane v3, v20;
	v32 =	vadd.s32 v23, v29;
	[tilespmem:$0x10650] =	vst v31  }
0x63: {  	v4 =	vperm.xlane v4, v2;
	v21 =	vadd.s32 v36, v60;
	[tilespmem:$0x10660] =	vst v32  }
0x64: {  	v3 =	vadd.s32 v25, v3;
	[tilespmem:$0x10610] =	vst v21  }
0x65: {  	[tilespmem:$0x10670] =	vst v3;
	v3 =	vadd.s32 v1, v4  }
0x66: {  	[tilespmem:s2], [sflag:$0x1] =	stream.indirect_vreg.gather [hbm4b:s3+s2], $0x80, v30, vm0, $0xb8;
	[tilespmem:$0x10680] =	vst v63  }
0x67: {  	s0 =	simm.s32 $0x800  }
0x68: {  	[tilespmem:s0], [sflag:$0x1] =	stream.indirect_vreg.gather [hbm4b:s4+s2], $0x80, v30, vm0, $0xb8;
	[tilespmem:$0x10680] =	vst v63  }
0x69: {  	s22 =	simm.s32 $0x1000  }
0x6a: {  	[tilespmem:s22], [sflag:$0x1] =	stream.indirect_vreg.gather [hbm4b:s3+s2], $0x80, v3, vm0, $0xb8;
	[tilespmem:$0x10680] =	vst v63  }
0x6b: {  	s23 =	simm.s32 $0x1800  }
0x6c: {  	[tilespmem:s23], [sflag:$0x1] =	stream.indirect_vreg.gather [hbm4b:s4+s2], $0x80, v3, vm0, $0xb8;
	[tilespmem:$0x10680] =	vst v63  }
0x6d: {  	v3 =	vld [tilespmem:$0x10490];
	_ =	sdelay $0x4  }
0x6e: {  	v33 =	vshll.u32 v3, $0x2  }
0x6f: {  	v3 =	vand.u32 $0x7, v3;
	v4 =	vand.u32 $0xFFFFFFE0, v33  }
0x70: {  	v3 =	vor.u32 v3, v4  }
0x71: {  	v4 =	vperm.xlane v3, v0;
	_ =	sdelay $0x1  }
0x72: {  	v4 =	vadd.s32 v1, v4;
	_ =	sdelay $0x1  }
0x73: {  	v3 =	vperm.xlane v3, v2;
	_ =	sdelay $0x1  }
0x74: {  	s24 =	simm.s32 $0x2000;
	v3 =	vadd.s32 v1, v3  }
0x75: {  	[tilespmem:s24], [sflag:$0x1] =	stream.indirect_vreg.gather [hbm4b:s3+s2], $0x80, v4, vm0, $0xb8;
	[tilespmem:$0x10680] =	vst v63  }
0x76: {  	s25 =	simm.s32 $0x2800  }
0x77: {  	[tilespmem:s25], [sflag:$0x1] =	stream.indirect_vreg.gather [hbm4b:s4+s2], $0x80, v4, vm0, $0xb8;
	[tilespmem:$0x10680] =	vst v63  }
0x78: {  	s26 =	simm.s32 $0x3000  }
0x79: {  	[tilespmem:s26], [sflag:$0x1] =	stream.indirect_vreg.gather [hbm4b:s3+s2], $0x80, v3, vm0, $0xb8;
	[tilespmem:$0x10680] =	vst v63  }
0x7a: {  	s28 =	simm.s32 $0x3800  }
0x7b: {  	[tilespmem:s28], [sflag:$0x1] =	stream.indirect_vreg.gather [hbm4b:s4+s2], $0x80, v3, vm0, $0xb8;
	[tilespmem:$0x10680] =	vst v63  }
0x7c: {  	v3 =	vld [tilespmem:$0x104A0];
	_ =	sdelay $0x4  }
0x7d: {  	v34 =	vshll.u32 v3, $0x2  }
0x7e: {  	v3 =	vand.u32 $0x7, v3;
	v4 =	vand.u32 $0xFFFFFFE0, v34  }
0x7f: {  	v3 =	vor.u32 v3, v4  }
0x80: {  	v4 =	vperm.xlane v3, v0;
	_ =	sdelay $0x1  }
0x81: {  	v4 =	vadd.s32 v1, v4;
	_ =	sdelay $0x1  }
0x82: {  	v3 =	vperm.xlane v3, v2;
	_ =	sdelay $0x1  }
0x83: {  	s29 =	simm.s32 $0x4000;
	v3 =	vadd.s32 v1, v3  }
0x84: {  	[tilespmem:s29], [sflag:$0x1] =	stream.indirect_vreg.gather [hbm4b:s3+s2], $0x80, v4, vm0, $0xb8;
	[tilespmem:$0x10680] =	vst v63  }
0x85: {  	s30 =	simm.s32 $0x4800  }
0x86: {  	[tilespmem:s30], [sflag:$0x1] =	stream.indirect_vreg.gather [hbm4b:s4+s2], $0x80, v4, vm0, $0xb8;
	[tilespmem:$0x10680] =	vst v63  }
0x87: {  	s31 =	simm.s32 $0x5000  }
0x88: {  	[tilespmem:s31], [sflag:$0x1] =	stream.indirect_vreg.gather [hbm4b:s3+s2], $0x80, v3, vm0, $0xb8;
	[tilespmem:$0x10680] =	vst v63  }
0x89: {  	s7 =	simm.s32 $0x5800  }
0x8a: {  	[tilespmem:s7], [sflag:$0x1] =	stream.indirect_vreg.gather [hbm4b:s4+s2], $0x80, v3, vm0, $0xb8;
	[tilespmem:$0x10680] =	vst v63  }
0x8b: {  	v3 =	vld [tilespmem:$0x104B0];
	_ =	sdelay $0x4  }
0x8c: {  	v35 =	vshll.u32 v3, $0x2  }
0x8d: {  	v3 =	vand.u32 $0x7, v3;
	v4 =	vand.u32 $0xFFFFFFE0, v35  }
0x8e: {  	v3 =	vor.u32 v3, v4  }
0x8f: {  	v4 =	vperm.xlane v3, v0;
	_ =	sdelay $0x1  }
0x90: {  	v4 =	vadd.s32 v1, v4;
	_ =	sdelay $0x1  }
0x91: {  	v3 =	vperm.xlane v3, v2;
	_ =	sdelay $0x1  }
0x92: {  	s8 =	simm.s32 $0x6000;
	v3 =	vadd.s32 v1, v3  }
0x93: {  	[tilespmem:s8], [sflag:$0x1] =	stream.indirect_vreg.gather [hbm4b:s3+s2], $0x80, v4, vm0, $0xb8;
	[tilespmem:$0x10680] =	vst v63  }
0x94: {  	s9 =	simm.s32 $0x6800  }
0x95: {  	[tilespmem:s9], [sflag:$0x1] =	stream.indirect_vreg.gather [hbm4b:s4+s2], $0x80, v4, vm0, $0xb8;
	[tilespmem:$0x10680] =	vst v63  }
0x96: {  	s11 =	simm.s32 $0x7000  }
0x97: {  	[tilespmem:s11], [sflag:$0x1] =	stream.indirect_vreg.gather [hbm4b:s3+s2], $0x80, v3, vm0, $0xb8;
	[tilespmem:$0x10680] =	vst v63  }
0x98: {  	s13 =	simm.s32 $0x7800  }
0x99: {  	[tilespmem:s13], [sflag:$0x1] =	stream.indirect_vreg.gather [hbm4b:s4+s2], $0x80, v3, vm0, $0xb8;
	[tilespmem:$0x10680] =	vst v63  }
0x9a: {  	v3 =	vld [tilespmem:$0x104C0];
	_ =	sdelay $0x4  }
0x9b: {  	v36 =	vshll.u32 v3, $0x2  }
0x9c: {  	v3 =	vand.u32 $0x7, v3;
	v4 =	vand.u32 $0xFFFFFFE0, v36  }
0x9d: {  	v3 =	vor.u32 v3, v4  }
0x9e: {  	v4 =	vperm.xlane v3, v0;
	_ =	sdelay $0x1  }
0x9f: {  	v4 =	vadd.s32 v1, v4;
	_ =	sdelay $0x1  }
0xa0: {  	v3 =	vperm.xlane v3, v2;
	_ =	sdelay $0x1  }
0xa1: {  	s14 =	simm.s32 $0x8000;
	v3 =	vadd.s32 v1, v3  }
0xa2: {  	[tilespmem:s14], [sflag:$0x1] =	stream.indirect_vreg.gather [hbm4b:s3+s2], $0x80, v4, vm0, $0xb8;
	[tilespmem:$0x10680] =	vst v63  }
0xa3: {  	s17 =	simm.s32 $0x8800  }
0xa4: {  	[tilespmem:s17], [sflag:$0x1] =	stream.indirect_vreg.gather [hbm4b:s4+s2], $0x80, v4, vm0, $0xb8;
	[tilespmem:$0x10680] =	vst v63  }
0xa5: {  	s18 =	simm.s32 $0x9000  }
0xa6: {  	[tilespmem:s18], [sflag:$0x1] =	stream.indirect_vreg.gather [hbm4b:s3+s2], $0x80, v3, vm0, $0xb8;
	[tilespmem:$0x10680] =	vst v63  }
0xa7: {  	s19 =	simm.s32 $0x9800  }
0xa8: {  	[tilespmem:s19], [sflag:$0x1] =	stream.indirect_vreg.gather [hbm4b:s4+s2], $0x80, v3, vm0, $0xb8;
	[tilespmem:$0x10680] =	vst v63  }
0xa9: {  	v3 =	vld [tilespmem:$0x104D0];
	_ =	sdelay $0x4  }
0xaa: {  	v37 =	vshll.u32 v3, $0x2  }
0xab: {  	v3 =	vand.u32 $0x7, v3;
	v4 =	vand.u32 $0xFFFFFFE0, v37  }
0xac: {  	v3 =	vor.u32 v3, v4  }
0xad: {  	v4 =	vperm.xlane v3, v0;
	_ =	sdelay $0x1  }
0xae: {  	v4 =	vadd.s32 v1, v4;
	_ =	sdelay $0x1  }
0xaf: {  	v3 =	vperm.xlane v3, v2;
	_ =	sdelay $0x1  }
0xb0: {  	s22 =	simm.s32 $0xA000;
	v3 =	vadd.s32 v1, v3  }
0xb1: {  	[tilespmem:s22], [sflag:$0x1] =	stream.indirect_vreg.gather [hbm4b:s3+s2], $0x80, v4, vm0, $0xb8;
	[tilespmem:$0x10680] =	vst v63  }
0xb2: {  	s23 =	simm.s32 $0xA800  }
0xb3: {  	[tilespmem:s23], [sflag:$0x1] =	stream.indirect_vreg.gather [hbm4b:s4+s2], $0x80, v4, vm0, $0xb8;
	[tilespmem:$0x10680] =	vst v63  }
0xb4: {  	s24 =	simm.s32 $0xB000  }
0xb5: {  	[tilespmem:s24], [sflag:$0x1] =	stream.indirect_vreg.gather [hbm4b:s3+s2], $0x80, v3, vm0, $0xb8;
	[tilespmem:$0x10680] =	vst v63  }
0xb6: {  	s25 =	simm.s32 $0xB800  }
0xb7: {  	[tilespmem:s25], [sflag:$0x1] =	stream.indirect_vreg.gather [hbm4b:s4+s2], $0x80, v3, vm0, $0xb8;
	[tilespmem:$0x10680] =	vst v63  }
0xb8: {  	v3 =	vld [tilespmem:$0x104E0];
	_ =	sdelay $0x4  }
0xb9: {  	v38 =	vshll.u32 v3, $0x2  }
0xba: {  	v3 =	vand.u32 $0x7, v3;
	v4 =	vand.u32 $0xFFFFFFE0, v38  }
0xbb: {  	v3 =	vor.u32 v3, v4  }
0xbc: {  	v4 =	vperm.xlane v3, v0;
	_ =	sdelay $0x1  }
0xbd: {  	v4 =	vadd.s32 v1, v4;
	_ =	sdelay $0x1  }
0xbe: {  	v3 =	vperm.xlane v3, v2;
	_ =	sdelay $0x1  }
0xbf: {  	s26 =	simm.s32 $0xC000;
	v3 =	vadd.s32 v1, v3  }
0xc0: {  	[tilespmem:s26], [sflag:$0x1] =	stream.indirect_vreg.gather [hbm4b:s3+s2], $0x80, v4, vm0, $0xb8;
	[tilespmem:$0x10680] =	vst v63  }
0xc1: {  	s28 =	simm.s32 $0xC800  }
0xc2: {  	[tilespmem:s28], [sflag:$0x1] =	stream.indirect_vreg.gather [hbm4b:s4+s2], $0x80, v4, vm0, $0xb8;
	[tilespmem:$0x10680] =	vst v63  }
0xc3: {  	s29 =	simm.s32 $0xD000  }
0xc4: {  	[tilespmem:s29], [sflag:$0x1] =	stream.indirect_vreg.gather [hbm4b:s3+s2], $0x80, v3, vm0, $0xb8;
	[tilespmem:$0x10680] =	vst v63  }
0xc5: {  	s30 =	simm.s32 $0xD800  }
0xc6: {  	[tilespmem:s30], [sflag:$0x1] =	stream.indirect_vreg.gather [hbm4b:s4+s2], $0x80, v3, vm0, $0xb8;
	[tilespmem:$0x10680] =	vst v63  }
0xc7: {  	v3 =	vld [tilespmem:$0x104F0];
	_ =	sdelay $0x4  }
0xc8: {  	v39 =	vshll.u32 v3, $0x2  }
0xc9: {  	v3 =	vand.u32 $0x7, v3;
	v4 =	vand.u32 $0xFFFFFFE0, v39  }
0xca: {  	v3 =	vor.u32 v3, v4  }
0xcb: {  	v4 =	vperm.xlane v3, v0;
	_ =	sdelay $0x1  }
0xcc: {  	v4 =	vadd.s32 v1, v4;
	_ =	sdelay $0x1  }
0xcd: {  	v3 =	vperm.xlane v3, v2;
	_ =	sdelay $0x1  }
0xce: {  	s31 =	simm.s32 $0xE000;
	v3 =	vadd.s32 v1, v3  }
0xcf: {  	[tilespmem:s31], [sflag:$0x1] =	stream.indirect_vreg.gather [hbm4b:s3+s2], $0x80, v4, vm0, $0xb8;
	[tilespmem:$0x10680] =	vst v63  }
0xd0: {  	s0 =	simm.s32 $0xE800  }
0xd1: {  	[tilespmem:s0], [sflag:$0x1] =	stream.indirect_vreg.gather [hbm4b:s4+s2], $0x80, v4, vm0, $0xb8;
	[tilespmem:$0x10680] =	vst v63  }
0xd2: {  	s8 =	simm.s32 $0xF000  }
0xd3: {  	[tilespmem:s8], [sflag:$0x1] =	stream.indirect_vreg.gather [hbm4b:s3+s2], $0x80, v3, vm0, $0xb8;
	[tilespmem:$0x10680] =	vst v63  }
0xd4: {  	s9 =	simm.s32 $0xF800  }
0xd5: {  	[tilespmem:s9], [sflag:$0x1] =	stream.indirect_vreg.gather [hbm4b:s4+s2], $0x80, v3, vm0, $0xb8;
	[tilespmem:$0x10680] =	vst v63  }
0xd6: {  	_ =	swait.ge [sflag:s10], $0x10000  }
0xd7: {  	[sflag:s10] =	ssyncset.done $0x0  }
0xd8: {  	s11 =	rddreg [dreg:$0x7];
	[sflag:s10] =	ssyncadd.s32 $0xFFFF0000  }
0xd9: {  	[hbm4b:s11+s2] =	stream.linear.scatter [tilespmem:s2], [sflag:$0x2], $0x10000, $0x38;
	[tilespmem:$0x10680] =	vst v63  }
0xda: {  	_ =	swait.ge [sflag:s6], $0x10000  }
0xdb: {  	[sflag:s6] =	ssyncset.done $0x0  }
0xdc: {  	[sflag:s6] =	ssyncadd.s32 $0xFFFF0000  }
0xdd: {  	v3 =	vld [tilespmem:$0x10500];
	_ =	sdelay $0x4  }
0xde: {  	v40 =	vshll.u32 v3, $0x2  }
0xdf: {  	v3 =	vand.u32 $0x7, v3;
	v4 =	vand.u32 $0xFFFFFFE0, v40  }
0xe0: {  	v3 =	vor.u32 v3, v4  }
0xe1: {  	v4 =	vperm.xlane v3, v0;
	_ =	sdelay $0x1  }
0xe2: {  	v4 =	vadd.s32 v1, v4;
	_ =	sdelay $0x1  }
0xe3: {  	v3 =	vperm.xlane v3, v2;
	_ =	sdelay $0x1  }
0xe4: {  	v3 =	vadd.s32 v1, v3  }
0xe5: {  	[tilespmem:s2], [sflag:$0x1] =	stream.indirect_vreg.gather [hbm4b:s3+s2], $0x80, v4, vm0, $0xb8;
	[tilespmem:$0x10680] =	vst v63  }
0xe6: {  	s12 =	simm.s32 $0x800  }
0xe7: {  	[tilespmem:s12], [sflag:$0x1] =	stream.indirect_vreg.gather [hbm4b:s4+s2], $0x80, v4, vm0, $0xb8;
	[tilespmem:$0x10680] =	vst v63  }
0xe8: {  	s1 =	simm.s32 $0x1000  }
0xe9: {  	[tilespmem:s1], [sflag:$0x1] =	stream.indirect_vreg.gather [hbm4b:s3+s2], $0x80, v3, vm0, $0xb8;
	[tilespmem:$0x10680] =	vst v63  }
0xea: {  	s16 =	simm.s32 $0x1800  }
0xeb: {  	[tilespmem:s16], [sflag:$0x1] =	stream.indirect_vreg.gather [hbm4b:s4+s2], $0x80, v3, vm0, $0xb8;
	[tilespmem:$0x10680] =	vst v63  }
0xec: {  	v3 =	vld [tilespmem:$0x10510];
	_ =	sdelay $0x4  }
0xed: {  	v41 =	vshll.u32 v3, $0x2  }
0xee: {  	v3 =	vand.u32 $0x7, v3;
	v4 =	vand.u32 $0xFFFFFFE0, v41  }
0xef: {  	v3 =	vor.u32 v3, v4  }
0xf0: {  	v4 =	vperm.xlane v3, v0;
	_ =	sdelay $0x1  }
0xf1: {  	v4 =	vadd.s32 v1, v4;
	_ =	sdelay $0x1  }
0xf2: {  	v3 =	vperm.xlane v3, v2;
	_ =	sdelay $0x1  }
0xf3: {  	s15 =	simm.s32 $0x2000;
	v3 =	vadd.s32 v1, v3  }
0xf4: {  	[tilespmem:s15], [sflag:$0x1] =	stream.indirect_vreg.gather [hbm4b:s3+s2], $0x80, v4, vm0, $0xb8;
	[tilespmem:$0x10680] =	vst v63  }
0xf5: {  	s16 =	simm.s32 $0x2800  }
0xf6: {  	[tilespmem:s16], [sflag:$0x1] =	stream.indirect_vreg.gather [hbm4b:s4+s2], $0x80, v4, vm0, $0xb8;
	[tilespmem:$0x10680] =	vst v63  }
0xf7: {  	s19 =	simm.s32 $0x3000  }
0xf8: {  	[tilespmem:s19], [sflag:$0x1] =	stream.indirect_vreg.gather [hbm4b:s3+s2], $0x80, v3, vm0, $0xb8;
	[tilespmem:$0x10680] =	vst v63  }
0xf9: {  	s22 =	simm.s32 $0x3800  }
0xfa: {  	[tilespmem:s22], [sflag:$0x1] =	stream.indirect_vreg.gather [hbm4b:s4+s2], $0x80, v3, vm0, $0xb8;
	[tilespmem:$0x10680] =	vst v63  }
0xfb: {  	v3 =	vld [tilespmem:$0x10520];
	_ =	sdelay $0x4  }
0xfc: {  	v42 =	vshll.u32 v3, $0x2  }
0xfd: {  	v3 =	vand.u32 $0x7, v3;
	v4 =	vand.u32 $0xFFFFFFE0, v42  }
0xfe: {  	v3 =	vor.u32 v3, v4  }
0xff: {  	v4 =	vperm.xlane v3, v0;
	_ =	sdelay $0x1  }
0x100: {  	v4 =	vadd.s32 v1, v4;
	_ =	sdelay $0x1  }
0x101: {  	v3 =	vperm.xlane v3, v2;
	_ =	sdelay $0x1  }
0x102: {  	s20 =	simm.s32 $0x4000;
	v3 =	vadd.s32 v1, v3  }
0x103: {  	[tilespmem:s20], [sflag:$0x1] =	stream.indirect_vreg.gather [hbm4b:s3+s2], $0x80, v4, vm0, $0xb8;
	[tilespmem:$0x10680] =	vst v63  }
0x104: {  	s21 =	simm.s32 $0x4800  }
0x105: {  	[tilespmem:s21], [sflag:$0x1] =	stream.indirect_vreg.gather [hbm4b:s4+s2], $0x80, v4, vm0, $0xb8;
	[tilespmem:$0x10680] =	vst v63  }
0x106: {  	s23 =	simm.s32 $0x5000  }
0x107: {  	[tilespmem:s23], [sflag:$0x1] =	stream.indirect_vreg.gather [hbm4b:s3+s2], $0x80, v3, vm0, $0xb8;
	[tilespmem:$0x10680] =	vst v63  }
0x108: {  	s24 =	simm.s32 $0x5800  }
0x109: {  	[tilespmem:s24], [sflag:$0x1] =	stream.indirect_vreg.gather [hbm4b:s4+s2], $0x80, v3, vm0, $0xb8;
	[tilespmem:$0x10680] =	vst v63  }
0x10a: {  	v3 =	vld [tilespmem:$0x10530];
	_ =	sdelay $0x4  }
0x10b: {  	v43 =	vshll.u32 v3, $0x2  }
0x10c: {  	v3 =	vand.u32 $0x7, v3;
	v4 =	vand.u32 $0xFFFFFFE0, v43  }
0x10d: {  	v3 =	vor.u32 v3, v4  }
0x10e: {  	v4 =	vperm.xlane v3, v0;
	_ =	sdelay $0x1  }
0x10f: {  	v4 =	vadd.s32 v1, v4;
	_ =	sdelay $0x1  }
0x110: {  	v3 =	vperm.xlane v3, v2;
	_ =	sdelay $0x1  }
0x111: {  	s25 =	simm.s32 $0x6000;
	v3 =	vadd.s32 v1, v3  }
0x112: {  	[tilespmem:s25], [sflag:$0x1] =	stream.indirect_vreg.gather [hbm4b:s3+s2], $0x80, v4, vm0, $0xb8;
	[tilespmem:$0x10680] =	vst v63  }
0x113: {  	s26 =	simm.s32 $0x6800  }
0x114: {  	[tilespmem:s26], [sflag:$0x1] =	stream.indirect_vreg.gather [hbm4b:s4+s2], $0x80, v4, vm0, $0xb8;
	[tilespmem:$0x10680] =	vst v63  }
0x115: {  	s28 =	simm.s32 $0x7000  }
0x116: {  	[tilespmem:s28], [sflag:$0x1] =	stream.indirect_vreg.gather [hbm4b:s3+s2], $0x80, v3, vm0, $0xb8;
	[tilespmem:$0x10680] =	vst v63  }
0x117: {  	s29 =	simm.s32 $0x7800  }
0x118: {  	[tilespmem:s29], [sflag:$0x1] =	stream.indirect_vreg.gather [hbm4b:s4+s2], $0x80, v3, vm0, $0xb8;
	[tilespmem:$0x10680] =	vst v63  }
0x119: {  	v3 =	vld [tilespmem:$0x10540];
	_ =	sdelay $0x4  }
0x11a: {  	v44 =	vshll.u32 v3, $0x2  }
0x11b: {  	v3 =	vand.u32 $0x7, v3;
	v4 =	vand.u32 $0xFFFFFFE0, v44  }
0x11c: {  	v3 =	vor.u32 v3, v4  }
0x11d: {  	v4 =	vperm.xlane v3, v0;
	_ =	sdelay $0x1  }
0x11e: {  	v4 =	vadd.s32 v1, v4;
	_ =	sdelay $0x1  }
0x11f: {  	v3 =	vperm.xlane v3, v2;
	_ =	sdelay $0x1  }
0x120: {  	s30 =	simm.s32 $0x8000;
	v3 =	vadd.s32 v1, v3  }
0x121: {  	[tilespmem:s30], [sflag:$0x1] =	stream.indirect_vreg.gather [hbm4b:s3+s2], $0x80, v4, vm0, $0xb8;
	[tilespmem:$0x10680] =	vst v63  }
0x122: {  	s31 =	simm.s32 $0x8800  }
0x123: {  	[tilespmem:s31], [sflag:$0x1] =	stream.indirect_vreg.gather [hbm4b:s4+s2], $0x80, v4, vm0, $0xb8;
	[tilespmem:$0x10680] =	vst v63  }
0x124: {  	s0 =	simm.s32 $0x9000  }
0x125: {  	[tilespmem:s0], [sflag:$0x1] =	stream.indirect_vreg.gather [hbm4b:s3+s2], $0x80, v3, vm0, $0xb8;
	[tilespmem:$0x10680] =	vst v63  }
0x126: {  	s20 =	simm.s32 $0x9800  }
0x127: {  	[tilespmem:s20], [sflag:$0x1] =	stream.indirect_vreg.gather [hbm4b:s4+s2], $0x80, v3, vm0, $0xb8;
	[tilespmem:$0x10680] =	vst v63  }
0x128: {  	v3 =	vld [tilespmem:$0x10550];
	_ =	sdelay $0x4  }
0x129: {  	v45 =	vshll.u32 v3, $0x2  }
0x12a: {  	v3 =	vand.u32 $0x7, v3;
	v4 =	vand.u32 $0xFFFFFFE0, v45  }
0x12b: {  	v3 =	vor.u32 v3, v4  }
0x12c: {  	v4 =	vperm.xlane v3, v0;
	_ =	sdelay $0x1  }
0x12d: {  	v4 =	vadd.s32 v1, v4;
	_ =	sdelay $0x1  }
0x12e: {  	v3 =	vperm.xlane v3, v2;
	_ =	sdelay $0x1  }
0x12f: {  	s1 =	simm.s32 $0xA000;
	v3 =	vadd.s32 v1, v3  }
0x130: {  	[tilespmem:s1], [sflag:$0x1] =	stream.indirect_vreg.gather [hbm4b:s3+s2], $0x80, v4, vm0, $0xb8;
	[tilespmem:$0x10680] =	vst v63  }
0x131: {  	s12 =	simm.s32 $0xA800  }
0x132: {  	[tilespmem:s12], [sflag:$0x1] =	stream.indirect_vreg.gather [hbm4b:s4+s2], $0x80, v4, vm0, $0xb8;
	[tilespmem:$0x10680] =	vst v63  }
0x133: {  	s15 =	simm.s32 $0xB000  }
0x134: {  	[tilespmem:s15], [sflag:$0x1] =	stream.indirect_vreg.gather [hbm4b:s3+s2], $0x80, v3, vm0, $0xb8;
	[tilespmem:$0x10680] =	vst v63  }
0x135: {  	s21 =	simm.s32 $0xB800  }
0x136: {  	[tilespmem:s21], [sflag:$0x1] =	stream.indirect_vreg.gather [hbm4b:s4+s2], $0x80, v3, vm0, $0xb8;
	[tilespmem:$0x10680] =	vst v63  }
0x137: {  	v3 =	vld [tilespmem:$0x10560];
	_ =	sdelay $0x4  }
0x138: {  	v46 =	vshll.u32 v3, $0x2  }
0x139: {  	v3 =	vand.u32 $0x7, v3;
	v4 =	vand.u32 $0xFFFFFFE0, v46  }
0x13a: {  	v3 =	vor.u32 v3, v4  }
0x13b: {  	v4 =	vperm.xlane v3, v0;
	_ =	sdelay $0x1  }
0x13c: {  	v4 =	vadd.s32 v1, v4;
	_ =	sdelay $0x1  }
0x13d: {  	v3 =	vperm.xlane v3, v2;
	_ =	sdelay $0x1  }
0x13e: {  	s14 =	simm.s32 $0xC000;
	v3 =	vadd.s32 v1, v3  }
0x13f: {  	[tilespmem:s14], [sflag:$0x1] =	stream.indirect_vreg.gather [hbm4b:s3+s2], $0x80, v4, vm0, $0xb8;
	[tilespmem:$0x10680] =	vst v63  }
0x140: {  	s14 =	simm.s32 $0xC800  }
0x141: {  	[tilespmem:s14], [sflag:$0x1] =	stream.indirect_vreg.gather [hbm4b:s4+s2], $0x80, v4, vm0, $0xb8;
	[tilespmem:$0x10680] =	vst v63  }
0x142: {  	s17 =	simm.s32 $0xD000  }
0x143: {  	[tilespmem:s17], [sflag:$0x1] =	stream.indirect_vreg.gather [hbm4b:s3+s2], $0x80, v3, vm0, $0xb8;
	[tilespmem:$0x10680] =	vst v63  }
0x144: {  	s7 =	simm.s32 $0xD800  }
0x145: {  	[tilespmem:s7], [sflag:$0x1] =	stream.indirect_vreg.gather [hbm4b:s4+s2], $0x80, v3, vm0, $0xb8;
	[tilespmem:$0x10680] =	vst v63  }
0x146: {  	v3 =	vld [tilespmem:$0x10570];
	_ =	sdelay $0x4  }
0x147: {  	v47 =	vshll.u32 v3, $0x2  }
0x148: {  	v3 =	vand.u32 $0x7, v3;
	v4 =	vand.u32 $0xFFFFFFE0, v47  }
0x149: {  	v3 =	vor.u32 v3, v4  }
0x14a: {  	v4 =	vperm.xlane v3, v0;
	_ =	sdelay $0x1  }
0x14b: {  	v4 =	vadd.s32 v1, v4;
	_ =	sdelay $0x1  }
0x14c: {  	v3 =	vperm.xlane v3, v2;
	_ =	sdelay $0x1  }
0x14d: {  	s13 =	simm.s32 $0xE000;
	v3 =	vadd.s32 v1, v3  }
0x14e: {  	[tilespmem:s13], [sflag:$0x1] =	stream.indirect_vreg.gather [hbm4b:s3+s2], $0x80, v4, vm0, $0xb8;
	[tilespmem:$0x10680] =	vst v63  }
0x14f: {  	s13 =	simm.s32 $0xE800  }
0x150: {  	[tilespmem:s13], [sflag:$0x1] =	stream.indirect_vreg.gather [hbm4b:s4+s2], $0x80, v4, vm0, $0xb8;
	[tilespmem:$0x10680] =	vst v63  }
0x151: {  	s13 =	simm.s32 $0xF000  }
0x152: {  	[tilespmem:s13], [sflag:$0x1] =	stream.indirect_vreg.gather [hbm4b:s3+s2], $0x80, v3, vm0, $0xb8;
	[tilespmem:$0x10680] =	vst v63  }
0x153: {  	s8 =	simm.s32 $0xF800  }
0x154: {  	[tilespmem:s8], [sflag:$0x1] =	stream.indirect_vreg.gather [hbm4b:s4+s2], $0x80, v3, vm0, $0xb8;
	[tilespmem:$0x10680] =	vst v63  }
0x155: {  	_ =	swait.ge [sflag:s10], $0x10000  }
0x156: {  	[sflag:s10] =	ssyncset.done $0x0  }
0x157: {  	s8 =	rddreg [dreg:$0x8];
	[sflag:s10] =	ssyncadd.s32 $0xFFFF0000  }
0x158: {  	[hbm4b:s8+s2] =	stream.linear.scatter [tilespmem:s2], [sflag:$0x2], $0x10000, $0x38;
	[tilespmem:$0x10680] =	vst v63  }
0x159: {  	_ =	swait.ge [sflag:s6], $0x10000  }
0x15a: {  	[sflag:s6] =	ssyncset.done $0x0  }
0x15b: {  	[sflag:s6] =	ssyncadd.s32 $0xFFFF0000  }
0x15c: {  	v3 =	vld [tilespmem:$0x10580];
	_ =	sdelay $0x4  }
0x15d: {  	v48 =	vshll.u32 v3, $0x2  }
0x15e: {  	v3 =	vand.u32 $0x7, v3;
	v4 =	vand.u32 $0xFFFFFFE0, v48  }
0x15f: {  	v3 =	vor.u32 v3, v4  }
0x160: {  	v4 =	vperm.xlane v3, v0;
	_ =	sdelay $0x1  }
0x161: {  	v4 =	vadd.s32 v1, v4;
	_ =	sdelay $0x1  }
0x162: {  	v3 =	vperm.xlane v3, v2;
	_ =	sdelay $0x1  }
0x163: {  	v3 =	vadd.s32 v1, v3  }
0x164: {  	[tilespmem:s2], [sflag:$0x1] =	stream.indirect_vreg.gather [hbm4b:s3+s2], $0x80, v4, vm0, $0xb8;
	[tilespmem:$0x10680] =	vst v63  }
0x165: {  	s11 =	simm.s32 $0x800  }
0x166: {  	[tilespmem:s11], [sflag:$0x1] =	stream.indirect_vreg.gather [hbm4b:s4+s2], $0x80, v4, vm0, $0xb8;
	[tilespmem:$0x10680] =	vst v63  }
0x167: {  	s9 =	simm.s32 $0x1000  }
0x168: {  	[tilespmem:s9], [sflag:$0x1] =	stream.indirect_vreg.gather [hbm4b:s3+s2], $0x80, v3, vm0, $0xb8;
	[tilespmem:$0x10680] =	vst v63  }
0x169: {  	s11 =	simm.s32 $0x1800  }
0x16a: {  	[tilespmem:s11], [sflag:$0x1] =	stream.indirect_vreg.gather [hbm4b:s4+s2], $0x80, v3, vm0, $0xb8;
	[tilespmem:$0x10680] =	vst v63  }
0x16b: {  	v3 =	vld [tilespmem:$0x10590];
	_ =	sdelay $0x4  }
0x16c: {  	v49 =	vshll.u32 v3, $0x2  }
0x16d: {  	v3 =	vand.u32 $0x7, v3;
	v4 =	vand.u32 $0xFFFFFFE0, v49  }
0x16e: {  	v3 =	vor.u32 v3, v4  }
0x16f: {  	v4 =	vperm.xlane v3, v0;
	_ =	sdelay $0x1  }
0x170: {  	v4 =	vadd.s32 v1, v4;
	_ =	sdelay $0x1  }
0x171: {  	v3 =	vperm.xlane v3, v2;
	_ =	sdelay $0x1  }
0x172: {  	s18 =	simm.s32 $0x2000;
	v3 =	vadd.s32 v1, v3  }
0x173: {  	[tilespmem:s18], [sflag:$0x1] =	stream.indirect_vreg.gather [hbm4b:s3+s2], $0x80, v4, vm0, $0xb8;
	[tilespmem:$0x10680] =	vst v63  }
0x174: {  	_ = 	snop  }
0x175: {  	[tilespmem:s16], [sflag:$0x1] =	stream.indirect_vreg.gather [hbm4b:s4+s2], $0x80, v4, vm0, $0xb8;
	[tilespmem:$0x10680] =	vst v63  }
0x176: {  	_ = 	snop  }
0x177: {  	[tilespmem:s19], [sflag:$0x1] =	stream.indirect_vreg.gather [hbm4b:s3+s2], $0x80, v3, vm0, $0xb8;
	[tilespmem:$0x10680] =	vst v63  }
0x178: {  	_ = 	snop  }
0x179: {  	[tilespmem:s22], [sflag:$0x1] =	stream.indirect_vreg.gather [hbm4b:s4+s2], $0x80, v3, vm0, $0xb8;
	[tilespmem:$0x10680] =	vst v63  }
0x17a: {  	v3 =	vld [tilespmem:$0x105A0];
	_ =	sdelay $0x4  }
0x17b: {  	v50 =	vshll.u32 v3, $0x2  }
0x17c: {  	v3 =	vand.u32 $0x7, v3;
	v4 =	vand.u32 $0xFFFFFFE0, v50  }
0x17d: {  	v3 =	vor.u32 v3, v4  }
0x17e: {  	v4 =	vperm.xlane v3, v0;
	_ =	sdelay $0x1  }
0x17f: {  	v4 =	vadd.s32 v1, v4;
	_ =	sdelay $0x1  }
0x180: {  	v3 =	vperm.xlane v3, v2;
	_ =	sdelay $0x1  }
0x181: {  	s13 =	simm.s32 $0x4000;
	v3 =	vadd.s32 v1, v3  }
0x182: {  	[tilespmem:s13], [sflag:$0x1] =	stream.indirect_vreg.gather [hbm4b:s3+s2], $0x80, v4, vm0, $0xb8;
	[tilespmem:$0x10680] =	vst v63  }
0x183: {  	s18 =	simm.s32 $0x4800  }
0x184: {  	[tilespmem:s18], [sflag:$0x1] =	stream.indirect_vreg.gather [hbm4b:s4+s2], $0x80, v4, vm0, $0xb8;
	[tilespmem:$0x10680] =	vst v63  }
0x185: {  	_ = 	snop  }
0x186: {  	[tilespmem:s23], [sflag:$0x1] =	stream.indirect_vreg.gather [hbm4b:s3+s2], $0x80, v3, vm0, $0xb8;
	[tilespmem:$0x10680] =	vst v63  }
0x187: {  	_ = 	snop  }
0x188: {  	[tilespmem:s24], [sflag:$0x1] =	stream.indirect_vreg.gather [hbm4b:s4+s2], $0x80, v3, vm0, $0xb8;
	[tilespmem:$0x10680] =	vst v63  }
0x189: {  	v3 =	vld [tilespmem:$0x105B0];
	_ =	sdelay $0x4  }
0x18a: {  	v51 =	vshll.u32 v3, $0x2  }
0x18b: {  	v3 =	vand.u32 $0x7, v3;
	v4 =	vand.u32 $0xFFFFFFE0, v51  }
0x18c: {  	v3 =	vor.u32 v3, v4  }
0x18d: {  	v4 =	vperm.xlane v3, v0;
	_ =	sdelay $0x1  }
0x18e: {  	v4 =	vadd.s32 v1, v4;
	_ =	sdelay $0x1  }
0x18f: {  	v3 =	vperm.xlane v3, v2;
	_ =	sdelay $0x1  }
0x190: {  	v3 =	vadd.s32 v1, v3  }
0x191: {  	[tilespmem:s25], [sflag:$0x1] =	stream.indirect_vreg.gather [hbm4b:s3+s2], $0x80, v4, vm0, $0xb8;
	[tilespmem:$0x10680] =	vst v63  }
0x192: {  	_ = 	snop  }
0x193: {  	[tilespmem:s26], [sflag:$0x1] =	stream.indirect_vreg.gather [hbm4b:s4+s2], $0x80, v4, vm0, $0xb8;
	[tilespmem:$0x10680] =	vst v63  }
0x194: {  	_ = 	snop  }
0x195: {  	[tilespmem:s28], [sflag:$0x1] =	stream.indirect_vreg.gather [hbm4b:s3+s2], $0x80, v3, vm0, $0xb8;
	[tilespmem:$0x10680] =	vst v63  }
0x196: {  	_ = 	snop  }
0x197: {  	[tilespmem:s29], [sflag:$0x1] =	stream.indirect_vreg.gather [hbm4b:s4+s2], $0x80, v3, vm0, $0xb8;
	[tilespmem:$0x10680] =	vst v63  }
0x198: {  	v3 =	vld [tilespmem:$0x105C0];
	_ =	sdelay $0x4  }
0x199: {  	v52 =	vshll.u32 v3, $0x2  }
0x19a: {  	v3 =	vand.u32 $0x7, v3;
	v4 =	vand.u32 $0xFFFFFFE0, v52  }
0x19b: {  	v3 =	vor.u32 v3, v4  }
0x19c: {  	v4 =	vperm.xlane v3, v0;
	_ =	sdelay $0x1  }
0x19d: {  	v4 =	vadd.s32 v1, v4;
	_ =	sdelay $0x1  }
0x19e: {  	v3 =	vperm.xlane v3, v2;
	_ =	sdelay $0x1  }
0x19f: {  	v3 =	vadd.s32 v1, v3  }
0x1a0: {  	[tilespmem:s30], [sflag:$0x1] =	stream.indirect_vreg.gather [hbm4b:s3+s2], $0x80, v4, vm0, $0xb8;
	[tilespmem:$0x10680] =	vst v63  }
0x1a1: {  	_ = 	snop  }
0x1a2: {  	[tilespmem:s31], [sflag:$0x1] =	stream.indirect_vreg.gather [hbm4b:s4+s2], $0x80, v4, vm0, $0xb8;
	[tilespmem:$0x10680] =	vst v63  }
0x1a3: {  	_ = 	snop  }
0x1a4: {  	[tilespmem:s0], [sflag:$0x1] =	stream.indirect_vreg.gather [hbm4b:s3+s2], $0x80, v3, vm0, $0xb8;
	[tilespmem:$0x10680] =	vst v63  }
0x1a5: {  	_ = 	snop  }
0x1a6: {  	[tilespmem:s20], [sflag:$0x1] =	stream.indirect_vreg.gather [hbm4b:s4+s2], $0x80, v3, vm0, $0xb8;
	[tilespmem:$0x10680] =	vst v63  }
0x1a7: {  	v3 =	vld [tilespmem:$0x105D0];
	_ =	sdelay $0x4  }
0x1a8: {  	v53 =	vshll.u32 v3, $0x2  }
0x1a9: {  	v3 =	vand.u32 $0x7, v3;
	v4 =	vand.u32 $0xFFFFFFE0, v53  }
0x1aa: {  	v3 =	vor.u32 v3, v4  }
0x1ab: {  	v4 =	vperm.xlane v3, v0;
	_ =	sdelay $0x1  }
0x1ac: {  	v4 =	vadd.s32 v1, v4;
	_ =	sdelay $0x1  }
0x1ad: {  	v3 =	vperm.xlane v3, v2;
	_ =	sdelay $0x1  }
0x1ae: {  	v3 =	vadd.s32 v1, v3  }
0x1af: {  	[tilespmem:s1], [sflag:$0x1] =	stream.indirect_vreg.gather [hbm4b:s3+s2], $0x80, v4, vm0, $0xb8;
	[tilespmem:$0x10680] =	vst v63  }
0x1b0: {  	_ = 	snop  }
0x1b1: {  	[tilespmem:s12], [sflag:$0x1] =	stream.indirect_vreg.gather [hbm4b:s4+s2], $0x80, v4, vm0, $0xb8;
	[tilespmem:$0x10680] =	vst v63  }
0x1b2: {  	_ = 	snop  }
0x1b3: {  	[tilespmem:s15], [sflag:$0x1] =	stream.indirect_vreg.gather [hbm4b:s3+s2], $0x80, v3, vm0, $0xb8;
	[tilespmem:$0x10680] =	vst v63  }
0x1b4: {  	_ = 	snop  }
0x1b5: {  	[tilespmem:s21], [sflag:$0x1] =	stream.indirect_vreg.gather [hbm4b:s4+s2], $0x80, v3, vm0, $0xb8;
	[tilespmem:$0x10680] =	vst v63  }
0x1b6: {  	v3 =	vld [tilespmem:$0x105E0];
	_ =	sdelay $0x4  }
0x1b7: {  	v54 =	vshll.u32 v3, $0x2  }
0x1b8: {  	v3 =	vand.u32 $0x7, v3;
	v4 =	vand.u32 $0xFFFFFFE0, v54  }
0x1b9: {  	v3 =	vor.u32 v3, v4  }
0x1ba: {  	v4 =	vperm.xlane v3, v0;
	_ =	sdelay $0x1  }
0x1bb: {  	v4 =	vadd.s32 v1, v4;
	_ =	sdelay $0x1  }
0x1bc: {  	v3 =	vperm.xlane v3, v2;
	_ =	sdelay $0x1  }
0x1bd: {  	s21 =	simm.s32 $0xC000;
	v3 =	vadd.s32 v1, v3  }
0x1be: {  	[tilespmem:s21], [sflag:$0x1] =	stream.indirect_vreg.gather [hbm4b:s3+s2], $0x80, v4, vm0, $0xb8;
	[tilespmem:$0x10680] =	vst v63  }
0x1bf: {  	s14 =	simm.s32 $0xC800  }
0x1c0: {  	[tilespmem:s14], [sflag:$0x1] =	stream.indirect_vreg.gather [hbm4b:s4+s2], $0x80, v4, vm0, $0xb8;
	[tilespmem:$0x10680] =	vst v63  }
0x1c1: {  	s17 =	simm.s32 $0xD000  }
0x1c2: {  	[tilespmem:s17], [sflag:$0x1] =	stream.indirect_vreg.gather [hbm4b:s3+s2], $0x80, v3, vm0, $0xb8;
	[tilespmem:$0x10680] =	vst v63  }
0x1c3: {  	s31 =	simm.s32 $0xD800  }
0x1c4: {  	[tilespmem:s31], [sflag:$0x1] =	stream.indirect_vreg.gather [hbm4b:s4+s2], $0x80, v3, vm0, $0xb8;
	[tilespmem:$0x10680] =	vst v63  }
0x1c5: {  	v3 =	vld [tilespmem:$0x105F0];
	_ =	sdelay $0x4  }
0x1c6: {  	v55 =	vshll.u32 v3, $0x2  }
0x1c7: {  	v3 =	vand.u32 $0x7, v3;
	v4 =	vand.u32 $0xFFFFFFE0, v55  }
0x1c8: {  	v3 =	vor.u32 v3, v4  }
0x1c9: {  	v4 =	vperm.xlane v3, v0;
	_ =	sdelay $0x1  }
0x1ca: {  	v4 =	vadd.s32 v1, v4;
	_ =	sdelay $0x1  }
0x1cb: {  	v3 =	vperm.xlane v3, v2;
	_ =	sdelay $0x1  }
0x1cc: {  	s7 =	simm.s32 $0xE000;
	v3 =	vadd.s32 v1, v3  }
0x1cd: {  	[tilespmem:s7], [sflag:$0x1] =	stream.indirect_vreg.gather [hbm4b:s3+s2], $0x80, v4, vm0, $0xb8;
	[tilespmem:$0x10680] =	vst v63  }
0x1ce: {  	s13 =	simm.s32 $0xE800  }
0x1cf: {  	[tilespmem:s13], [sflag:$0x1] =	stream.indirect_vreg.gather [hbm4b:s4+s2], $0x80, v4, vm0, $0xb8;
	[tilespmem:$0x10680] =	vst v63  }
0x1d0: {  	s20 =	simm.s32 $0xF000  }
0x1d1: {  	[tilespmem:s20], [sflag:$0x1] =	stream.indirect_vreg.gather [hbm4b:s3+s2], $0x80, v3, vm0, $0xb8;
	[tilespmem:$0x10680] =	vst v63  }
0x1d2: {  	s13 =	simm.s32 $0xF800  }
0x1d3: {  	[tilespmem:s13], [sflag:$0x1] =	stream.indirect_vreg.gather [hbm4b:s4+s2], $0x80, v3, vm0, $0xb8;
	[tilespmem:$0x10680] =	vst v63  }
0x1d4: {  	_ =	swait.ge [sflag:s10], $0x10000  }
0x1d5: {  	[sflag:s10] =	ssyncset.done $0x0  }
0x1d6: {  	s13 =	rddreg [dreg:$0x9];
	[sflag:s10] =	ssyncadd.s32 $0xFFFF0000  }
0x1d7: {  	[hbm4b:s13+s2] =	stream.linear.scatter [tilespmem:s2], [sflag:$0x2], $0x10000, $0x38;
	[tilespmem:$0x10680] =	vst v63  }
0x1d8: {  	_ =	swait.ge [sflag:s6], $0x10000  }
0x1d9: {  	[sflag:s6] =	ssyncset.done $0x0  }
0x1da: {  	[sflag:s6] =	ssyncadd.s32 $0xFFFF0000  }
0x1db: {  	v3 =	vld [tilespmem:$0x10600];
	_ =	sdelay $0x4  }
0x1dc: {  	v56 =	vshll.u32 v3, $0x2  }
0x1dd: {  	v3 =	vand.u32 $0x7, v3;
	v4 =	vand.u32 $0xFFFFFFE0, v56  }
0x1de: {  	v3 =	vor.u32 v3, v4  }
0x1df: {  	v4 =	vperm.xlane v3, v0;
	_ =	sdelay $0x1  }
0x1e0: {  	v4 =	vadd.s32 v1, v4;
	_ =	sdelay $0x1  }
0x1e1: {  	v3 =	vperm.xlane v3, v2;
	_ =	sdelay $0x1  }
0x1e2: {  	v3 =	vadd.s32 v1, v3  }
0x1e3: {  	[tilespmem:s2], [sflag:$0x1] =	stream.indirect_vreg.gather [hbm4b:s3+s2], $0x80, v4, vm0, $0xb8;
	[tilespmem:$0x10680] =	vst v63  }
0x1e4: {  	s13 =	simm.s32 $0x800  }
0x1e5: {  	[tilespmem:s13], [sflag:$0x1] =	stream.indirect_vreg.gather [hbm4b:s4+s2], $0x80, v4, vm0, $0xb8;
	[tilespmem:$0x10680] =	vst v63  }
0x1e6: {  	s13 =	simm.s32 $0x1000  }
0x1e7: {  	[tilespmem:s13], [sflag:$0x1] =	stream.indirect_vreg.gather [hbm4b:s3+s2], $0x80, v3, vm0, $0xb8;
	[tilespmem:$0x10680] =	vst v63  }
0x1e8: {  	s13 =	simm.s32 $0x1800  }
0x1e9: {  	[tilespmem:s13], [sflag:$0x1] =	stream.indirect_vreg.gather [hbm4b:s4+s2], $0x80, v3, vm0, $0xb8;
	[tilespmem:$0x10680] =	vst v63  }
0x1ea: {  	v3 =	vld [tilespmem:$0x10610];
	_ =	sdelay $0x4  }
0x1eb: {  	v57 =	vshll.u32 v3, $0x2  }
0x1ec: {  	v3 =	vand.u32 $0x7, v3;
	v4 =	vand.u32 $0xFFFFFFE0, v57  }
0x1ed: {  	v3 =	vor.u32 v3, v4  }
0x1ee: {  	v4 =	vperm.xlane v3, v0;
	_ =	sdelay $0x1  }
0x1ef: {  	v4 =	vadd.s32 v1, v4;
	_ =	sdelay $0x1  }
0x1f0: {  	v3 =	vperm.xlane v3, v2;
	_ =	sdelay $0x1  }
0x1f1: {  	s13 =	simm.s32 $0x2000;
	v3 =	vadd.s32 v1, v3  }
0x1f2: {  	[tilespmem:s13], [sflag:$0x1] =	stream.indirect_vreg.gather [hbm4b:s3+s2], $0x80, v4, vm0, $0xb8;
	[tilespmem:$0x10680] =	vst v63  }
0x1f3: {  	s8 =	simm.s32 $0x2800  }
0x1f4: {  	[tilespmem:s8], [sflag:$0x1] =	stream.indirect_vreg.gather [hbm4b:s4+s2], $0x80, v4, vm0, $0xb8;
	[tilespmem:$0x10680] =	vst v63  }
0x1f5: {  	s16 =	simm.s32 $0x3000  }
0x1f6: {  	[tilespmem:s16], [sflag:$0x1] =	stream.indirect_vreg.gather [hbm4b:s3+s2], $0x80, v3, vm0, $0xb8;
	[tilespmem:$0x10680] =	vst v63  }
0x1f7: {  	s19 =	simm.s32 $0x3800  }
0x1f8: {  	[tilespmem:s19], [sflag:$0x1] =	stream.indirect_vreg.gather [hbm4b:s4+s2], $0x80, v3, vm0, $0xb8;
	[tilespmem:$0x10680] =	vst v63  }
0x1f9: {  	v3 =	vld [tilespmem:$0x10620];
	_ =	sdelay $0x4  }
0x1fa: {  	v58 =	vshll.u32 v3, $0x2  }
0x1fb: {  	v3 =	vand.u32 $0x7, v3;
	v4 =	vand.u32 $0xFFFFFFE0, v58  }
0x1fc: {  	v3 =	vor.u32 v3, v4  }
0x1fd: {  	v4 =	vperm.xlane v3, v0;
	_ =	sdelay $0x1  }
0x1fe: {  	v4 =	vadd.s32 v1, v4;
	_ =	sdelay $0x1  }
0x1ff: {  	v3 =	vperm.xlane v3, v2;
	_ =	sdelay $0x1  }
0x200: {  	s16 =	simm.s32 $0x4000;
	v3 =	vadd.s32 v1, v3  }
0x201: {  	[tilespmem:s16], [sflag:$0x1] =	stream.indirect_vreg.gather [hbm4b:s3+s2], $0x80, v4, vm0, $0xb8;
	[tilespmem:$0x10680] =	vst v63  }
0x202: {  	s19 =	simm.s32 $0x4800  }
0x203: {  	[tilespmem:s19], [sflag:$0x1] =	stream.indirect_vreg.gather [hbm4b:s4+s2], $0x80, v4, vm0, $0xb8;
	[tilespmem:$0x10680] =	vst v63  }
0x204: {  	s22 =	simm.s32 $0x5000  }
0x205: {  	[tilespmem:s22], [sflag:$0x1] =	stream.indirect_vreg.gather [hbm4b:s3+s2], $0x80, v3, vm0, $0xb8;
	[tilespmem:$0x10680] =	vst v63  }
0x206: {  	s23 =	simm.s32 $0x5800  }
0x207: {  	[tilespmem:s23], [sflag:$0x1] =	stream.indirect_vreg.gather [hbm4b:s4+s2], $0x80, v3, vm0, $0xb8;
	[tilespmem:$0x10680] =	vst v63  }
0x208: {  	v3 =	vld [tilespmem:$0x10630];
	_ =	sdelay $0x4  }
0x209: {  	v59 =	vshll.u32 v3, $0x2  }
0x20a: {  	v3 =	vand.u32 $0x7, v3;
	v4 =	vand.u32 $0xFFFFFFE0, v59  }
0x20b: {  	v3 =	vor.u32 v3, v4  }
0x20c: {  	v4 =	vperm.xlane v3, v0;
	_ =	sdelay $0x1  }
0x20d: {  	v4 =	vadd.s32 v1, v4;
	_ =	sdelay $0x1  }
0x20e: {  	v3 =	vperm.xlane v3, v2;
	_ =	sdelay $0x1  }
0x20f: {  	s24 =	simm.s32 $0x6000;
	v3 =	vadd.s32 v1, v3  }
0x210: {  	[tilespmem:s24], [sflag:$0x1] =	stream.indirect_vreg.gather [hbm4b:s3+s2], $0x80, v4, vm0, $0xb8;
	[tilespmem:$0x10680] =	vst v63  }
0x211: {  	s25 =	simm.s32 $0x6800  }
0x212: {  	[tilespmem:s25], [sflag:$0x1] =	stream.indirect_vreg.gather [hbm4b:s4+s2], $0x80, v4, vm0, $0xb8;
	[tilespmem:$0x10680] =	vst v63  }
0x213: {  	s26 =	simm.s32 $0x7000  }
0x214: {  	[tilespmem:s26], [sflag:$0x1] =	stream.indirect_vreg.gather [hbm4b:s3+s2], $0x80, v3, vm0, $0xb8;
	[tilespmem:$0x10680] =	vst v63  }
0x215: {  	s28 =	simm.s32 $0x7800  }
0x216: {  	[tilespmem:s28], [sflag:$0x1] =	stream.indirect_vreg.gather [hbm4b:s4+s2], $0x80, v3, vm0, $0xb8;
	[tilespmem:$0x10680] =	vst v63  }
0x217: {  	v3 =	vld [tilespmem:$0x10640];
	_ =	sdelay $0x4  }
0x218: {  	v60 =	vshll.u32 v3, $0x2  }
0x219: {  	v3 =	vand.u32 $0x7, v3;
	v4 =	vand.u32 $0xFFFFFFE0, v60  }
0x21a: {  	v3 =	vor.u32 v3, v4  }
0x21b: {  	v4 =	vperm.xlane v3, v0;
	_ =	sdelay $0x1  }
0x21c: {  	v4 =	vadd.s32 v1, v4;
	_ =	sdelay $0x1  }
0x21d: {  	v3 =	vperm.xlane v3, v2;
	_ =	sdelay $0x1  }
0x21e: {  	s29 =	simm.s32 $0x8000;
	v3 =	vadd.s32 v1, v3  }
0x21f: {  	[tilespmem:s29], [sflag:$0x1] =	stream.indirect_vreg.gather [hbm4b:s3+s2], $0x80, v4, vm0, $0xb8;
	[tilespmem:$0x10680] =	vst v63  }
0x220: {  	s30 =	simm.s32 $0x8800  }
0x221: {  	[tilespmem:s30], [sflag:$0x1] =	stream.indirect_vreg.gather [hbm4b:s4+s2], $0x80, v4, vm0, $0xb8;
	[tilespmem:$0x10680] =	vst v63  }
0x222: {  	s0 =	simm.s32 $0x9000  }
0x223: {  	[tilespmem:s0], [sflag:$0x1] =	stream.indirect_vreg.gather [hbm4b:s3+s2], $0x80, v3, vm0, $0xb8;
	[tilespmem:$0x10680] =	vst v63  }
0x224: {  	s18 =	simm.s32 $0x9800  }
0x225: {  	[tilespmem:s18], [sflag:$0x1] =	stream.indirect_vreg.gather [hbm4b:s4+s2], $0x80, v3, vm0, $0xb8;
	[tilespmem:$0x10680] =	vst v63  }
0x226: {  	v3 =	vld [tilespmem:$0x10650];
	_ =	sdelay $0x4  }
0x227: {  	v61 =	vshll.u32 v3, $0x2  }
0x228: {  	v3 =	vand.u32 $0x7, v3;
	v4 =	vand.u32 $0xFFFFFFE0, v61  }
0x229: {  	v3 =	vor.u32 v3, v4  }
0x22a: {  	v4 =	vperm.xlane v3, v0;
	_ =	sdelay $0x1  }
0x22b: {  	v4 =	vadd.s32 v1, v4;
	_ =	sdelay $0x1  }
0x22c: {  	v3 =	vperm.xlane v3, v2;
	_ =	sdelay $0x1  }
0x22d: {  	s1 =	simm.s32 $0xA000;
	v3 =	vadd.s32 v1, v3  }
0x22e: {  	[tilespmem:s1], [sflag:$0x1] =	stream.indirect_vreg.gather [hbm4b:s3+s2], $0x80, v4, vm0, $0xb8;
	[tilespmem:$0x10680] =	vst v63  }
0x22f: {  	s9 =	simm.s32 $0xA800  }
0x230: {  	[tilespmem:s9], [sflag:$0x1] =	stream.indirect_vreg.gather [hbm4b:s4+s2], $0x80, v4, vm0, $0xb8;
	[tilespmem:$0x10680] =	vst v63  }
0x231: {  	s11 =	simm.s32 $0xB000  }
0x232: {  	[tilespmem:s11], [sflag:$0x1] =	stream.indirect_vreg.gather [hbm4b:s3+s2], $0x80, v3, vm0, $0xb8;
	[tilespmem:$0x10680] =	vst v63  }
0x233: {  	s12 =	simm.s32 $0xB800  }
0x234: {  	[tilespmem:s12], [sflag:$0x1] =	stream.indirect_vreg.gather [hbm4b:s4+s2], $0x80, v3, vm0, $0xb8;
	[tilespmem:$0x10680] =	vst v63  }
0x235: {  	v3 =	vld [tilespmem:$0x10660];
	_ =	sdelay $0x4  }
0x236: {  	v62 =	vshll.u32 v3, $0x2  }
0x237: {  	v3 =	vand.u32 $0x7, v3;
	v4 =	vand.u32 $0xFFFFFFE0, v62  }
0x238: {  	v3 =	vor.u32 v3, v4  }
0x239: {  	v4 =	vperm.xlane v3, v0;
	_ =	sdelay $0x1  }
0x23a: {  	v4 =	vadd.s32 v1, v4;
	_ =	sdelay $0x1  }
0x23b: {  	v3 =	vperm.xlane v3, v2;
	_ =	sdelay $0x1  }
0x23c: {  	s21 =	simm.s32 $0xC000;
	v3 =	vadd.s32 v1, v3  }
0x23d: {  	[tilespmem:s21], [sflag:$0x1] =	stream.indirect_vreg.gather [hbm4b:s3+s2], $0x80, v4, vm0, $0xb8;
	[tilespmem:$0x10680] =	vst v63  }
0x23e: {  	s15 =	simm.s32 $0xC800  }
0x23f: {  	[tilespmem:s15], [sflag:$0x1] =	stream.indirect_vreg.gather [hbm4b:s4+s2], $0x80, v4, vm0, $0xb8;
	[tilespmem:$0x10680] =	vst v63  }
0x240: {  	s14 =	simm.s32 $0xD000  }
0x241: {  	[tilespmem:s14], [sflag:$0x1] =	stream.indirect_vreg.gather [hbm4b:s3+s2], $0x80, v3, vm0, $0xb8;
	[tilespmem:$0x10680] =	vst v63  }
0x242: {  	s31 =	simm.s32 $0xD800  }
0x243: {  	[tilespmem:s31], [sflag:$0x1] =	stream.indirect_vreg.gather [hbm4b:s4+s2], $0x80, v3, vm0, $0xb8;
	[tilespmem:$0x10680] =	vst v63  }
0x244: {  	v3 =	vld [tilespmem:$0x10670];
	_ =	sdelay $0x4  }
0x245: {  	v63 =	vshll.u32 v3, $0x2  }
0x246: {  	v3 =	vand.u32 $0x7, v3;
	v4 =	vand.u32 $0xFFFFFFE0, v63  }
0x247: {  	v3 =	vor.u32 v3, v4  }
0x248: {  	v4 =	vperm.xlane v3, v0;
	_ =	sdelay $0x1  }
0x249: {  	v4 =	vadd.s32 v1, v4;
	_ =	sdelay $0x1  }
0x24a: {  	v3 =	vperm.xlane v3, v2;
	_ =	sdelay $0x1  }
0x24b: {  	s17 =	simm.s32 $0xE000;
	v3 =	vadd.s32 v1, v3  }
0x24c: {  	[tilespmem:s17], [sflag:$0x1] =	stream.indirect_vreg.gather [hbm4b:s3+s2], $0x80, v4, vm0, $0xb8;
	[tilespmem:$0x10680] =	vst v63  }
0x24d: {  	s7 =	simm.s32 $0xE800  }
0x24e: {  	[tilespmem:s7], [sflag:$0x1] =	stream.indirect_vreg.gather [hbm4b:s4+s2], $0x80, v4, vm0, $0xb8;
	[tilespmem:$0x10680] =	vst v63  }
0x24f: {  	s20 =	simm.s32 $0xF000  }
0x250: {  	[tilespmem:s20], [sflag:$0x1] =	stream.indirect_vreg.gather [hbm4b:s3+s2], $0x80, v3, vm0, $0xb8;
	[tilespmem:$0x10680] =	vst v63  }
0x251: {  	s30 =	simm.s32 $0xF800  }
0x252: {  	[tilespmem:s30], [sflag:$0x1] =	stream.indirect_vreg.gather [hbm4b:s4+s2], $0x80, v3, vm0, $0xb8;
	[tilespmem:$0x10680] =	vst v63  }
0x253: {  	_ =	swait.ge [sflag:s10], $0x10000  }
0x254: {  	p0 =	sne.s32 s5, $0x1;
	[sflag:s10] =	ssyncset.done $0x0  }
.Ltmp0:
0x255: {  	s31 =	rddreg [dreg:$0xa];
	[sflag:s10] =	ssyncadd.s32 $0xFFFF0000;
	(pc) =	sbr.rel @p0 .LBB2_1-.Ltmp0, $4  }
0x256: {  	[hbm4b:s31+s2] =	stream.linear.scatter [tilespmem:s2], [sflag:$0x2], $0x10000, $0x38;
	[tilespmem:$0x10680] =	vst v63  }
0x257: {  	_ =	swait.ge [sflag:s6], $0x10000  }
0x258: {  	[sflag:s6] =	ssyncset.done $0x0  }
0x259: {  	s5 =	sadd.s32 $0xFFFFFFFF, s5;
	[sflag:s6] =	ssyncadd.s32 $0xFFFF0000  }
0x25a: {  	_ =	sfence.sel $0x180000  }
0x25b: {  	[bflag:$0x0] =	sbarrier.arrive $0xFFFF  }
0x25c: {  	_ =	strace $0x9000004A  }
0x25d: {  	s0 =	stileid.u32;
	[bflag:$0x2] =	sbarrier.arrive $0xFFFF  }
0x25e: {  	p0 =	sne.s32 s0, $0x0;
	s0 =	rddreg [dreg:$0x3]  }
0x25f: {  	s0 =	sadd.s32 @!p0 $0x100000, s0  }
0x260: {  	[sflag:s0] =	ssyncadd.tile.s32 @!p0 $0x1;
	_ =	shalt  }
.Lfunc_end2:
_tile_overlayer_lowered:
.L_overlay_start_2:
0x261: {  	(tag) =	ssettag $0x2  }
0x262: {  	s0 =	rddreg [dreg:$0x0];
	s2 =	stileid.u32  }
0x263: {  	s1 =	rddreg [dreg:$0x1];
	p0 =	sne.s32 s2, $0x0  }
0x264: {  	s3 =	rddreg [dreg:$0x2];
	[bflag:$0x3] =	sbarrier.arrive $0xFFFF;
	s2 =	simm.s32 @!p0 $0x1C02  }
0x265: {  	[timem:s3], [sflag:s2] =	dma.local @!p0 [hbm:s0], s1  }
0x266: {  	s0 =	simm.s32 @!p0 $0x2  }
0x267: {  	_ =	swait.ge @!p0 [sflag:s0], s1  }
0x268: {  	s1 =	ssub.s32 @!p0 $0x0, s1;
	[sflag:s0] =	ssyncset.done @!p0 $0x0  }
0x269: {  	[sflag:s0] =	ssyncadd.s32 @!p0 s1  }
0x26a: {  	[bflag:$0x3] =	sbarrier.arrive $0xFFFF  }
0x26b: {  	_ =	shalt  }

// kernel: kernel.7.cloned.1.call-start
scs
__scs_entry_jumppad:
0x0: {  	(pc) =	sbr.rel $0x88, $3  }
0x1: {  	(tag) =	ssettag $0x0;
	lr =	simm.s32 $0x1  }
0x2: {  	[smem:$0x3F8F] =	sst lr;
	_ =	strace $0xD0000000  }
0x3: {  	_ = 	snop  }
0x4: {  	_ = 	snop  }
0x5: {  	_ = 	snop  }
0x6: {  	_ = 	snop  }
0x7: {  	_ = 	snop  }
__scs_overlays_trampoline_lowered:
0x8: {  	[smem:$0x3F9E] =	sst s0  }
0x9: {  	[smem:$0x3F9F] =	sst s1  }
0xa: {  	[smem:$0x3FA0] =	sst s2  }
0xb: {  	[smem:$0x3FA1] =	sst s3  }
0xc: {  	[smem:$0x3FA2] =	sst s4  }
0xd: {  	[smem:$0x3FA3] =	sst s5  }
0xe: {  	[smem:$0x3FA4] =	sst s6  }
0xf: {  	[smem:$0x3FA5] =	sst s7  }
0x10: {  	[smem:$0x3FA6] =	sst s8  }
0x11: {  	[smem:$0x3FA7] =	sst s9;
	s0 =	simm.s32 @!p0 $0x0  }
0x12: {  	s1 =	sld [smem:$0x3F8D];
	s0 =	simm.s32 @p0 $0x1  }
0x13: {  	[smem:$0x3FA8] =	sst s0;
	s0 =	simm.s32 @!p1 $0x0  }
0x14: {  	s2 =	sld [smem:$0x3F8C];
	s0 =	simm.s32 @p1 $0x1  }
0x15: {  	[smem:$0x3FA9] =	sst s0;
	s0 =	simm.s32 @!p2 $0x0  }
0x16: {  	s3 =	sld [smem:$0x3FDB];
	s0 =	simm.s32 @p2 $0x1  }
0x17: {  	s4 =	simm.s32 $0x1BF5;
	[smem:$0x3FAB] =	sst s0  }
0x18: {  	s0 =	sld [smem:$0x3F8E];
	_ =	swait.ge [sflag:s4], $0x0  }
0x19: {  	s7 =	sld [smem:$0x3F8F]  }
0x1a: {  	s8 =	sadd.s32 $0xFFFFE003, lr  }
0x1b: {  	s9 =	sadd.s32 $0xFFFFFEF7, lr;
	s5 =	simm.s32 $0xFFFFFFFF;
	p2 =	slt.u32 s8, $0xFFFFF086  }
0x1c: {  	p1 =	slt.u32 s9, $0xF7A;
	s5 =	simm.s32 @!p2 $0x0  }
0x1d: {  	s5 =	simm.s32 @p1 $0x1;
	p0 =	seq.s32 s7, s2  }
0x1e: {  	s7 =	smul.u32 @!p0 $0xF7A, s2;
	p2 =	seq.s32 @!p0 s5, $0x0  }
0x1f: {  	s9 =	smul.u32 $0xF7A, s1;
	s8 =	simm.s32 @!p0 $0x1BF5;
	p2 =	por !p2, p0  }
0x20: {  	[sflag:s8] =	ssyncset.s32 @!p0 $0xFFFFF086;
	s6 =	sadd.s32 @!p0 s3, s7;
	s7 =	simm.s32 @!p0 $0x108  }
0x21: {  	s3 =	sadd.s32 s3, s9;
	s6 =	sadd.s32 @!p0 $0x88, s6;
	s7 =	simm.s32 @p2 $0x1082  }
0x22: {  	[simem:s7], [sflag:s8] =	dma.local @!p0 [hbm:s6], $0xF7A  }
0x23: {  	s9 =	sor.u32 $0xD0000000, s2;
	s6 =	simm.s32 $0x108;
	_ =	swait.ge @!p0 [sflag:s8], $0x0  }
0x24: {  	s3 =	sadd.s32 $0x88, s3;
	s6 =	simm.s32 @!p1 $0x1082;
	[sflag:s4] =	ssyncset.s32 $0xFFFFF086  }
0x25: {  	[simem:s6], [sflag:s4] =	dma.local [hbm:s3], $0xF7A  }
0x26: {  	[smem:$0x3F8F] =	sst s1;
	(tag) =	ssettag s2;
	_ =	strace s9  }
0x27: {  	s1 =	sld [smem:$0x3F9F]  }
0x28: {  	s2 =	sld [smem:$0x3FA0]  }
0x29: {  	s4 =	sld [smem:$0x3FA2]  }
0x2a: {  	p0 =	seq.s32 s5, $0x0;
	s5 =	sld [smem:$0x3FA3]  }
0x2b: {  	s6 =	sld [smem:$0x3FA4]  }
0x2c: {  	s7 =	sld [smem:$0x3FA5]  }
0x2d: {  	s3 =	simm.s32 $0x108;
	s8 =	sld [smem:$0x3FA6]  }
0x2e: {  	s3 =	simm.s32 @!p0 $0x1082;
	s9 =	sld [smem:$0x3FA7]  }
0x2f: {  	lr =	sadd.s32 s0, s3;
	s0 =	sld [smem:$0x3F9E]  }
0x30: {  	s3 =	sld [smem:$0x3FA1]  }
0x31: {  	[smem:$0x3FAA] =	sst s10  }
0x32: {  	s10 =	sld [smem:$0x3FA8];
	_ =	sdelay $0x3  }
0x33: {  	p0 =	seq.s32 s10, $0x1;
	s10 =	sld [smem:$0x3FAA];
	_ =	sdelay $0x3  }
0x34: {  	[smem:$0x3FAA] =	sst s10  }
0x35: {  	s10 =	sld [smem:$0x3FA9];
	_ =	sdelay $0x3  }
0x36: {  	p1 =	seq.s32 s10, $0x1;
	s10 =	sld [smem:$0x3FAA];
	_ =	sdelay $0x3  }
0x37: {  	[smem:$0x3FAA] =	sst s10  }
0x38: {  	s10 =	sld [smem:$0x3FAB]  }
0x39: {  	_ = 	snop;
	(pc) =	sbr.ind lr, $3  }
0x3a: {  	_ = 	snop  }
0x3b: {  	_ = 	snop  }
0x3c: {  	p2 =	seq.s32 s10, $0x1;
	s10 =	sld [smem:$0x3FAA]  }
0x3d: {  	_ =	shalt  }
0x3e: {  	_ =	shalt  }
0x3f: {  	_ =	shalt  }
0x40: {  	_ =	shalt  }
0x41: {  	_ =	shalt  }
0x42: {  	_ =	shalt  }
0x43: {  	_ =	shalt  }
0x44: {  	_ =	shalt  }
0x45: {  	_ =	shalt  }
0x46: {  	_ =	shalt  }
0x47: {  	_ =	shalt  }
0x48: {  	_ =	shalt  }
0x49: {  	_ =	shalt  }
0x4a: {  	_ =	shalt  }
0x4b: {  	_ =	shalt  }
0x4c: {  	_ =	shalt  }
0x4d: {  	_ =	shalt  }
0x4e: {  	_ =	shalt  }
0x4f: {  	_ =	shalt  }
0x50: {  	_ =	shalt  }
0x51: {  	_ =	shalt  }
0x52: {  	_ =	shalt  }
0x53: {  	_ =	shalt  }
0x54: {  	_ =	shalt  }
0x55: {  	_ =	shalt  }
0x56: {  	_ =	shalt  }
0x57: {  	_ =	shalt  }
0x58: {  	_ =	shalt  }
0x59: {  	_ =	shalt  }
0x5a: {  	_ =	shalt  }
0x5b: {  	_ =	shalt  }
0x5c: {  	_ =	shalt  }
0x5d: {  	_ =	shalt  }
0x5e: {  	_ =	shalt  }
0x5f: {  	_ =	shalt  }
0x60: {  	_ =	shalt  }
0x61: {  	_ =	shalt  }
0x62: {  	_ =	shalt  }
0x63: {  	_ =	shalt  }
0x64: {  	_ =	shalt  }
0x65: {  	_ =	shalt  }
0x66: {  	_ =	shalt  }
0x67: {  	_ =	shalt  }
0x68: {  	_ =	shalt  }
0x69: {  	_ =	shalt  }
0x6a: {  	_ =	shalt  }
0x6b: {  	_ =	shalt  }
0x6c: {  	_ =	shalt  }
0x6d: {  	_ =	shalt  }
0x6e: {  	_ =	shalt  }
0x6f: {  	_ =	shalt  }
0x70: {  	_ =	shalt  }
0x71: {  	_ =	shalt  }
0x72: {  	_ =	shalt  }
0x73: {  	_ =	shalt  }
0x74: {  	_ =	shalt  }
0x75: {  	_ =	shalt  }
0x76: {  	_ =	shalt  }
0x77: {  	_ =	shalt  }
0x78: {  	_ =	shalt  }
0x79: {  	_ =	shalt  }
0x7a: {  	_ =	shalt  }
0x7b: {  	_ =	shalt  }
0x7c: {  	_ =	shalt  }
0x7d: {  	_ =	shalt  }
0x7e: {  	_ =	shalt  }
0x7f: {  	_ =	shalt  }
0x80: {  	_ =	shalt  }
0x81: {  	_ =	shalt  }
0x82: {  	_ =	shalt  }
0x83: {  	_ =	shalt  }
0x84: {  	_ =	shalt  }
0x85: {  	_ =	shalt  }
0x86: {  	_ =	shalt  }
0x87: {  	_ =	shalt  }
.Lfunc_end0:
.L_simem_size_0:
called_computation_lowered:
.L_overlay_start_0:
0x88: {  	s2 =	sld [smem:$0x3FD9]  }
0x89: {  	s3 =	sld [smem:$0x3FFE];
	_ =	sdelay $0x1  }
0x8a: {  	s1 =	srdreg.scid  }
0x8b: {  	s0 =	sand.u32 $0x1, s1  }
0x8c: {  	s14 =	sshll.u32 s0, $0xA;
	s2 =	sadd.s32 s3, s2  }
0x8d: {  	s2 =	sadd.s32 s2, s14  }
0x8e: {  	[smem:$0x3FB6] =	sst s2  }
0x8f: {  	_ = 	snop  }
0x90: {  	s2 =	sld [smem:$0x3FD0];
	_ =	sdelay $0x2  }
0x91: {  	s15 =	simm.s32 $0xA;
	s4 =	simm.s32 $0x10  }
0x92: {  	[smem:s4], [sflag:s15] =	dma.local [hbm:s2], $0x1  }
0x93: {  	_ =	swait.eq [sflag:s15], $0x1  }
0x94: {  	[sflag:s15] =	ssyncset.done $0x0  }
0x95: {  	s16 =	sld [smem:$0x10];
	[sflag:s15] =	ssyncadd.s32 $0xFFFFFFFF  }
0x96: {  	s17 =	sld [smem:$0x11];
	(tm) =	ssettm $0x1  }
0x97: {  	s18 =	sld [smem:$0x3FFB];
	_ =	sdelay $0x3  }
0x98: {  	_ =	strace s18  }
0x99: {  	s4 =	sld [smem:$0x3FFC];
	_ =	sdelay $0x3  }
0x9a: {  	_ =	strace s4  }
0x9b: {  	s4 =	sld [smem:$0x3FFD];
	_ =	sdelay $0x3  }
0x9c: {  	_ =	strace s4  }
0x9d: {  	_ =	strace $0x8FFFFFFF  }
0x9e: {  	s19 =	sld [smem:$0x3FDB];
	_ =	sdelay $0x1  }
0x9f: {  	s5 =	simm.s32 $_scs_section_size  }
0xa0: {  	s6 =	simm.s32 $_size__tile_overlayer_lowered;
	s7 =	simm.s32 $_tile_overlayer_lowered  }
0xa1: {  	s22 =	simm.s32 $0x1BFF;
	s21 =	sshll.u32 s7, $0x1;
	s4 =	sadd.s32 s5, s19  }
0xa2: {  	s8 =	simm.s32 $0x0;
	s20 =	sshll.u32 s6, $0x1;
	s6 =	sadd.s32 s21, s4  }
0xa3: {  	[timem:s8], [sflag:s22] =	dma.local [hbm:s6], s20  }
0xa4: {  	_ =	swait.ge [sflag:s22], s20  }
0xa5: {  	s5 =	ssub.s32 $0x0, s20;
	[sflag:s22] =	ssyncset.done $0x0  }
0xa6: {  	[sflag:s22] =	ssyncadd.s32 s5;
	_ =	sdelay $0x1  }
0xa7: {  	s23 =	simm.s32 $0x1B8B  }
0xa8: {  	_ =	swait.ge [sflag:s23], $0x1  }
0xa9: {  	[sflag:s23] =	ssyncset.done $0x0  }
0xaa: {  	s25 =	simm.s32 $0x1B8E;
	s24 =	sld [smem:$0x3FFE];
	[sflag:s23] =	ssyncadd.s32 $0xFFFFFFFF  }
0xab: {  	s26 =	simm.s32 $execute0_lowered;
	[smem:$0x3FD2] =	sst s25  }
0xac: {  	s6 =	sshll.u32 s26, $0x1;
	_ =	strace $0x80000046;
	[dreg:$0x1] =	wrdreg $0xFFFFFFFF  }
0xad: {  	s28 =	simm.s32 $_size_execute0_lowered;
	s4 =	sadd.s32 s4, s6;
	[dreg:$0x0] =	wrdreg $0x0  }
0xae: {  	s6 =	sshll.u32 s28, $0x1;
	[dreg:$0x2] =	wrdreg s4  }
0xaf: {  	[dreg:$0x3] =	wrdreg s6  }
0xb0: {  	[dreg:$0x4] =	wrdreg $0xC0  }
0xb1: {  	_ =	task [dreg:s8], $0x5FFFF  }
0xb2: {  	[dreg:$0x1] =	wrdreg $0xFFFFFFFF  }
0xb3: {  	[dreg:$0x0] =	wrdreg $0x60  }
0xb4: {  	[dreg:$0x2] =	wrdreg s24  }
0xb5: {  	[dreg:$0x3] =	wrdreg s17  }
0xb6: {  	[dreg:$0x4] =	wrdreg s16  }
0xb7: {  	[dreg:$0x5] =	wrdreg $0x9  }
0xb8: {  	_ =	task.clear_ibuf [dreg:s8], $0x6FFFF;
	_ =	strace $0x90000046  }
0xb9: {  	s29 =	simm.s32 $0x9;
	_ =	strace $0x80000048  }
0xba: {  	_ =	swait.ge [sflag:s29], $0x1  }
0xbb: {  	[sflag:s29] =	ssyncadd.s32 $0xFFFFFFFF  }
0xbc: {  	_ =	strace $0x90000048  }
0xbd: {  	_ =	sfence  }
0xbe: {  	s30 =	sld [smem:$0x0];
	_ =	sdelay $0x2  }
0xbf: {  	s31 =	sshll.u32 s1, $0xD;
	s1 =	sshrl.u32 s1, $0x2  }
0xc0: {  	s3 =	sand.u32 $0x4000, s31;
	s1 =	sadd.s32 s1, s30  }
0xc1: {  	s0 =	sor.u32 s3, s0;
	s1 =	sshll.u32 s1, $0x11  }
0xc2: {  	s0 =	sor.u32 s1, s0  }
0xc3: {  	s0 =	sadd.s32 $0x8F2B, s0  }
0xc4: {  	[sflag:s0] =	ssyncadd.remote.s32 $0x1  }
0xc5: {  	_ =	sfence.sel $0xFFFF  }
0xc6: {  	[dreg:$0x0] =	wrdreg $0xFFFFFFFF;
	(pc) =	sbr.abs _section_cstart, $3  }
0xc7: {  	[dreg:$0x1] =	wrdreg $0xFFFFFFFF  }
0xc8: {  	_ =	task.clear_ibuf [dreg:s8], $0x2FFFF;
	_ =	strace $0x9FFFFFFF  }
0xc9: {  	(tm) =	ssettm $0x7FFFFFFF  }
tec
execute0_lowered:
.L_overlay_start_1:
0x0: {  	(tag) =	ssettag $0x1  }
0x1: {  	s0 =	rddreg [dreg:$0x0]  }
0x2: {  	s1 =	rddreg [dreg:$0x1]  }
0x3: {  	s4 =	rddreg [dreg:$0x2]  }
0x4: {  	s3 =	srdreg.scid;
	s6 =	stileid.u32;
	s2 =	simm.s32 $0x0  }
0x5: {  	s29 =	simm.s32 $0x10000;
	s30 =	simm.s32 $0x10200;
	s22 =	simm.s32 $0x2  }
0x6: {  	s31 =	simm.s32 $0x10400;
	[smem:$0x7FF] =	sst s2;
	s7 =	sadd.s32 $0x52C00, s0  }
0x7: {  	s12 =	simm.s32 $0x1;
	_ =	strace $0x80000047;
	[dreg:$0x4] =	wrdreg s7  }
0x8: {  	s5 =	sand.u32 $0x1, s3;
	s24 =	sshll.u32 s6, $0x1;
	[dreg:$0x8] =	wrdreg s29  }
0x9: {  	s6 =	sor.u32 s5, s24;
	s5 =	ssub.s32 $0x2, s5;
	[dreg:$0x9] =	wrdreg s30  }
0xa: {  	[dreg:$0xa] =	wrdreg s31;
	s3 =	sshll.u32 s6, $0xD;
	s6 =	sshll.u32 s6, $0x6  }
0xb: {  	s26 =	sshrl.u32 s5, $0x1;
	s8 =	sadd.s32 s3, s0;
	s1 =	sadd.s32 s1, s6  }
0xc: {  	v2 =	vlaneseq.u32;
	s3 =	sadd.s32 $0x52E00, s0;
	s28 =	sadd.s32 s4, s6;
	[dreg:$0x6] =	wrdreg s1  }
0xd: {  	vm0 =	vmmov $0xffff;
	v1 =	vshrl.u32 v2, $0x3;
	s5 =	ssub.s32 s5, s26;
	s25 =	sadd.s32 $0x2C00, s8;
	[dreg:$0x7] =	wrdreg s28  }
0xe: {  	v0 =	vand.u32 $0x7, v2;
	v2 =	vor.u32 $0x8, v2;
	v1 =	vmul.u32 $0x8, v1;
	s4 =	sadd.s32 $0x52F00, s0;
	s5 =	smax.u32 s5, $0x1;
	[dreg:$0x5] =	wrdreg s25  }
.LBB2_1:
0xf: {  	s13 =	rddreg [dreg:$0x5]  }
0x10: {  	[tilespmem:s2], [sflag:$0x2] =	stream.linear.gather [hbm4b:s13+s2], $0x10000, $0x38;
	[tilespmem:$0x10680] =	vst v63  }
0x11: {  	_ =	swait.ge [sflag:s22], $0x10000  }
0x12: {  	s11 =	rddreg [dreg:$0x6];
	[sflag:s22] =	ssyncset.done $0x0  }
0x13: {  	s14 =	rddreg [dreg:$0x8];
	[sflag:s22] =	ssyncadd.s32 $0xFFFF0000  }
0x14: {  	[tilespmem:s14], [sflag:$0x2] =	stream.linear.gather [hbm4b:s11+s2], $0x200, $0x38;
	[tilespmem:$0x10680] =	vst v63  }
0x15: {  	_ =	swait.ge [sflag:s22], $0x200  }
0x16: {  	s15 =	rddreg [dreg:$0x7];
	[sflag:s22] =	ssyncset.done $0x0  }
0x17: {  	s16 =	rddreg [dreg:$0x9];
	[sflag:s22] =	ssyncadd.s32 $0xFFFFFE00  }
0x18: {  	[tilespmem:s16], [sflag:$0x2] =	stream.linear.gather [hbm4b:s15+s2], $0x200, $0x38;
	[tilespmem:$0x10680] =	vst v63  }
0x19: {  	_ =	swait.ge [sflag:s22], $0x200  }
0x1a: {  	s17 =	rddreg [dreg:$0x4];
	[sflag:s22] =	ssyncset.done $0x0  }
0x1b: {  	s18 =	rddreg [dreg:$0xa];
	[sflag:s22] =	ssyncadd.s32 $0xFFFFFE00  }
0x1c: {  	[tilespmem:s18], [sflag:$0x2] =	stream.linear.gather [hbm4b:s17+s2], $0x80, $0x38;
	[tilespmem:$0x10680] =	vst v63  }
0x1d: {  	_ =	swait.ge [sflag:s22], $0x80  }
0x1e: {  	[sflag:s22] =	ssyncset.done $0x0  }
0x1f: {  	[sflag:s22] =	ssyncadd.s32 $0xFFFFFF80  }
0x20: {  	v3 =	vld [tilespmem:$0x10400]  }
0x21: {  	v4 =	vld [tilespmem:$0x10000]  }
0x22: {  	v5 =	vld [tilespmem:$0x10200]  }
0x23: {  	v6 =	vld [tilespmem:$0x10010]  }
0x24: {  	v7 =	vld [tilespmem:$0x10210]  }
0x25: {  	v8 =	vld [tilespmem:$0x10020]  }
0x26: {  	v9 =	vld [tilespmem:$0x10220]  }
0x27: {  	v10 =	vld [tilespmem:$0x10030]  }
0x28: {  	v11 =	vld [tilespmem:$0x10230]  }
0x29: {  	v12 =	vld [tilespmem:$0x10040]  }
0x2a: {  	v13 =	vld [tilespmem:$0x10240]  }
0x2b: {  	v14 =	vld [tilespmem:$0x10050]  }
0x2c: {  	v15 =	vld [tilespmem:$0x10250]  }
0x2d: {  	v16 =	vld [tilespmem:$0x10060]  }
0x2e: {  	v17 =	vld [tilespmem:$0x10260]  }
0x2f: {  	v18 =	vld [tilespmem:$0x10070]  }
0x30: {  	v19 =	vld [tilespmem:$0x10270]  }
0x31: {  	v20 =	vld [tilespmem:$0x10080]  }
0x32: {  	v21 =	vld [tilespmem:$0x10280]  }
0x33: {  	v22 =	vld [tilespmem:$0x10090]  }
0x34: {  	v23 =	vld [tilespmem:$0x10290]  }
0x35: {  	v24 =	vld [tilespmem:$0x100A0]  }
0x36: {  	v25 =	vld [tilespmem:$0x102A0]  }
0x37: {  	v26 =	vld [tilespmem:$0x100B0]  }
0x38: {  	v27 =	vld [tilespmem:$0x102B0]  }
0x39: {  	v28 =	vld [tilespmem:$0x100C0]  }
0x3a: {  	v29 =	vld [tilespmem:$0x102C0]  }
0x3b: {  	v30 =	vld [tilespmem:$0x100D0]  }
0x3c: {  	v31 =	vld [tilespmem:$0x102D0]  }
0x3d: {  	v32 =	vld [tilespmem:$0x100E0]  }
0x3e: {  	v33 =	vld [tilespmem:$0x102E0]  }
0x3f: {  	v34 =	vld [tilespmem:$0x100F0]  }
0x40: {  	v35 =	vld [tilespmem:$0x102F0]  }
0x41: {  	v36 =	vld [tilespmem:$0x10100]  }
0x42: {  	v37 =	vld [tilespmem:$0x10300]  }
0x43: {  	v38 =	vld [tilespmem:$0x10110]  }
0x44: {  	v39 =	vld [tilespmem:$0x10310];
	v6 =	vperm.xlane v3, v6  }
0x45: {  	v40 =	vld [tilespmem:$0x10120];
	v8 =	vperm.xlane v3, v8  }
0x46: {  	v57 =	vld [tilespmem:$0x10170];
	v62 =	vperm.xlane v3, v10;
	v6 =	vadd.s32 v7, v6  }
0x47: {  	v60 =	vld [tilespmem:$0x10370];
	v12 =	vperm.xlane v3, v12;
	v63 =	vadd.s32 v9, v8;
	[tilespmem:$0x10490] =	vst v6  }
0x48: {  	v10 =	vld [tilespmem:$0x10320];
	v42 =	vperm.xlane v3, v14;
	v41 =	vadd.s32 v11, v62;
	[tilespmem:$0x104A0] =	vst v63  }
0x49: {  	v44 =	vperm.xlane v3, v16;
	v14 =	vld [tilespmem:$0x10150];
	v43 =	vadd.s32 v13, v12;
	[tilespmem:$0x104B0] =	vst v41  }
0x4a: {  	v46 =	vperm.xlane v3, v18;
	v16 =	vld [tilespmem:$0x10160];
	v45 =	vadd.s32 v15, v42;
	[tilespmem:$0x104C0] =	vst v43  }
0x4b: {  	v48 =	vperm.xlane v3, v20;
	v59 =	vperm.xlane v3, v30;
	v30 =	vld [tilespmem:$0x10380];
	v47 =	vadd.s32 v17, v44;
	[tilespmem:$0x104D0] =	vst v45  }
0x4c: {  	v50 =	vperm.xlane v3, v22;
	v20 =	vld [tilespmem:$0x101F0];
	v49 =	vadd.s32 v19, v46;
	[tilespmem:$0x104E0] =	vst v47  }
0x4d: {  	v52 =	vperm.xlane v3, v24;
	v9 =	vld [tilespmem:$0x10130];
	v51 =	vadd.s32 v21, v48;
	[tilespmem:$0x104F0] =	vst v49  }
0x4e: {  	v54 =	vperm.xlane v3, v26;
	v11 =	vld [tilespmem:$0x10330];
	v53 =	vadd.s32 v23, v50;
	[tilespmem:$0x10500] =	vst v51  }
0x4f: {  	v56 =	vperm.xlane v3, v28;
	v12 =	vld [tilespmem:$0x10140];
	v55 =	vadd.s32 v25, v52;
	[tilespmem:$0x10510] =	vst v53  }
0x50: {  	v13 =	vld [tilespmem:$0x10340];
	v58 =	vadd.s32 v27, v54;
	[tilespmem:$0x10520] =	vst v55  }
0x51: {  	v4 =	vperm.xlane v3, v4;
	v15 =	vld [tilespmem:$0x10350];
	v61 =	vadd.s32 v29, v56;
	[tilespmem:$0x10530] =	vst v58  }
0x52: {  	v17 =	vld [tilespmem:$0x10360];
	v62 =	vperm.xlane v3, v32;
	v28 =	vadd.s32 v31, v59;
	[tilespmem:$0x10540] =	vst v61  }
0x53: {  	v29 =	vperm.xlane v3, v34;
	v44 =	vld [tilespmem:$0x103A0];
	v4 =	vadd.s32 v5, v4;
	[tilespmem:$0x10550] =	vst v28  }
0x54: {  	v32 =	vperm.xlane v3, v36;
	v50 =	vld [tilespmem:$0x103B0];
	[tilespmem:$0x10480] =	vst v4;
	v31 =	vadd.s32 v33, v62  }
0x55: {  	v40 =	vperm.xlane v3, v40;
	v52 =	vld [tilespmem:$0x101C0];
	v34 =	vadd.s32 v35, v29;
	[tilespmem:$0x10560] =	vst v31  }
0x56: {  	v56 =	vld [tilespmem:$0x103C0];
	v35 =	vperm.xlane v3, v38;
	v38 =	vadd.s32 v37, v32;
	[tilespmem:$0x10570] =	vst v34  }
0x57: {  	v59 =	vld [tilespmem:$0x103D0];
	[tilespmem:$0x10580] =	vst v38;
	v45 =	vadd.s32 v10, v40;
	v49 =	vperm.xlane v3, v14  }
0x58: {  	v63 =	vld [tilespmem:$0x10180];
	v54 =	vperm.xlane v3, v16;
	v42 =	vadd.s32 v39, v35;
	[tilespmem:$0x105A0] =	vst v45  }
0x59: {  	v41 =	vld [tilespmem:$0x101A0];
	v55 =	vperm.xlane v3, v57;
	[tilespmem:$0x10590] =	vst v42;
	v53 =	vadd.s32 v15, v49  }
0x5a: {  	v47 =	vld [tilespmem:$0x101B0];
	v43 =	vperm.xlane v3, v9;
	v7 =	vadd.s32 v17, v54;
	[tilespmem:$0x105D0] =	vst v53  }
0x5b: {  	v58 =	vld [tilespmem:$0x101D0];
	v46 =	vperm.xlane v3, v12;
	v12 =	vadd.s32 v60, v55;
	[tilespmem:$0x105E0] =	vst v7  }
0x5c: {  	v61 =	vld [tilespmem:$0x101E0];
	v62 =	vshll.u32 v4, $0x2;
	v8 =	vperm.xlane v3, v52;
	[tilespmem:$0x105F0] =	vst v12;
	v48 =	vadd.s32 v11, v43  }
0x5d: {  	v33 =	vld [tilespmem:$0x10190];
	v4 =	vand.u32 $0x7, v4;
	v57 =	vperm.xlane v3, v63;
	v51 =	vadd.s32 v13, v46;
	[tilespmem:$0x105B0] =	vst v48  }
0x5e: {  	v23 =	vld [tilespmem:$0x103E0];
	v16 =	vand.u32 $0xFFFFFFE0, v62;
	v63 =	vperm.xlane v3, v41;
	v28 =	vadd.s32 v56, v8;
	[tilespmem:$0x105C0] =	vst v51  }
0x5f: {  	v36 =	vld [tilespmem:$0x10390];
	v4 =	vor.u32 v4, v16;
	v22 =	vperm.xlane v3, v47;
	v5 =	vadd.s32 v30, v57;
	[tilespmem:$0x10640] =	vst v28  }
0x60: {  	v25 =	vld [tilespmem:$0x103F0];
	v26 =	vperm.xlane v4, v0;
	v6 =	vperm.xlane v3, v58;
	v24 =	vadd.s32 v44, v63;
	[tilespmem:$0x10600] =	vst v5  }
0x61: {  	v29 =	vperm.xlane v3, v61;
	v27 =	vadd.s32 v50, v22;
	[tilespmem:$0x10620] =	vst v24  }
0x62: {  	v60 =	vperm.xlane v3, v33;
	v30 =	vadd.s32 v1, v26;
	v31 =	vadd.s32 v59, v6;
	[tilespmem:$0x10630] =	vst v27  }
0x63: {  	v3 =	vperm.xlane v3, v20;
	v32 =	vadd.s32 v23, v29;
	[tilespmem:$0x10650] =	vst v31  }
0x64: {  	v4 =	vperm.xlane v4, v2;
	v21 =	vadd.s32 v36, v60;
	[tilespmem:$0x10660] =	vst v32  }
0x65: {  	v3 =	vadd.s32 v25, v3;
	[tilespmem:$0x10610] =	vst v21  }
0x66: {  	[tilespmem:$0x10670] =	vst v3;
	v3 =	vadd.s32 v1, v4  }
0x67: {  	[hbm4b:s3+s2] =	stream.indirect_vreg.scatter [tilespmem:s2], [sflag:$0x1], $0x80, v30, vm0, $0xb8;
	[tilespmem:$0x10680] =	vst v63  }
0x68: {  	s0 =	simm.s32 $0x800  }
0x69: {  	[hbm4b:s4+s2] =	stream.indirect_vreg.scatter [tilespmem:s0], [sflag:$0x1], $0x80, v30, vm0, $0xb8;
	[tilespmem:$0x10680] =	vst v63  }
0x6a: {  	s19 =	simm.s32 $0x1000  }
0x6b: {  	[hbm4b:s3+s2] =	stream.indirect_vreg.scatter [tilespmem:s19], [sflag:$0x1], $0x80, v3, vm0, $0xb8;
	[tilespmem:$0x10680] =	vst v63  }
0x6c: {  	s20 =	simm.s32 $0x1800  }
0x6d: {  	[hbm4b:s4+s2] =	stream.indirect_vreg.scatter [tilespmem:s20], [sflag:$0x1], $0x80, v3, vm0, $0xb8;
	[tilespmem:$0x10680] =	vst v63  }
0x6e: {  	v3 =	vld [tilespmem:$0x10490];
	_ =	sdelay $0x4  }
0x6f: {  	v33 =	vshll.u32 v3, $0x2  }
0x70: {  	v3 =	vand.u32 $0x7, v3;
	v4 =	vand.u32 $0xFFFFFFE0, v33  }
0x71: {  	v3 =	vor.u32 v3, v4  }
0x72: {  	v4 =	vperm.xlane v3, v0;
	_ =	sdelay $0x1  }
0x73: {  	v4 =	vadd.s32 v1, v4;
	_ =	sdelay $0x1  }
0x74: {  	v3 =	vperm.xlane v3, v2;
	_ =	sdelay $0x1  }
0x75: {  	s21 =	simm.s32 $0x2000;
	v3 =	vadd.s32 v1, v3  }
0x76: {  	[hbm4b:s3+s2] =	stream.indirect_vreg.scatter [tilespmem:s21], [sflag:$0x1], $0x80, v4, vm0, $0xb8;
	[tilespmem:$0x10680] =	vst v63  }
0x77: {  	s23 =	simm.s32 $0x2800  }
0x78: {  	[hbm4b:s4+s2] =	stream.indirect_vreg.scatter [tilespmem:s23], [sflag:$0x1], $0x80, v4, vm0, $0xb8;
	[tilespmem:$0x10680] =	vst v63  }
0x79: {  	s24 =	simm.s32 $0x3000  }
0x7a: {  	[hbm4b:s3+s2] =	stream.indirect_vreg.scatter [tilespmem:s24], [sflag:$0x1], $0x80, v3, vm0, $0xb8;
	[tilespmem:$0x10680] =	vst v63  }
0x7b: {  	s25 =	simm.s32 $0x3800  }
0x7c: {  	[hbm4b:s4+s2] =	stream.indirect_vreg.scatter [tilespmem:s25], [sflag:$0x1], $0x80, v3, vm0, $0xb8;
	[tilespmem:$0x10680] =	vst v63  }
0x7d: {  	v3 =	vld [tilespmem:$0x104A0];
	_ =	sdelay $0x4  }
0x7e: {  	v34 =	vshll.u32 v3, $0x2  }
0x7f: {  	v3 =	vand.u32 $0x7, v3;
	v4 =	vand.u32 $0xFFFFFFE0, v34  }
0x80: {  	v3 =	vor.u32 v3, v4  }
0x81: {  	v4 =	vperm.xlane v3, v0;
	_ =	sdelay $0x1  }
0x82: {  	v4 =	vadd.s32 v1, v4;
	_ =	sdelay $0x1  }
0x83: {  	v3 =	vperm.xlane v3, v2;
	_ =	sdelay $0x1  }
0x84: {  	s26 =	simm.s32 $0x4000;
	v3 =	vadd.s32 v1, v3  }
0x85: {  	[hbm4b:s3+s2] =	stream.indirect_vreg.scatter [tilespmem:s26], [sflag:$0x1], $0x80, v4, vm0, $0xb8;
	[tilespmem:$0x10680] =	vst v63  }
0x86: {  	s28 =	simm.s32 $0x4800  }
0x87: {  	[hbm4b:s4+s2] =	stream.indirect_vreg.scatter [tilespmem:s28], [sflag:$0x1], $0x80, v4, vm0, $0xb8;
	[tilespmem:$0x10680] =	vst v63  }
0x88: {  	s29 =	simm.s32 $0x5000  }
0x89: {  	[hbm4b:s3+s2] =	stream.indirect_vreg.scatter [tilespmem:s29], [sflag:$0x1], $0x80, v3, vm0, $0xb8;
	[tilespmem:$0x10680] =	vst v63  }
0x8a: {  	s30 =	simm.s32 $0x5800  }
0x8b: {  	[hbm4b:s4+s2] =	stream.indirect_vreg.scatter [tilespmem:s30], [sflag:$0x1], $0x80, v3, vm0, $0xb8;
	[tilespmem:$0x10680] =	vst v63  }
0x8c: {  	v3 =	vld [tilespmem:$0x104B0];
	_ =	sdelay $0x4  }
0x8d: {  	v35 =	vshll.u32 v3, $0x2  }
0x8e: {  	v3 =	vand.u32 $0x7, v3;
	v4 =	vand.u32 $0xFFFFFFE0, v35  }
0x8f: {  	v3 =	vor.u32 v3, v4  }
0x90: {  	v4 =	vperm.xlane v3, v0;
	_ =	sdelay $0x1  }
0x91: {  	v4 =	vadd.s32 v1, v4;
	_ =	sdelay $0x1  }
0x92: {  	v3 =	vperm.xlane v3, v2;
	_ =	sdelay $0x1  }
0x93: {  	s31 =	simm.s32 $0x6000;
	v3 =	vadd.s32 v1, v3  }
0x94: {  	[hbm4b:s3+s2] =	stream.indirect_vreg.scatter [tilespmem:s31], [sflag:$0x1], $0x80, v4, vm0, $0xb8;
	[tilespmem:$0x10680] =	vst v63  }
0x95: {  	s1 =	simm.s32 $0x6800  }
0x96: {  	[hbm4b:s4+s2] =	stream.indirect_vreg.scatter [tilespmem:s1], [sflag:$0x1], $0x80, v4, vm0, $0xb8;
	[tilespmem:$0x10680] =	vst v63  }
0x97: {  	s6 =	simm.s32 $0x7000  }
0x98: {  	[hbm4b:s3+s2] =	stream.indirect_vreg.scatter [tilespmem:s6], [sflag:$0x1], $0x80, v3, vm0, $0xb8;
	[tilespmem:$0x10680] =	vst v63  }
0x99: {  	s7 =	simm.s32 $0x7800  }
0x9a: {  	[hbm4b:s4+s2] =	stream.indirect_vreg.scatter [tilespmem:s7], [sflag:$0x1], $0x80, v3, vm0, $0xb8;
	[tilespmem:$0x10680] =	vst v63  }
0x9b: {  	v3 =	vld [tilespmem:$0x104C0];
	_ =	sdelay $0x4  }
0x9c: {  	v36 =	vshll.u32 v3, $0x2  }
0x9d: {  	v3 =	vand.u32 $0x7, v3;
	v4 =	vand.u32 $0xFFFFFFE0, v36  }
0x9e: {  	v3 =	vor.u32 v3, v4  }
0x9f: {  	v4 =	vperm.xlane v3, v0;
	_ =	sdelay $0x1  }
0xa0: {  	v4 =	vadd.s32 v1, v4;
	_ =	sdelay $0x1  }
0xa1: {  	v3 =	vperm.xlane v3, v2;
	_ =	sdelay $0x1  }
0xa2: {  	s9 =	simm.s32 $0x8000;
	v3 =	vadd.s32 v1, v3  }
0xa3: {  	[hbm4b:s3+s2] =	stream.indirect_vreg.scatter [tilespmem:s9], [sflag:$0x1], $0x80, v4, vm0, $0xb8;
	[tilespmem:$0x10680] =	vst v63  }
0xa4: {  	s10 =	simm.s32 $0x8800  }
0xa5: {  	[hbm4b:s4+s2] =	stream.indirect_vreg.scatter [tilespmem:s10], [sflag:$0x1], $0x80, v4, vm0, $0xb8;
	[tilespmem:$0x10680] =	vst v63  }
0xa6: {  	s11 =	simm.s32 $0x9000  }
0xa7: {  	[hbm4b:s3+s2] =	stream.indirect_vreg.scatter [tilespmem:s11], [sflag:$0x1], $0x80, v3, vm0, $0xb8;
	[tilespmem:$0x10680] =	vst v63  }
0xa8: {  	s20 =	simm.s32 $0x9800  }
0xa9: {  	[hbm4b:s4+s2] =	stream.indirect_vreg.scatter [tilespmem:s20], [sflag:$0x1], $0x80, v3, vm0, $0xb8;
	[tilespmem:$0x10680] =	vst v63  }
0xaa: {  	v3 =	vld [tilespmem:$0x104D0];
	_ =	sdelay $0x4  }
0xab: {  	v37 =	vshll.u32 v3, $0x2  }
0xac: {  	v3 =	vand.u32 $0x7, v3;
	v4 =	vand.u32 $0xFFFFFFE0, v37  }
0xad: {  	v3 =	vor.u32 v3, v4  }
0xae: {  	v4 =	vperm.xlane v3, v0;
	_ =	sdelay $0x1  }
0xaf: {  	v4 =	vadd.s32 v1, v4;
	_ =	sdelay $0x1  }
0xb0: {  	v3 =	vperm.xlane v3, v2;
	_ =	sdelay $0x1  }
0xb1: {  	s21 =	simm.s32 $0xA000;
	v3 =	vadd.s32 v1, v3  }
0xb2: {  	[hbm4b:s3+s2] =	stream.indirect_vreg.scatter [tilespmem:s21], [sflag:$0x1], $0x80, v4, vm0, $0xb8;
	[tilespmem:$0x10680] =	vst v63  }
0xb3: {  	s23 =	simm.s32 $0xA800  }
0xb4: {  	[hbm4b:s4+s2] =	stream.indirect_vreg.scatter [tilespmem:s23], [sflag:$0x1], $0x80, v4, vm0, $0xb8;
	[tilespmem:$0x10680] =	vst v63  }
0xb5: {  	s24 =	simm.s32 $0xB000  }
0xb6: {  	[hbm4b:s3+s2] =	stream.indirect_vreg.scatter [tilespmem:s24], [sflag:$0x1], $0x80, v3, vm0, $0xb8;
	[tilespmem:$0x10680] =	vst v63  }
0xb7: {  	s25 =	simm.s32 $0xB800  }
0xb8: {  	[hbm4b:s4+s2] =	stream.indirect_vreg.scatter [tilespmem:s25], [sflag:$0x1], $0x80, v3, vm0, $0xb8;
	[tilespmem:$0x10680] =	vst v63  }
0xb9: {  	v3 =	vld [tilespmem:$0x104E0];
	_ =	sdelay $0x4  }
0xba: {  	v38 =	vshll.u32 v3, $0x2  }
0xbb: {  	v3 =	vand.u32 $0x7, v3;
	v4 =	vand.u32 $0xFFFFFFE0, v38  }
0xbc: {  	v3 =	vor.u32 v3, v4  }
0xbd: {  	v4 =	vperm.xlane v3, v0;
	_ =	sdelay $0x1  }
0xbe: {  	v4 =	vadd.s32 v1, v4;
	_ =	sdelay $0x1  }
0xbf: {  	v3 =	vperm.xlane v3, v2;
	_ =	sdelay $0x1  }
0xc0: {  	s26 =	simm.s32 $0xC000;
	v3 =	vadd.s32 v1, v3  }
0xc1: {  	[hbm4b:s3+s2] =	stream.indirect_vreg.scatter [tilespmem:s26], [sflag:$0x1], $0x80, v4, vm0, $0xb8;
	[tilespmem:$0x10680] =	vst v63  }
0xc2: {  	s28 =	simm.s32 $0xC800  }
0xc3: {  	[hbm4b:s4+s2] =	stream.indirect_vreg.scatter [tilespmem:s28], [sflag:$0x1], $0x80, v4, vm0, $0xb8;
	[tilespmem:$0x10680] =	vst v63  }
0xc4: {  	s29 =	simm.s32 $0xD000  }
0xc5: {  	[hbm4b:s3+s2] =	stream.indirect_vreg.scatter [tilespmem:s29], [sflag:$0x1], $0x80, v3, vm0, $0xb8;
	[tilespmem:$0x10680] =	vst v63  }
0xc6: {  	s30 =	simm.s32 $0xD800  }
0xc7: {  	[hbm4b:s4+s2] =	stream.indirect_vreg.scatter [tilespmem:s30], [sflag:$0x1], $0x80, v3, vm0, $0xb8;
	[tilespmem:$0x10680] =	vst v63  }
0xc8: {  	v3 =	vld [tilespmem:$0x104F0];
	_ =	sdelay $0x4  }
0xc9: {  	v39 =	vshll.u32 v3, $0x2  }
0xca: {  	v3 =	vand.u32 $0x7, v3;
	v4 =	vand.u32 $0xFFFFFFE0, v39  }
0xcb: {  	v3 =	vor.u32 v3, v4  }
0xcc: {  	v4 =	vperm.xlane v3, v0;
	_ =	sdelay $0x1  }
0xcd: {  	v4 =	vadd.s32 v1, v4;
	_ =	sdelay $0x1  }
0xce: {  	v3 =	vperm.xlane v3, v2;
	_ =	sdelay $0x1  }
0xcf: {  	s31 =	simm.s32 $0xE000;
	v3 =	vadd.s32 v1, v3  }
0xd0: {  	[hbm4b:s3+s2] =	stream.indirect_vreg.scatter [tilespmem:s31], [sflag:$0x1], $0x80, v4, vm0, $0xb8;
	[tilespmem:$0x10680] =	vst v63  }
0xd1: {  	s6 =	simm.s32 $0xE800  }
0xd2: {  	[hbm4b:s4+s2] =	stream.indirect_vreg.scatter [tilespmem:s6], [sflag:$0x1], $0x80, v4, vm0, $0xb8;
	[tilespmem:$0x10680] =	vst v63  }
0xd3: {  	s11 =	simm.s32 $0xF000  }
0xd4: {  	[hbm4b:s3+s2] =	stream.indirect_vreg.scatter [tilespmem:s11], [sflag:$0x1], $0x80, v3, vm0, $0xb8;
	[tilespmem:$0x10680] =	vst v63  }
0xd5: {  	s20 =	simm.s32 $0xF800  }
0xd6: {  	[hbm4b:s4+s2] =	stream.indirect_vreg.scatter [tilespmem:s20], [sflag:$0x1], $0x80, v3, vm0, $0xb8;
	[tilespmem:$0x10680] =	vst v63  }
0xd7: {  	v3 =	vld [tilespmem:$0x10500];
	_ =	sdelay $0x4  }
0xd8: {  	v40 =	vshll.u32 v3, $0x2  }
0xd9: {  	v3 =	vand.u32 $0x7, v3;
	v4 =	vand.u32 $0xFFFFFFE0, v40  }
0xda: {  	v3 =	vor.u32 v3, v4  }
0xdb: {  	v4 =	vperm.xlane v3, v0;
	_ =	sdelay $0x1  }
0xdc: {  	v4 =	vadd.s32 v1, v4;
	_ =	sdelay $0x1  }
0xdd: {  	v3 =	vperm.xlane v3, v2;
	_ =	sdelay $0x1  }
0xde: {  	v3 =	vadd.s32 v1, v3  }
0xdf: {  	[hbm4b:s3+s2] =	stream.indirect_vreg.scatter [tilespmem:s2], [sflag:$0x1], $0x80, v4, vm0, $0xb8;
	[tilespmem:$0x10680] =	vst v63  }
0xe0: {  	s13 =	simm.s32 $0x800  }
0xe1: {  	[hbm4b:s4+s2] =	stream.indirect_vreg.scatter [tilespmem:s13], [sflag:$0x1], $0x80, v4, vm0, $0xb8;
	[tilespmem:$0x10680] =	vst v63  }
0xe2: {  	s14 =	simm.s32 $0x1000  }
0xe3: {  	[hbm4b:s3+s2] =	stream.indirect_vreg.scatter [tilespmem:s14], [sflag:$0x1], $0x80, v3, vm0, $0xb8;
	[tilespmem:$0x10680] =	vst v63  }
0xe4: {  	s8 =	simm.s32 $0x1800  }
0xe5: {  	[hbm4b:s4+s2] =	stream.indirect_vreg.scatter [tilespmem:s8], [sflag:$0x1], $0x80, v3, vm0, $0xb8;
	[tilespmem:$0x10680] =	vst v63  }
0xe6: {  	v3 =	vld [tilespmem:$0x10510];
	_ =	sdelay $0x4  }
0xe7: {  	v41 =	vshll.u32 v3, $0x2  }
0xe8: {  	v3 =	vand.u32 $0x7, v3;
	v4 =	vand.u32 $0xFFFFFFE0, v41  }
0xe9: {  	v3 =	vor.u32 v3, v4  }
0xea: {  	v4 =	vperm.xlane v3, v0;
	_ =	sdelay $0x1  }
0xeb: {  	v4 =	vadd.s32 v1, v4;
	_ =	sdelay $0x1  }
0xec: {  	v3 =	vperm.xlane v3, v2;
	_ =	sdelay $0x1  }
0xed: {  	s16 =	simm.s32 $0x2000;
	v3 =	vadd.s32 v1, v3  }
0xee: {  	[hbm4b:s3+s2] =	stream.indirect_vreg.scatter [tilespmem:s16], [sflag:$0x1], $0x80, v4, vm0, $0xb8;
	[tilespmem:$0x10680] =	vst v63  }
0xef: {  	s17 =	simm.s32 $0x2800  }
0xf0: {  	[hbm4b:s4+s2] =	stream.indirect_vreg.scatter [tilespmem:s17], [sflag:$0x1], $0x80, v4, vm0, $0xb8;
	[tilespmem:$0x10680] =	vst v63  }
0xf1: {  	s18 =	simm.s32 $0x3000  }
0xf2: {  	[hbm4b:s3+s2] =	stream.indirect_vreg.scatter [tilespmem:s18], [sflag:$0x1], $0x80, v3, vm0, $0xb8;
	[tilespmem:$0x10680] =	vst v63  }
0xf3: {  	s19 =	simm.s32 $0x3800  }
0xf4: {  	[hbm4b:s4+s2] =	stream.indirect_vreg.scatter [tilespmem:s19], [sflag:$0x1], $0x80, v3, vm0, $0xb8;
	[tilespmem:$0x10680] =	vst v63  }
0xf5: {  	v3 =	vld [tilespmem:$0x10520];
	_ =	sdelay $0x4  }
0xf6: {  	v42 =	vshll.u32 v3, $0x2  }
0xf7: {  	v3 =	vand.u32 $0x7, v3;
	v4 =	vand.u32 $0xFFFFFFE0, v42  }
0xf8: {  	v3 =	vor.u32 v3, v4  }
0xf9: {  	v4 =	vperm.xlane v3, v0;
	_ =	sdelay $0x1  }
0xfa: {  	v4 =	vadd.s32 v1, v4;
	_ =	sdelay $0x1  }
0xfb: {  	v3 =	vperm.xlane v3, v2;
	_ =	sdelay $0x1  }
0xfc: {  	s15 =	simm.s32 $0x4000;
	v3 =	vadd.s32 v1, v3  }
0xfd: {  	[hbm4b:s3+s2] =	stream.indirect_vreg.scatter [tilespmem:s15], [sflag:$0x1], $0x80, v4, vm0, $0xb8;
	[tilespmem:$0x10680] =	vst v63  }
0xfe: {  	s19 =	simm.s32 $0x4800  }
0xff: {  	[hbm4b:s4+s2] =	stream.indirect_vreg.scatter [tilespmem:s19], [sflag:$0x1], $0x80, v4, vm0, $0xb8;
	[tilespmem:$0x10680] =	vst v63  }
0x100: {  	s15 =	simm.s32 $0x5000  }
0x101: {  	[hbm4b:s3+s2] =	stream.indirect_vreg.scatter [tilespmem:s15], [sflag:$0x1], $0x80, v3, vm0, $0xb8;
	[tilespmem:$0x10680] =	vst v63  }
0x102: {  	s23 =	simm.s32 $0x5800  }
0x103: {  	[hbm4b:s4+s2] =	stream.indirect_vreg.scatter [tilespmem:s23], [sflag:$0x1], $0x80, v3, vm0, $0xb8;
	[tilespmem:$0x10680] =	vst v63  }
0x104: {  	v3 =	vld [tilespmem:$0x10530];
	_ =	sdelay $0x4  }
0x105: {  	v43 =	vshll.u32 v3, $0x2  }
0x106: {  	v3 =	vand.u32 $0x7, v3;
	v4 =	vand.u32 $0xFFFFFFE0, v43  }
0x107: {  	v3 =	vor.u32 v3, v4  }
0x108: {  	v4 =	vperm.xlane v3, v0;
	_ =	sdelay $0x1  }
0x109: {  	v4 =	vadd.s32 v1, v4;
	_ =	sdelay $0x1  }
0x10a: {  	v3 =	vperm.xlane v3, v2;
	_ =	sdelay $0x1  }
0x10b: {  	s24 =	simm.s32 $0x6000;
	v3 =	vadd.s32 v1, v3  }
0x10c: {  	[hbm4b:s3+s2] =	stream.indirect_vreg.scatter [tilespmem:s24], [sflag:$0x1], $0x80, v4, vm0, $0xb8;
	[tilespmem:$0x10680] =	vst v63  }
0x10d: {  	s25 =	simm.s32 $0x6800  }
0x10e: {  	[hbm4b:s4+s2] =	stream.indirect_vreg.scatter [tilespmem:s25], [sflag:$0x1], $0x80, v4, vm0, $0xb8;
	[tilespmem:$0x10680] =	vst v63  }
0x10f: {  	s26 =	simm.s32 $0x7000  }
0x110: {  	[hbm4b:s3+s2] =	stream.indirect_vreg.scatter [tilespmem:s26], [sflag:$0x1], $0x80, v3, vm0, $0xb8;
	[tilespmem:$0x10680] =	vst v63  }
0x111: {  	s28 =	simm.s32 $0x7800  }
0x112: {  	[hbm4b:s4+s2] =	stream.indirect_vreg.scatter [tilespmem:s28], [sflag:$0x1], $0x80, v3, vm0, $0xb8;
	[tilespmem:$0x10680] =	vst v63  }
0x113: {  	v3 =	vld [tilespmem:$0x10540];
	_ =	sdelay $0x4  }
0x114: {  	v44 =	vshll.u32 v3, $0x2  }
0x115: {  	v3 =	vand.u32 $0x7, v3;
	v4 =	vand.u32 $0xFFFFFFE0, v44  }
0x116: {  	v3 =	vor.u32 v3, v4  }
0x117: {  	v4 =	vperm.xlane v3, v0;
	_ =	sdelay $0x1  }
0x118: {  	v4 =	vadd.s32 v1, v4;
	_ =	sdelay $0x1  }
0x119: {  	v3 =	vperm.xlane v3, v2;
	_ =	sdelay $0x1  }
0x11a: {  	s29 =	simm.s32 $0x8000;
	v3 =	vadd.s32 v1, v3  }
0x11b: {  	[hbm4b:s3+s2] =	stream.indirect_vreg.scatter [tilespmem:s29], [sflag:$0x1], $0x80, v4, vm0, $0xb8;
	[tilespmem:$0x10680] =	vst v63  }
0x11c: {  	s30 =	simm.s32 $0x8800  }
0x11d: {  	[hbm4b:s4+s2] =	stream.indirect_vreg.scatter [tilespmem:s30], [sflag:$0x1], $0x80, v4, vm0, $0xb8;
	[tilespmem:$0x10680] =	vst v63  }
0x11e: {  	s31 =	simm.s32 $0x9000  }
0x11f: {  	[hbm4b:s3+s2] =	stream.indirect_vreg.scatter [tilespmem:s31], [sflag:$0x1], $0x80, v3, vm0, $0xb8;
	[tilespmem:$0x10680] =	vst v63  }
0x120: {  	s7 =	simm.s32 $0x9800  }
0x121: {  	[hbm4b:s4+s2] =	stream.indirect_vreg.scatter [tilespmem:s7], [sflag:$0x1], $0x80, v3, vm0, $0xb8;
	[tilespmem:$0x10680] =	vst v63  }
0x122: {  	v3 =	vld [tilespmem:$0x10550];
	_ =	sdelay $0x4  }
0x123: {  	v45 =	vshll.u32 v3, $0x2  }
0x124: {  	v3 =	vand.u32 $0x7, v3;
	v4 =	vand.u32 $0xFFFFFFE0, v45  }
0x125: {  	v3 =	vor.u32 v3, v4  }
0x126: {  	v4 =	vperm.xlane v3, v0;
	_ =	sdelay $0x1  }
0x127: {  	v4 =	vadd.s32 v1, v4;
	_ =	sdelay $0x1  }
0x128: {  	v3 =	vperm.xlane v3, v2;
	_ =	sdelay $0x1  }
0x129: {  	s1 =	simm.s32 $0xA000;
	v3 =	vadd.s32 v1, v3  }
0x12a: {  	[hbm4b:s3+s2] =	stream.indirect_vreg.scatter [tilespmem:s1], [sflag:$0x1], $0x80, v4, vm0, $0xb8;
	[tilespmem:$0x10680] =	vst v63  }
0x12b: {  	s7 =	simm.s32 $0xA800  }
0x12c: {  	[hbm4b:s4+s2] =	stream.indirect_vreg.scatter [tilespmem:s7], [sflag:$0x1], $0x80, v4, vm0, $0xb8;
	[tilespmem:$0x10680] =	vst v63  }
0x12d: {  	s8 =	simm.s32 $0xB000  }
0x12e: {  	[hbm4b:s3+s2] =	stream.indirect_vreg.scatter [tilespmem:s8], [sflag:$0x1], $0x80, v3, vm0, $0xb8;
	[tilespmem:$0x10680] =	vst v63  }
0x12f: {  	s10 =	simm.s32 $0xB800  }
0x130: {  	[hbm4b:s4+s2] =	stream.indirect_vreg.scatter [tilespmem:s10], [sflag:$0x1], $0x80, v3, vm0, $0xb8;
	[tilespmem:$0x10680] =	vst v63  }
0x131: {  	v3 =	vld [tilespmem:$0x10560];
	_ =	sdelay $0x4  }
0x132: {  	v46 =	vshll.u32 v3, $0x2  }
0x133: {  	v3 =	vand.u32 $0x7, v3;
	v4 =	vand.u32 $0xFFFFFFE0, v46  }
0x134: {  	v3 =	vor.u32 v3, v4  }
0x135: {  	v4 =	vperm.xlane v3, v0;
	_ =	sdelay $0x1  }
0x136: {  	v4 =	vadd.s32 v1, v4;
	_ =	sdelay $0x1  }
0x137: {  	v3 =	vperm.xlane v3, v2;
	_ =	sdelay $0x1  }
0x138: {  	s9 =	simm.s32 $0xC000;
	v3 =	vadd.s32 v1, v3  }
0x139: {  	[hbm4b:s3+s2] =	stream.indirect_vreg.scatter [tilespmem:s9], [sflag:$0x1], $0x80, v4, vm0, $0xb8;
	[tilespmem:$0x10680] =	vst v63  }
0x13a: {  	s10 =	simm.s32 $0xC800  }
0x13b: {  	[hbm4b:s4+s2] =	stream.indirect_vreg.scatter [tilespmem:s10], [sflag:$0x1], $0x80, v4, vm0, $0xb8;
	[tilespmem:$0x10680] =	vst v63  }
0x13c: {  	s0 =	simm.s32 $0xD000  }
0x13d: {  	[hbm4b:s3+s2] =	stream.indirect_vreg.scatter [tilespmem:s0], [sflag:$0x1], $0x80, v3, vm0, $0xb8;
	[tilespmem:$0x10680] =	vst v63  }
0x13e: {  	s9 =	simm.s32 $0xD800  }
0x13f: {  	[hbm4b:s4+s2] =	stream.indirect_vreg.scatter [tilespmem:s9], [sflag:$0x1], $0x80, v3, vm0, $0xb8;
	[tilespmem:$0x10680] =	vst v63  }
0x140: {  	v3 =	vld [tilespmem:$0x10570];
	_ =	sdelay $0x4  }
0x141: {  	v47 =	vshll.u32 v3, $0x2  }
0x142: {  	v3 =	vand.u32 $0x7, v3;
	v4 =	vand.u32 $0xFFFFFFE0, v47  }
0x143: {  	v3 =	vor.u32 v3, v4  }
0x144: {  	v4 =	vperm.xlane v3, v0;
	_ =	sdelay $0x1  }
0x145: {  	v4 =	vadd.s32 v1, v4;
	_ =	sdelay $0x1  }
0x146: {  	v3 =	vperm.xlane v3, v2;
	_ =	sdelay $0x1  }
0x147: {  	s1 =	simm.s32 $0xE000;
	v3 =	vadd.s32 v1, v3  }
0x148: {  	[hbm4b:s3+s2] =	stream.indirect_vreg.scatter [tilespmem:s1], [sflag:$0x1], $0x80, v4, vm0, $0xb8;
	[tilespmem:$0x10680] =	vst v63  }
0x149: {  	s6 =	simm.s32 $0xE800  }
0x14a: {  	[hbm4b:s4+s2] =	stream.indirect_vreg.scatter [tilespmem:s6], [sflag:$0x1], $0x80, v4, vm0, $0xb8;
	[tilespmem:$0x10680] =	vst v63  }
0x14b: {  	s6 =	simm.s32 $0xF000  }
0x14c: {  	[hbm4b:s3+s2] =	stream.indirect_vreg.scatter [tilespmem:s6], [sflag:$0x1], $0x80, v3, vm0, $0xb8;
	[tilespmem:$0x10680] =	vst v63  }
0x14d: {  	s11 =	simm.s32 $0xF800  }
0x14e: {  	[hbm4b:s4+s2] =	stream.indirect_vreg.scatter [tilespmem:s11], [sflag:$0x1], $0x80, v3, vm0, $0xb8;
	[tilespmem:$0x10680] =	vst v63  }
0x14f: {  	v3 =	vld [tilespmem:$0x10580];
	_ =	sdelay $0x4  }
0x150: {  	v48 =	vshll.u32 v3, $0x2  }
0x151: {  	v3 =	vand.u32 $0x7, v3;
	v4 =	vand.u32 $0xFFFFFFE0, v48  }
0x152: {  	v3 =	vor.u32 v3, v4  }
0x153: {  	v4 =	vperm.xlane v3, v0;
	_ =	sdelay $0x1  }
0x154: {  	v4 =	vadd.s32 v1, v4;
	_ =	sdelay $0x1  }
0x155: {  	v3 =	vperm.xlane v3, v2;
	_ =	sdelay $0x1  }
0x156: {  	v3 =	vadd.s32 v1, v3  }
0x157: {  	[hbm4b:s3+s2] =	stream.indirect_vreg.scatter [tilespmem:s2], [sflag:$0x1], $0x80, v4, vm0, $0xb8;
	[tilespmem:$0x10680] =	vst v63  }
0x158: {  	s21 =	simm.s32 $0x800  }
0x159: {  	[hbm4b:s4+s2] =	stream.indirect_vreg.scatter [tilespmem:s21], [sflag:$0x1], $0x80, v4, vm0, $0xb8;
	[tilespmem:$0x10680] =	vst v63  }
0x15a: {  	s11 =	simm.s32 $0x1000  }
0x15b: {  	[hbm4b:s3+s2] =	stream.indirect_vreg.scatter [tilespmem:s11], [sflag:$0x1], $0x80, v3, vm0, $0xb8;
	[tilespmem:$0x10680] =	vst v63  }
0x15c: {  	s20 =	simm.s32 $0x1800  }
0x15d: {  	[hbm4b:s4+s2] =	stream.indirect_vreg.scatter [tilespmem:s20], [sflag:$0x1], $0x80, v3, vm0, $0xb8;
	[tilespmem:$0x10680] =	vst v63  }
0x15e: {  	v3 =	vld [tilespmem:$0x10590];
	_ =	sdelay $0x4  }
0x15f: {  	v49 =	vshll.u32 v3, $0x2  }
0x160: {  	v3 =	vand.u32 $0x7, v3;
	v4 =	vand.u32 $0xFFFFFFE0, v49  }
0x161: {  	v3 =	vor.u32 v3, v4  }
0x162: {  	v4 =	vperm.xlane v3, v0;
	_ =	sdelay $0x1  }
0x163: {  	v4 =	vadd.s32 v1, v4;
	_ =	sdelay $0x1  }
0x164: {  	v3 =	vperm.xlane v3, v2;
	_ =	sdelay $0x1  }
0x165: {  	s11 =	simm.s32 $0x2000;
	v3 =	vadd.s32 v1, v3  }
0x166: {  	[hbm4b:s3+s2] =	stream.indirect_vreg.scatter [tilespmem:s11], [sflag:$0x1], $0x80, v4, vm0, $0xb8;
	[tilespmem:$0x10680] =	vst v63  }
0x167: {  	s11 =	simm.s32 $0x2800  }
0x168: {  	[hbm4b:s4+s2] =	stream.indirect_vreg.scatter [tilespmem:s11], [sflag:$0x1], $0x80, v4, vm0, $0xb8;
	[tilespmem:$0x10680] =	vst v63  }
0x169: {  	s11 =	simm.s32 $0x3000  }
0x16a: {  	[hbm4b:s3+s2] =	stream.indirect_vreg.scatter [tilespmem:s11], [sflag:$0x1], $0x80, v3, vm0, $0xb8;
	[tilespmem:$0x10680] =	vst v63  }
0x16b: {  	s11 =	simm.s32 $0x3800  }
0x16c: {  	[hbm4b:s4+s2] =	stream.indirect_vreg.scatter [tilespmem:s11], [sflag:$0x1], $0x80, v3, vm0, $0xb8;
	[tilespmem:$0x10680] =	vst v63  }
0x16d: {  	v3 =	vld [tilespmem:$0x105A0];
	_ =	sdelay $0x4  }
0x16e: {  	v50 =	vshll.u32 v3, $0x2  }
0x16f: {  	v3 =	vand.u32 $0x7, v3;
	v4 =	vand.u32 $0xFFFFFFE0, v50  }
0x170: {  	v3 =	vor.u32 v3, v4  }
0x171: {  	v4 =	vperm.xlane v3, v0;
	_ =	sdelay $0x1  }
0x172: {  	v4 =	vadd.s32 v1, v4;
	_ =	sdelay $0x1  }
0x173: {  	v3 =	vperm.xlane v3, v2;
	_ =	sdelay $0x1  }
0x174: {  	s11 =	simm.s32 $0x4000;
	v3 =	vadd.s32 v1, v3  }
0x175: {  	[hbm4b:s3+s2] =	stream.indirect_vreg.scatter [tilespmem:s11], [sflag:$0x1], $0x80, v4, vm0, $0xb8;
	[tilespmem:$0x10680] =	vst v63  }
0x176: {  	_ = 	snop  }
0x177: {  	[hbm4b:s4+s2] =	stream.indirect_vreg.scatter [tilespmem:s19], [sflag:$0x1], $0x80, v4, vm0, $0xb8;
	[tilespmem:$0x10680] =	vst v63  }
0x178: {  	_ = 	snop  }
0x179: {  	[hbm4b:s3+s2] =	stream.indirect_vreg.scatter [tilespmem:s15], [sflag:$0x1], $0x80, v3, vm0, $0xb8;
	[tilespmem:$0x10680] =	vst v63  }
0x17a: {  	_ = 	snop  }
0x17b: {  	[hbm4b:s4+s2] =	stream.indirect_vreg.scatter [tilespmem:s23], [sflag:$0x1], $0x80, v3, vm0, $0xb8;
	[tilespmem:$0x10680] =	vst v63  }
0x17c: {  	v3 =	vld [tilespmem:$0x105B0];
	_ =	sdelay $0x4  }
0x17d: {  	v51 =	vshll.u32 v3, $0x2  }
0x17e: {  	v3 =	vand.u32 $0x7, v3;
	v4 =	vand.u32 $0xFFFFFFE0, v51  }
0x17f: {  	v3 =	vor.u32 v3, v4  }
0x180: {  	v4 =	vperm.xlane v3, v0;
	_ =	sdelay $0x1  }
0x181: {  	v4 =	vadd.s32 v1, v4;
	_ =	sdelay $0x1  }
0x182: {  	v3 =	vperm.xlane v3, v2;
	_ =	sdelay $0x1  }
0x183: {  	v3 =	vadd.s32 v1, v3  }
0x184: {  	[hbm4b:s3+s2] =	stream.indirect_vreg.scatter [tilespmem:s24], [sflag:$0x1], $0x80, v4, vm0, $0xb8;
	[tilespmem:$0x10680] =	vst v63  }
0x185: {  	_ = 	snop  }
0x186: {  	[hbm4b:s4+s2] =	stream.indirect_vreg.scatter [tilespmem:s25], [sflag:$0x1], $0x80, v4, vm0, $0xb8;
	[tilespmem:$0x10680] =	vst v63  }
0x187: {  	_ = 	snop  }
0x188: {  	[hbm4b:s3+s2] =	stream.indirect_vreg.scatter [tilespmem:s26], [sflag:$0x1], $0x80, v3, vm0, $0xb8;
	[tilespmem:$0x10680] =	vst v63  }
0x189: {  	_ = 	snop  }
0x18a: {  	[hbm4b:s4+s2] =	stream.indirect_vreg.scatter [tilespmem:s28], [sflag:$0x1], $0x80, v3, vm0, $0xb8;
	[tilespmem:$0x10680] =	vst v63  }
0x18b: {  	v3 =	vld [tilespmem:$0x105C0];
	_ =	sdelay $0x4  }
0x18c: {  	v52 =	vshll.u32 v3, $0x2  }
0x18d: {  	v3 =	vand.u32 $0x7, v3;
	v4 =	vand.u32 $0xFFFFFFE0, v52  }
0x18e: {  	v3 =	vor.u32 v3, v4  }
0x18f: {  	v4 =	vperm.xlane v3, v0;
	_ =	sdelay $0x1  }
0x190: {  	v4 =	vadd.s32 v1, v4;
	_ =	sdelay $0x1  }
0x191: {  	v3 =	vperm.xlane v3, v2;
	_ =	sdelay $0x1  }
0x192: {  	v3 =	vadd.s32 v1, v3  }
0x193: {  	[hbm4b:s3+s2] =	stream.indirect_vreg.scatter [tilespmem:s29], [sflag:$0x1], $0x80, v4, vm0, $0xb8;
	[tilespmem:$0x10680] =	vst v63  }
0x194: {  	_ = 	snop  }
0x195: {  	[hbm4b:s4+s2] =	stream.indirect_vreg.scatter [tilespmem:s30], [sflag:$0x1], $0x80, v4, vm0, $0xb8;
	[tilespmem:$0x10680] =	vst v63  }
0x196: {  	_ = 	snop  }
0x197: {  	[hbm4b:s3+s2] =	stream.indirect_vreg.scatter [tilespmem:s31], [sflag:$0x1], $0x80, v3, vm0, $0xb8;
	[tilespmem:$0x10680] =	vst v63  }
0x198: {  	s14 =	simm.s32 $0x9800  }
0x199: {  	[hbm4b:s4+s2] =	stream.indirect_vreg.scatter [tilespmem:s14], [sflag:$0x1], $0x80, v3, vm0, $0xb8;
	[tilespmem:$0x10680] =	vst v63  }
0x19a: {  	v3 =	vld [tilespmem:$0x105D0];
	_ =	sdelay $0x4  }
0x19b: {  	v53 =	vshll.u32 v3, $0x2  }
0x19c: {  	v3 =	vand.u32 $0x7, v3;
	v4 =	vand.u32 $0xFFFFFFE0, v53  }
0x19d: {  	v3 =	vor.u32 v3, v4  }
0x19e: {  	v4 =	vperm.xlane v3, v0;
	_ =	sdelay $0x1  }
0x19f: {  	v4 =	vadd.s32 v1, v4;
	_ =	sdelay $0x1  }
0x1a0: {  	v3 =	vperm.xlane v3, v2;
	_ =	sdelay $0x1  }
0x1a1: {  	s13 =	simm.s32 $0xA000;
	v3 =	vadd.s32 v1, v3  }
0x1a2: {  	[hbm4b:s3+s2] =	stream.indirect_vreg.scatter [tilespmem:s13], [sflag:$0x1], $0x80, v4, vm0, $0xb8;
	[tilespmem:$0x10680] =	vst v63  }
0x1a3: {  	_ = 	snop  }
0x1a4: {  	[hbm4b:s4+s2] =	stream.indirect_vreg.scatter [tilespmem:s7], [sflag:$0x1], $0x80, v4, vm0, $0xb8;
	[tilespmem:$0x10680] =	vst v63  }
0x1a5: {  	_ = 	snop  }
0x1a6: {  	[hbm4b:s3+s2] =	stream.indirect_vreg.scatter [tilespmem:s8], [sflag:$0x1], $0x80, v3, vm0, $0xb8;
	[tilespmem:$0x10680] =	vst v63  }
0x1a7: {  	s18 =	simm.s32 $0xB800  }
0x1a8: {  	[hbm4b:s4+s2] =	stream.indirect_vreg.scatter [tilespmem:s18], [sflag:$0x1], $0x80, v3, vm0, $0xb8;
	[tilespmem:$0x10680] =	vst v63  }
0x1a9: {  	v3 =	vld [tilespmem:$0x105E0];
	_ =	sdelay $0x4  }
0x1aa: {  	v54 =	vshll.u32 v3, $0x2  }
0x1ab: {  	v3 =	vand.u32 $0x7, v3;
	v4 =	vand.u32 $0xFFFFFFE0, v54  }
0x1ac: {  	v3 =	vor.u32 v3, v4  }
0x1ad: {  	v4 =	vperm.xlane v3, v0;
	_ =	sdelay $0x1  }
0x1ae: {  	v4 =	vadd.s32 v1, v4;
	_ =	sdelay $0x1  }
0x1af: {  	v3 =	vperm.xlane v3, v2;
	_ =	sdelay $0x1  }
0x1b0: {  	s16 =	simm.s32 $0xC000;
	v3 =	vadd.s32 v1, v3  }
0x1b1: {  	[hbm4b:s3+s2] =	stream.indirect_vreg.scatter [tilespmem:s16], [sflag:$0x1], $0x80, v4, vm0, $0xb8;
	[tilespmem:$0x10680] =	vst v63  }
0x1b2: {  	_ = 	snop  }
0x1b3: {  	[hbm4b:s4+s2] =	stream.indirect_vreg.scatter [tilespmem:s10], [sflag:$0x1], $0x80, v4, vm0, $0xb8;
	[tilespmem:$0x10680] =	vst v63  }
0x1b4: {  	_ = 	snop  }
0x1b5: {  	[hbm4b:s3+s2] =	stream.indirect_vreg.scatter [tilespmem:s0], [sflag:$0x1], $0x80, v3, vm0, $0xb8;
	[tilespmem:$0x10680] =	vst v63  }
0x1b6: {  	_ = 	snop  }
0x1b7: {  	[hbm4b:s4+s2] =	stream.indirect_vreg.scatter [tilespmem:s9], [sflag:$0x1], $0x80, v3, vm0, $0xb8;
	[tilespmem:$0x10680] =	vst v63  }
0x1b8: {  	v3 =	vld [tilespmem:$0x105F0];
	_ =	sdelay $0x4  }
0x1b9: {  	v55 =	vshll.u32 v3, $0x2  }
0x1ba: {  	v3 =	vand.u32 $0x7, v3;
	v4 =	vand.u32 $0xFFFFFFE0, v55  }
0x1bb: {  	v3 =	vor.u32 v3, v4  }
0x1bc: {  	v4 =	vperm.xlane v3, v0;
	_ =	sdelay $0x1  }
0x1bd: {  	v4 =	vadd.s32 v1, v4;
	_ =	sdelay $0x1  }
0x1be: {  	v3 =	vperm.xlane v3, v2;
	_ =	sdelay $0x1  }
0x1bf: {  	v3 =	vadd.s32 v1, v3  }
0x1c0: {  	[hbm4b:s3+s2] =	stream.indirect_vreg.scatter [tilespmem:s1], [sflag:$0x1], $0x80, v4, vm0, $0xb8;
	[tilespmem:$0x10680] =	vst v63  }
0x1c1: {  	s11 =	simm.s32 $0xE800  }
0x1c2: {  	[hbm4b:s4+s2] =	stream.indirect_vreg.scatter [tilespmem:s11], [sflag:$0x1], $0x80, v4, vm0, $0xb8;
	[tilespmem:$0x10680] =	vst v63  }
0x1c3: {  	_ = 	snop  }
0x1c4: {  	[hbm4b:s3+s2] =	stream.indirect_vreg.scatter [tilespmem:s6], [sflag:$0x1], $0x80, v3, vm0, $0xb8;
	[tilespmem:$0x10680] =	vst v63  }
0x1c5: {  	s17 =	simm.s32 $0xF800  }
0x1c6: {  	[hbm4b:s4+s2] =	stream.indirect_vreg.scatter [tilespmem:s17], [sflag:$0x1], $0x80, v3, vm0, $0xb8;
	[tilespmem:$0x10680] =	vst v63  }
0x1c7: {  	v3 =	vld [tilespmem:$0x10600];
	_ =	sdelay $0x4  }
0x1c8: {  	v56 =	vshll.u32 v3, $0x2  }
0x1c9: {  	v3 =	vand.u32 $0x7, v3;
	v4 =	vand.u32 $0xFFFFFFE0, v56  }
0x1ca: {  	v3 =	vor.u32 v3, v4  }
0x1cb: {  	v4 =	vperm.xlane v3, v0;
	_ =	sdelay $0x1  }
0x1cc: {  	v4 =	vadd.s32 v1, v4;
	_ =	sdelay $0x1  }
0x1cd: {  	v3 =	vperm.xlane v3, v2;
	_ =	sdelay $0x1  }
0x1ce: {  	v3 =	vadd.s32 v1, v3  }
0x1cf: {  	[hbm4b:s3+s2] =	stream.indirect_vreg.scatter [tilespmem:s2], [sflag:$0x1], $0x80, v4, vm0, $0xb8;
	[tilespmem:$0x10680] =	vst v63  }
0x1d0: {  	s21 =	simm.s32 $0x800  }
0x1d1: {  	[hbm4b:s4+s2] =	stream.indirect_vreg.scatter [tilespmem:s21], [sflag:$0x1], $0x80, v4, vm0, $0xb8;
	[tilespmem:$0x10680] =	vst v63  }
0x1d2: {  	s21 =	simm.s32 $0x1000  }
0x1d3: {  	[hbm4b:s3+s2] =	stream.indirect_vreg.scatter [tilespmem:s21], [sflag:$0x1], $0x80, v3, vm0, $0xb8;
	[tilespmem:$0x10680] =	vst v63  }
0x1d4: {  	s20 =	simm.s32 $0x1800  }
0x1d5: {  	[hbm4b:s4+s2] =	stream.indirect_vreg.scatter [tilespmem:s20], [sflag:$0x1], $0x80, v3, vm0, $0xb8;
	[tilespmem:$0x10680] =	vst v63  }
0x1d6: {  	v3 =	vld [tilespmem:$0x10610];
	_ =	sdelay $0x4  }
0x1d7: {  	v57 =	vshll.u32 v3, $0x2  }
0x1d8: {  	v3 =	vand.u32 $0x7, v3;
	v4 =	vand.u32 $0xFFFFFFE0, v57  }
0x1d9: {  	v3 =	vor.u32 v3, v4  }
0x1da: {  	v4 =	vperm.xlane v3, v0;
	_ =	sdelay $0x1  }
0x1db: {  	v4 =	vadd.s32 v1, v4;
	_ =	sdelay $0x1  }
0x1dc: {  	v3 =	vperm.xlane v3, v2;
	_ =	sdelay $0x1  }
0x1dd: {  	s21 =	simm.s32 $0x2000;
	v3 =	vadd.s32 v1, v3  }
0x1de: {  	[hbm4b:s3+s2] =	stream.indirect_vreg.scatter [tilespmem:s21], [sflag:$0x1], $0x80, v4, vm0, $0xb8;
	[tilespmem:$0x10680] =	vst v63  }
0x1df: {  	s21 =	simm.s32 $0x2800  }
0x1e0: {  	[hbm4b:s4+s2] =	stream.indirect_vreg.scatter [tilespmem:s21], [sflag:$0x1], $0x80, v4, vm0, $0xb8;
	[tilespmem:$0x10680] =	vst v63  }
0x1e1: {  	s21 =	simm.s32 $0x3000  }
0x1e2: {  	[hbm4b:s3+s2] =	stream.indirect_vreg.scatter [tilespmem:s21], [sflag:$0x1], $0x80, v3, vm0, $0xb8;
	[tilespmem:$0x10680] =	vst v63  }
0x1e3: {  	s21 =	simm.s32 $0x3800  }
0x1e4: {  	[hbm4b:s4+s2] =	stream.indirect_vreg.scatter [tilespmem:s21], [sflag:$0x1], $0x80, v3, vm0, $0xb8;
	[tilespmem:$0x10680] =	vst v63  }
0x1e5: {  	v3 =	vld [tilespmem:$0x10620];
	_ =	sdelay $0x4  }
0x1e6: {  	v58 =	vshll.u32 v3, $0x2  }
0x1e7: {  	v3 =	vand.u32 $0x7, v3;
	v4 =	vand.u32 $0xFFFFFFE0, v58  }
0x1e8: {  	v3 =	vor.u32 v3, v4  }
0x1e9: {  	v4 =	vperm.xlane v3, v0;
	_ =	sdelay $0x1  }
0x1ea: {  	v4 =	vadd.s32 v1, v4;
	_ =	sdelay $0x1  }
0x1eb: {  	v3 =	vperm.xlane v3, v2;
	_ =	sdelay $0x1  }
0x1ec: {  	s21 =	simm.s32 $0x4000;
	v3 =	vadd.s32 v1, v3  }
0x1ed: {  	[hbm4b:s3+s2] =	stream.indirect_vreg.scatter [tilespmem:s21], [sflag:$0x1], $0x80, v4, vm0, $0xb8;
	[tilespmem:$0x10680] =	vst v63  }
0x1ee: {  	s19 =	simm.s32 $0x4800  }
0x1ef: {  	[hbm4b:s4+s2] =	stream.indirect_vreg.scatter [tilespmem:s19], [sflag:$0x1], $0x80, v4, vm0, $0xb8;
	[tilespmem:$0x10680] =	vst v63  }
0x1f0: {  	s15 =	simm.s32 $0x5000  }
0x1f1: {  	[hbm4b:s3+s2] =	stream.indirect_vreg.scatter [tilespmem:s15], [sflag:$0x1], $0x80, v3, vm0, $0xb8;
	[tilespmem:$0x10680] =	vst v63  }
0x1f2: {  	s23 =	simm.s32 $0x5800  }
0x1f3: {  	[hbm4b:s4+s2] =	stream.indirect_vreg.scatter [tilespmem:s23], [sflag:$0x1], $0x80, v3, vm0, $0xb8;
	[tilespmem:$0x10680] =	vst v63  }
0x1f4: {  	v3 =	vld [tilespmem:$0x10630];
	_ =	sdelay $0x4  }
0x1f5: {  	v59 =	vshll.u32 v3, $0x2  }
0x1f6: {  	v3 =	vand.u32 $0x7, v3;
	v4 =	vand.u32 $0xFFFFFFE0, v59  }
0x1f7: {  	v3 =	vor.u32 v3, v4  }
0x1f8: {  	v4 =	vperm.xlane v3, v0;
	_ =	sdelay $0x1  }
0x1f9: {  	v4 =	vadd.s32 v1, v4;
	_ =	sdelay $0x1  }
0x1fa: {  	v3 =	vperm.xlane v3, v2;
	_ =	sdelay $0x1  }
0x1fb: {  	s24 =	simm.s32 $0x6000;
	v3 =	vadd.s32 v1, v3  }
0x1fc: {  	[hbm4b:s3+s2] =	stream.indirect_vreg.scatter [tilespmem:s24], [sflag:$0x1], $0x80, v4, vm0, $0xb8;
	[tilespmem:$0x10680] =	vst v63  }
0x1fd: {  	s25 =	simm.s32 $0x6800  }
0x1fe: {  	[hbm4b:s4+s2] =	stream.indirect_vreg.scatter [tilespmem:s25], [sflag:$0x1], $0x80, v4, vm0, $0xb8;
	[tilespmem:$0x10680] =	vst v63  }
0x1ff: {  	s26 =	simm.s32 $0x7000  }
0x200: {  	[hbm4b:s3+s2] =	stream.indirect_vreg.scatter [tilespmem:s26], [sflag:$0x1], $0x80, v3, vm0, $0xb8;
	[tilespmem:$0x10680] =	vst v63  }
0x201: {  	s28 =	simm.s32 $0x7800  }
0x202: {  	[hbm4b:s4+s2] =	stream.indirect_vreg.scatter [tilespmem:s28], [sflag:$0x1], $0x80, v3, vm0, $0xb8;
	[tilespmem:$0x10680] =	vst v63  }
0x203: {  	v3 =	vld [tilespmem:$0x10640];
	_ =	sdelay $0x4  }
0x204: {  	v60 =	vshll.u32 v3, $0x2  }
0x205: {  	v3 =	vand.u32 $0x7, v3;
	v4 =	vand.u32 $0xFFFFFFE0, v60  }
0x206: {  	v3 =	vor.u32 v3, v4  }
0x207: {  	v4 =	vperm.xlane v3, v0;
	_ =	sdelay $0x1  }
0x208: {  	v4 =	vadd.s32 v1, v4;
	_ =	sdelay $0x1  }
0x209: {  	v3 =	vperm.xlane v3, v2;
	_ =	sdelay $0x1  }
0x20a: {  	s29 =	simm.s32 $0x8000;
	v3 =	vadd.s32 v1, v3  }
0x20b: {  	[hbm4b:s3+s2] =	stream.indirect_vreg.scatter [tilespmem:s29], [sflag:$0x1], $0x80, v4, vm0, $0xb8;
	[tilespmem:$0x10680] =	vst v63  }
0x20c: {  	s30 =	simm.s32 $0x8800  }
0x20d: {  	[hbm4b:s4+s2] =	stream.indirect_vreg.scatter [tilespmem:s30], [sflag:$0x1], $0x80, v4, vm0, $0xb8;
	[tilespmem:$0x10680] =	vst v63  }
0x20e: {  	s31 =	simm.s32 $0x9000  }
0x20f: {  	[hbm4b:s3+s2] =	stream.indirect_vreg.scatter [tilespmem:s31], [sflag:$0x1], $0x80, v3, vm0, $0xb8;
	[tilespmem:$0x10680] =	vst v63  }
0x210: {  	s14 =	simm.s32 $0x9800  }
0x211: {  	[hbm4b:s4+s2] =	stream.indirect_vreg.scatter [tilespmem:s14], [sflag:$0x1], $0x80, v3, vm0, $0xb8;
	[tilespmem:$0x10680] =	vst v63  }
0x212: {  	v3 =	vld [tilespmem:$0x10650];
	_ =	sdelay $0x4  }
0x213: {  	v61 =	vshll.u32 v3, $0x2  }
0x214: {  	v3 =	vand.u32 $0x7, v3;
	v4 =	vand.u32 $0xFFFFFFE0, v61  }
0x215: {  	v3 =	vor.u32 v3, v4  }
0x216: {  	v4 =	vperm.xlane v3, v0;
	_ =	sdelay $0x1  }
0x217: {  	v4 =	vadd.s32 v1, v4;
	_ =	sdelay $0x1  }
0x218: {  	v3 =	vperm.xlane v3, v2;
	_ =	sdelay $0x1  }
0x219: {  	s13 =	simm.s32 $0xA000;
	v3 =	vadd.s32 v1, v3  }
0x21a: {  	[hbm4b:s3+s2] =	stream.indirect_vreg.scatter [tilespmem:s13], [sflag:$0x1], $0x80, v4, vm0, $0xb8;
	[tilespmem:$0x10680] =	vst v63  }
0x21b: {  	s7 =	simm.s32 $0xA800  }
0x21c: {  	[hbm4b:s4+s2] =	stream.indirect_vreg.scatter [tilespmem:s7], [sflag:$0x1], $0x80, v4, vm0, $0xb8;
	[tilespmem:$0x10680] =	vst v63  }
0x21d: {  	s8 =	simm.s32 $0xB000  }
0x21e: {  	[hbm4b:s3+s2] =	stream.indirect_vreg.scatter [tilespmem:s8], [sflag:$0x1], $0x80, v3, vm0, $0xb8;
	[tilespmem:$0x10680] =	vst v63  }
0x21f: {  	s18 =	simm.s32 $0xB800  }
0x220: {  	[hbm4b:s4+s2] =	stream.indirect_vreg.scatter [tilespmem:s18], [sflag:$0x1], $0x80, v3, vm0, $0xb8;
	[tilespmem:$0x10680] =	vst v63  }
0x221: {  	v3 =	vld [tilespmem:$0x10660];
	_ =	sdelay $0x4  }
0x222: {  	v62 =	vshll.u32 v3, $0x2  }
0x223: {  	v3 =	vand.u32 $0x7, v3;
	v4 =	vand.u32 $0xFFFFFFE0, v62  }
0x224: {  	v3 =	vor.u32 v3, v4  }
0x225: {  	v4 =	vperm.xlane v3, v0;
	_ =	sdelay $0x1  }
0x226: {  	v4 =	vadd.s32 v1, v4;
	_ =	sdelay $0x1  }
0x227: {  	v3 =	vperm.xlane v3, v2;
	_ =	sdelay $0x1  }
0x228: {  	s16 =	simm.s32 $0xC000;
	v3 =	vadd.s32 v1, v3  }
0x229: {  	[hbm4b:s3+s2] =	stream.indirect_vreg.scatter [tilespmem:s16], [sflag:$0x1], $0x80, v4, vm0, $0xb8;
	[tilespmem:$0x10680] =	vst v63  }
0x22a: {  	s10 =	simm.s32 $0xC800  }
0x22b: {  	[hbm4b:s4+s2] =	stream.indirect_vreg.scatter [tilespmem:s10], [sflag:$0x1], $0x80, v4, vm0, $0xb8;
	[tilespmem:$0x10680] =	vst v63  }
0x22c: {  	s0 =	simm.s32 $0xD000  }
0x22d: {  	[hbm4b:s3+s2] =	stream.indirect_vreg.scatter [tilespmem:s0], [sflag:$0x1], $0x80, v3, vm0, $0xb8;
	[tilespmem:$0x10680] =	vst v63  }
0x22e: {  	s9 =	simm.s32 $0xD800  }
0x22f: {  	[hbm4b:s4+s2] =	stream.indirect_vreg.scatter [tilespmem:s9], [sflag:$0x1], $0x80, v3, vm0, $0xb8;
	[tilespmem:$0x10680] =	vst v63  }
0x230: {  	v3 =	vld [tilespmem:$0x10670];
	_ =	sdelay $0x4  }
0x231: {  	v63 =	vshll.u32 v3, $0x2  }
0x232: {  	v3 =	vand.u32 $0x7, v3;
	v4 =	vand.u32 $0xFFFFFFE0, v63  }
0x233: {  	v3 =	vor.u32 v3, v4  }
0x234: {  	v4 =	vperm.xlane v3, v0;
	_ =	sdelay $0x1  }
0x235: {  	v4 =	vadd.s32 v1, v4;
	_ =	sdelay $0x1  }
0x236: {  	v3 =	vperm.xlane v3, v2;
	_ =	sdelay $0x1  }
0x237: {  	s1 =	simm.s32 $0xE000;
	v3 =	vadd.s32 v1, v3  }
0x238: {  	[hbm4b:s3+s2] =	stream.indirect_vreg.scatter [tilespmem:s1], [sflag:$0x1], $0x80, v4, vm0, $0xb8;
	[tilespmem:$0x10680] =	vst v63  }
0x239: {  	s11 =	simm.s32 $0xE800  }
0x23a: {  	[hbm4b:s4+s2] =	stream.indirect_vreg.scatter [tilespmem:s11], [sflag:$0x1], $0x80, v4, vm0, $0xb8;
	[tilespmem:$0x10680] =	vst v63  }
0x23b: {  	s6 =	simm.s32 $0xF000  }
0x23c: {  	[hbm4b:s3+s2] =	stream.indirect_vreg.scatter [tilespmem:s6], [sflag:$0x1], $0x80, v3, vm0, $0xb8;
	[tilespmem:$0x10680] =	vst v63  }
0x23d: {  	s17 =	simm.s32 $0xF800  }
0x23e: {  	[hbm4b:s4+s2] =	stream.indirect_vreg.scatter [tilespmem:s17], [sflag:$0x1], $0x80, v3, vm0, $0xb8;
	[tilespmem:$0x10680] =	vst v63  }
0x23f: {  	_ =	swait.ge [sflag:s12], $0x10000  }
0x240: {  	[sflag:s12] =	ssyncset.done $0x0  }
0x241: {  	[sflag:s12] =	ssyncadd.s32 $0xFFFF0000  }
0x242: {  	_ =	swait.ge [sflag:s12], $0x10000  }
0x243: {  	[sflag:s12] =	ssyncset.done $0x0  }
0x244: {  	[sflag:s12] =	ssyncadd.s32 $0xFFFF0000  }
0x245: {  	p0 =	sne.s32 s5, $0x1;
	_ =	swait.ge [sflag:s12], $0x10000  }
.Ltmp0:
0x246: {  	[sflag:s12] =	ssyncset.done $0x0;
	(pc) =	sbr.rel @p0 .LBB2_1-.Ltmp0, $4  }
0x247: {  	[sflag:s12] =	ssyncadd.s32 $0xFFFF0000  }
0x248: {  	_ =	swait.ge [sflag:s12], $0x10000  }
0x249: {  	[sflag:s12] =	ssyncset.done $0x0  }
0x24a: {  	s5 =	sadd.s32 $0xFFFFFFFF, s5;
	[sflag:s12] =	ssyncadd.s32 $0xFFFF0000  }
0x24b: {  	_ =	sfence.sel $0x180000  }
0x24c: {  	[bflag:$0x0] =	sbarrier.arrive $0xFFFF  }
0x24d: {  	_ =	strace $0x90000047  }
0x24e: {  	s0 =	stileid.u32;
	[bflag:$0x2] =	sbarrier.arrive $0xFFFF  }
0x24f: {  	p0 =	sne.s32 s0, $0x0;
	s0 =	rddreg [dreg:$0x3]  }
0x250: {  	s0 =	sadd.s32 @!p0 $0x100000, s0  }
0x251: {  	[sflag:s0] =	ssyncadd.tile.s32 @!p0 $0x1;
	_ =	shalt  }
.Lfunc_end2:
_tile_overlayer_lowered:
.L_overlay_start_2:
0x252: {  	(tag) =	ssettag $0x2  }
0x253: {  	s0 =	rddreg [dreg:$0x0];
	s2 =	stileid.u32  }
0x254: {  	s1 =	rddreg [dreg:$0x1];
	p0 =	sne.s32 s2, $0x0  }
0x255: {  	s3 =	rddreg [dreg:$0x2];
	[bflag:$0x3] =	sbarrier.arrive $0xFFFF;
	s2 =	simm.s32 @!p0 $0x1C02  }
0x256: {  	[timem:s3], [sflag:s2] =	dma.local @!p0 [hbm:s0], s1  }
0x257: {  	s0 =	simm.s32 @!p0 $0x2  }
0x258: {  	_ =	swait.ge @!p0 [sflag:s0], s1  }
0x259: {  	s1 =	ssub.s32 @!p0 $0x0, s1;
	[sflag:s0] =	ssyncset.done @!p0 $0x0  }
0x25a: {  	[sflag:s0] =	ssyncadd.s32 @!p0 s1  }
0x25b: {  	[bflag:$0x3] =	sbarrier.arrive $0xFFFF  }
0x25c: {  	_ =	shalt  }

</sc_bundles>
